<compile_context>
chip_gen: v7x
topology: tpu7x:2x2x1
jax: 0.10.2.dev20260603
libtpu: 0.0.44.dev20260713+nightly
codegen_flags: <defaults>
</compile_context>

<pallas_src>
import functools

import jax
import jax.numpy as jnp
from jax import lax
from jax.experimental import pallas as pl
from jax.experimental.pallas import tpu as pltpu
from jax.experimental.pallas import tpu_sc as plsc

N = 10000
NP = 10240
E = 320000
F_IN = 128
DIM = 10
DP = 16
G = 64

NC = 2
NS = 16
NW = NC * NS
EPW = E // NW
CH = 80
NCHUNK = EPW // CH
RPS = NP // NS
ZBLK = 128

_mesh = plsc.VectorSubcoreMesh(core_axis_name="c", subcore_axis_name="s")
_sc_params = pltpu.CompilerParams(use_tc_tiling_on_sc=False)
_sc_params2 = pltpu.CompilerParams(use_tc_tiling_on_sc=False, needs_layout_passes=False)


NR = NP // 8


def _mm_body(x_ref, w_ref, o_ref):
    h = jax.lax.dot_general(
        x_ref[...], w_ref[...], (((1,), (0,)), ((), ())),
        preferred_element_type=jnp.float32,
        precision=jax.lax.Precision.HIGHEST,
    )
    o_ref[...] = jnp.concatenate(
        [h, jnp.zeros((h.shape[0], 128 - DP), jnp.float32)], axis=1)


def _project(x, w1pt):
    blk = N // 5
    return pl.pallas_call(
        _mm_body,
        grid=(5,),
        in_specs=[
            pl.BlockSpec((blk, F_IN), lambda i: (i, 0)),
            pl.BlockSpec((F_IN, DP), lambda i: (0, 0)),
        ],
        out_specs=pl.BlockSpec((blk, 128), lambda i: (i, 0)),
        out_shape=jax.ShapeDtypeStruct((NP, 128), jnp.float32),
    )(x, w1pt)


IB = 25
NBLK = NCHUNK // IB


@functools.partial(
    pl.kernel,
    mesh=_mesh,
    compiler_params=_sc_params,
    out_type=jax.ShapeDtypeStruct((NC, NP, DP), jnp.float32),
    scratch_types=[
        pltpu.VMEM((EPW,), jnp.int32),
        pltpu.VMEM((EPW,), jnp.int32),
        pltpu.VMEM((IB, CH, DP), jnp.float32),
        pltpu.VMEM((ZBLK, DP), jnp.float32),
        pltpu.VMEM_SHARED((NP, DP), jnp.float32),
        pltpu.VMEM_SHARED((NP, DP), jnp.float32),
        pltpu.SemaphoreType.DMA,
        pltpu.SemaphoreType.DMA,
        pltpu.SemaphoreType.DMA,
    ],
)
def _sc_pass1(h_hbm, edge_hbm, out_hbm, src_v, dst_v, rows3, zblk,
              h_sh, acc_sh, sem_g, sem_g2, sem_s):
    cid = lax.axis_index("c")
    sid = lax.axis_index("s")
    wid = sid * NC + cid
    e0 = wid * EPW

    stage = pltpu.async_copy(h_hbm.at[pl.ds(sid * RPS, RPS), pl.ds(0, DP)],
                             h_sh.at[pl.ds(sid * RPS, RPS)], sem_g)
    ld_s = pltpu.async_copy(edge_hbm.at[0, pl.ds(e0, EPW)], src_v, sem_g2)
    ld_d = pltpu.async_copy(edge_hbm.at[1, pl.ds(e0, EPW)], dst_v, sem_g2)

    @pl.loop(0, ZBLK)
    def _(i):
        zblk[i, :] = jnp.zeros((DP,), jnp.float32)

    @pl.loop(0, RPS // ZBLK)
    def _(j):
        pltpu.sync_copy(zblk, acc_sh.at[pl.ds(sid * RPS + j * ZBLK, ZBLK)])

    stage.wait()
    ld_s.wait()
    ld_d.wait()
    plsc.subcore_barrier()

    HB = IB // 2

    @pl.loop(0, NBLK)
    def _(b):
        base = b * IB * CH

        def idx(j):
            return src_v.at[pl.ds(base + j * CH, CH)]

        def didx(j):
            return dst_v.at[pl.ds(base + j * CH, CH)]

        g1 = [pltpu.async_copy(h_sh.at[idx(j)], rows3.at[j], sem_g)
              for j in range(HB)]
        g2 = [pltpu.async_copy(h_sh.at[idx(j)], rows3.at[j], sem_g2)
              for j in range(HB, IB)]
        for g in g1:
            g.wait()
        s1 = [pltpu.async_copy(rows3.at[j], acc_sh.at[didx(j)], sem_s, add=True)
              for j in range(HB)]
        for g in g2:
            g.wait()
        s2 = [pltpu.async_copy(rows3.at[j], acc_sh.at[didx(j)], sem_s, add=True)
              for j in range(HB, IB)]
        for s in s1 + s2:
            s.wait()

    plsc.subcore_barrier()
    pltpu.sync_copy(acc_sh.at[pl.ds(sid * RPS, RPS)],
                    out_hbm.at[cid, pl.ds(sid * RPS, RPS)])


@functools.partial(
    pl.kernel,
    mesh=_mesh,
    compiler_params=_sc_params2,
    out_type=jax.ShapeDtypeStruct((NW // 2, 2 * G), jnp.float32),
    scratch_types=[
        pltpu.VMEM((RPS, DP), jnp.float32),
        pltpu.VMEM((RPS, DP), jnp.float32),
        pltpu.VMEM((DIM, 16), jnp.float32),
        pltpu.VMEM((RPS,), jnp.float32),
        pltpu.VMEM((NP,), jnp.float32),
        pltpu.VMEM((N,), jnp.int32),
        pltpu.VMEM((EPW,), jnp.int32),
        pltpu.VMEM((EPW,), jnp.int32),
        pltpu.VMEM((G * 16,), jnp.float32),
        pltpu.VMEM((G,), jnp.float32),
        pltpu.VMEM_SHARED((NP,), jnp.float32),
        pltpu.SemaphoreType.DMA,
    ],
)
def _sc_pass2(parts_hbm, batch_hbm, edge_hbm, vb_hbm, out_hbm,
              p0_v, p1_v, vb_v, zbuf, z_v, batch_v, src_v, dst_v, tacc, tred,
              z_sh, sem):
    cid = lax.axis_index("c")
    sid = lax.axis_index("s")
    wid = sid * NC + cid
    e0 = wid * EPW
    r0 = sid * RPS

    zcps = [
        pltpu.async_copy(parts_hbm.at[0, pl.ds(r0, RPS)], p0_v, sem),
        pltpu.async_copy(parts_hbm.at[1, pl.ds(r0, RPS)], p1_v, sem),
        pltpu.async_copy(vb_hbm, vb_v, sem),
    ]
    cps = [
        pltpu.async_copy(batch_hbm, batch_v, sem),
        pltpu.async_copy(edge_hbm.at[0, pl.ds(e0, EPW)], src_v, sem),
        pltpu.async_copy(edge_hbm.at[1, pl.ds(e0, EPW)], dst_v, sem),
    ]

    @pl.loop(0, G)
    def _(i):
        tacc[pl.ds(i * 16, 16)] = jnp.zeros((16,), jnp.float32)

    for c in zcps:
        c.wait()

    lanes = lax.iota(jnp.int32, 16)

    @pl.loop(0, RPS // 16)
    def _(grp):
        rows = lanes + grp * 16
        zacc = jnp.zeros((16,), jnp.float32)
        for d in range(DIM):
            dcol = jnp.full((16,), d, jnp.int32)
            c0 = plsc.load_gather(p0_v, [rows, dcol])
            c1 = plsc.load_gather(p1_v, [rows, dcol])
            col = jnp.maximum(c0 + c1, 0.0)
            zacc = zacc + col * vb_v[d, :]
        zbuf[pl.ds(grp * 16, 16)] = zacc

    pltpu.sync_copy(zbuf, z_sh.at[pl.ds(r0, RPS)])
    plsc.subcore_barrier()
    pltpu.sync_copy(z_sh, z_v)

    for c in cps:
        c.wait()

    @pl.loop(0, EPW // 64)
    def _(i):
        for j in range(4):
            s16 = src_v[pl.ds(i * 64 + j * 16, 16)]
            d16 = dst_v[pl.ds(i * 64 + j * 16, 16)]
            zv = plsc.load_gather(z_v, [s16])
            gv = plsc.load_gather(batch_v, [d16])
            plsc.addupdate_scatter(tacc, [gv * 16 + lanes], zv)

    @pl.loop(0, G // 16)
    def _(k):
        acc = jnp.zeros((16,), jnp.float32)
        gbase = (k * 16 + lanes) * 16
        for lane in range(16):
            acc = acc + plsc.load_gather(tacc, [gbase + lane])
        tred[pl.ds(k * 16, 16)] = acc

    pltpu.sync_copy(tred, out_hbm.at[wid // 2, pl.ds((wid % 2) * G, G)])


def _fin_body(t_ref, b_ref, o_ref):
    m = t_ref[...]
    t = jnp.sum(m[:, :G] + m[:, G:], axis=0)
    b = b_ref[...]
    gi = lax.broadcasted_iota(jnp.int32, (G, b.shape[1]), 0)
    cnt = jnp.sum((b == gi).astype(jnp.float32), axis=1)
    o_ref[...] = jax.nn.sigmoid(t / jnp.maximum(cnt, 1.0))[:, None]


def _finish(tparts, batch_padded):
    return pl.pallas_call(
        _fin_body,
        in_specs=[
            pl.BlockSpec(tparts.shape, lambda: (0, 0)),
            pl.BlockSpec(batch_padded.shape, lambda: (0, 0)),
        ],
        out_specs=pl.BlockSpec((G, 1), lambda: (0, 0)),
        out_shape=jax.ShapeDtypeStruct((G, 1), jnp.float32),
    )(tparts, batch_padded)


def kernel(x, edge_index, batch, W1, W2, Wfc):
    w1pt = jnp.zeros((F_IN, DP), jnp.float32).at[:, :DIM].set(W1.T)
    v = W2.T @ Wfc.T
    vb = jnp.broadcast_to(v, (DIM, 16)).astype(jnp.float32)

    h = _project(x, w1pt)
    parts = _sc_pass1(h, edge_index)
    tparts = _sc_pass2(parts, batch, edge_index, vb)

    npad = 10240
    batch_padded = jnp.full((1, npad), G, jnp.int32).at[0, :N].set(batch)
    return _finish(tparts, batch_padded)

# --- scband reference (transcript-rebuilt; emitter-appended) ---
"""Pipeline reference for scband-net-gcn-54683523612721 (READ-ONLY COPY).

The authoritative reference and input builder live on the scoring server;
editing this copy changes nothing except your own understanding.
"""

import jax, jax.numpy as jnp
import numpy as np

N = 10000
E = 320000
F_IN = 128
DIM = 10
G = 64


def setup_inputs(seed: int = 0) -> dict:
    key = jax.random.key(seed)
    k1, k2, k3, k4, k5, k6 = jax.random.split(key, 6)
    x = jax.random.normal(k1, (N, F_IN), dtype=jnp.float32)
    edge_index = jax.random.randint(k2, (2, E), 0, N, dtype=jnp.int32)
    batch = jnp.sort(jax.random.randint(k3, (N,), 0, G, dtype=jnp.int32))
    # Learned parameters (GCNConv lin weights are [out, in]; Linear weight is [1, dim], all bias=False)
    W1 = jax.random.normal(k4, (DIM, F_IN), dtype=jnp.float32) * 0.05
    W2 = jax.random.normal(k5, (DIM, DIM), dtype=jnp.float32) * 0.05
    Wfc = jax.random.normal(k6, (1, DIM), dtype=jnp.float32) * 0.05
    return {"x": x, "edge_index": edge_index, "batch": batch, "W1": W1, "W2": W2, "Wfc": Wfc}


def _gcn_conv(x, edge_index, W):
    # GCNConv(normalize=False, bias=False): no self-loops, no degree normalization.
    # out[dst] = sum over edges of (x @ W.T)[src]
    h = x @ W.T
    src = edge_index[0]
    dst = edge_index[1]
    msgs = jnp.take(h, src, axis=0)
    return jax.ops.segment_sum(msgs, dst, num_segments=x.shape[0])


def reference(x, edge_index, batch, W1, W2, Wfc):
    h = jax.nn.relu(_gcn_conv(x, edge_index, W1))
    h = _gcn_conv(h, edge_index, W2)
    # global_mean_pool over batch assignment
    sums = jax.ops.segment_sum(h, batch, num_segments=G)
    counts = jax.ops.segment_sum(jnp.ones((h.shape[0], 1), dtype=h.dtype), batch, num_segments=G)
    pooled = sums / jnp.clip(counts, 1.0, None)
    out = pooled @ Wfc.T
    return jax.nn.sigmoid(out)

if __name__ == "__main__":
    import jax
    _d = setup_inputs()
    print(jax.jit(kernel)(*tuple(_d.values())))

</pallas_src>

<mosaic_0001>
#map = affine_map<(d0, d1) -> (0, 0)>
#map1 = affine_map<(d0, d1) -> (0, 0, 0)>
module attributes {stable_mosaic.version = 14 : i64} {
  func.func @_sc_pass1(%arg0: i32, %arg1: i32, %arg2: memref<10240x128xf32, #tpu.memory_space<hbm>>, %arg3: memref<2x320000xi32, #tpu.memory_space<hbm>>, %arg4: memref<2x10240x16xf32, #tpu.memory_space<hbm>>, %arg5: memref<10000xi32, #tpu.memory_space<vmem>>, %arg6: memref<10000xi32, #tpu.memory_space<vmem>>, %arg7: memref<25x80x16xf32, #tpu.memory_space<vmem>>, %arg8: memref<128x16xf32, #tpu.memory_space<vmem>>, %arg9: memref<10240x16xf32, #tpu.memory_space<vmem_shared>>, %arg10: memref<10240x16xf32, #tpu.memory_space<vmem_shared>>, %arg11: memref<!tpu.dma_semaphore, #tpu.memory_space<semaphore_mem>>, %arg12: memref<!tpu.dma_semaphore, #tpu.memory_space<semaphore_mem>>, %arg13: memref<!tpu.dma_semaphore, #tpu.memory_space<semaphore_mem>>) attributes {dimension_semantics = [#tpu.dimension_semantics<core_parallel>, #tpu.dimension_semantics<subcore_parallel>], iteration_bounds = array<i64: 2, 16>, scalar_prefetch = 0 : i64, scratch_operands = 9 : i64, tpu.core_type = #tpu.core_type<sc_vector_subcore>, window_params = [{transform_indices = #map}, {transform_indices = #map}, {transform_indices = #map1}]} {
    %mul3A = arith.constant 2 : i32
    %mul3A_0 = arith.muli %arg1, %mul3A : i32
    %add3A = arith.addi %mul3A_0, %arg0 : i32
    %mul3A_1 = arith.constant 10000 : i32
    %mul3A_2 = arith.muli %add3A, %mul3A_1 : i32
    %mul3A_3 = arith.constant 640 : i32
    %mul3A_4 = arith.muli %arg1, %mul3A_3 : i32
    %mul3A_5 = arith.constant 640 : i32
    %mul3A_6 = arith.muli %arg1, %mul3A_5 : i32
    %dma_start3A = arith.constant 0 : i32
    %dma_start3A_7 = tpu.memref_slice %arg9[%mul3A_6, %dma_start3A] : memref<10240x16xf32, #tpu.memory_space<vmem_shared>> -> memref<640x16xf32, #tpu.memory_space<vmem_shared>>
    %dma_start3A_8 = arith.constant 0 : i32
    %dma_start3A_9 = tpu.memref_slice %arg2[%mul3A_4, %dma_start3A_8] : memref<10240x128xf32, #tpu.memory_space<hbm>> -> memref<640x16xf32, #tpu.memory_space<hbm>>
    tpu.enqueue_dma source(%dma_start3A_9 : memref<640x16xf32, #tpu.memory_space<hbm>>) target(%dma_start3A_7 : memref<640x16xf32, #tpu.memory_space<vmem_shared>>) target_semaphore(%arg11 : memref<!tpu.dma_semaphore, #tpu.memory_space<semaphore_mem>>)
    %dma_start3A_10 = arith.constant 0 : i32
    %dma_start3A_11 = tpu.memref_slice %arg3[%dma_start3A_10, %mul3A_2] : memref<2x320000xi32, #tpu.memory_space<hbm>> -> memref<1x10000xi32, #tpu.memory_space<hbm>>
    %dma_start3A_12 = tpu.memref_squeeze %dma_start3A_11 : memref<1x10000xi32, #tpu.memory_space<hbm>> -> memref<10000xi32, #tpu.memory_space<hbm>>
    %dma_start3A_13 = tpu.memref_slice %arg3[%dma_start3A_10, %mul3A_2] : memref<2x320000xi32, #tpu.memory_space<hbm>> -> memref<1x10000xi32, #tpu.memory_space<hbm>>
    %dma_start3A_14 = tpu.memref_squeeze %dma_start3A_13 : memref<1x10000xi32, #tpu.memory_space<hbm>> -> memref<10000xi32, #tpu.memory_space<hbm>>
    tpu.enqueue_dma source(%dma_start3A_14 : memref<10000xi32, #tpu.memory_space<hbm>>) target(%arg5 : memref<10000xi32, #tpu.memory_space<vmem>>) target_semaphore(%arg12 : memref<!tpu.dma_semaphore, #tpu.memory_space<semaphore_mem>>)
    %dma_start3A_15 = arith.constant 1 : i32
    %dma_start3A_16 = tpu.memref_slice %arg3[%dma_start3A_15, %mul3A_2] : memref<2x320000xi32, #tpu.memory_space<hbm>> -> memref<1x10000xi32, #tpu.memory_space<hbm>>
    %dma_start3A_17 = tpu.memref_squeeze %dma_start3A_16 : memref<1x10000xi32, #tpu.memory_space<hbm>> -> memref<10000xi32, #tpu.memory_space<hbm>>
    %dma_start3A_18 = tpu.memref_slice %arg3[%dma_start3A_15, %mul3A_2] : memref<2x320000xi32, #tpu.memory_space<hbm>> -> memref<1x10000xi32, #tpu.memory_space<hbm>>
    %dma_start3A_19 = tpu.memref_squeeze %dma_start3A_18 : memref<1x10000xi32, #tpu.memory_space<hbm>> -> memref<10000xi32, #tpu.memory_space<hbm>>
    tpu.enqueue_dma source(%dma_start3A_19 : memref<10000xi32, #tpu.memory_space<hbm>>) target(%arg6 : memref<10000xi32, #tpu.memory_space<vmem>>) target_semaphore(%arg12 : memref<!tpu.dma_semaphore, #tpu.memory_space<semaphore_mem>>)
    %scan3A = arith.constant 0 : i32
    %scan3A_20 = arith.constant 128 : i32
    %scan3A_21 = arith.addi %scan3A, %scan3A_20 : i32
    %scan3A_22 = arith.constant 1 : i32
    scf.for %scan3A_52 = %scan3A to %scan3A_21 step %scan3A_22  : i32 {
      %mul3A_53 = arith.constant 1 : i32
      %mul3A_54 = arith.muli %scan3A_52, %mul3A_53 : i32
      %add3A_55 = arith.constant 0 : i32
      %add3A_56 = arith.addi %add3A_55, %mul3A_54 : i32
      %broadcast_in_dim3A = arith.constant 0.000000e+00 : f32
      %broadcast_in_dim3A_57 = vector.broadcast %broadcast_in_dim3A : f32 to vector<16xf32>
      %swap3A = arith.index_cast %add3A_56 : i32 to index
      %swap3A_58 = arith.constant 0 : index
      %swap3A_59 = tpu.vector_load %arg8[%swap3A, %swap3A_58] {strides = array<i32>} : memref<128x16xf32, #tpu.memory_space<vmem>>, vector<1x16xf32>,
      %swap3A_60 = vector.shape_cast %swap3A_59 : vector<1x16xf32> to vector<16xf32>
      %swap3A_61 = vector.shape_cast %broadcast_in_dim3A_57 : vector<16xf32> to vector<1x16xf32>
      tpu.vector_store %arg8[%swap3A, %swap3A_58], %swap3A_61 {strides = array<i32>} : memref<128x16xf32, #tpu.memory_space<vmem>>, vector<1x16xf32>,
    }
    %scan3A_23 = arith.constant 128 : i32
    %scan3A_24 = arith.constant 0 : i32
    %scan3A_25 = arith.constant 5 : i32
    %scan3A_26 = arith.addi %scan3A_24, %scan3A_25 : i32
    %scan3A_27 = arith.constant 1 : i32
    scf.for %scan3A_52 = %scan3A_24 to %scan3A_26 step %scan3A_27  : i32 {
      %mul3A_53 = arith.constant 1 : i32
      %mul3A_54 = arith.muli %scan3A_52, %mul3A_53 : i32
      %add3A_55 = arith.constant 0 : i32
      %add3A_56 = arith.addi %add3A_55, %mul3A_54 : i32
      %mul3A_57 = arith.constant 640 : i32
      %mul3A_58 = arith.muli %arg1, %mul3A_57 : i32
      %mul3A_59 = arith.constant 128 : i32
      %mul3A_60 = arith.muli %add3A_56, %mul3A_59 : i32
      %add3A_61 = arith.addi %mul3A_58, %mul3A_60 : i32
      "tpu.region"() ({
        %run_scoped3A = tpu.sem_alloc : memref<!tpu.dma_semaphore, #tpu.memory_space<semaphore_mem>>
        %dma_start3A_62 = arith.constant 0 : i32
        %dma_start3A_63 = tpu.memref_slice %arg10[%add3A_61, %dma_start3A_62] : memref<10240x16xf32, #tpu.memory_space<vmem_shared>> -> memref<128x16xf32, #tpu.memory_space<vmem_shared>>
        %dma_start3A_64 = arith.constant 0 : i32
        %dma_start3A_65 = tpu.memref_slice %arg10[%add3A_61, %dma_start3A_64] : memref<10240x16xf32, #tpu.memory_space<vmem_shared>> -> memref<128x16xf32, #tpu.memory_space<vmem_shared>>
        tpu.enqueue_dma source(%arg8 : memref<128x16xf32, #tpu.memory_space<vmem>>) target(%dma_start3A_65 : memref<128x16xf32, #tpu.memory_space<vmem_shared>>) target_semaphore(%run_scoped3A : memref<!tpu.dma_semaphore, #tpu.memory_space<semaphore_mem>>)
        %dma_wait3A_66 = arith.constant 0 : i32
        %dma_wait3A_67 = tpu.memref_slice %arg10[%add3A_61, %dma_wait3A_66] : memref<10240x16xf32, #tpu.memory_space<vmem_shared>> -> memref<128x16xf32, #tpu.memory_space<vmem_shared>>
        %dma_wait3A_68 = arith.constant 0 : i32
        %dma_wait3A_69 = tpu.memref_slice %arg10[%add3A_61, %dma_wait3A_68] : memref<10240x16xf32, #tpu.memory_space<vmem_shared>> -> memref<128x16xf32, #tpu.memory_space<vmem_shared>>
        tpu.wait_dma2 semaphore(%run_scoped3A : memref<!tpu.dma_semaphore, #tpu.memory_space<semaphore_mem>>) src(%arg8 : memref<128x16xf32, #tpu.memory_space<vmem>>) dst(%dma_wait3A_69 : memref<128x16xf32, #tpu.memory_space<vmem_shared>>)
        tpu.yield
      }) : () -> ()
    }
    %scan3A_28 = arith.constant 5 : i32
    %dma_wait3A = arith.constant 0 : i32
    %dma_wait3A_29 = tpu.memref_slice %arg9[%mul3A_6, %dma_wait3A] : memref<10240x16xf32, #tpu.memory_space<vmem_shared>> -> memref<640x16xf32, #tpu.memory_space<vmem_shared>>
    %dma_wait3A_30 = arith.constant 0 : i32
    %dma_wait3A_31 = tpu.memref_slice %arg2[%mul3A_4, %dma_wait3A_30] : memref<10240x128xf32, #tpu.memory_space<hbm>> -> memref<640x16xf32, #tpu.memory_space<hbm>>
    tpu.wait_dma2 semaphore(%arg11 : memref<!tpu.dma_semaphore, #tpu.memory_space<semaphore_mem>>) src(%dma_wait3A_31 : memref<640x16xf32, #tpu.memory_space<hbm>>) dst(%dma_wait3A_29 : memref<640x16xf32, #tpu.memory_space<vmem_shared>>)
    %dma_wait3A_32 = arith.constant 0 : i32
    %dma_wait3A_33 = tpu.memref_slice %arg3[%dma_wait3A_32, %mul3A_2] : memref<2x320000xi32, #tpu.memory_space<hbm>> -> memref<1x10000xi32, #tpu.memory_space<hbm>>
    %dma_wait3A_34 = tpu.memref_squeeze %dma_wait3A_33 : memref<1x10000xi32, #tpu.memory_space<hbm>> -> memref<10000xi32, #tpu.memory_space<hbm>>
    %dma_wait3A_35 = tpu.memref_slice %arg3[%dma_wait3A_32, %mul3A_2] : memref<2x320000xi32, #tpu.memory_space<hbm>> -> memref<1x10000xi32, #tpu.memory_space<hbm>>
    %dma_wait3A_36 = tpu.memref_squeeze %dma_wait3A_35 : memref<1x10000xi32, #tpu.memory_space<hbm>> -> memref<10000xi32, #tpu.memory_space<hbm>>
    tpu.wait_dma2 semaphore(%arg12 : memref<!tpu.dma_semaphore, #tpu.memory_space<semaphore_mem>>) src(%dma_wait3A_36 : memref<10000xi32, #tpu.memory_space<hbm>>) dst(%arg5 : memref<10000xi32, #tpu.memory_space<vmem>>)
    %dma_wait3A_37 = arith.constant 1 : i32
    %dma_wait3A_38 = tpu.memref_slice %arg3[%dma_wait3A_37, %mul3A_2] : memref<2x320000xi32, #tpu.memory_space<hbm>> -> memref<1x10000xi32, #tpu.memory_space<hbm>>
    %dma_wait3A_39 = tpu.memref_squeeze %dma_wait3A_38 : memref<1x10000xi32, #tpu.memory_space<hbm>> -> memref<10000xi32, #tpu.memory_space<hbm>>
    %dma_wait3A_40 = tpu.memref_slice %arg3[%dma_wait3A_37, %mul3A_2] : memref<2x320000xi32, #tpu.memory_space<hbm>> -> memref<1x10000xi32, #tpu.memory_space<hbm>>
    %dma_wait3A_41 = tpu.memref_squeeze %dma_wait3A_40 : memref<1x10000xi32, #tpu.memory_space<hbm>> -> memref<10000xi32, #tpu.memory_space<hbm>>
    tpu.wait_dma2 semaphore(%arg12 : memref<!tpu.dma_semaphore, #tpu.memory_space<semaphore_mem>>) src(%dma_wait3A_41 : memref<10000xi32, #tpu.memory_space<hbm>>) dst(%arg6 : memref<10000xi32, #tpu.memory_space<vmem>>)
    %barrier3A = arith.constant 0 : index
    tpu.barrier barrier_id(%barrier3A)
    %scan3A_42 = arith.constant 0 : i32
    %scan3A_43 = arith.constant 5 : i32
    %scan3A_44 = arith.addi %scan3A_42, %scan3A_43 : i32
    %scan3A_45 = arith.constant 1 : i32
    scf.for %scan3A_52 = %scan3A_42 to %scan3A_44 step %scan3A_45  : i32 {
      %mul3A_53 = arith.constant 1 : i32
      %mul3A_54 = arith.muli %scan3A_52, %mul3A_53 : i32
      %add3A_55 = arith.constant 0 : i32
      %add3A_56 = arith.addi %add3A_55, %mul3A_54 : i32
      %mul3A_57 = arith.constant 25 : i32
      %mul3A_58 = arith.muli %add3A_56, %mul3A_57 : i32
      %mul3A_59 = arith.constant 80 : i32
      %mul3A_60 = arith.muli %mul3A_58, %mul3A_59 : i32
      %add3A_61 = arith.constant 0 : i32
      %add3A_62 = arith.addi %mul3A_60, %add3A_61 : i32
      %dma_start3A_63 = arith.constant 0 : i32
      %dma_start3A_64 = arith.constant 0 : i32
      %dma_start3A_65 = arith.constant 0 : i32
      %dma_start3A_66 = tpu.memref_slice %arg7[%dma_start3A_63, %dma_start3A_64, %dma_start3A_65] : memref<25x80x16xf32, #tpu.memory_space<vmem>> -> memref<1x80x16xf32, #tpu.memory_space<vmem>>
      %dma_start3A_67 = tpu.memref_squeeze %dma_start3A_66 : memref<1x80x16xf32, #tpu.memory_space<vmem>> -> memref<80x16xf32, #tpu.memory_space<vmem>>
      %dma_start3A_68 = tpu.memref_slice %arg5[%add3A_62] : memref<10000xi32, #tpu.memory_space<vmem>> -> memref<80xi32, #tpu.memory_space<vmem>>
      %dma_start3A_69 = arith.constant 0 : i32
      %dma_start3A_70 = arith.constant 0 : i32
      %dma_start3A_71 = tpu.memref_slice %arg9[%dma_start3A_69, %dma_start3A_70] : memref<10240x16xf32, #tpu.memory_space<vmem_shared>> -> memref<10240x16xf32, #tpu.memory_space<vmem_shared>>
      tpu.enqueue_indirect_dma source(%dma_start3A_71 : memref<10240x16xf32, #tpu.memory_space<vmem_shared>>) target(%dma_start3A_67 : memref<80x16xf32, #tpu.memory_space<vmem>>) offsets(%dma_start3A_68 : memref<80xi32, #tpu.memory_space<vmem>>) semaphore(%arg11 : memref<!tpu.dma_semaphore, #tpu.memory_space<semaphore_mem>>)
      %add3A_72 = arith.constant 80 : i32
      %add3A_73 = arith.addi %mul3A_60, %add3A_72 : i32
      %dma_start3A_74 = arith.constant 1 : i32
      %dma_start3A_75 = arith.constant 0 : i32
      %dma_start3A_76 = arith.constant 0 : i32
      %dma_start3A_77 = tpu.memref_slice %arg7[%dma_start3A_74, %dma_start3A_75, %dma_start3A_76] : memref<25x80x16xf32, #tpu.memory_space<vmem>> -> memref<1x80x16xf32, #tpu.memory_space<vmem>>
      %dma_start3A_78 = tpu.memref_squeeze %dma_start3A_77 : memref<1x80x16xf32, #tpu.memory_space<vmem>> -> memref<80x16xf32, #tpu.memory_space<vmem>>
      %dma_start3A_79 = tpu.memref_slice %arg5[%add3A_73] : memref<10000xi32, #tpu.memory_space<vmem>> -> memref<80xi32, #tpu.memory_space<vmem>>
      %dma_start3A_80 = arith.constant 0 : i32
      %dma_start3A_81 = arith.constant 0 : i32
      %dma_start3A_82 = tpu.memref_slice %arg9[%dma_start3A_80, %dma_start3A_81] : memref<10240x16xf32, #tpu.memory_space<vmem_shared>> -> memref<10240x16xf32, #tpu.memory_space<vmem_shared>>
      tpu.enqueue_indirect_dma source(%dma_start3A_82 : memref<10240x16xf32, #tpu.memory_space<vmem_shared>>) target(%dma_start3A_78 : memref<80x16xf32, #tpu.memory_space<vmem>>) offsets(%dma_start3A_79 : memref<80xi32, #tpu.memory_space<vmem>>) semaphore(%arg11 : memref<!tpu.dma_semaphore, #tpu.memory_space<semaphore_mem>>)
      %add3A_83 = arith.constant 160 : i32
      %add3A_84 = arith.addi %mul3A_60, %add3A_83 : i32
      %dma_start3A_85 = arith.constant 2 : i32
      %dma_start3A_86 = arith.constant 0 : i32
      %dma_start3A_87 = arith.constant 0 : i32
      %dma_start3A_88 = tpu.memref_slice %arg7[%dma_start3A_85, %dma_start3A_86, %dma_start3A_87] : memref<25x80x16xf32, #tpu.memory_space<vmem>> -> memref<1x80x16xf32, #tpu.memory_space<vmem>>
      %dma_start3A_89 = tpu.memref_squeeze %dma_start3A_88 : memref<1x80x16xf32, #tpu.memory_space<vmem>> -> memref<80x16xf32, #tpu.memory_space<vmem>>
      %dma_start3A_90 = tpu.memref_slice %arg5[%add3A_84] : memref<10000xi32, #tpu.memory_space<vmem>> -> memref<80xi32, #tpu.memory_space<vmem>>
      %dma_start3A_91 = arith.constant 0 : i32
      %dma_start3A_92 = arith.constant 0 : i32
      %dma_start3A_93 = tpu.memref_slice %arg9[%dma_start3A_91, %dma_start3A_92] : memref<10240x16xf32, #tpu.memory_space<vmem_shared>> -> memref<10240x16xf32, #tpu.memory_space<vmem_shared>>
      tpu.enqueue_indirect_dma source(%dma_start3A_93 : memref<10240x16xf32, #tpu.memory_space<vmem_shared>>) target(%dma_start3A_89 : memref<80x16xf32, #tpu.memory_space<vmem>>) offsets(%dma_start3A_90 : memref<80xi32, #tpu.memory_space<vmem>>) semaphore(%arg11 : memref<!tpu.dma_semaphore, #tpu.memory_space<semaphore_mem>>)
      %add3A_94 = arith.constant 240 : i32
      %add3A_95 = arith.addi %mul3A_60, %add3A_94 : i32
      %dma_start3A_96 = arith.constant 3 : i32
      %dma_start3A_97 = arith.constant 0 : i32
      %dma_start3A_98 = arith.constant 0 : i32
      %dma_start3A_99 = tpu.memref_slice %arg7[%dma_start3A_96, %dma_start3A_97, %dma_start3A_98] : memref<25x80x16xf32, #tpu.memory_space<vmem>> -> memref<1x80x16xf32, #tpu.memory_space<vmem>>
      %dma_start3A_100 = tpu.memref_squeeze %dma_start3A_99 : memref<1x80x16xf32, #tpu.memory_space<vmem>> -> memref<80x16xf32, #tpu.memory_space<vmem>>
      %dma_start3A_101 = tpu.memref_slice %arg5[%add3A_95] : memref<10000xi32, #tpu.memory_space<vmem>> -> memref<80xi32, #tpu.memory_space<vmem>>
      %dma_start3A_102 = arith.constant 0 : i32
      %dma_start3A_103 = arith.constant 0 : i32
      %dma_start3A_104 = tpu.memref_slice %arg9[%dma_start3A_102, %dma_start3A_103] : memref<10240x16xf32, #tpu.memory_space<vmem_shared>> -> memref<10240x16xf32, #tpu.memory_space<vmem_shared>>
      tpu.enqueue_indirect_dma source(%dma_start3A_104 : memref<10240x16xf32, #tpu.memory_space<vmem_shared>>) target(%dma_start3A_100 : memref<80x16xf32, #tpu.memory_space<vmem>>) offsets(%dma_start3A_101 : memref<80xi32, #tpu.memory_space<vmem>>) semaphore(%arg11 : memref<!tpu.dma_semaphore, #tpu.memory_space<semaphore_mem>>)
      %add3A_105 = arith.constant 320 : i32
      %add3A_106 = arith.addi %mul3A_60, %add3A_105 : i32
      %dma_start3A_107 = arith.constant 4 : i32
      %dma_start3A_108 = arith.constant 0 : i32
      %dma_start3A_109 = arith.constant 0 : i32
      %dma_start3A_110 = tpu.memref_slice %arg7[%dma_start3A_107, %dma_start3A_108, %dma_start3A_109] : memref<25x80x16xf32, #tpu.memory_space<vmem>> -> memref<1x80x16xf32, #tpu.memory_space<vmem>>
      %dma_start3A_111 = tpu.memref_squeeze %dma_start3A_110 : memref<1x80x16xf32, #tpu.memory_space<vmem>> -> memref<80x16xf32, #tpu.memory_space<vmem>>
      %dma_start3A_112 = tpu.memref_slice %arg5[%add3A_106] : memref<10000xi32, #tpu.memory_space<vmem>> -> memref<80xi32, #tpu.memory_space<vmem>>
      %dma_start3A_113 = arith.constant 0 : i32
      %dma_start3A_114 = arith.constant 0 : i32
      %dma_start3A_115 = tpu.memref_slice %arg9[%dma_start3A_113, %dma_start3A_114] : memref<10240x16xf32, #tpu.memory_space<vmem_shared>> -> memref<10240x16xf32, #tpu.memory_space<vmem_shared>>
      tpu.enqueue_indirect_dma source(%dma_start3A_115 : memref<10240x16xf32, #tpu.memory_space<vmem_shared>>) target(%dma_start3A_111 : memref<80x16xf32, #tpu.memory_space<vmem>>) offsets(%dma_start3A_112 : memref<80xi32, #tpu.memory_space<vmem>>) semaphore(%arg11 : memref<!tpu.dma_semaphore, #tpu.memory_space<semaphore_mem>>)
      %add3A_116 = arith.constant 400 : i32
      %add3A_117 = arith.addi %mul3A_60, %add3A_116 : i32
      %dma_start3A_118 = arith.constant 5 : i32
      %dma_start3A_119 = arith.constant 0 : i32
      %dma_start3A_120 = arith.constant 0 : i32
      %dma_start3A_121 = tpu.memref_slice %arg7[%dma_start3A_118, %dma_start3A_119, %dma_start3A_120] : memref<25x80x16xf32, #tpu.memory_space<vmem>> -> memref<1x80x16xf32, #tpu.memory_space<vmem>>
      %dma_start3A_122 = tpu.memref_squeeze %dma_start3A_121 : memref<1x80x16xf32, #tpu.memory_space<vmem>> -> memref<80x16xf32, #tpu.memory_space<vmem>>
      %dma_start3A_123 = tpu.memref_slice %arg5[%add3A_117] : memref<10000xi32, #tpu.memory_space<vmem>> -> memref<80xi32, #tpu.memory_space<vmem>>
      %dma_start3A_124 = arith.constant 0 : i32
      %dma_start3A_125 = arith.constant 0 : i32
      %dma_start3A_126 = tpu.memref_slice %arg9[%dma_start3A_124, %dma_start3A_125] : memref<10240x16xf32, #tpu.memory_space<vmem_shared>> -> memref<10240x16xf32, #tpu.memory_space<vmem_shared>>
      tpu.enqueue_indirect_dma source(%dma_start3A_126 : memref<10240x16xf32, #tpu.memory_space<vmem_shared>>) target(%dma_start3A_122 : memref<80x16xf32, #tpu.memory_space<vmem>>) offsets(%dma_start3A_123 : memref<80xi32, #tpu.memory_space<vmem>>) semaphore(%arg11 : memref<!tpu.dma_semaphore, #tpu.memory_space<semaphore_mem>>)
      %add3A_127 = arith.constant 480 : i32
      %add3A_128 = arith.addi %mul3A_60, %add3A_127 : i32
      %dma_start3A_129 = arith.constant 6 : i32
      %dma_start3A_130 = arith.constant 0 : i32
      %dma_start3A_131 = arith.constant 0 : i32
      %dma_start3A_132 = tpu.memref_slice %arg7[%dma_start3A_129, %dma_start3A_130, %dma_start3A_131] : memref<25x80x16xf32, #tpu.memory_space<vmem>> -> memref<1x80x16xf32, #tpu.memory_space<vmem>>
      %dma_start3A_133 = tpu.memref_squeeze %dma_start3A_132 : memref<1x80x16xf32, #tpu.memory_space<vmem>> -> memref<80x16xf32, #tpu.memory_space<vmem>>
      %dma_start3A_134 = tpu.memref_slice %arg5[%add3A_128] : memref<10000xi32, #tpu.memory_space<vmem>> -> memref<80xi32, #tpu.memory_space<vmem>>
      %dma_start3A_135 = arith.constant 0 : i32
      %dma_start3A_136 = arith.constant 0 : i32
      %dma_start3A_137 = tpu.memref_slice %arg9[%dma_start3A_135, %dma_start3A_136] : memref<10240x16xf32, #tpu.memory_space<vmem_shared>> -> memref<10240x16xf32, #tpu.memory_space<vmem_shared>>
      tpu.enqueue_indirect_dma source(%dma_start3A_137 : memref<10240x16xf32, #tpu.memory_space<vmem_shared>>) target(%dma_start3A_133 : memref<80x16xf32, #tpu.memory_space<vmem>>) offsets(%dma_start3A_134 : memref<80xi32, #tpu.memory_space<vmem>>) semaphore(%arg11 : memref<!tpu.dma_semaphore, #tpu.memory_space<semaphore_mem>>)
      %add3A_138 = arith.constant 560 : i32
      %add3A_139 = arith.addi %mul3A_60, %add3A_138 : i32
      %dma_start3A_140 = arith.constant 7 : i32
      %dma_start3A_141 = arith.constant 0 : i32
      %dma_start3A_142 = arith.constant 0 : i32
      %dma_start3A_143 = tpu.memref_slice %arg7[%dma_start3A_140, %dma_start3A_141, %dma_start3A_142] : memref<25x80x16xf32, #tpu.memory_space<vmem>> -> memref<1x80x16xf32, #tpu.memory_space<vmem>>
      %dma_start3A_144 = tpu.memref_squeeze %dma_start3A_143 : memref<1x80x16xf32, #tpu.memory_space<vmem>> -> memref<80x16xf32, #tpu.memory_space<vmem>>
      %dma_start3A_145 = tpu.memref_slice %arg5[%add3A_139] : memref<10000xi32, #tpu.memory_space<vmem>> -> memref<80xi32, #tpu.memory_space<vmem>>
      %dma_start3A_146 = arith.constant 0 : i32
      %dma_start3A_147 = arith.constant 0 : i32
      %dma_start3A_148 = tpu.memref_slice %arg9[%dma_start3A_146, %dma_start3A_147] : memref<10240x16xf32, #tpu.memory_space<vmem_shared>> -> memref<10240x16xf32, #tpu.memory_space<vmem_shared>>
      tpu.enqueue_indirect_dma source(%dma_start3A_148 : memref<10240x16xf32, #tpu.memory_space<vmem_shared>>) target(%dma_start3A_144 : memref<80x16xf32, #tpu.memory_space<vmem>>) offsets(%dma_start3A_145 : memref<80xi32, #tpu.memory_space<vmem>>) semaphore(%arg11 : memref<!tpu.dma_semaphore, #tpu.memory_space<semaphore_mem>>)
      %add3A_149 = arith.constant 640 : i32
      %add3A_150 = arith.addi %mul3A_60, %add3A_149 : i32
      %dma_start3A_151 = arith.constant 8 : i32
      %dma_start3A_152 = arith.constant 0 : i32
      %dma_start3A_153 = arith.constant 0 : i32
      %dma_start3A_154 = tpu.memref_slice %arg7[%dma_start3A_151, %dma_start3A_152, %dma_start3A_153] : memref<25x80x16xf32, #tpu.memory_space<vmem>> -> memref<1x80x16xf32, #tpu.memory_space<vmem>>
      %dma_start3A_155 = tpu.memref_squeeze %dma_start3A_154 : memref<1x80x16xf32, #tpu.memory_space<vmem>> -> memref<80x16xf32, #tpu.memory_space<vmem>>
      %dma_start3A_156 = tpu.memref_slice %arg5[%add3A_150] : memref<10000xi32, #tpu.memory_space<vmem>> -> memref<80xi32, #tpu.memory_space<vmem>>
      %dma_start3A_157 = arith.constant 0 : i32
      %dma_start3A_158 = arith.constant 0 : i32
      %dma_start3A_159 = tpu.memref_slice %arg9[%dma_start3A_157, %dma_start3A_158] : memref<10240x16xf32, #tpu.memory_space<vmem_shared>> -> memref<10240x16xf32, #tpu.memory_space<vmem_shared>>
      tpu.enqueue_indirect_dma source(%dma_start3A_159 : memref<10240x16xf32, #tpu.memory_space<vmem_shared>>) target(%dma_start3A_155 : memref<80x16xf32, #tpu.memory_space<vmem>>) offsets(%dma_start3A_156 : memref<80xi32, #tpu.memory_space<vmem>>) semaphore(%arg11 : memref<!tpu.dma_semaphore, #tpu.memory_space<semaphore_mem>>)
      %add3A_160 = arith.constant 720 : i32
      %add3A_161 = arith.addi %mul3A_60, %add3A_160 : i32
      %dma_start3A_162 = arith.constant 9 : i32
      %dma_start3A_163 = arith.constant 0 : i32
      %dma_start3A_164 = arith.constant 0 : i32
      %dma_start3A_165 = tpu.memref_slice %arg7[%dma_start3A_162, %dma_start3A_163, %dma_start3A_164] : memref<25x80x16xf32, #tpu.memory_space<vmem>> -> memref<1x80x16xf32, #tpu.memory_space<vmem>>
      %dma_start3A_166 = tpu.memref_squeeze %dma_start3A_165 : memref<1x80x16xf32, #tpu.memory_space<vmem>> -> memref<80x16xf32, #tpu.memory_space<vmem>>
      %dma_start3A_167 = tpu.memref_slice %arg5[%add3A_161] : memref<10000xi32, #tpu.memory_space<vmem>> -> memref<80xi32, #tpu.memory_space<vmem>>
      %dma_start3A_168 = arith.constant 0 : i32
      %dma_start3A_169 = arith.constant 0 : i32
      %dma_start3A_170 = tpu.memref_slice %arg9[%dma_start3A_168, %dma_start3A_169] : memref<10240x16xf32, #tpu.memory_space<vmem_shared>> -> memref<10240x16xf32, #tpu.memory_space<vmem_shared>>
      tpu.enqueue_indirect_dma source(%dma_start3A_170 : memref<10240x16xf32, #tpu.memory_space<vmem_shared>>) target(%dma_start3A_166 : memref<80x16xf32, #tpu.memory_space<vmem>>) offsets(%dma_start3A_167 : memref<80xi32, #tpu.memory_space<vmem>>) semaphore(%arg11 : memref<!tpu.dma_semaphore, #tpu.memory_space<semaphore_mem>>)
      %add3A_171 = arith.constant 800 : i32
      %add3A_172 = arith.addi %mul3A_60, %add3A_171 : i32
      %dma_start3A_173 = arith.constant 10 : i32
      %dma_start3A_174 = arith.constant 0 : i32
      %dma_start3A_175 = arith.constant 0 : i32
      %dma_start3A_176 = tpu.memref_slice %arg7[%dma_start3A_173, %dma_start3A_174, %dma_start3A_175] : memref<25x80x16xf32, #tpu.memory_space<vmem>> -> memref<1x80x16xf32, #tpu.memory_space<vmem>>
      %dma_start3A_177 = tpu.memref_squeeze %dma_start3A_176 : memref<1x80x16xf32, #tpu.memory_space<vmem>> -> memref<80x16xf32, #tpu.memory_space<vmem>>
      %dma_start3A_178 = tpu.memref_slice %arg5[%add3A_172] : memref<10000xi32, #tpu.memory_space<vmem>> -> memref<80xi32, #tpu.memory_space<vmem>>
      %dma_start3A_179 = arith.constant 0 : i32
      %dma_start3A_180 = arith.constant 0 : i32
      %dma_start3A_181 = tpu.memref_slice %arg9[%dma_start3A_179, %dma_start3A_180] : memref<10240x16xf32, #tpu.memory_space<vmem_shared>> -> memref<10240x16xf32, #tpu.memory_space<vmem_shared>>
      tpu.enqueue_indirect_dma source(%dma_start3A_181 : memref<10240x16xf32, #tpu.memory_space<vmem_shared>>) target(%dma_start3A_177 : memref<80x16xf32, #tpu.memory_space<vmem>>) offsets(%dma_start3A_178 : memref<80xi32, #tpu.memory_space<vmem>>) semaphore(%arg11 : memref<!tpu.dma_semaphore, #tpu.memory_space<semaphore_mem>>)
      %add3A_182 = arith.constant 880 : i32
      %add3A_183 = arith.addi %mul3A_60, %add3A_182 : i32
      %dma_start3A_184 = arith.constant 11 : i32
      %dma_start3A_185 = arith.constant 0 : i32
      %dma_start3A_186 = arith.constant 0 : i32
      %dma_start3A_187 = tpu.memref_slice %arg7[%dma_start3A_184, %dma_start3A_185, %dma_start3A_186] : memref<25x80x16xf32, #tpu.memory_space<vmem>> -> memref<1x80x16xf32, #tpu.memory_space<vmem>>
      %dma_start3A_188 = tpu.memref_squeeze %dma_start3A_187 : memref<1x80x16xf32, #tpu.memory_space<vmem>> -> memref<80x16xf32, #tpu.memory_space<vmem>>
      %dma_start3A_189 = tpu.memref_slice %arg5[%add3A_183] : memref<10000xi32, #tpu.memory_space<vmem>> -> memref<80xi32, #tpu.memory_space<vmem>>
      %dma_start3A_190 = arith.constant 0 : i32
      %dma_start3A_191 = arith.constant 0 : i32
      %dma_start3A_192 = tpu.memref_slice %arg9[%dma_start3A_190, %dma_start3A_191] : memref<10240x16xf32, #tpu.memory_space<vmem_shared>> -> memref<10240x16xf32, #tpu.memory_space<vmem_shared>>
      tpu.enqueue_indirect_dma source(%dma_start3A_192 : memref<10240x16xf32, #tpu.memory_space<vmem_shared>>) target(%dma_start3A_188 : memref<80x16xf32, #tpu.memory_space<vmem>>) offsets(%dma_start3A_189 : memref<80xi32, #tpu.memory_space<vmem>>) semaphore(%arg11 : memref<!tpu.dma_semaphore, #tpu.memory_space<semaphore_mem>>)
      %add3A_193 = arith.constant 960 : i32
      %add3A_194 = arith.addi %mul3A_60, %add3A_193 : i32
      %dma_start3A_195 = arith.constant 12 : i32
      %dma_start3A_196 = arith.constant 0 : i32
      %dma_start3A_197 = arith.constant 0 : i32
      %dma_start3A_198 = tpu.memref_slice %arg7[%dma_start3A_195, %dma_start3A_196, %dma_start3A_197] : memref<25x80x16xf32, #tpu.memory_space<vmem>> -> memref<1x80x16xf32, #tpu.memory_space<vmem>>
      %dma_start3A_199 = tpu.memref_squeeze %dma_start3A_198 : memref<1x80x16xf32, #tpu.memory_space<vmem>> -> memref<80x16xf32, #tpu.memory_space<vmem>>
      %dma_start3A_200 = tpu.memref_slice %arg5[%add3A_194] : memref<10000xi32, #tpu.memory_space<vmem>> -> memref<80xi32, #tpu.memory_space<vmem>>
      %dma_start3A_201 = arith.constant 0 : i32
      %dma_start3A_202 = arith.constant 0 : i32
      %dma_start3A_203 = tpu.memref_slice %arg9[%dma_start3A_201, %dma_start3A_202] : memref<10240x16xf32, #tpu.memory_space<vmem_shared>> -> memref<10240x16xf32, #tpu.memory_space<vmem_shared>>
      tpu.enqueue_indirect_dma source(%dma_start3A_203 : memref<10240x16xf32, #tpu.memory_space<vmem_shared>>) target(%dma_start3A_199 : memref<80x16xf32, #tpu.memory_space<vmem>>) offsets(%dma_start3A_200 : memref<80xi32, #tpu.memory_space<vmem>>) semaphore(%arg12 : memref<!tpu.dma_semaphore, #tpu.memory_space<semaphore_mem>>)
      %add3A_204 = arith.constant 1040 : i32
      %add3A_205 = arith.addi %mul3A_60, %add3A_204 : i32
      %dma_start3A_206 = arith.constant 13 : i32
      %dma_start3A_207 = arith.constant 0 : i32
      %dma_start3A_208 = arith.constant 0 : i32
      %dma_start3A_209 = tpu.memref_slice %arg7[%dma_start3A_206, %dma_start3A_207, %dma_start3A_208] : memref<25x80x16xf32, #tpu.memory_space<vmem>> -> memref<1x80x16xf32, #tpu.memory_space<vmem>>
      %dma_start3A_210 = tpu.memref_squeeze %dma_start3A_209 : memref<1x80x16xf32, #tpu.memory_space<vmem>> -> memref<80x16xf32, #tpu.memory_space<vmem>>
      %dma_start3A_211 = tpu.memref_slice %arg5[%add3A_205] : memref<10000xi32, #tpu.memory_space<vmem>> -> memref<80xi32, #tpu.memory_space<vmem>>
      %dma_start3A_212 = arith.constant 0 : i32
      %dma_start3A_213 = arith.constant 0 : i32
      %dma_start3A_214 = tpu.memref_slice %arg9[%dma_start3A_212, %dma_start3A_213] : memref<10240x16xf32, #tpu.memory_space<vmem_shared>> -> memref<10240x16xf32, #tpu.memory_space<vmem_shared>>
      tpu.enqueue_indirect_dma source(%dma_start3A_214 : memref<10240x16xf32, #tpu.memory_space<vmem_shared>>) target(%dma_start3A_210 : memref<80x16xf32, #tpu.memory_space<vmem>>) offsets(%dma_start3A_211 : memref<80xi32, #tpu.memory_space<vmem>>) semaphore(%arg12 : memref<!tpu.dma_semaphore, #tpu.memory_space<semaphore_mem>>)
      %add3A_215 = arith.constant 1120 : i32
      %add3A_216 = arith.addi %mul3A_60, %add3A_215 : i32
      %dma_start3A_217 = arith.constant 14 : i32
      %dma_start3A_218 = arith.constant 0 : i32
      %dma_start3A_219 = arith.constant 0 : i32
      %dma_start3A_220 = tpu.memref_slice %arg7[%dma_start3A_217, %dma_start3A_218, %dma_start3A_219] : memref<25x80x16xf32, #tpu.memory_space<vmem>> -> memref<1x80x16xf32, #tpu.memory_space<vmem>>
      %dma_start3A_221 = tpu.memref_squeeze %dma_start3A_220 : memref<1x80x16xf32, #tpu.memory_space<vmem>> -> memref<80x16xf32, #tpu.memory_space<vmem>>
      %dma_start3A_222 = tpu.memref_slice %arg5[%add3A_216] : memref<10000xi32, #tpu.memory_space<vmem>> -> memref<80xi32, #tpu.memory_space<vmem>>
      %dma_start3A_223 = arith.constant 0 : i32
      %dma_start3A_224 = arith.constant 0 : i32
      %dma_start3A_225 = tpu.memref_slice %arg9[%dma_start3A_223, %dma_start3A_224] : memref<10240x16xf32, #tpu.memory_space<vmem_shared>> -> memref<10240x16xf32, #tpu.memory_space<vmem_shared>>
      tpu.enqueue_indirect_dma source(%dma_start3A_225 : memref<10240x16xf32, #tpu.memory_space<vmem_shared>>) target(%dma_start3A_221 : memref<80x16xf32, #tpu.memory_space<vmem>>) offsets(%dma_start3A_222 : memref<80xi32, #tpu.memory_space<vmem>>) semaphore(%arg12 : memref<!tpu.dma_semaphore, #tpu.memory_space<semaphore_mem>>)
      %add3A_226 = arith.constant 1200 : i32
      %add3A_227 = arith.addi %mul3A_60, %add3A_226 : i32
      %dma_start3A_228 = arith.constant 15 : i32
      %dma_start3A_229 = arith.constant 0 : i32
      %dma_start3A_230 = arith.constant 0 : i32
      %dma_start3A_231 = tpu.memref_slice %arg7[%dma_start3A_228, %dma_start3A_229, %dma_start3A_230] : memref<25x80x16xf32, #tpu.memory_space<vmem>> -> memref<1x80x16xf32, #tpu.memory_space<vmem>>
      %dma_start3A_232 = tpu.memref_squeeze %dma_start3A_231 : memref<1x80x16xf32, #tpu.memory_space<vmem>> -> memref<80x16xf32, #tpu.memory_space<vmem>>
      %dma_start3A_233 = tpu.memref_slice %arg5[%add3A_227] : memref<10000xi32, #tpu.memory_space<vmem>> -> memref<80xi32, #tpu.memory_space<vmem>>
      %dma_start3A_234 = arith.constant 0 : i32
      %dma_start3A_235 = arith.constant 0 : i32
      %dma_start3A_236 = tpu.memref_slice %arg9[%dma_start3A_234, %dma_start3A_235] : memref<10240x16xf32, #tpu.memory_space<vmem_shared>> -> memref<10240x16xf32, #tpu.memory_space<vmem_shared>>
      tpu.enqueue_indirect_dma source(%dma_start3A_236 : memref<10240x16xf32, #tpu.memory_space<vmem_shared>>) target(%dma_start3A_232 : memref<80x16xf32, #tpu.memory_space<vmem>>) offsets(%dma_start3A_233 : memref<80xi32, #tpu.memory_space<vmem>>) semaphore(%arg12 : memref<!tpu.dma_semaphore, #tpu.memory_space<semaphore_mem>>)
      %add3A_237 = arith.constant 1280 : i32
      %add3A_238 = arith.addi %mul3A_60, %add3A_237 : i32
      %dma_start3A_239 = arith.constant 16 : i32
      %dma_start3A_240 = arith.constant 0 : i32
      %dma_start3A_241 = arith.constant 0 : i32
      %dma_start3A_242 = tpu.memref_slice %arg7[%dma_start3A_239, %dma_start3A_240, %dma_start3A_241] : memref<25x80x16xf32, #tpu.memory_space<vmem>> -> memref<1x80x16xf32, #tpu.memory_space<vmem>>
      %dma_start3A_243 = tpu.memref_squeeze %dma_start3A_242 : memref<1x80x16xf32, #tpu.memory_space<vmem>> -> memref<80x16xf32, #tpu.memory_space<vmem>>
      %dma_start3A_244 = tpu.memref_slice %arg5[%add3A_238] : memref<10000xi32, #tpu.memory_space<vmem>> -> memref<80xi32, #tpu.memory_space<vmem>>
      %dma_start3A_245 = arith.constant 0 : i32
      %dma_start3A_246 = arith.constant 0 : i32
      %dma_start3A_247 = tpu.memref_slice %arg9[%dma_start3A_245, %dma_start3A_246] : memref<10240x16xf32, #tpu.memory_space<vmem_shared>> -> memref<10240x16xf32, #tpu.memory_space<vmem_shared>>
      tpu.enqueue_indirect_dma source(%dma_start3A_247 : memref<10240x16xf32, #tpu.memory_space<vmem_shared>>) target(%dma_start3A_243 : memref<80x16xf32, #tpu.memory_space<vmem>>) offsets(%dma_start3A_244 : memref<80xi32, #tpu.memory_space<vmem>>) semaphore(%arg12 : memref<!tpu.dma_semaphore, #tpu.memory_space<semaphore_mem>>)
      %add3A_248 = arith.constant 1360 : i32
      %add3A_249 = arith.addi %mul3A_60, %add3A_248 : i32
      %dma_start3A_250 = arith.constant 17 : i32
      %dma_start3A_251 = arith.constant 0 : i32
      %dma_start3A_252 = arith.constant 0 : i32
      %dma_start3A_253 = tpu.memref_slice %arg7[%dma_start3A_250, %dma_start3A_251, %dma_start3A_252] : memref<25x80x16xf32, #tpu.memory_space<vmem>> -> memref<1x80x16xf32, #tpu.memory_space<vmem>>
      %dma_start3A_254 = tpu.memref_squeeze %dma_start3A_253 : memref<1x80x16xf32, #tpu.memory_space<vmem>> -> memref<80x16xf32, #tpu.memory_space<vmem>>
      %dma_start3A_255 = tpu.memref_slice %arg5[%add3A_249] : memref<10000xi32, #tpu.memory_space<vmem>> -> memref<80xi32, #tpu.memory_space<vmem>>
      %dma_start3A_256 = arith.constant 0 : i32
      %dma_start3A_257 = arith.constant 0 : i32
      %dma_start3A_258 = tpu.memref_slice %arg9[%dma_start3A_256, %dma_start3A_257] : memref<10240x16xf32, #tpu.memory_space<vmem_shared>> -> memref<10240x16xf32, #tpu.memory_space<vmem_shared>>
      tpu.enqueue_indirect_dma source(%dma_start3A_258 : memref<10240x16xf32, #tpu.memory_space<vmem_shared>>) target(%dma_start3A_254 : memref<80x16xf32, #tpu.memory_space<vmem>>) offsets(%dma_start3A_255 : memref<80xi32, #tpu.memory_space<vmem>>) semaphore(%arg12 : memref<!tpu.dma_semaphore, #tpu.memory_space<semaphore_mem>>)
      %add3A_259 = arith.constant 1440 : i32
      %add3A_260 = arith.addi %mul3A_60, %add3A_259 : i32
      %dma_start3A_261 = arith.constant 18 : i32
      %dma_start3A_262 = arith.constant 0 : i32
      %dma_start3A_263 = arith.constant 0 : i32
      %dma_start3A_264 = tpu.memref_slice %arg7[%dma_start3A_261, %dma_start3A_262, %dma_start3A_263] : memref<25x80x16xf32, #tpu.memory_space<vmem>> -> memref<1x80x16xf32, #tpu.memory_space<vmem>>
      %dma_start3A_265 = tpu.memref_squeeze %dma_start3A_264 : memref<1x80x16xf32, #tpu.memory_space<vmem>> -> memref<80x16xf32, #tpu.memory_space<vmem>>
      %dma_start3A_266 = tpu.memref_slice %arg5[%add3A_260] : memref<10000xi32, #tpu.memory_space<vmem>> -> memref<80xi32, #tpu.memory_space<vmem>>
      %dma_start3A_267 = arith.constant 0 : i32
      %dma_start3A_268 = arith.constant 0 : i32
      %dma_start3A_269 = tpu.memref_slice %arg9[%dma_start3A_267, %dma_start3A_268] : memref<10240x16xf32, #tpu.memory_space<vmem_shared>> -> memref<10240x16xf32, #tpu.memory_space<vmem_shared>>
      tpu.enqueue_indirect_dma source(%dma_start3A_269 : memref<10240x16xf32, #tpu.memory_space<vmem_shared>>) target(%dma_start3A_265 : memref<80x16xf32, #tpu.memory_space<vmem>>) offsets(%dma_start3A_266 : memref<80xi32, #tpu.memory_space<vmem>>) semaphore(%arg12 : memref<!tpu.dma_semaphore, #tpu.memory_space<semaphore_mem>>)
      %add3A_270 = arith.constant 1520 : i32
      %add3A_271 = arith.addi %mul3A_60, %add3A_270 : i32
      %dma_start3A_272 = arith.constant 19 : i32
      %dma_start3A_273 = arith.constant 0 : i32
      %dma_start3A_274 = arith.constant 0 : i32
      %dma_start3A_275 = tpu.memref_slice %arg7[%dma_start3A_272, %dma_start3A_273, %dma_start3A_274] : memref<25x80x16xf32, #tpu.memory_space<vmem>> -> memref<1x80x16xf32, #tpu.memory_space<vmem>>
      %dma_start3A_276 = tpu.memref_squeeze %dma_start3A_275 : memref<1x80x16xf32, #tpu.memory_space<vmem>> -> memref<80x16xf32, #tpu.memory_space<vmem>>
      %dma_start3A_277 = tpu.memref_slice %arg5[%add3A_271] : memref<10000xi32, #tpu.memory_space<vmem>> -> memref<80xi32, #tpu.memory_space<vmem>>
      %dma_start3A_278 = arith.constant 0 : i32
      %dma_start3A_279 = arith.constant 0 : i32
      %dma_start3A_280 = tpu.memref_slice %arg9[%dma_start3A_278, %dma_start3A_279] : memref<10240x16xf32, #tpu.memory_space<vmem_shared>> -> memref<10240x16xf32, #tpu.memory_space<vmem_shared>>
      tpu.enqueue_indirect_dma source(%dma_start3A_280 : memref<10240x16xf32, #tpu.memory_space<vmem_shared>>) target(%dma_start3A_276 : memref<80x16xf32, #tpu.memory_space<vmem>>) offsets(%dma_start3A_277 : memref<80xi32, #tpu.memory_space<vmem>>) semaphore(%arg12 : memref<!tpu.dma_semaphore, #tpu.memory_space<semaphore_mem>>)
      %add3A_281 = arith.constant 1600 : i32
      %add3A_282 = arith.addi %mul3A_60, %add3A_281 : i32
      %dma_start3A_283 = arith.constant 20 : i32
      %dma_start3A_284 = arith.constant 0 : i32
      %dma_start3A_285 = arith.constant 0 : i32
      %dma_start3A_286 = tpu.memref_slice %arg7[%dma_start3A_283, %dma_start3A_284, %dma_start3A_285] : memref<25x80x16xf32, #tpu.memory_space<vmem>> -> memref<1x80x16xf32, #tpu.memory_space<vmem>>
      %dma_start3A_287 = tpu.memref_squeeze %dma_start3A_286 : memref<1x80x16xf32, #tpu.memory_space<vmem>> -> memref<80x16xf32, #tpu.memory_space<vmem>>
      %dma_start3A_288 = tpu.memref_slice %arg5[%add3A_282] : memref<10000xi32, #tpu.memory_space<vmem>> -> memref<80xi32, #tpu.memory_space<vmem>>
      %dma_start3A_289 = arith.constant 0 : i32
      %dma_start3A_290 = arith.constant 0 : i32
      %dma_start3A_291 = tpu.memref_slice %arg9[%dma_start3A_289, %dma_start3A_290] : memref<10240x16xf32, #tpu.memory_space<vmem_shared>> -> memref<10240x16xf32, #tpu.memory_space<vmem_shared>>
      tpu.enqueue_indirect_dma source(%dma_start3A_291 : memref<10240x16xf32, #tpu.memory_space<vmem_shared>>) target(%dma_start3A_287 : memref<80x16xf32, #tpu.memory_space<vmem>>) offsets(%dma_start3A_288 : memref<80xi32, #tpu.memory_space<vmem>>) semaphore(%arg12 : memref<!tpu.dma_semaphore, #tpu.memory_space<semaphore_mem>>)
      %add3A_292 = arith.constant 1680 : i32
      %add3A_293 = arith.addi %mul3A_60, %add3A_292 : i32
      %dma_start3A_294 = arith.constant 21 : i32
      %dma_start3A_295 = arith.constant 0 : i32
      %dma_start3A_296 = arith.constant 0 : i32
      %dma_start3A_297 = tpu.memref_slice %arg7[%dma_start3A_294, %dma_start3A_295, %dma_start3A_296] : memref<25x80x16xf32, #tpu.memory_space<vmem>> -> memref<1x80x16xf32, #tpu.memory_space<vmem>>
      %dma_start3A_298 = tpu.memref_squeeze %dma_start3A_297 : memref<1x80x16xf32, #tpu.memory_space<vmem>> -> memref<80x16xf32, #tpu.memory_space<vmem>>
      %dma_start3A_299 = tpu.memref_slice %arg5[%add3A_293] : memref<10000xi32, #tpu.memory_space<vmem>> -> memref<80xi32, #tpu.memory_space<vmem>>
      %dma_start3A_300 = arith.constant 0 : i32
      %dma_start3A_301 = arith.constant 0 : i32
      %dma_start3A_302 = tpu.memref_slice %arg9[%dma_start3A_300, %dma_start3A_301] : memref<10240x16xf32, #tpu.memory_space<vmem_shared>> -> memref<10240x16xf32, #tpu.memory_space<vmem_shared>>
      tpu.enqueue_indirect_dma source(%dma_start3A_302 : memref<10240x16xf32, #tpu.memory_space<vmem_shared>>) target(%dma_start3A_298 : memref<80x16xf32, #tpu.memory_space<vmem>>) offsets(%dma_start3A_299 : memref<80xi32, #tpu.memory_space<vmem>>) semaphore(%arg12 : memref<!tpu.dma_semaphore, #tpu.memory_space<semaphore_mem>>)
      %add3A_303 = arith.constant 1760 : i32
      %add3A_304 = arith.addi %mul3A_60, %add3A_303 : i32
      %dma_start3A_305 = arith.constant 22 : i32
      %dma_start3A_306 = arith.constant 0 : i32
      %dma_start3A_307 = arith.constant 0 : i32
      %dma_start3A_308 = tpu.memref_slice %arg7[%dma_start3A_305, %dma_start3A_306, %dma_start3A_307] : memref<25x80x16xf32, #tpu.memory_space<vmem>> -> memref<1x80x16xf32, #tpu.memory_space<vmem>>
      %dma_start3A_309 = tpu.memref_squeeze %dma_start3A_308 : memref<1x80x16xf32, #tpu.memory_space<vmem>> -> memref<80x16xf32, #tpu.memory_space<vmem>>
      %dma_start3A_310 = tpu.memref_slice %arg5[%add3A_304] : memref<10000xi32, #tpu.memory_space<vmem>> -> memref<80xi32, #tpu.memory_space<vmem>>
      %dma_start3A_311 = arith.constant 0 : i32
      %dma_start3A_312 = arith.constant 0 : i32
      %dma_start3A_313 = tpu.memref_slice %arg9[%dma_start3A_311, %dma_start3A_312] : memref<10240x16xf32, #tpu.memory_space<vmem_shared>> -> memref<10240x16xf32, #tpu.memory_space<vmem_shared>>
      tpu.enqueue_indirect_dma source(%dma_start3A_313 : memref<10240x16xf32, #tpu.memory_space<vmem_shared>>) target(%dma_start3A_309 : memref<80x16xf32, #tpu.memory_space<vmem>>) offsets(%dma_start3A_310 : memref<80xi32, #tpu.memory_space<vmem>>) semaphore(%arg12 : memref<!tpu.dma_semaphore, #tpu.memory_space<semaphore_mem>>)
      %add3A_314 = arith.constant 1840 : i32
      %add3A_315 = arith.addi %mul3A_60, %add3A_314 : i32
      %dma_start3A_316 = arith.constant 23 : i32
      %dma_start3A_317 = arith.constant 0 : i32
      %dma_start3A_318 = arith.constant 0 : i32
      %dma_start3A_319 = tpu.memref_slice %arg7[%dma_start3A_316, %dma_start3A_317, %dma_start3A_318] : memref<25x80x16xf32, #tpu.memory_space<vmem>> -> memref<1x80x16xf32, #tpu.memory_space<vmem>>
      %dma_start3A_320 = tpu.memref_squeeze %dma_start3A_319 : memref<1x80x16xf32, #tpu.memory_space<vmem>> -> memref<80x16xf32, #tpu.memory_space<vmem>>
      %dma_start3A_321 = tpu.memref_slice %arg5[%add3A_315] : memref<10000xi32, #tpu.memory_space<vmem>> -> memref<80xi32, #tpu.memory_space<vmem>>
      %dma_start3A_322 = arith.constant 0 : i32
      %dma_start3A_323 = arith.constant 0 : i32
      %dma_start3A_324 = tpu.memref_slice %arg9[%dma_start3A_322, %dma_start3A_323] : memref<10240x16xf32, #tpu.memory_space<vmem_shared>> -> memref<10240x16xf32, #tpu.memory_space<vmem_shared>>
      tpu.enqueue_indirect_dma source(%dma_start3A_324 : memref<10240x16xf32, #tpu.memory_space<vmem_shared>>) target(%dma_start3A_320 : memref<80x16xf32, #tpu.memory_space<vmem>>) offsets(%dma_start3A_321 : memref<80xi32, #tpu.memory_space<vmem>>) semaphore(%arg12 : memref<!tpu.dma_semaphore, #tpu.memory_space<semaphore_mem>>)
      %add3A_325 = arith.constant 1920 : i32
      %add3A_326 = arith.addi %mul3A_60, %add3A_325 : i32
      %dma_start3A_327 = arith.constant 24 : i32
      %dma_start3A_328 = arith.constant 0 : i32
      %dma_start3A_329 = arith.constant 0 : i32
      %dma_start3A_330 = tpu.memref_slice %arg7[%dma_start3A_327, %dma_start3A_328, %dma_start3A_329] : memref<25x80x16xf32, #tpu.memory_space<vmem>> -> memref<1x80x16xf32, #tpu.memory_space<vmem>>
      %dma_start3A_331 = tpu.memref_squeeze %dma_start3A_330 : memref<1x80x16xf32, #tpu.memory_space<vmem>> -> memref<80x16xf32, #tpu.memory_space<vmem>>
      %dma_start3A_332 = tpu.memref_slice %arg5[%add3A_326] : memref<10000xi32, #tpu.memory_space<vmem>> -> memref<80xi32, #tpu.memory_space<vmem>>
      %dma_start3A_333 = arith.constant 0 : i32
      %dma_start3A_334 = arith.constant 0 : i32
      %dma_start3A_335 = tpu.memref_slice %arg9[%dma_start3A_333, %dma_start3A_334] : memref<10240x16xf32, #tpu.memory_space<vmem_shared>> -> memref<10240x16xf32, #tpu.memory_space<vmem_shared>>
      tpu.enqueue_indirect_dma source(%dma_start3A_335 : memref<10240x16xf32, #tpu.memory_space<vmem_shared>>) target(%dma_start3A_331 : memref<80x16xf32, #tpu.memory_space<vmem>>) offsets(%dma_start3A_332 : memref<80xi32, #tpu.memory_space<vmem>>) semaphore(%arg12 : memref<!tpu.dma_semaphore, #tpu.memory_space<semaphore_mem>>)
      %dma_wait3A_336 = arith.constant 0 : i32
      %dma_wait3A_337 = arith.constant 0 : i32
      %dma_wait3A_338 = arith.constant 0 : i32
      %dma_wait3A_339 = tpu.memref_slice %arg7[%dma_wait3A_336, %dma_wait3A_337, %dma_wait3A_338] : memref<25x80x16xf32, #tpu.memory_space<vmem>> -> memref<1x80x16xf32, #tpu.memory_space<vmem>>
      %dma_wait3A_340 = tpu.memref_squeeze %dma_wait3A_339 : memref<1x80x16xf32, #tpu.memory_space<vmem>> -> memref<80x16xf32, #tpu.memory_space<vmem>>
      %dma_wait3A_341 = tpu.memref_slice %arg5[%add3A_62] : memref<10000xi32, #tpu.memory_space<vmem>> -> memref<80xi32, #tpu.memory_space<vmem>>
      %dma_wait3A_342 = arith.constant 0 : i32
      %dma_wait3A_343 = arith.constant 0 : i32
      %dma_wait3A_344 = tpu.memref_slice %arg9[%dma_wait3A_342, %dma_wait3A_343] : memref<10240x16xf32, #tpu.memory_space<vmem_shared>> -> memref<10240x16xf32, #tpu.memory_space<vmem_shared>>
      tpu.wait_indirect_dma semaphore(%arg11 : memref<!tpu.dma_semaphore, #tpu.memory_space<semaphore_mem>>) src(%dma_wait3A_344 : memref<10240x16xf32, #tpu.memory_space<vmem_shared>>) dst(%dma_wait3A_340 : memref<80x16xf32, #tpu.memory_space<vmem>>)
      %dma_wait3A_345 = arith.constant 1 : i32
      %dma_wait3A_346 = arith.constant 0 : i32
      %dma_wait3A_347 = arith.constant 0 : i32
      %dma_wait3A_348 = tpu.memref_slice %arg7[%dma_wait3A_345, %dma_wait3A_346, %dma_wait3A_347] : memref<25x80x16xf32, #tpu.memory_space<vmem>> -> memref<1x80x16xf32, #tpu.memory_space<vmem>>
      %dma_wait3A_349 = tpu.memref_squeeze %dma_wait3A_348 : memref<1x80x16xf32, #tpu.memory_space<vmem>> -> memref<80x16xf32, #tpu.memory_space<vmem>>
      %dma_wait3A_350 = tpu.memref_slice %arg5[%add3A_73] : memref<10000xi32, #tpu.memory_space<vmem>> -> memref<80xi32, #tpu.memory_space<vmem>>
      %dma_wait3A_351 = arith.constant 0 : i32
      %dma_wait3A_352 = arith.constant 0 : i32
      %dma_wait3A_353 = tpu.memref_slice %arg9[%dma_wait3A_351, %dma_wait3A_352] : memref<10240x16xf32, #tpu.memory_space<vmem_shared>> -> memref<10240x16xf32, #tpu.memory_space<vmem_shared>>
      tpu.wait_indirect_dma semaphore(%arg11 : memref<!tpu.dma_semaphore, #tpu.memory_space<semaphore_mem>>) src(%dma_wait3A_353 : memref<10240x16xf32, #tpu.memory_space<vmem_shared>>) dst(%dma_wait3A_349 : memref<80x16xf32, #tpu.memory_space<vmem>>)
      %dma_wait3A_354 = arith.constant 2 : i32
      %dma_wait3A_355 = arith.constant 0 : i32
      %dma_wait3A_356 = arith.constant 0 : i32
      %dma_wait3A_357 = tpu.memref_slice %arg7[%dma_wait3A_354, %dma_wait3A_355, %dma_wait3A_356] : memref<25x80x16xf32, #tpu.memory_space<vmem>> -> memref<1x80x16xf32, #tpu.memory_space<vmem>>
      %dma_wait3A_358 = tpu.memref_squeeze %dma_wait3A_357 : memref<1x80x16xf32, #tpu.memory_space<vmem>> -> memref<80x16xf32, #tpu.memory_space<vmem>>
      %dma_wait3A_359 = tpu.memref_slice %arg5[%add3A_84] : memref<10000xi32, #tpu.memory_space<vmem>> -> memref<80xi32, #tpu.memory_space<vmem>>
      %dma_wait3A_360 = arith.constant 0 : i32
      %dma_wait3A_361 = arith.constant 0 : i32
      %dma_wait3A_362 = tpu.memref_slice %arg9[%dma_wait3A_360, %dma_wait3A_361] : memref<10240x16xf32, #tpu.memory_space<vmem_shared>> -> memref<10240x16xf32, #tpu.memory_space<vmem_shared>>
      tpu.wait_indirect_dma semaphore(%arg11 : memref<!tpu.dma_semaphore, #tpu.memory_space<semaphore_mem>>) src(%dma_wait3A_362 : memref<10240x16xf32, #tpu.memory_space<vmem_shared>>) dst(%dma_wait3A_358 : memref<80x16xf32, #tpu.memory_space<vmem>>)
      %dma_wait3A_363 = arith.constant 3 : i32
      %dma_wait3A_364 = arith.constant 0 : i32
      %dma_wait3A_365 = arith.constant 0 : i32
      %dma_wait3A_366 = tpu.memref_slice %arg7[%dma_wait3A_363, %dma_wait3A_364, %dma_wait3A_365] : memref<25x80x16xf32, #tpu.memory_space<vmem>> -> memref<1x80x16xf32, #tpu.memory_space<vmem>>
      %dma_wait3A_367 = tpu.memref_squeeze %dma_wait3A_366 : memref<1x80x16xf32, #tpu.memory_space<vmem>> -> memref<80x16xf32, #tpu.memory_space<vmem>>
      %dma_wait3A_368 = tpu.memref_slice %arg5[%add3A_95] : memref<10000xi32, #tpu.memory_space<vmem>> -> memref<80xi32, #tpu.memory_space<vmem>>
      %dma_wait3A_369 = arith.constant 0 : i32
      %dma_wait3A_370 = arith.constant 0 : i32
      %dma_wait3A_371 = tpu.memref_slice %arg9[%dma_wait3A_369, %dma_wait3A_370] : memref<10240x16xf32, #tpu.memory_space<vmem_shared>> -> memref<10240x16xf32, #tpu.memory_space<vmem_shared>>
      tpu.wait_indirect_dma semaphore(%arg11 : memref<!tpu.dma_semaphore, #tpu.memory_space<semaphore_mem>>) src(%dma_wait3A_371 : memref<10240x16xf32, #tpu.memory_space<vmem_shared>>) dst(%dma_wait3A_367 : memref<80x16xf32, #tpu.memory_space<vmem>>)
      %dma_wait3A_372 = arith.constant 4 : i32
      %dma_wait3A_373 = arith.constant 0 : i32
      %dma_wait3A_374 = arith.constant 0 : i32
      %dma_wait3A_375 = tpu.memref_slice %arg7[%dma_wait3A_372, %dma_wait3A_373, %dma_wait3A_374] : memref<25x80x16xf32, #tpu.memory_space<vmem>> -> memref<1x80x16xf32, #tpu.memory_space<vmem>>
      %dma_wait3A_376 = tpu.memref_squeeze %dma_wait3A_375 : memref<1x80x16xf32, #tpu.memory_space<vmem>> -> memref<80x16xf32, #tpu.memory_space<vmem>>
      %dma_wait3A_377 = tpu.memref_slice %arg5[%add3A_106] : memref<10000xi32, #tpu.memory_space<vmem>> -> memref<80xi32, #tpu.memory_space<vmem>>
      %dma_wait3A_378 = arith.constant 0 : i32
      %dma_wait3A_379 = arith.constant 0 : i32
      %dma_wait3A_380 = tpu.memref_slice %arg9[%dma_wait3A_378, %dma_wait3A_379] : memref<10240x16xf32, #tpu.memory_space<vmem_shared>> -> memref<10240x16xf32, #tpu.memory_space<vmem_shared>>
      tpu.wait_indirect_dma semaphore(%arg11 : memref<!tpu.dma_semaphore, #tpu.memory_space<semaphore_mem>>) src(%dma_wait3A_380 : memref<10240x16xf32, #tpu.memory_space<vmem_shared>>) dst(%dma_wait3A_376 : memref<80x16xf32, #tpu.memory_space<vmem>>)
      %dma_wait3A_381 = arith.constant 5 : i32
      %dma_wait3A_382 = arith.constant 0 : i32
      %dma_wait3A_383 = arith.constant 0 : i32
      %dma_wait3A_384 = tpu.memref_slice %arg7[%dma_wait3A_381, %dma_wait3A_382, %dma_wait3A_383] : memref<25x80x16xf32, #tpu.memory_space<vmem>> -> memref<1x80x16xf32, #tpu.memory_space<vmem>>
      %dma_wait3A_385 = tpu.memref_squeeze %dma_wait3A_384 : memref<1x80x16xf32, #tpu.memory_space<vmem>> -> memref<80x16xf32, #tpu.memory_space<vmem>>
      %dma_wait3A_386 = tpu.memref_slice %arg5[%add3A_117] : memref<10000xi32, #tpu.memory_space<vmem>> -> memref<80xi32, #tpu.memory_space<vmem>>
      %dma_wait3A_387 = arith.constant 0 : i32
      %dma_wait3A_388 = arith.constant 0 : i32
      %dma_wait3A_389 = tpu.memref_slice %arg9[%dma_wait3A_387, %dma_wait3A_388] : memref<10240x16xf32, #tpu.memory_space<vmem_shared>> -> memref<10240x16xf32, #tpu.memory_space<vmem_shared>>
      tpu.wait_indirect_dma semaphore(%arg11 : memref<!tpu.dma_semaphore, #tpu.memory_space<semaphore_mem>>) src(%dma_wait3A_389 : memref<10240x16xf32, #tpu.memory_space<vmem_shared>>) dst(%dma_wait3A_385 : memref<80x16xf32, #tpu.memory_space<vmem>>)
      %dma_wait3A_390 = arith.constant 6 : i32
      %dma_wait3A_391 = arith.constant 0 : i32
      %dma_wait3A_392 = arith.constant 0 : i32
      %dma_wait3A_393 = tpu.memref_slice %arg7[%dma_wait3A_390, %dma_wait3A_391, %dma_wait3A_392] : memref<25x80x16xf32, #tpu.memory_space<vmem>> -> memref<1x80x16xf32, #tpu.memory_space<vmem>>
      %dma_wait3A_394 = tpu.memref_squeeze %dma_wait3A_393 : memref<1x80x16xf32, #tpu.memory_space<vmem>> -> memref<80x16xf32, #tpu.memory_space<vmem>>
      %dma_wait3A_395 = tpu.memref_slice %arg5[%add3A_128] : memref<10000xi32, #tpu.memory_space<vmem>> -> memref<80xi32, #tpu.memory_space<vmem>>
      %dma_wait3A_396 = arith.constant 0 : i32
      %dma_wait3A_397 = arith.constant 0 : i32
      %dma_wait3A_398 = tpu.memref_slice %arg9[%dma_wait3A_396, %dma_wait3A_397] : memref<10240x16xf32, #tpu.memory_space<vmem_shared>> -> memref<10240x16xf32, #tpu.memory_space<vmem_shared>>
      tpu.wait_indirect_dma semaphore(%arg11 : memref<!tpu.dma_semaphore, #tpu.memory_space<semaphore_mem>>) src(%dma_wait3A_398 : memref<10240x16xf32, #tpu.memory_space<vmem_shared>>) dst(%dma_wait3A_394 : memref<80x16xf32, #tpu.memory_space<vmem>>)
      %dma_wait3A_399 = arith.constant 7 : i32
      %dma_wait3A_400 = arith.constant 0 : i32
      %dma_wait3A_401 = arith.constant 0 : i32
      %dma_wait3A_402 = tpu.memref_slice %arg7[%dma_wait3A_399, %dma_wait3A_400, %dma_wait3A_401] : memref<25x80x16xf32, #tpu.memory_space<vmem>> -> memref<1x80x16xf32, #tpu.memory_space<vmem>>
      %dma_wait3A_403 = tpu.memref_squeeze %dma_wait3A_402 : memref<1x80x16xf32, #tpu.memory_space<vmem>> -> memref<80x16xf32, #tpu.memory_space<vmem>>
      %dma_wait3A_404 = tpu.memref_slice %arg5[%add3A_139] : memref<10000xi32, #tpu.memory_space<vmem>> -> memref<80xi32, #tpu.memory_space<vmem>>
      %dma_wait3A_405 = arith.constant 0 : i32
      %dma_wait3A_406 = arith.constant 0 : i32
      %dma_wait3A_407 = tpu.memref_slice %arg9[%dma_wait3A_405, %dma_wait3A_406] : memref<10240x16xf32, #tpu.memory_space<vmem_shared>> -> memref<10240x16xf32, #tpu.memory_space<vmem_shared>>
      tpu.wait_indirect_dma semaphore(%arg11 : memref<!tpu.dma_semaphore, #tpu.memory_space<semaphore_mem>>) src(%dma_wait3A_407 : memref<10240x16xf32, #tpu.memory_space<vmem_shared>>) dst(%dma_wait3A_403 : memref<80x16xf32, #tpu.memory_space<vmem>>)
      %dma_wait3A_408 = arith.constant 8 : i32
      %dma_wait3A_409 = arith.constant 0 : i32
      %dma_wait3A_410 = arith.constant 0 : i32
      %dma_wait3A_411 = tpu.memref_slice %arg7[%dma_wait3A_408, %dma_wait3A_409, %dma_wait3A_410] : memref<25x80x16xf32, #tpu.memory_space<vmem>> -> memref<1x80x16xf32, #tpu.memory_space<vmem>>
      %dma_wait3A_412 = tpu.memref_squeeze %dma_wait3A_411 : memref<1x80x16xf32, #tpu.memory_space<vmem>> -> memref<80x16xf32, #tpu.memory_space<vmem>>
      %dma_wait3A_413 = tpu.memref_slice %arg5[%add3A_150] : memref<10000xi32, #tpu.memory_space<vmem>> -> memref<80xi32, #tpu.memory_space<vmem>>
      %dma_wait3A_414 = arith.constant 0 : i32
      %dma_wait3A_415 = arith.constant 0 : i32
      %dma_wait3A_416 = tpu.memref_slice %arg9[%dma_wait3A_414, %dma_wait3A_415] : memref<10240x16xf32, #tpu.memory_space<vmem_shared>> -> memref<10240x16xf32, #tpu.memory_space<vmem_shared>>
      tpu.wait_indirect_dma semaphore(%arg11 : memref<!tpu.dma_semaphore, #tpu.memory_space<semaphore_mem>>) src(%dma_wait3A_416 : memref<10240x16xf32, #tpu.memory_space<vmem_shared>>) dst(%dma_wait3A_412 : memref<80x16xf32, #tpu.memory_space<vmem>>)
      %dma_wait3A_417 = arith.constant 9 : i32
      %dma_wait3A_418 = arith.constant 0 : i32
      %dma_wait3A_419 = arith.constant 0 : i32
      %dma_wait3A_420 = tpu.memref_slice %arg7[%dma_wait3A_417, %dma_wait3A_418, %dma_wait3A_419] : memref<25x80x16xf32, #tpu.memory_space<vmem>> -> memref<1x80x16xf32, #tpu.memory_space<vmem>>
      %dma_wait3A_421 = tpu.memref_squeeze %dma_wait3A_420 : memref<1x80x16xf32, #tpu.memory_space<vmem>> -> memref<80x16xf32, #tpu.memory_space<vmem>>
      %dma_wait3A_422 = tpu.memref_slice %arg5[%add3A_161] : memref<10000xi32, #tpu.memory_space<vmem>> -> memref<80xi32, #tpu.memory_space<vmem>>
      %dma_wait3A_423 = arith.constant 0 : i32
      %dma_wait3A_424 = arith.constant 0 : i32
      %dma_wait3A_425 = tpu.memref_slice %arg9[%dma_wait3A_423, %dma_wait3A_424] : memref<10240x16xf32, #tpu.memory_space<vmem_shared>> -> memref<10240x16xf32, #tpu.memory_space<vmem_shared>>
      tpu.wait_indirect_dma semaphore(%arg11 : memref<!tpu.dma_semaphore, #tpu.memory_space<semaphore_mem>>) src(%dma_wait3A_425 : memref<10240x16xf32, #tpu.memory_space<vmem_shared>>) dst(%dma_wait3A_421 : memref<80x16xf32, #tpu.memory_space<vmem>>)
      %dma_wait3A_426 = arith.constant 10 : i32
      %dma_wait3A_427 = arith.constant 0 : i32
      %dma_wait3A_428 = arith.constant 0 : i32
      %dma_wait3A_429 = tpu.memref_slice %arg7[%dma_wait3A_426, %dma_wait3A_427, %dma_wait3A_428] : memref<25x80x16xf32, #tpu.memory_space<vmem>> -> memref<1x80x16xf32, #tpu.memory_space<vmem>>
      %dma_wait3A_430 = tpu.memref_squeeze %dma_wait3A_429 : memref<1x80x16xf32, #tpu.memory_space<vmem>> -> memref<80x16xf32, #tpu.memory_space<vmem>>
      %dma_wait3A_431 = tpu.memref_slice %arg5[%add3A_172] : memref<10000xi32, #tpu.memory_space<vmem>> -> memref<80xi32, #tpu.memory_space<vmem>>
      %dma_wait3A_432 = arith.constant 0 : i32
      %dma_wait3A_433 = arith.constant 0 : i32
      %dma_wait3A_434 = tpu.memref_slice %arg9[%dma_wait3A_432, %dma_wait3A_433] : memref<10240x16xf32, #tpu.memory_space<vmem_shared>> -> memref<10240x16xf32, #tpu.memory_space<vmem_shared>>
      tpu.wait_indirect_dma semaphore(%arg11 : memref<!tpu.dma_semaphore, #tpu.memory_space<semaphore_mem>>) src(%dma_wait3A_434 : memref<10240x16xf32, #tpu.memory_space<vmem_shared>>) dst(%dma_wait3A_430 : memref<80x16xf32, #tpu.memory_space<vmem>>)
      %dma_wait3A_435 = arith.constant 11 : i32
      %dma_wait3A_436 = arith.constant 0 : i32
      %dma_wait3A_437 = arith.constant 0 : i32
      %dma_wait3A_438 = tpu.memref_slice %arg7[%dma_wait3A_435, %dma_wait3A_436, %dma_wait3A_437] : memref<25x80x16xf32, #tpu.memory_space<vmem>> -> memref<1x80x16xf32, #tpu.memory_space<vmem>>
      %dma_wait3A_439 = tpu.memref_squeeze %dma_wait3A_438 : memref<1x80x16xf32, #tpu.memory_space<vmem>> -> memref<80x16xf32, #tpu.memory_space<vmem>>
      %dma_wait3A_440 = tpu.memref_slice %arg5[%add3A_183] : memref<10000xi32, #tpu.memory_space<vmem>> -> memref<80xi32, #tpu.memory_space<vmem>>
      %dma_wait3A_441 = arith.constant 0 : i32
      %dma_wait3A_442 = arith.constant 0 : i32
      %dma_wait3A_443 = tpu.memref_slice %arg9[%dma_wait3A_441, %dma_wait3A_442] : memref<10240x16xf32, #tpu.memory_space<vmem_shared>> -> memref<10240x16xf32, #tpu.memory_space<vmem_shared>>
      tpu.wait_indirect_dma semaphore(%arg11 : memref<!tpu.dma_semaphore, #tpu.memory_space<semaphore_mem>>) src(%dma_wait3A_443 : memref<10240x16xf32, #tpu.memory_space<vmem_shared>>) dst(%dma_wait3A_439 : memref<80x16xf32, #tpu.memory_space<vmem>>)
      %add3A_444 = arith.constant 0 : i32
      %add3A_445 = arith.addi %mul3A_60, %add3A_444 : i32
      %dma_start3A_446 = arith.constant 0 : i32
      %dma_start3A_447 = arith.constant 0 : i32
      %dma_start3A_448 = arith.constant 0 : i32
      %dma_start3A_449 = tpu.memref_slice %arg7[%dma_start3A_446, %dma_start3A_447, %dma_start3A_448] : memref<25x80x16xf32, #tpu.memory_space<vmem>> -> memref<1x80x16xf32, #tpu.memory_space<vmem>>
      %dma_start3A_450 = tpu.memref_squeeze %dma_start3A_449 : memref<1x80x16xf32, #tpu.memory_space<vmem>> -> memref<80x16xf32, #tpu.memory_space<vmem>>
      %dma_start3A_451 = tpu.memref_slice %arg6[%add3A_445] : memref<10000xi32, #tpu.memory_space<vmem>> -> memref<80xi32, #tpu.memory_space<vmem>>
      %dma_start3A_452 = arith.constant 0 : i32
      %dma_start3A_453 = arith.constant 0 : i32
      %dma_start3A_454 = tpu.memref_slice %arg10[%dma_start3A_452, %dma_start3A_453] : memref<10240x16xf32, #tpu.memory_space<vmem_shared>> -> memref<10240x16xf32, #tpu.memory_space<vmem_shared>>
      tpu.enqueue_indirect_dma source(%dma_start3A_450 : memref<80x16xf32, #tpu.memory_space<vmem>>) target(%dma_start3A_454 : memref<10240x16xf32, #tpu.memory_space<vmem_shared>>) offsets(%dma_start3A_451 : memref<80xi32, #tpu.memory_space<vmem>>) semaphore(%arg13 : memref<!tpu.dma_semaphore, #tpu.memory_space<semaphore_mem>>) {add = true}
      %add3A_455 = arith.constant 80 : i32
      %add3A_456 = arith.addi %mul3A_60, %add3A_455 : i32
      %dma_start3A_457 = arith.constant 1 : i32
      %dma_start3A_458 = arith.constant 0 : i32
      %dma_start3A_459 = arith.constant 0 : i32
      %dma_start3A_460 = tpu.memref_slice %arg7[%dma_start3A_457, %dma_start3A_458, %dma_start3A_459] : memref<25x80x16xf32, #tpu.memory_space<vmem>> -> memref<1x80x16xf32, #tpu.memory_space<vmem>>
      %dma_start3A_461 = tpu.memref_squeeze %dma_start3A_460 : memref<1x80x16xf32, #tpu.memory_space<vmem>> -> memref<80x16xf32, #tpu.memory_space<vmem>>
      %dma_start3A_462 = tpu.memref_slice %arg6[%add3A_456] : memref<10000xi32, #tpu.memory_space<vmem>> -> memref<80xi32, #tpu.memory_space<vmem>>
      %dma_start3A_463 = arith.constant 0 : i32
      %dma_start3A_464 = arith.constant 0 : i32
      %dma_start3A_465 = tpu.memref_slice %arg10[%dma_start3A_463, %dma_start3A_464] : memref<10240x16xf32, #tpu.memory_space<vmem_shared>> -> memref<10240x16xf32, #tpu.memory_space<vmem_shared>>
      tpu.enqueue_indirect_dma source(%dma_start3A_461 : memref<80x16xf32, #tpu.memory_space<vmem>>) target(%dma_start3A_465 : memref<10240x16xf32, #tpu.memory_space<vmem_shared>>) offsets(%dma_start3A_462 : memref<80xi32, #tpu.memory_space<vmem>>) semaphore(%arg13 : memref<!tpu.dma_semaphore, #tpu.memory_space<semaphore_mem>>) {add = true}
      %add3A_466 = arith.constant 160 : i32
      %add3A_467 = arith.addi %mul3A_60, %add3A_466 : i32
      %dma_start3A_468 = arith.constant 2 : i32
      %dma_start3A_469 = arith.constant 0 : i32
      %dma_start3A_470 = arith.constant 0 : i32
      %dma_start3A_471 = tpu.memref_slice %arg7[%dma_start3A_468, %dma_start3A_469, %dma_start3A_470] : memref<25x80x16xf32, #tpu.memory_space<vmem>> -> memref<1x80x16xf32, #tpu.memory_space<vmem>>
      %dma_start3A_472 = tpu.memref_squeeze %dma_start3A_471 : memref<1x80x16xf32, #tpu.memory_space<vmem>> -> memref<80x16xf32, #tpu.memory_space<vmem>>
      %dma_start3A_473 = tpu.memref_slice %arg6[%add3A_467] : memref<10000xi32, #tpu.memory_space<vmem>> -> memref<80xi32, #tpu.memory_space<vmem>>
      %dma_start3A_474 = arith.constant 0 : i32
      %dma_start3A_475 = arith.constant 0 : i32
      %dma_start3A_476 = tpu.memref_slice %arg10[%dma_start3A_474, %dma_start3A_475] : memref<10240x16xf32, #tpu.memory_space<vmem_shared>> -> memref<10240x16xf32, #tpu.memory_space<vmem_shared>>
      tpu.enqueue_indirect_dma source(%dma_start3A_472 : memref<80x16xf32, #tpu.memory_space<vmem>>) target(%dma_start3A_476 : memref<10240x16xf32, #tpu.memory_space<vmem_shared>>) offsets(%dma_start3A_473 : memref<80xi32, #tpu.memory_space<vmem>>) semaphore(%arg13 : memref<!tpu.dma_semaphore, #tpu.memory_space<semaphore_mem>>) {add = true}
      %add3A_477 = arith.constant 240 : i32
      %add3A_478 = arith.addi %mul3A_60, %add3A_477 : i32
      %dma_start3A_479 = arith.constant 3 : i32
      %dma_start3A_480 = arith.constant 0 : i32
      %dma_start3A_481 = arith.constant 0 : i32
      %dma_start3A_482 = tpu.memref_slice %arg7[%dma_start3A_479, %dma_start3A_480, %dma_start3A_481] : memref<25x80x16xf32, #tpu.memory_space<vmem>> -> memref<1x80x16xf32, #tpu.memory_space<vmem>>
      %dma_start3A_483 = tpu.memref_squeeze %dma_start3A_482 : memref<1x80x16xf32, #tpu.memory_space<vmem>> -> memref<80x16xf32, #tpu.memory_space<vmem>>
      %dma_start3A_484 = tpu.memref_slice %arg6[%add3A_478] : memref<10000xi32, #tpu.memory_space<vmem>> -> memref<80xi32, #tpu.memory_space<vmem>>
      %dma_start3A_485 = arith.constant 0 : i32
      %dma_start3A_486 = arith.constant 0 : i32
      %dma_start3A_487 = tpu.memref_slice %arg10[%dma_start3A_485, %dma_start3A_486] : memref<10240x16xf32, #tpu.memory_space<vmem_shared>> -> memref<10240x16xf32, #tpu.memory_space<vmem_shared>>
      tpu.enqueue_indirect_dma source(%dma_start3A_483 : memref<80x16xf32, #tpu.memory_space<vmem>>) target(%dma_start3A_487 : memref<10240x16xf32, #tpu.memory_space<vmem_shared>>) offsets(%dma_start3A_484 : memref<80xi32, #tpu.memory_space<vmem>>) semaphore(%arg13 : memref<!tpu.dma_semaphore, #tpu.memory_space<semaphore_mem>>) {add = true}
      %add3A_488 = arith.constant 320 : i32
      %add3A_489 = arith.addi %mul3A_60, %add3A_488 : i32
      %dma_start3A_490 = arith.constant 4 : i32
      %dma_start3A_491 = arith.constant 0 : i32
      %dma_start3A_492 = arith.constant 0 : i32
      %dma_start3A_493 = tpu.memref_slice %arg7[%dma_start3A_490, %dma_start3A_491, %dma_start3A_492] : memref<25x80x16xf32, #tpu.memory_space<vmem>> -> memref<1x80x16xf32, #tpu.memory_space<vmem>>
      %dma_start3A_494 = tpu.memref_squeeze %dma_start3A_493 : memref<1x80x16xf32, #tpu.memory_space<vmem>> -> memref<80x16xf32, #tpu.memory_space<vmem>>
      %dma_start3A_495 = tpu.memref_slice %arg6[%add3A_489] : memref<10000xi32, #tpu.memory_space<vmem>> -> memref<80xi32, #tpu.memory_space<vmem>>
      %dma_start3A_496 = arith.constant 0 : i32
      %dma_start3A_497 = arith.constant 0 : i32
      %dma_start3A_498 = tpu.memref_slice %arg10[%dma_start3A_496, %dma_start3A_497] : memref<10240x16xf32, #tpu.memory_space<vmem_shared>> -> memref<10240x16xf32, #tpu.memory_space<vmem_shared>>
      tpu.enqueue_indirect_dma source(%dma_start3A_494 : memref<80x16xf32, #tpu.memory_space<vmem>>) target(%dma_start3A_498 : memref<10240x16xf32, #tpu.memory_space<vmem_shared>>) offsets(%dma_start3A_495 : memref<80xi32, #tpu.memory_space<vmem>>) semaphore(%arg13 : memref<!tpu.dma_semaphore, #tpu.memory_space<semaphore_mem>>) {add = true}
      %add3A_499 = arith.constant 400 : i32
      %add3A_500 = arith.addi %mul3A_60, %add3A_499 : i32
      %dma_start3A_501 = arith.constant 5 : i32
      %dma_start3A_502 = arith.constant 0 : i32
      %dma_start3A_503 = arith.constant 0 : i32
      %dma_start3A_504 = tpu.memref_slice %arg7[%dma_start3A_501, %dma_start3A_502, %dma_start3A_503] : memref<25x80x16xf32, #tpu.memory_space<vmem>> -> memref<1x80x16xf32, #tpu.memory_space<vmem>>
      %dma_start3A_505 = tpu.memref_squeeze %dma_start3A_504 : memref<1x80x16xf32, #tpu.memory_space<vmem>> -> memref<80x16xf32, #tpu.memory_space<vmem>>
      %dma_start3A_506 = tpu.memref_slice %arg6[%add3A_500] : memref<10000xi32, #tpu.memory_space<vmem>> -> memref<80xi32, #tpu.memory_space<vmem>>
      %dma_start3A_507 = arith.constant 0 : i32
      %dma_start3A_508 = arith.constant 0 : i32
      %dma_start3A_509 = tpu.memref_slice %arg10[%dma_start3A_507, %dma_start3A_508] : memref<10240x16xf32, #tpu.memory_space<vmem_shared>> -> memref<10240x16xf32, #tpu.memory_space<vmem_shared>>
      tpu.enqueue_indirect_dma source(%dma_start3A_505 : memref<80x16xf32, #tpu.memory_space<vmem>>) target(%dma_start3A_509 : memref<10240x16xf32, #tpu.memory_space<vmem_shared>>) offsets(%dma_start3A_506 : memref<80xi32, #tpu.memory_space<vmem>>) semaphore(%arg13 : memref<!tpu.dma_semaphore, #tpu.memory_space<semaphore_mem>>) {add = true}
      %add3A_510 = arith.constant 480 : i32
      %add3A_511 = arith.addi %mul3A_60, %add3A_510 : i32
      %dma_start3A_512 = arith.constant 6 : i32
      %dma_start3A_513 = arith.constant 0 : i32
      %dma_start3A_514 = arith.constant 0 : i32
      %dma_start3A_515 = tpu.memref_slice %arg7[%dma_start3A_512, %dma_start3A_513, %dma_start3A_514] : memref<25x80x16xf32, #tpu.memory_space<vmem>> -> memref<1x80x16xf32, #tpu.memory_space<vmem>>
      %dma_start3A_516 = tpu.memref_squeeze %dma_start3A_515 : memref<1x80x16xf32, #tpu.memory_space<vmem>> -> memref<80x16xf32, #tpu.memory_space<vmem>>
      %dma_start3A_517 = tpu.memref_slice %arg6[%add3A_511] : memref<10000xi32, #tpu.memory_space<vmem>> -> memref<80xi32, #tpu.memory_space<vmem>>
      %dma_start3A_518 = arith.constant 0 : i32
      %dma_start3A_519 = arith.constant 0 : i32
      %dma_start3A_520 = tpu.memref_slice %arg10[%dma_start3A_518, %dma_start3A_519] : memref<10240x16xf32, #tpu.memory_space<vmem_shared>> -> memref<10240x16xf32, #tpu.memory_space<vmem_shared>>
      tpu.enqueue_indirect_dma source(%dma_start3A_516 : memref<80x16xf32, #tpu.memory_space<vmem>>) target(%dma_start3A_520 : memref<10240x16xf32, #tpu.memory_space<vmem_shared>>) offsets(%dma_start3A_517 : memref<80xi32, #tpu.memory_space<vmem>>) semaphore(%arg13 : memref<!tpu.dma_semaphore, #tpu.memory_space<semaphore_mem>>) {add = true}
      %add3A_521 = arith.constant 560 : i32
      %add3A_522 = arith.addi %mul3A_60, %add3A_521 : i32
      %dma_start3A_523 = arith.constant 7 : i32
      %dma_start3A_524 = arith.constant 0 : i32
      %dma_start3A_525 = arith.constant 0 : i32
      %dma_start3A_526 = tpu.memref_slice %arg7[%dma_start3A_523, %dma_start3A_524, %dma_start3A_525] : memref<25x80x16xf32, #tpu.memory_space<vmem>> -> memref<1x80x16xf32, #tpu.memory_space<vmem>>
      %dma_start3A_527 = tpu.memref_squeeze %dma_start3A_526 : memref<1x80x16xf32, #tpu.memory_space<vmem>> -> memref<80x16xf32, #tpu.memory_space<vmem>>
      %dma_start3A_528 = tpu.memref_slice %arg6[%add3A_522] : memref<10000xi32, #tpu.memory_space<vmem>> -> memref<80xi32, #tpu.memory_space<vmem>>
      %dma_start3A_529 = arith.constant 0 : i32
      %dma_start3A_530 = arith.constant 0 : i32
      %dma_start3A_531 = tpu.memref_slice %arg10[%dma_start3A_529, %dma_start3A_530] : memref<10240x16xf32, #tpu.memory_space<vmem_shared>> -> memref<10240x16xf32, #tpu.memory_space<vmem_shared>>
      tpu.enqueue_indirect_dma source(%dma_start3A_527 : memref<80x16xf32, #tpu.memory_space<vmem>>) target(%dma_start3A_531 : memref<10240x16xf32, #tpu.memory_space<vmem_shared>>) offsets(%dma_start3A_528 : memref<80xi32, #tpu.memory_space<vmem>>) semaphore(%arg13 : memref<!tpu.dma_semaphore, #tpu.memory_space<semaphore_mem>>) {add = true}
      %add3A_532 = arith.constant 640 : i32
      %add3A_533 = arith.addi %mul3A_60, %add3A_532 : i32
      %dma_start3A_534 = arith.constant 8 : i32
      %dma_start3A_535 = arith.constant 0 : i32
      %dma_start3A_536 = arith.constant 0 : i32
      %dma_start3A_537 = tpu.memref_slice %arg7[%dma_start3A_534, %dma_start3A_535, %dma_start3A_536] : memref<25x80x16xf32, #tpu.memory_space<vmem>> -> memref<1x80x16xf32, #tpu.memory_space<vmem>>
      %dma_start3A_538 = tpu.memref_squeeze %dma_start3A_537 : memref<1x80x16xf32, #tpu.memory_space<vmem>> -> memref<80x16xf32, #tpu.memory_space<vmem>>
      %dma_start3A_539 = tpu.memref_slice %arg6[%add3A_533] : memref<10000xi32, #tpu.memory_space<vmem>> -> memref<80xi32, #tpu.memory_space<vmem>>
      %dma_start3A_540 = arith.constant 0 : i32
      %dma_start3A_541 = arith.constant 0 : i32
      %dma_start3A_542 = tpu.memref_slice %arg10[%dma_start3A_540, %dma_start3A_541] : memref<10240x16xf32, #tpu.memory_space<vmem_shared>> -> memref<10240x16xf32, #tpu.memory_space<vmem_shared>>
      tpu.enqueue_indirect_dma source(%dma_start3A_538 : memref<80x16xf32, #tpu.memory_space<vmem>>) target(%dma_start3A_542 : memref<10240x16xf32, #tpu.memory_space<vmem_shared>>) offsets(%dma_start3A_539 : memref<80xi32, #tpu.memory_space<vmem>>) semaphore(%arg13 : memref<!tpu.dma_semaphore, #tpu.memory_space<semaphore_mem>>) {add = true}
      %add3A_543 = arith.constant 720 : i32
      %add3A_544 = arith.addi %mul3A_60, %add3A_543 : i32
      %dma_start3A_545 = arith.constant 9 : i32
      %dma_start3A_546 = arith.constant 0 : i32
      %dma_start3A_547 = arith.constant 0 : i32
      %dma_start3A_548 = tpu.memref_slice %arg7[%dma_start3A_545, %dma_start3A_546, %dma_start3A_547] : memref<25x80x16xf32, #tpu.memory_space<vmem>> -> memref<1x80x16xf32, #tpu.memory_space<vmem>>
      %dma_start3A_549 = tpu.memref_squeeze %dma_start3A_548 : memref<1x80x16xf32, #tpu.memory_space<vmem>> -> memref<80x16xf32, #tpu.memory_space<vmem>>
      %dma_start3A_550 = tpu.memref_slice %arg6[%add3A_544] : memref<10000xi32, #tpu.memory_space<vmem>> -> memref<80xi32, #tpu.memory_space<vmem>>
      %dma_start3A_551 = arith.constant 0 : i32
      %dma_start3A_552 = arith.constant 0 : i32
      %dma_start3A_553 = tpu.memref_slice %arg10[%dma_start3A_551, %dma_start3A_552] : memref<10240x16xf32, #tpu.memory_space<vmem_shared>> -> memref<10240x16xf32, #tpu.memory_space<vmem_shared>>
      tpu.enqueue_indirect_dma source(%dma_start3A_549 : memref<80x16xf32, #tpu.memory_space<vmem>>) target(%dma_start3A_553 : memref<10240x16xf32, #tpu.memory_space<vmem_shared>>) offsets(%dma_start3A_550 : memref<80xi32, #tpu.memory_space<vmem>>) semaphore(%arg13 : memref<!tpu.dma_semaphore, #tpu.memory_space<semaphore_mem>>) {add = true}
      %add3A_554 = arith.constant 800 : i32
      %add3A_555 = arith.addi %mul3A_60, %add3A_554 : i32
      %dma_start3A_556 = arith.constant 10 : i32
      %dma_start3A_557 = arith.constant 0 : i32
      %dma_start3A_558 = arith.constant 0 : i32
      %dma_start3A_559 = tpu.memref_slice %arg7[%dma_start3A_556, %dma_start3A_557, %dma_start3A_558] : memref<25x80x16xf32, #tpu.memory_space<vmem>> -> memref<1x80x16xf32, #tpu.memory_space<vmem>>
      %dma_start3A_560 = tpu.memref_squeeze %dma_start3A_559 : memref<1x80x16xf32, #tpu.memory_space<vmem>> -> memref<80x16xf32, #tpu.memory_space<vmem>>
      %dma_start3A_561 = tpu.memref_slice %arg6[%add3A_555] : memref<10000xi32, #tpu.memory_space<vmem>> -> memref<80xi32, #tpu.memory_space<vmem>>
      %dma_start3A_562 = arith.constant 0 : i32
      %dma_start3A_563 = arith.constant 0 : i32
      %dma_start3A_564 = tpu.memref_slice %arg10[%dma_start3A_562, %dma_start3A_563] : memref<10240x16xf32, #tpu.memory_space<vmem_shared>> -> memref<10240x16xf32, #tpu.memory_space<vmem_shared>>
      tpu.enqueue_indirect_dma source(%dma_start3A_560 : memref<80x16xf32, #tpu.memory_space<vmem>>) target(%dma_start3A_564 : memref<10240x16xf32, #tpu.memory_space<vmem_shared>>) offsets(%dma_start3A_561 : memref<80xi32, #tpu.memory_space<vmem>>) semaphore(%arg13 : memref<!tpu.dma_semaphore, #tpu.memory_space<semaphore_mem>>) {add = true}
      %add3A_565 = arith.constant 880 : i32
      %add3A_566 = arith.addi %mul3A_60, %add3A_565 : i32
      %dma_start3A_567 = arith.constant 11 : i32
      %dma_start3A_568 = arith.constant 0 : i32
      %dma_start3A_569 = arith.constant 0 : i32
      %dma_start3A_570 = tpu.memref_slice %arg7[%dma_start3A_567, %dma_start3A_568, %dma_start3A_569] : memref<25x80x16xf32, #tpu.memory_space<vmem>> -> memref<1x80x16xf32, #tpu.memory_space<vmem>>
      %dma_start3A_571 = tpu.memref_squeeze %dma_start3A_570 : memref<1x80x16xf32, #tpu.memory_space<vmem>> -> memref<80x16xf32, #tpu.memory_space<vmem>>
      %dma_start3A_572 = tpu.memref_slice %arg6[%add3A_566] : memref<10000xi32, #tpu.memory_space<vmem>> -> memref<80xi32, #tpu.memory_space<vmem>>
      %dma_start3A_573 = arith.constant 0 : i32
      %dma_start3A_574 = arith.constant 0 : i32
      %dma_start3A_575 = tpu.memref_slice %arg10[%dma_start3A_573, %dma_start3A_574] : memref<10240x16xf32, #tpu.memory_space<vmem_shared>> -> memref<10240x16xf32, #tpu.memory_space<vmem_shared>>
      tpu.enqueue_indirect_dma source(%dma_start3A_571 : memref<80x16xf32, #tpu.memory_space<vmem>>) target(%dma_start3A_575 : memref<10240x16xf32, #tpu.memory_space<vmem_shared>>) offsets(%dma_start3A_572 : memref<80xi32, #tpu.memory_space<vmem>>) semaphore(%arg13 : memref<!tpu.dma_semaphore, #tpu.memory_space<semaphore_mem>>) {add = true}
      %dma_wait3A_576 = arith.constant 12 : i32
      %dma_wait3A_577 = arith.constant 0 : i32
      %dma_wait3A_578 = arith.constant 0 : i32
      %dma_wait3A_579 = tpu.memref_slice %arg7[%dma_wait3A_576, %dma_wait3A_577, %dma_wait3A_578] : memref<25x80x16xf32, #tpu.memory_space<vmem>> -> memref<1x80x16xf32, #tpu.memory_space<vmem>>
      %dma_wait3A_580 = tpu.memref_squeeze %dma_wait3A_579 : memref<1x80x16xf32, #tpu.memory_space<vmem>> -> memref<80x16xf32, #tpu.memory_space<vmem>>
      %dma_wait3A_581 = tpu.memref_slice %arg5[%add3A_194] : memref<10000xi32, #tpu.memory_space<vmem>> -> memref<80xi32, #tpu.memory_space<vmem>>
      %dma_wait3A_582 = arith.constant 0 : i32
      %dma_wait3A_583 = arith.constant 0 : i32
      %dma_wait3A_584 = tpu.memref_slice %arg9[%dma_wait3A_582, %dma_wait3A_583] : memref<10240x16xf32, #tpu.memory_space<vmem_shared>> -> memref<10240x16xf32, #tpu.memory_space<vmem_shared>>
      tpu.wait_indirect_dma semaphore(%arg12 : memref<!tpu.dma_semaphore, #tpu.memory_space<semaphore_mem>>) src(%dma_wait3A_584 : memref<10240x16xf32, #tpu.memory_space<vmem_shared>>) dst(%dma_wait3A_580 : memref<80x16xf32, #tpu.memory_space<vmem>>)
      %dma_wait3A_585 = arith.constant 13 : i32
      %dma_wait3A_586 = arith.constant 0 : i32
      %dma_wait3A_587 = arith.constant 0 : i32
      %dma_wait3A_588 = tpu.memref_slice %arg7[%dma_wait3A_585, %dma_wait3A_586, %dma_wait3A_587] : memref<25x80x16xf32, #tpu.memory_space<vmem>> -> memref<1x80x16xf32, #tpu.memory_space<vmem>>
      %dma_wait3A_589 = tpu.memref_squeeze %dma_wait3A_588 : memref<1x80x16xf32, #tpu.memory_space<vmem>> -> memref<80x16xf32, #tpu.memory_space<vmem>>
      %dma_wait3A_590 = tpu.memref_slice %arg5[%add3A_205] : memref<10000xi32, #tpu.memory_space<vmem>> -> memref<80xi32, #tpu.memory_space<vmem>>
      %dma_wait3A_591 = arith.constant 0 : i32
      %dma_wait3A_592 = arith.constant 0 : i32
      %dma_wait3A_593 = tpu.memref_slice %arg9[%dma_wait3A_591, %dma_wait3A_592] : memref<10240x16xf32, #tpu.memory_space<vmem_shared>> -> memref<10240x16xf32, #tpu.memory_space<vmem_shared>>
      tpu.wait_indirect_dma semaphore(%arg12 : memref<!tpu.dma_semaphore, #tpu.memory_space<semaphore_mem>>) src(%dma_wait3A_593 : memref<10240x16xf32, #tpu.memory_space<vmem_shared>>) dst(%dma_wait3A_589 : memref<80x16xf32, #tpu.memory_space<vmem>>)
      %dma_wait3A_594 = arith.constant 14 : i32
      %dma_wait3A_595 = arith.constant 0 : i32
      %dma_wait3A_596 = arith.constant 0 : i32
      %dma_wait3A_597 = tpu.memref_slice %arg7[%dma_wait3A_594, %dma_wait3A_595, %dma_wait3A_596] : memref<25x80x16xf32, #tpu.memory_space<vmem>> -> memref<1x80x16xf32, #tpu.memory_space<vmem>>
      %dma_wait3A_598 = tpu.memref_squeeze %dma_wait3A_597 : memref<1x80x16xf32, #tpu.memory_space<vmem>> -> memref<80x16xf32, #tpu.memory_space<vmem>>
      %dma_wait3A_599 = tpu.memref_slice %arg5[%add3A_216] : memref<10000xi32, #tpu.memory_space<vmem>> -> memref<80xi32, #tpu.memory_space<vmem>>
      %dma_wait3A_600 = arith.constant 0 : i32
      %dma_wait3A_601 = arith.constant 0 : i32
      %dma_wait3A_602 = tpu.memref_slice %arg9[%dma_wait3A_600, %dma_wait3A_601] : memref<10240x16xf32, #tpu.memory_space<vmem_shared>> -> memref<10240x16xf32, #tpu.memory_space<vmem_shared>>
      tpu.wait_indirect_dma semaphore(%arg12 : memref<!tpu.dma_semaphore, #tpu.memory_space<semaphore_mem>>) src(%dma_wait3A_602 : memref<10240x16xf32, #tpu.memory_space<vmem_shared>>) dst(%dma_wait3A_598 : memref<80x16xf32, #tpu.memory_space<vmem>>)
      %dma_wait3A_603 = arith.constant 15 : i32
      %dma_wait3A_604 = arith.constant 0 : i32
      %dma_wait3A_605 = arith.constant 0 : i32
      %dma_wait3A_606 = tpu.memref_slice %arg7[%dma_wait3A_603, %dma_wait3A_604, %dma_wait3A_605] : memref<25x80x16xf32, #tpu.memory_space<vmem>> -> memref<1x80x16xf32, #tpu.memory_space<vmem>>
      %dma_wait3A_607 = tpu.memref_squeeze %dma_wait3A_606 : memref<1x80x16xf32, #tpu.memory_space<vmem>> -> memref<80x16xf32, #tpu.memory_space<vmem>>
      %dma_wait3A_608 = tpu.memref_slice %arg5[%add3A_227] : memref<10000xi32, #tpu.memory_space<vmem>> -> memref<80xi32, #tpu.memory_space<vmem>>
      %dma_wait3A_609 = arith.constant 0 : i32
      %dma_wait3A_610 = arith.constant 0 : i32
      %dma_wait3A_611 = tpu.memref_slice %arg9[%dma_wait3A_609, %dma_wait3A_610] : memref<10240x16xf32, #tpu.memory_space<vmem_shared>> -> memref<10240x16xf32, #tpu.memory_space<vmem_shared>>
      tpu.wait_indirect_dma semaphore(%arg12 : memref<!tpu.dma_semaphore, #tpu.memory_space<semaphore_mem>>) src(%dma_wait3A_611 : memref<10240x16xf32, #tpu.memory_space<vmem_shared>>) dst(%dma_wait3A_607 : memref<80x16xf32, #tpu.memory_space<vmem>>)
      %dma_wait3A_612 = arith.constant 16 : i32
      %dma_wait3A_613 = arith.constant 0 : i32
      %dma_wait3A_614 = arith.constant 0 : i32
      %dma_wait3A_615 = tpu.memref_slice %arg7[%dma_wait3A_612, %dma_wait3A_613, %dma_wait3A_614] : memref<25x80x16xf32, #tpu.memory_space<vmem>> -> memref<1x80x16xf32, #tpu.memory_space<vmem>>
      %dma_wait3A_616 = tpu.memref_squeeze %dma_wait3A_615 : memref<1x80x16xf32, #tpu.memory_space<vmem>> -> memref<80x16xf32, #tpu.memory_space<vmem>>
      %dma_wait3A_617 = tpu.memref_slice %arg5[%add3A_238] : memref<10000xi32, #tpu.memory_space<vmem>> -> memref<80xi32, #tpu.memory_space<vmem>>
      %dma_wait3A_618 = arith.constant 0 : i32
      %dma_wait3A_619 = arith.constant 0 : i32
      %dma_wait3A_620 = tpu.memref_slice %arg9[%dma_wait3A_618, %dma_wait3A_619] : memref<10240x16xf32, #tpu.memory_space<vmem_shared>> -> memref<10240x16xf32, #tpu.memory_space<vmem_shared>>
      tpu.wait_indirect_dma semaphore(%arg12 : memref<!tpu.dma_semaphore, #tpu.memory_space<semaphore_mem>>) src(%dma_wait3A_620 : memref<10240x16xf32, #tpu.memory_space<vmem_shared>>) dst(%dma_wait3A_616 : memref<80x16xf32, #tpu.memory_space<vmem>>)
      %dma_wait3A_621 = arith.constant 17 : i32
      %dma_wait3A_622 = arith.constant 0 : i32
      %dma_wait3A_623 = arith.constant 0 : i32
      %dma_wait3A_624 = tpu.memref_slice %arg7[%dma_wait3A_621, %dma_wait3A_622, %dma_wait3A_623] : memref<25x80x16xf32, #tpu.memory_space<vmem>> -> memref<1x80x16xf32, #tpu.memory_space<vmem>>
      %dma_wait3A_625 = tpu.memref_squeeze %dma_wait3A_624 : memref<1x80x16xf32, #tpu.memory_space<vmem>> -> memref<80x16xf32, #tpu.memory_space<vmem>>
      %dma_wait3A_626 = tpu.memref_slice %arg5[%add3A_249] : memref<10000xi32, #tpu.memory_space<vmem>> -> memref<80xi32, #tpu.memory_space<vmem>>
      %dma_wait3A_627 = arith.constant 0 : i32
      %dma_wait3A_628 = arith.constant 0 : i32
      %dma_wait3A_629 = tpu.memref_slice %arg9[%dma_wait3A_627, %dma_wait3A_628] : memref<10240x16xf32, #tpu.memory_space<vmem_shared>> -> memref<10240x16xf32, #tpu.memory_space<vmem_shared>>
      tpu.wait_indirect_dma semaphore(%arg12 : memref<!tpu.dma_semaphore, #tpu.memory_space<semaphore_mem>>) src(%dma_wait3A_629 : memref<10240x16xf32, #tpu.memory_space<vmem_shared>>) dst(%dma_wait3A_625 : memref<80x16xf32, #tpu.memory_space<vmem>>)
      %dma_wait3A_630 = arith.constant 18 : i32
      %dma_wait3A_631 = arith.constant 0 : i32
      %dma_wait3A_632 = arith.constant 0 : i32
      %dma_wait3A_633 = tpu.memref_slice %arg7[%dma_wait3A_630, %dma_wait3A_631, %dma_wait3A_632] : memref<25x80x16xf32, #tpu.memory_space<vmem>> -> memref<1x80x16xf32, #tpu.memory_space<vmem>>
      %dma_wait3A_634 = tpu.memref_squeeze %dma_wait3A_633 : memref<1x80x16xf32, #tpu.memory_space<vmem>> -> memref<80x16xf32, #tpu.memory_space<vmem>>
      %dma_wait3A_635 = tpu.memref_slice %arg5[%add3A_260] : memref<10000xi32, #tpu.memory_space<vmem>> -> memref<80xi32, #tpu.memory_space<vmem>>
      %dma_wait3A_636 = arith.constant 0 : i32
      %dma_wait3A_637 = arith.constant 0 : i32
      %dma_wait3A_638 = tpu.memref_slice %arg9[%dma_wait3A_636, %dma_wait3A_637] : memref<10240x16xf32, #tpu.memory_space<vmem_shared>> -> memref<10240x16xf32, #tpu.memory_space<vmem_shared>>
      tpu.wait_indirect_dma semaphore(%arg12 : memref<!tpu.dma_semaphore, #tpu.memory_space<semaphore_mem>>) src(%dma_wait3A_638 : memref<10240x16xf32, #tpu.memory_space<vmem_shared>>) dst(%dma_wait3A_634 : memref<80x16xf32, #tpu.memory_space<vmem>>)
      %dma_wait3A_639 = arith.constant 19 : i32
      %dma_wait3A_640 = arith.constant 0 : i32
      %dma_wait3A_641 = arith.constant 0 : i32
      %dma_wait3A_642 = tpu.memref_slice %arg7[%dma_wait3A_639, %dma_wait3A_640, %dma_wait3A_641] : memref<25x80x16xf32, #tpu.memory_space<vmem>> -> memref<1x80x16xf32, #tpu.memory_space<vmem>>
      %dma_wait3A_643 = tpu.memref_squeeze %dma_wait3A_642 : memref<1x80x16xf32, #tpu.memory_space<vmem>> -> memref<80x16xf32, #tpu.memory_space<vmem>>
      %dma_wait3A_644 = tpu.memref_slice %arg5[%add3A_271] : memref<10000xi32, #tpu.memory_space<vmem>> -> memref<80xi32, #tpu.memory_space<vmem>>
      %dma_wait3A_645 = arith.constant 0 : i32
      %dma_wait3A_646 = arith.constant 0 : i32
      %dma_wait3A_647 = tpu.memref_slice %arg9[%dma_wait3A_645, %dma_wait3A_646] : memref<10240x16xf32, #tpu.memory_space<vmem_shared>> -> memref<10240x16xf32, #tpu.memory_space<vmem_shared>>
      tpu.wait_indirect_dma semaphore(%arg12 : memref<!tpu.dma_semaphore, #tpu.memory_space<semaphore_mem>>) src(%dma_wait3A_647 : memref<10240x16xf32, #tpu.memory_space<vmem_shared>>) dst(%dma_wait3A_643 : memref<80x16xf32, #tpu.memory_space<vmem>>)
      %dma_wait3A_648 = arith.constant 20 : i32
      %dma_wait3A_649 = arith.constant 0 : i32
      %dma_wait3A_650 = arith.constant 0 : i32
      %dma_wait3A_651 = tpu.memref_slice %arg7[%dma_wait3A_648, %dma_wait3A_649, %dma_wait3A_650] : memref<25x80x16xf32, #tpu.memory_space<vmem>> -> memref<1x80x16xf32, #tpu.memory_space<vmem>>
      %dma_wait3A_652 = tpu.memref_squeeze %dma_wait3A_651 : memref<1x80x16xf32, #tpu.memory_space<vmem>> -> memref<80x16xf32, #tpu.memory_space<vmem>>
      %dma_wait3A_653 = tpu.memref_slice %arg5[%add3A_282] : memref<10000xi32, #tpu.memory_space<vmem>> -> memref<80xi32, #tpu.memory_space<vmem>>
      %dma_wait3A_654 = arith.constant 0 : i32
      %dma_wait3A_655 = arith.constant 0 : i32
      %dma_wait3A_656 = tpu.memref_slice %arg9[%dma_wait3A_654, %dma_wait3A_655] : memref<10240x16xf32, #tpu.memory_space<vmem_shared>> -> memref<10240x16xf32, #tpu.memory_space<vmem_shared>>
      tpu.wait_indirect_dma semaphore(%arg12 : memref<!tpu.dma_semaphore, #tpu.memory_space<semaphore_mem>>) src(%dma_wait3A_656 : memref<10240x16xf32, #tpu.memory_space<vmem_shared>>) dst(%dma_wait3A_652 : memref<80x16xf32, #tpu.memory_space<vmem>>)
      %dma_wait3A_657 = arith.constant 21 : i32
      %dma_wait3A_658 = arith.constant 0 : i32
      %dma_wait3A_659 = arith.constant 0 : i32
      %dma_wait3A_660 = tpu.memref_slice %arg7[%dma_wait3A_657, %dma_wait3A_658, %dma_wait3A_659] : memref<25x80x16xf32, #tpu.memory_space<vmem>> -> memref<1x80x16xf32, #tpu.memory_space<vmem>>
      %dma_wait3A_661 = tpu.memref_squeeze %dma_wait3A_660 : memref<1x80x16xf32, #tpu.memory_space<vmem>> -> memref<80x16xf32, #tpu.memory_space<vmem>>
      %dma_wait3A_662 = tpu.memref_slice %arg5[%add3A_293] : memref<10000xi32, #tpu.memory_space<vmem>> -> memref<80xi32, #tpu.memory_space<vmem>>
      %dma_wait3A_663 = arith.constant 0 : i32
      %dma_wait3A_664 = arith.constant 0 : i32
      %dma_wait3A_665 = tpu.memref_slice %arg9[%dma_wait3A_663, %dma_wait3A_664] : memref<10240x16xf32, #tpu.memory_space<vmem_shared>> -> memref<10240x16xf32, #tpu.memory_space<vmem_shared>>
      tpu.wait_indirect_dma semaphore(%arg12 : memref<!tpu.dma_semaphore, #tpu.memory_space<semaphore_mem>>) src(%dma_wait3A_665 : memref<10240x16xf32, #tpu.memory_space<vmem_shared>>) dst(%dma_wait3A_661 : memref<80x16xf32, #tpu.memory_space<vmem>>)
      %dma_wait3A_666 = arith.constant 22 : i32
      %dma_wait3A_667 = arith.constant 0 : i32
      %dma_wait3A_668 = arith.constant 0 : i32
      %dma_wait3A_669 = tpu.memref_slice %arg7[%dma_wait3A_666, %dma_wait3A_667, %dma_wait3A_668] : memref<25x80x16xf32, #tpu.memory_space<vmem>> -> memref<1x80x16xf32, #tpu.memory_space<vmem>>
      %dma_wait3A_670 = tpu.memref_squeeze %dma_wait3A_669 : memref<1x80x16xf32, #tpu.memory_space<vmem>> -> memref<80x16xf32, #tpu.memory_space<vmem>>
      %dma_wait3A_671 = tpu.memref_slice %arg5[%add3A_304] : memref<10000xi32, #tpu.memory_space<vmem>> -> memref<80xi32, #tpu.memory_space<vmem>>
      %dma_wait3A_672 = arith.constant 0 : i32
      %dma_wait3A_673 = arith.constant 0 : i32
      %dma_wait3A_674 = tpu.memref_slice %arg9[%dma_wait3A_672, %dma_wait3A_673] : memref<10240x16xf32, #tpu.memory_space<vmem_shared>> -> memref<10240x16xf32, #tpu.memory_space<vmem_shared>>
      tpu.wait_indirect_dma semaphore(%arg12 : memref<!tpu.dma_semaphore, #tpu.memory_space<semaphore_mem>>) src(%dma_wait3A_674 : memref<10240x16xf32, #tpu.memory_space<vmem_shared>>) dst(%dma_wait3A_670 : memref<80x16xf32, #tpu.memory_space<vmem>>)
      %dma_wait3A_675 = arith.constant 23 : i32
      %dma_wait3A_676 = arith.constant 0 : i32
      %dma_wait3A_677 = arith.constant 0 : i32
      %dma_wait3A_678 = tpu.memref_slice %arg7[%dma_wait3A_675, %dma_wait3A_676, %dma_wait3A_677] : memref<25x80x16xf32, #tpu.memory_space<vmem>> -> memref<1x80x16xf32, #tpu.memory_space<vmem>>
      %dma_wait3A_679 = tpu.memref_squeeze %dma_wait3A_678 : memref<1x80x16xf32, #tpu.memory_space<vmem>> -> memref<80x16xf32, #tpu.memory_space<vmem>>
      %dma_wait3A_680 = tpu.memref_slice %arg5[%add3A_315] : memref<10000xi32, #tpu.memory_space<vmem>> -> memref<80xi32, #tpu.memory_space<vmem>>
      %dma_wait3A_681 = arith.constant 0 : i32
      %dma_wait3A_682 = arith.constant 0 : i32
      %dma_wait3A_683 = tpu.memref_slice %arg9[%dma_wait3A_681, %dma_wait3A_682] : memref<10240x16xf32, #tpu.memory_space<vmem_shared>> -> memref<10240x16xf32, #tpu.memory_space<vmem_shared>>
      tpu.wait_indirect_dma semaphore(%arg12 : memref<!tpu.dma_semaphore, #tpu.memory_space<semaphore_mem>>) src(%dma_wait3A_683 : memref<10240x16xf32, #tpu.memory_space<vmem_shared>>) dst(%dma_wait3A_679 : memref<80x16xf32, #tpu.memory_space<vmem>>)
      %dma_wait3A_684 = arith.constant 24 : i32
      %dma_wait3A_685 = arith.constant 0 : i32
      %dma_wait3A_686 = arith.constant 0 : i32
      %dma_wait3A_687 = tpu.memref_slice %arg7[%dma_wait3A_684, %dma_wait3A_685, %dma_wait3A_686] : memref<25x80x16xf32, #tpu.memory_space<vmem>> -> memref<1x80x16xf32, #tpu.memory_space<vmem>>
      %dma_wait3A_688 = tpu.memref_squeeze %dma_wait3A_687 : memref<1x80x16xf32, #tpu.memory_space<vmem>> -> memref<80x16xf32, #tpu.memory_space<vmem>>
      %dma_wait3A_689 = tpu.memref_slice %arg5[%add3A_326] : memref<10000xi32, #tpu.memory_space<vmem>> -> memref<80xi32, #tpu.memory_space<vmem>>
      %dma_wait3A_690 = arith.constant 0 : i32
      %dma_wait3A_691 = arith.constant 0 : i32
      %dma_wait3A_692 = tpu.memref_slice %arg9[%dma_wait3A_690, %dma_wait3A_691] : memref<10240x16xf32, #tpu.memory_space<vmem_shared>> -> memref<10240x16xf32, #tpu.memory_space<vmem_shared>>
      tpu.wait_indirect_dma semaphore(%arg12 : memref<!tpu.dma_semaphore, #tpu.memory_space<semaphore_mem>>) src(%dma_wait3A_692 : memref<10240x16xf32, #tpu.memory_space<vmem_shared>>) dst(%dma_wait3A_688 : memref<80x16xf32, #tpu.memory_space<vmem>>)
      %add3A_693 = arith.constant 960 : i32
      %add3A_694 = arith.addi %mul3A_60, %add3A_693 : i32
      %dma_start3A_695 = arith.constant 12 : i32
      %dma_start3A_696 = arith.constant 0 : i32
      %dma_start3A_697 = arith.constant 0 : i32
      %dma_start3A_698 = tpu.memref_slice %arg7[%dma_start3A_695, %dma_start3A_696, %dma_start3A_697] : memref<25x80x16xf32, #tpu.memory_space<vmem>> -> memref<1x80x16xf32, #tpu.memory_space<vmem>>
      %dma_start3A_699 = tpu.memref_squeeze %dma_start3A_698 : memref<1x80x16xf32, #tpu.memory_space<vmem>> -> memref<80x16xf32, #tpu.memory_space<vmem>>
      %dma_start3A_700 = tpu.memref_slice %arg6[%add3A_694] : memref<10000xi32, #tpu.memory_space<vmem>> -> memref<80xi32, #tpu.memory_space<vmem>>
      %dma_start3A_701 = arith.constant 0 : i32
      %dma_start3A_702 = arith.constant 0 : i32
      %dma_start3A_703 = tpu.memref_slice %arg10[%dma_start3A_701, %dma_start3A_702] : memref<10240x16xf32, #tpu.memory_space<vmem_shared>> -> memref<10240x16xf32, #tpu.memory_space<vmem_shared>>
      tpu.enqueue_indirect_dma source(%dma_start3A_699 : memref<80x16xf32, #tpu.memory_space<vmem>>) target(%dma_start3A_703 : memref<10240x16xf32, #tpu.memory_space<vmem_shared>>) offsets(%dma_start3A_700 : memref<80xi32, #tpu.memory_space<vmem>>) semaphore(%arg13 : memref<!tpu.dma_semaphore, #tpu.memory_space<semaphore_mem>>) {add = true}
      %add3A_704 = arith.constant 1040 : i32
      %add3A_705 = arith.addi %mul3A_60, %add3A_704 : i32
      %dma_start3A_706 = arith.constant 13 : i32
      %dma_start3A_707 = arith.constant 0 : i32
      %dma_start3A_708 = arith.constant 0 : i32
      %dma_start3A_709 = tpu.memref_slice %arg7[%dma_start3A_706, %dma_start3A_707, %dma_start3A_708] : memref<25x80x16xf32, #tpu.memory_space<vmem>> -> memref<1x80x16xf32, #tpu.memory_space<vmem>>
      %dma_start3A_710 = tpu.memref_squeeze %dma_start3A_709 : memref<1x80x16xf32, #tpu.memory_space<vmem>> -> memref<80x16xf32, #tpu.memory_space<vmem>>
      %dma_start3A_711 = tpu.memref_slice %arg6[%add3A_705] : memref<10000xi32, #tpu.memory_space<vmem>> -> memref<80xi32, #tpu.memory_space<vmem>>
      %dma_start3A_712 = arith.constant 0 : i32
      %dma_start3A_713 = arith.constant 0 : i32
      %dma_start3A_714 = tpu.memref_slice %arg10[%dma_start3A_712, %dma_start3A_713] : memref<10240x16xf32, #tpu.memory_space<vmem_shared>> -> memref<10240x16xf32, #tpu.memory_space<vmem_shared>>
      tpu.enqueue_indirect_dma source(%dma_start3A_710 : memref<80x16xf32, #tpu.memory_space<vmem>>) target(%dma_start3A_714 : memref<10240x16xf32, #tpu.memory_space<vmem_shared>>) offsets(%dma_start3A_711 : memref<80xi32, #tpu.memory_space<vmem>>) semaphore(%arg13 : memref<!tpu.dma_semaphore, #tpu.memory_space<semaphore_mem>>) {add = true}
      %add3A_715 = arith.constant 1120 : i32
      %add3A_716 = arith.addi %mul3A_60, %add3A_715 : i32
      %dma_start3A_717 = arith.constant 14 : i32
      %dma_start3A_718 = arith.constant 0 : i32
      %dma_start3A_719 = arith.constant 0 : i32
      %dma_start3A_720 = tpu.memref_slice %arg7[%dma_start3A_717, %dma_start3A_718, %dma_start3A_719] : memref<25x80x16xf32, #tpu.memory_space<vmem>> -> memref<1x80x16xf32, #tpu.memory_space<vmem>>
      %dma_start3A_721 = tpu.memref_squeeze %dma_start3A_720 : memref<1x80x16xf32, #tpu.memory_space<vmem>> -> memref<80x16xf32, #tpu.memory_space<vmem>>
      %dma_start3A_722 = tpu.memref_slice %arg6[%add3A_716] : memref<10000xi32, #tpu.memory_space<vmem>> -> memref<80xi32, #tpu.memory_space<vmem>>
      %dma_start3A_723 = arith.constant 0 : i32
      %dma_start3A_724 = arith.constant 0 : i32
      %dma_start3A_725 = tpu.memref_slice %arg10[%dma_start3A_723, %dma_start3A_724] : memref<10240x16xf32, #tpu.memory_space<vmem_shared>> -> memref<10240x16xf32, #tpu.memory_space<vmem_shared>>
      tpu.enqueue_indirect_dma source(%dma_start3A_721 : memref<80x16xf32, #tpu.memory_space<vmem>>) target(%dma_start3A_725 : memref<10240x16xf32, #tpu.memory_space<vmem_shared>>) offsets(%dma_start3A_722 : memref<80xi32, #tpu.memory_space<vmem>>) semaphore(%arg13 : memref<!tpu.dma_semaphore, #tpu.memory_space<semaphore_mem>>) {add = true}
      %add3A_726 = arith.constant 1200 : i32
      %add3A_727 = arith.addi %mul3A_60, %add3A_726 : i32
      %dma_start3A_728 = arith.constant 15 : i32
      %dma_start3A_729 = arith.constant 0 : i32
      %dma_start3A_730 = arith.constant 0 : i32
      %dma_start3A_731 = tpu.memref_slice %arg7[%dma_start3A_728, %dma_start3A_729, %dma_start3A_730] : memref<25x80x16xf32, #tpu.memory_space<vmem>> -> memref<1x80x16xf32, #tpu.memory_space<vmem>>
      %dma_start3A_732 = tpu.memref_squeeze %dma_start3A_731 : memref<1x80x16xf32, #tpu.memory_space<vmem>> -> memref<80x16xf32, #tpu.memory_space<vmem>>
      %dma_start3A_733 = tpu.memref_slice %arg6[%add3A_727] : memref<10000xi32, #tpu.memory_space<vmem>> -> memref<80xi32, #tpu.memory_space<vmem>>
      %dma_start3A_734 = arith.constant 0 : i32
      %dma_start3A_735 = arith.constant 0 : i32
      %dma_start3A_736 = tpu.memref_slice %arg10[%dma_start3A_734, %dma_start3A_735] : memref<10240x16xf32, #tpu.memory_space<vmem_shared>> -> memref<10240x16xf32, #tpu.memory_space<vmem_shared>>
      tpu.enqueue_indirect_dma source(%dma_start3A_732 : memref<80x16xf32, #tpu.memory_space<vmem>>) target(%dma_start3A_736 : memref<10240x16xf32, #tpu.memory_space<vmem_shared>>) offsets(%dma_start3A_733 : memref<80xi32, #tpu.memory_space<vmem>>) semaphore(%arg13 : memref<!tpu.dma_semaphore, #tpu.memory_space<semaphore_mem>>) {add = true}
      %add3A_737 = arith.constant 1280 : i32
      %add3A_738 = arith.addi %mul3A_60, %add3A_737 : i32
      %dma_start3A_739 = arith.constant 16 : i32
      %dma_start3A_740 = arith.constant 0 : i32
      %dma_start3A_741 = arith.constant 0 : i32
      %dma_start3A_742 = tpu.memref_slice %arg7[%dma_start3A_739, %dma_start3A_740, %dma_start3A_741] : memref<25x80x16xf32, #tpu.memory_space<vmem>> -> memref<1x80x16xf32, #tpu.memory_space<vmem>>
      %dma_start3A_743 = tpu.memref_squeeze %dma_start3A_742 : memref<1x80x16xf32, #tpu.memory_space<vmem>> -> memref<80x16xf32, #tpu.memory_space<vmem>>
      %dma_start3A_744 = tpu.memref_slice %arg6[%add3A_738] : memref<10000xi32, #tpu.memory_space<vmem>> -> memref<80xi32, #tpu.memory_space<vmem>>
      %dma_start3A_745 = arith.constant 0 : i32
      %dma_start3A_746 = arith.constant 0 : i32
      %dma_start3A_747 = tpu.memref_slice %arg10[%dma_start3A_745, %dma_start3A_746] : memref<10240x16xf32, #tpu.memory_space<vmem_shared>> -> memref<10240x16xf32, #tpu.memory_space<vmem_shared>>
      tpu.enqueue_indirect_dma source(%dma_start3A_743 : memref<80x16xf32, #tpu.memory_space<vmem>>) target(%dma_start3A_747 : memref<10240x16xf32, #tpu.memory_space<vmem_shared>>) offsets(%dma_start3A_744 : memref<80xi32, #tpu.memory_space<vmem>>) semaphore(%arg13 : memref<!tpu.dma_semaphore, #tpu.memory_space<semaphore_mem>>) {add = true}
      %add3A_748 = arith.constant 1360 : i32
      %add3A_749 = arith.addi %mul3A_60, %add3A_748 : i32
      %dma_start3A_750 = arith.constant 17 : i32
      %dma_start3A_751 = arith.constant 0 : i32
      %dma_start3A_752 = arith.constant 0 : i32
      %dma_start3A_753 = tpu.memref_slice %arg7[%dma_start3A_750, %dma_start3A_751, %dma_start3A_752] : memref<25x80x16xf32, #tpu.memory_space<vmem>> -> memref<1x80x16xf32, #tpu.memory_space<vmem>>
      %dma_start3A_754 = tpu.memref_squeeze %dma_start3A_753 : memref<1x80x16xf32, #tpu.memory_space<vmem>> -> memref<80x16xf32, #tpu.memory_space<vmem>>
      %dma_start3A_755 = tpu.memref_slice %arg6[%add3A_749] : memref<10000xi32, #tpu.memory_space<vmem>> -> memref<80xi32, #tpu.memory_space<vmem>>
      %dma_start3A_756 = arith.constant 0 : i32
      %dma_start3A_757 = arith.constant 0 : i32
      %dma_start3A_758 = tpu.memref_slice %arg10[%dma_start3A_756, %dma_start3A_757] : memref<10240x16xf32, #tpu.memory_space<vmem_shared>> -> memref<10240x16xf32, #tpu.memory_space<vmem_shared>>
      tpu.enqueue_indirect_dma source(%dma_start3A_754 : memref<80x16xf32, #tpu.memory_space<vmem>>) target(%dma_start3A_758 : memref<10240x16xf32, #tpu.memory_space<vmem_shared>>) offsets(%dma_start3A_755 : memref<80xi32, #tpu.memory_space<vmem>>) semaphore(%arg13 : memref<!tpu.dma_semaphore, #tpu.memory_space<semaphore_mem>>) {add = true}
      %add3A_759 = arith.constant 1440 : i32
      %add3A_760 = arith.addi %mul3A_60, %add3A_759 : i32
      %dma_start3A_761 = arith.constant 18 : i32
      %dma_start3A_762 = arith.constant 0 : i32
      %dma_start3A_763 = arith.constant 0 : i32
      %dma_start3A_764 = tpu.memref_slice %arg7[%dma_start3A_761, %dma_start3A_762, %dma_start3A_763] : memref<25x80x16xf32, #tpu.memory_space<vmem>> -> memref<1x80x16xf32, #tpu.memory_space<vmem>>
      %dma_start3A_765 = tpu.memref_squeeze %dma_start3A_764 : memref<1x80x16xf32, #tpu.memory_space<vmem>> -> memref<80x16xf32, #tpu.memory_space<vmem>>
      %dma_start3A_766 = tpu.memref_slice %arg6[%add3A_760] : memref<10000xi32, #tpu.memory_space<vmem>> -> memref<80xi32, #tpu.memory_space<vmem>>
      %dma_start3A_767 = arith.constant 0 : i32
      %dma_start3A_768 = arith.constant 0 : i32
      %dma_start3A_769 = tpu.memref_slice %arg10[%dma_start3A_767, %dma_start3A_768] : memref<10240x16xf32, #tpu.memory_space<vmem_shared>> -> memref<10240x16xf32, #tpu.memory_space<vmem_shared>>
      tpu.enqueue_indirect_dma source(%dma_start3A_765 : memref<80x16xf32, #tpu.memory_space<vmem>>) target(%dma_start3A_769 : memref<10240x16xf32, #tpu.memory_space<vmem_shared>>) offsets(%dma_start3A_766 : memref<80xi32, #tpu.memory_space<vmem>>) semaphore(%arg13 : memref<!tpu.dma_semaphore, #tpu.memory_space<semaphore_mem>>) {add = true}
      %add3A_770 = arith.constant 1520 : i32
      %add3A_771 = arith.addi %mul3A_60, %add3A_770 : i32
      %dma_start3A_772 = arith.constant 19 : i32
      %dma_start3A_773 = arith.constant 0 : i32
      %dma_start3A_774 = arith.constant 0 : i32
      %dma_start3A_775 = tpu.memref_slice %arg7[%dma_start3A_772, %dma_start3A_773, %dma_start3A_774] : memref<25x80x16xf32, #tpu.memory_space<vmem>> -> memref<1x80x16xf32, #tpu.memory_space<vmem>>
      %dma_start3A_776 = tpu.memref_squeeze %dma_start3A_775 : memref<1x80x16xf32, #tpu.memory_space<vmem>> -> memref<80x16xf32, #tpu.memory_space<vmem>>
      %dma_start3A_777 = tpu.memref_slice %arg6[%add3A_771] : memref<10000xi32, #tpu.memory_space<vmem>> -> memref<80xi32, #tpu.memory_space<vmem>>
      %dma_start3A_778 = arith.constant 0 : i32
      %dma_start3A_779 = arith.constant 0 : i32
      %dma_start3A_780 = tpu.memref_slice %arg10[%dma_start3A_778, %dma_start3A_779] : memref<10240x16xf32, #tpu.memory_space<vmem_shared>> -> memref<10240x16xf32, #tpu.memory_space<vmem_shared>>
      tpu.enqueue_indirect_dma source(%dma_start3A_776 : memref<80x16xf32, #tpu.memory_space<vmem>>) target(%dma_start3A_780 : memref<10240x16xf32, #tpu.memory_space<vmem_shared>>) offsets(%dma_start3A_777 : memref<80xi32, #tpu.memory_space<vmem>>) semaphore(%arg13 : memref<!tpu.dma_semaphore, #tpu.memory_space<semaphore_mem>>) {add = true}
      %add3A_781 = arith.constant 1600 : i32
      %add3A_782 = arith.addi %mul3A_60, %add3A_781 : i32
      %dma_start3A_783 = arith.constant 20 : i32
      %dma_start3A_784 = arith.constant 0 : i32
      %dma_start3A_785 = arith.constant 0 : i32
      %dma_start3A_786 = tpu.memref_slice %arg7[%dma_start3A_783, %dma_start3A_784, %dma_start3A_785] : memref<25x80x16xf32, #tpu.memory_space<vmem>> -> memref<1x80x16xf32, #tpu.memory_space<vmem>>
      %dma_start3A_787 = tpu.memref_squeeze %dma_start3A_786 : memref<1x80x16xf32, #tpu.memory_space<vmem>> -> memref<80x16xf32, #tpu.memory_space<vmem>>
      %dma_start3A_788 = tpu.memref_slice %arg6[%add3A_782] : memref<10000xi32, #tpu.memory_space<vmem>> -> memref<80xi32, #tpu.memory_space<vmem>>
      %dma_start3A_789 = arith.constant 0 : i32
      %dma_start3A_790 = arith.constant 0 : i32
      %dma_start3A_791 = tpu.memref_slice %arg10[%dma_start3A_789, %dma_start3A_790] : memref<10240x16xf32, #tpu.memory_space<vmem_shared>> -> memref<10240x16xf32, #tpu.memory_space<vmem_shared>>
      tpu.enqueue_indirect_dma source(%dma_start3A_787 : memref<80x16xf32, #tpu.memory_space<vmem>>) target(%dma_start3A_791 : memref<10240x16xf32, #tpu.memory_space<vmem_shared>>) offsets(%dma_start3A_788 : memref<80xi32, #tpu.memory_space<vmem>>) semaphore(%arg13 : memref<!tpu.dma_semaphore, #tpu.memory_space<semaphore_mem>>) {add = true}
      %add3A_792 = arith.constant 1680 : i32
      %add3A_793 = arith.addi %mul3A_60, %add3A_792 : i32
      %dma_start3A_794 = arith.constant 21 : i32
      %dma_start3A_795 = arith.constant 0 : i32
      %dma_start3A_796 = arith.constant 0 : i32
      %dma_start3A_797 = tpu.memref_slice %arg7[%dma_start3A_794, %dma_start3A_795, %dma_start3A_796] : memref<25x80x16xf32, #tpu.memory_space<vmem>> -> memref<1x80x16xf32, #tpu.memory_space<vmem>>
      %dma_start3A_798 = tpu.memref_squeeze %dma_start3A_797 : memref<1x80x16xf32, #tpu.memory_space<vmem>> -> memref<80x16xf32, #tpu.memory_space<vmem>>
      %dma_start3A_799 = tpu.memref_slice %arg6[%add3A_793] : memref<10000xi32, #tpu.memory_space<vmem>> -> memref<80xi32, #tpu.memory_space<vmem>>
      %dma_start3A_800 = arith.constant 0 : i32
      %dma_start3A_801 = arith.constant 0 : i32
      %dma_start3A_802 = tpu.memref_slice %arg10[%dma_start3A_800, %dma_start3A_801] : memref<10240x16xf32, #tpu.memory_space<vmem_shared>> -> memref<10240x16xf32, #tpu.memory_space<vmem_shared>>
      tpu.enqueue_indirect_dma source(%dma_start3A_798 : memref<80x16xf32, #tpu.memory_space<vmem>>) target(%dma_start3A_802 : memref<10240x16xf32, #tpu.memory_space<vmem_shared>>) offsets(%dma_start3A_799 : memref<80xi32, #tpu.memory_space<vmem>>) semaphore(%arg13 : memref<!tpu.dma_semaphore, #tpu.memory_space<semaphore_mem>>) {add = true}
      %add3A_803 = arith.constant 1760 : i32
      %add3A_804 = arith.addi %mul3A_60, %add3A_803 : i32
      %dma_start3A_805 = arith.constant 22 : i32
      %dma_start3A_806 = arith.constant 0 : i32
      %dma_start3A_807 = arith.constant 0 : i32
      %dma_start3A_808 = tpu.memref_slice %arg7[%dma_start3A_805, %dma_start3A_806, %dma_start3A_807] : memref<25x80x16xf32, #tpu.memory_space<vmem>> -> memref<1x80x16xf32, #tpu.memory_space<vmem>>
      %dma_start3A_809 = tpu.memref_squeeze %dma_start3A_808 : memref<1x80x16xf32, #tpu.memory_space<vmem>> -> memref<80x16xf32, #tpu.memory_space<vmem>>
      %dma_start3A_810 = tpu.memref_slice %arg6[%add3A_804] : memref<10000xi32, #tpu.memory_space<vmem>> -> memref<80xi32, #tpu.memory_space<vmem>>
      %dma_start3A_811 = arith.constant 0 : i32
      %dma_start3A_812 = arith.constant 0 : i32
      %dma_start3A_813 = tpu.memref_slice %arg10[%dma_start3A_811, %dma_start3A_812] : memref<10240x16xf32, #tpu.memory_space<vmem_shared>> -> memref<10240x16xf32, #tpu.memory_space<vmem_shared>>
      tpu.enqueue_indirect_dma source(%dma_start3A_809 : memref<80x16xf32, #tpu.memory_space<vmem>>) target(%dma_start3A_813 : memref<10240x16xf32, #tpu.memory_space<vmem_shared>>) offsets(%dma_start3A_810 : memref<80xi32, #tpu.memory_space<vmem>>) semaphore(%arg13 : memref<!tpu.dma_semaphore, #tpu.memory_space<semaphore_mem>>) {add = true}
      %add3A_814 = arith.constant 1840 : i32
      %add3A_815 = arith.addi %mul3A_60, %add3A_814 : i32
      %dma_start3A_816 = arith.constant 23 : i32
      %dma_start3A_817 = arith.constant 0 : i32
      %dma_start3A_818 = arith.constant 0 : i32
      %dma_start3A_819 = tpu.memref_slice %arg7[%dma_start3A_816, %dma_start3A_817, %dma_start3A_818] : memref<25x80x16xf32, #tpu.memory_space<vmem>> -> memref<1x80x16xf32, #tpu.memory_space<vmem>>
      %dma_start3A_820 = tpu.memref_squeeze %dma_start3A_819 : memref<1x80x16xf32, #tpu.memory_space<vmem>> -> memref<80x16xf32, #tpu.memory_space<vmem>>
      %dma_start3A_821 = tpu.memref_slice %arg6[%add3A_815] : memref<10000xi32, #tpu.memory_space<vmem>> -> memref<80xi32, #tpu.memory_space<vmem>>
      %dma_start3A_822 = arith.constant 0 : i32
      %dma_start3A_823 = arith.constant 0 : i32
      %dma_start3A_824 = tpu.memref_slice %arg10[%dma_start3A_822, %dma_start3A_823] : memref<10240x16xf32, #tpu.memory_space<vmem_shared>> -> memref<10240x16xf32, #tpu.memory_space<vmem_shared>>
      tpu.enqueue_indirect_dma source(%dma_start3A_820 : memref<80x16xf32, #tpu.memory_space<vmem>>) target(%dma_start3A_824 : memref<10240x16xf32, #tpu.memory_space<vmem_shared>>) offsets(%dma_start3A_821 : memref<80xi32, #tpu.memory_space<vmem>>) semaphore(%arg13 : memref<!tpu.dma_semaphore, #tpu.memory_space<semaphore_mem>>) {add = true}
      %add3A_825 = arith.constant 1920 : i32
      %add3A_826 = arith.addi %mul3A_60, %add3A_825 : i32
      %dma_start3A_827 = arith.constant 24 : i32
      %dma_start3A_828 = arith.constant 0 : i32
      %dma_start3A_829 = arith.constant 0 : i32
      %dma_start3A_830 = tpu.memref_slice %arg7[%dma_start3A_827, %dma_start3A_828, %dma_start3A_829] : memref<25x80x16xf32, #tpu.memory_space<vmem>> -> memref<1x80x16xf32, #tpu.memory_space<vmem>>
      %dma_start3A_831 = tpu.memref_squeeze %dma_start3A_830 : memref<1x80x16xf32, #tpu.memory_space<vmem>> -> memref<80x16xf32, #tpu.memory_space<vmem>>
      %dma_start3A_832 = tpu.memref_slice %arg6[%add3A_826] : memref<10000xi32, #tpu.memory_space<vmem>> -> memref<80xi32, #tpu.memory_space<vmem>>
      %dma_start3A_833 = arith.constant 0 : i32
      %dma_start3A_834 = arith.constant 0 : i32
      %dma_start3A_835 = tpu.memref_slice %arg10[%dma_start3A_833, %dma_start3A_834] : memref<10240x16xf32, #tpu.memory_space<vmem_shared>> -> memref<10240x16xf32, #tpu.memory_space<vmem_shared>>
      tpu.enqueue_indirect_dma source(%dma_start3A_831 : memref<80x16xf32, #tpu.memory_space<vmem>>) target(%dma_start3A_835 : memref<10240x16xf32, #tpu.memory_space<vmem_shared>>) offsets(%dma_start3A_832 : memref<80xi32, #tpu.memory_space<vmem>>) semaphore(%arg13 : memref<!tpu.dma_semaphore, #tpu.memory_space<semaphore_mem>>) {add = true}
      %dma_wait3A_836 = arith.constant 0 : i32
      %dma_wait3A_837 = arith.constant 0 : i32
      %dma_wait3A_838 = arith.constant 0 : i32
      %dma_wait3A_839 = tpu.memref_slice %arg7[%dma_wait3A_836, %dma_wait3A_837, %dma_wait3A_838] : memref<25x80x16xf32, #tpu.memory_space<vmem>> -> memref<1x80x16xf32, #tpu.memory_space<vmem>>
      %dma_wait3A_840 = tpu.memref_squeeze %dma_wait3A_839 : memref<1x80x16xf32, #tpu.memory_space<vmem>> -> memref<80x16xf32, #tpu.memory_space<vmem>>
      %dma_wait3A_841 = tpu.memref_slice %arg6[%add3A_445] : memref<10000xi32, #tpu.memory_space<vmem>> -> memref<80xi32, #tpu.memory_space<vmem>>
      %dma_wait3A_842 = arith.constant 0 : i32
      %dma_wait3A_843 = arith.constant 0 : i32
      %dma_wait3A_844 = tpu.memref_slice %arg10[%dma_wait3A_842, %dma_wait3A_843] : memref<10240x16xf32, #tpu.memory_space<vmem_shared>> -> memref<10240x16xf32, #tpu.memory_space<vmem_shared>>
      tpu.wait_indirect_dma semaphore(%arg13 : memref<!tpu.dma_semaphore, #tpu.memory_space<semaphore_mem>>) src(%dma_wait3A_840 : memref<80x16xf32, #tpu.memory_space<vmem>>) dst(%dma_wait3A_844 : memref<10240x16xf32, #tpu.memory_space<vmem_shared>>)
      %dma_wait3A_845 = arith.constant 1 : i32
      %dma_wait3A_846 = arith.constant 0 : i32
      %dma_wait3A_847 = arith.constant 0 : i32
      %dma_wait3A_848 = tpu.memref_slice %arg7[%dma_wait3A_845, %dma_wait3A_846, %dma_wait3A_847] : memref<25x80x16xf32, #tpu.memory_space<vmem>> -> memref<1x80x16xf32, #tpu.memory_space<vmem>>
      %dma_wait3A_849 = tpu.memref_squeeze %dma_wait3A_848 : memref<1x80x16xf32, #tpu.memory_space<vmem>> -> memref<80x16xf32, #tpu.memory_space<vmem>>
      %dma_wait3A_850 = tpu.memref_slice %arg6[%add3A_456] : memref<10000xi32, #tpu.memory_space<vmem>> -> memref<80xi32, #tpu.memory_space<vmem>>
      %dma_wait3A_851 = arith.constant 0 : i32
      %dma_wait3A_852 = arith.constant 0 : i32
      %dma_wait3A_853 = tpu.memref_slice %arg10[%dma_wait3A_851, %dma_wait3A_852] : memref<10240x16xf32, #tpu.memory_space<vmem_shared>> -> memref<10240x16xf32, #tpu.memory_space<vmem_shared>>
      tpu.wait_indirect_dma semaphore(%arg13 : memref<!tpu.dma_semaphore, #tpu.memory_space<semaphore_mem>>) src(%dma_wait3A_849 : memref<80x16xf32, #tpu.memory_space<vmem>>) dst(%dma_wait3A_853 : memref<10240x16xf32, #tpu.memory_space<vmem_shared>>)
      %dma_wait3A_854 = arith.constant 2 : i32
      %dma_wait3A_855 = arith.constant 0 : i32
      %dma_wait3A_856 = arith.constant 0 : i32
      %dma_wait3A_857 = tpu.memref_slice %arg7[%dma_wait3A_854, %dma_wait3A_855, %dma_wait3A_856] : memref<25x80x16xf32, #tpu.memory_space<vmem>> -> memref<1x80x16xf32, #tpu.memory_space<vmem>>
      %dma_wait3A_858 = tpu.memref_squeeze %dma_wait3A_857 : memref<1x80x16xf32, #tpu.memory_space<vmem>> -> memref<80x16xf32, #tpu.memory_space<vmem>>
      %dma_wait3A_859 = tpu.memref_slice %arg6[%add3A_467] : memref<10000xi32, #tpu.memory_space<vmem>> -> memref<80xi32, #tpu.memory_space<vmem>>
      %dma_wait3A_860 = arith.constant 0 : i32
      %dma_wait3A_861 = arith.constant 0 : i32
      %dma_wait3A_862 = tpu.memref_slice %arg10[%dma_wait3A_860, %dma_wait3A_861] : memref<10240x16xf32, #tpu.memory_space<vmem_shared>> -> memref<10240x16xf32, #tpu.memory_space<vmem_shared>>
      tpu.wait_indirect_dma semaphore(%arg13 : memref<!tpu.dma_semaphore, #tpu.memory_space<semaphore_mem>>) src(%dma_wait3A_858 : memref<80x16xf32, #tpu.memory_space<vmem>>) dst(%dma_wait3A_862 : memref<10240x16xf32, #tpu.memory_space<vmem_shared>>)
      %dma_wait3A_863 = arith.constant 3 : i32
      %dma_wait3A_864 = arith.constant 0 : i32
      %dma_wait3A_865 = arith.constant 0 : i32
      %dma_wait3A_866 = tpu.memref_slice %arg7[%dma_wait3A_863, %dma_wait3A_864, %dma_wait3A_865] : memref<25x80x16xf32, #tpu.memory_space<vmem>> -> memref<1x80x16xf32, #tpu.memory_space<vmem>>
      %dma_wait3A_867 = tpu.memref_squeeze %dma_wait3A_866 : memref<1x80x16xf32, #tpu.memory_space<vmem>> -> memref<80x16xf32, #tpu.memory_space<vmem>>
      %dma_wait3A_868 = tpu.memref_slice %arg6[%add3A_478] : memref<10000xi32, #tpu.memory_space<vmem>> -> memref<80xi32, #tpu.memory_space<vmem>>
      %dma_wait3A_869 = arith.constant 0 : i32
      %dma_wait3A_870 = arith.constant 0 : i32
      %dma_wait3A_871 = tpu.memref_slice %arg10[%dma_wait3A_869, %dma_wait3A_870] : memref<10240x16xf32, #tpu.memory_space<vmem_shared>> -> memref<10240x16xf32, #tpu.memory_space<vmem_shared>>
      tpu.wait_indirect_dma semaphore(%arg13 : memref<!tpu.dma_semaphore, #tpu.memory_space<semaphore_mem>>) src(%dma_wait3A_867 : memref<80x16xf32, #tpu.memory_space<vmem>>) dst(%dma_wait3A_871 : memref<10240x16xf32, #tpu.memory_space<vmem_shared>>)
      %dma_wait3A_872 = arith.constant 4 : i32
      %dma_wait3A_873 = arith.constant 0 : i32
      %dma_wait3A_874 = arith.constant 0 : i32
      %dma_wait3A_875 = tpu.memref_slice %arg7[%dma_wait3A_872, %dma_wait3A_873, %dma_wait3A_874] : memref<25x80x16xf32, #tpu.memory_space<vmem>> -> memref<1x80x16xf32, #tpu.memory_space<vmem>>
      %dma_wait3A_876 = tpu.memref_squeeze %dma_wait3A_875 : memref<1x80x16xf32, #tpu.memory_space<vmem>> -> memref<80x16xf32, #tpu.memory_space<vmem>>
      %dma_wait3A_877 = tpu.memref_slice %arg6[%add3A_489] : memref<10000xi32, #tpu.memory_space<vmem>> -> memref<80xi32, #tpu.memory_space<vmem>>
      %dma_wait3A_878 = arith.constant 0 : i32
      %dma_wait3A_879 = arith.constant 0 : i32
      %dma_wait3A_880 = tpu.memref_slice %arg10[%dma_wait3A_878, %dma_wait3A_879] : memref<10240x16xf32, #tpu.memory_space<vmem_shared>> -> memref<10240x16xf32, #tpu.memory_space<vmem_shared>>
      tpu.wait_indirect_dma semaphore(%arg13 : memref<!tpu.dma_semaphore, #tpu.memory_space<semaphore_mem>>) src(%dma_wait3A_876 : memref<80x16xf32, #tpu.memory_space<vmem>>) dst(%dma_wait3A_880 : memref<10240x16xf32, #tpu.memory_space<vmem_shared>>)
      %dma_wait3A_881 = arith.constant 5 : i32
      %dma_wait3A_882 = arith.constant 0 : i32
      %dma_wait3A_883 = arith.constant 0 : i32
      %dma_wait3A_884 = tpu.memref_slice %arg7[%dma_wait3A_881, %dma_wait3A_882, %dma_wait3A_883] : memref<25x80x16xf32, #tpu.memory_space<vmem>> -> memref<1x80x16xf32, #tpu.memory_space<vmem>>
      %dma_wait3A_885 = tpu.memref_squeeze %dma_wait3A_884 : memref<1x80x16xf32, #tpu.memory_space<vmem>> -> memref<80x16xf32, #tpu.memory_space<vmem>>
      %dma_wait3A_886 = tpu.memref_slice %arg6[%add3A_500] : memref<10000xi32, #tpu.memory_space<vmem>> -> memref<80xi32, #tpu.memory_space<vmem>>
      %dma_wait3A_887 = arith.constant 0 : i32
      %dma_wait3A_888 = arith.constant 0 : i32
      %dma_wait3A_889 = tpu.memref_slice %arg10[%dma_wait3A_887, %dma_wait3A_888] : memref<10240x16xf32, #tpu.memory_space<vmem_shared>> -> memref<10240x16xf32, #tpu.memory_space<vmem_shared>>
      tpu.wait_indirect_dma semaphore(%arg13 : memref<!tpu.dma_semaphore, #tpu.memory_space<semaphore_mem>>) src(%dma_wait3A_885 : memref<80x16xf32, #tpu.memory_space<vmem>>) dst(%dma_wait3A_889 : memref<10240x16xf32, #tpu.memory_space<vmem_shared>>)
      %dma_wait3A_890 = arith.constant 6 : i32
      %dma_wait3A_891 = arith.constant 0 : i32
      %dma_wait3A_892 = arith.constant 0 : i32
      %dma_wait3A_893 = tpu.memref_slice %arg7[%dma_wait3A_890, %dma_wait3A_891, %dma_wait3A_892] : memref<25x80x16xf32, #tpu.memory_space<vmem>> -> memref<1x80x16xf32, #tpu.memory_space<vmem>>
      %dma_wait3A_894 = tpu.memref_squeeze %dma_wait3A_893 : memref<1x80x16xf32, #tpu.memory_space<vmem>> -> memref<80x16xf32, #tpu.memory_space<vmem>>
      %dma_wait3A_895 = tpu.memref_slice %arg6[%add3A_511] : memref<10000xi32, #tpu.memory_space<vmem>> -> memref<80xi32, #tpu.memory_space<vmem>>
      %dma_wait3A_896 = arith.constant 0 : i32
      %dma_wait3A_897 = arith.constant 0 : i32
      %dma_wait3A_898 = tpu.memref_slice %arg10[%dma_wait3A_896, %dma_wait3A_897] : memref<10240x16xf32, #tpu.memory_space<vmem_shared>> -> memref<10240x16xf32, #tpu.memory_space<vmem_shared>>
      tpu.wait_indirect_dma semaphore(%arg13 : memref<!tpu.dma_semaphore, #tpu.memory_space<semaphore_mem>>) src(%dma_wait3A_894 : memref<80x16xf32, #tpu.memory_space<vmem>>) dst(%dma_wait3A_898 : memref<10240x16xf32, #tpu.memory_space<vmem_shared>>)
      %dma_wait3A_899 = arith.constant 7 : i32
      %dma_wait3A_900 = arith.constant 0 : i32
      %dma_wait3A_901 = arith.constant 0 : i32
      %dma_wait3A_902 = tpu.memref_slice %arg7[%dma_wait3A_899, %dma_wait3A_900, %dma_wait3A_901] : memref<25x80x16xf32, #tpu.memory_space<vmem>> -> memref<1x80x16xf32, #tpu.memory_space<vmem>>
      %dma_wait3A_903 = tpu.memref_squeeze %dma_wait3A_902 : memref<1x80x16xf32, #tpu.memory_space<vmem>> -> memref<80x16xf32, #tpu.memory_space<vmem>>
      %dma_wait3A_904 = tpu.memref_slice %arg6[%add3A_522] : memref<10000xi32, #tpu.memory_space<vmem>> -> memref<80xi32, #tpu.memory_space<vmem>>
      %dma_wait3A_905 = arith.constant 0 : i32
      %dma_wait3A_906 = arith.constant 0 : i32
      %dma_wait3A_907 = tpu.memref_slice %arg10[%dma_wait3A_905, %dma_wait3A_906] : memref<10240x16xf32, #tpu.memory_space<vmem_shared>> -> memref<10240x16xf32, #tpu.memory_space<vmem_shared>>
      tpu.wait_indirect_dma semaphore(%arg13 : memref<!tpu.dma_semaphore, #tpu.memory_space<semaphore_mem>>) src(%dma_wait3A_903 : memref<80x16xf32, #tpu.memory_space<vmem>>) dst(%dma_wait3A_907 : memref<10240x16xf32, #tpu.memory_space<vmem_shared>>)
      %dma_wait3A_908 = arith.constant 8 : i32
      %dma_wait3A_909 = arith.constant 0 : i32
      %dma_wait3A_910 = arith.constant 0 : i32
      %dma_wait3A_911 = tpu.memref_slice %arg7[%dma_wait3A_908, %dma_wait3A_909, %dma_wait3A_910] : memref<25x80x16xf32, #tpu.memory_space<vmem>> -> memref<1x80x16xf32, #tpu.memory_space<vmem>>
      %dma_wait3A_912 = tpu.memref_squeeze %dma_wait3A_911 : memref<1x80x16xf32, #tpu.memory_space<vmem>> -> memref<80x16xf32, #tpu.memory_space<vmem>>
      %dma_wait3A_913 = tpu.memref_slice %arg6[%add3A_533] : memref<10000xi32, #tpu.memory_space<vmem>> -> memref<80xi32, #tpu.memory_space<vmem>>
      %dma_wait3A_914 = arith.constant 0 : i32
      %dma_wait3A_915 = arith.constant 0 : i32
      %dma_wait3A_916 = tpu.memref_slice %arg10[%dma_wait3A_914, %dma_wait3A_915] : memref<10240x16xf32, #tpu.memory_space<vmem_shared>> -> memref<10240x16xf32, #tpu.memory_space<vmem_shared>>
      tpu.wait_indirect_dma semaphore(%arg13 : memref<!tpu.dma_semaphore, #tpu.memory_space<semaphore_mem>>) src(%dma_wait3A_912 : memref<80x16xf32, #tpu.memory_space<vmem>>) dst(%dma_wait3A_916 : memref<10240x16xf32, #tpu.memory_space<vmem_shared>>)
      %dma_wait3A_917 = arith.constant 9 : i32
      %dma_wait3A_918 = arith.constant 0 : i32
      %dma_wait3A_919 = arith.constant 0 : i32
      %dma_wait3A_920 = tpu.memref_slice %arg7[%dma_wait3A_917, %dma_wait3A_918, %dma_wait3A_919] : memref<25x80x16xf32, #tpu.memory_space<vmem>> -> memref<1x80x16xf32, #tpu.memory_space<vmem>>
      %dma_wait3A_921 = tpu.memref_squeeze %dma_wait3A_920 : memref<1x80x16xf32, #tpu.memory_space<vmem>> -> memref<80x16xf32, #tpu.memory_space<vmem>>
      %dma_wait3A_922 = tpu.memref_slice %arg6[%add3A_544] : memref<10000xi32, #tpu.memory_space<vmem>> -> memref<80xi32, #tpu.memory_space<vmem>>
      %dma_wait3A_923 = arith.constant 0 : i32
      %dma_wait3A_924 = arith.constant 0 : i32
      %dma_wait3A_925 = tpu.memref_slice %arg10[%dma_wait3A_923, %dma_wait3A_924] : memref<10240x16xf32, #tpu.memory_space<vmem_shared>> -> memref<10240x16xf32, #tpu.memory_space<vmem_shared>>
      tpu.wait_indirect_dma semaphore(%arg13 : memref<!tpu.dma_semaphore, #tpu.memory_space<semaphore_mem>>) src(%dma_wait3A_921 : memref<80x16xf32, #tpu.memory_space<vmem>>) dst(%dma_wait3A_925 : memref<10240x16xf32, #tpu.memory_space<vmem_shared>>)
      %dma_wait3A_926 = arith.constant 10 : i32
      %dma_wait3A_927 = arith.constant 0 : i32
      %dma_wait3A_928 = arith.constant 0 : i32
      %dma_wait3A_929 = tpu.memref_slice %arg7[%dma_wait3A_926, %dma_wait3A_927, %dma_wait3A_928] : memref<25x80x16xf32, #tpu.memory_space<vmem>> -> memref<1x80x16xf32, #tpu.memory_space<vmem>>
      %dma_wait3A_930 = tpu.memref_squeeze %dma_wait3A_929 : memref<1x80x16xf32, #tpu.memory_space<vmem>> -> memref<80x16xf32, #tpu.memory_space<vmem>>
      %dma_wait3A_931 = tpu.memref_slice %arg6[%add3A_555] : memref<10000xi32, #tpu.memory_space<vmem>> -> memref<80xi32, #tpu.memory_space<vmem>>
      %dma_wait3A_932 = arith.constant 0 : i32
      %dma_wait3A_933 = arith.constant 0 : i32
      %dma_wait3A_934 = tpu.memref_slice %arg10[%dma_wait3A_932, %dma_wait3A_933] : memref<10240x16xf32, #tpu.memory_space<vmem_shared>> -> memref<10240x16xf32, #tpu.memory_space<vmem_shared>>
      tpu.wait_indirect_dma semaphore(%arg13 : memref<!tpu.dma_semaphore, #tpu.memory_space<semaphore_mem>>) src(%dma_wait3A_930 : memref<80x16xf32, #tpu.memory_space<vmem>>) dst(%dma_wait3A_934 : memref<10240x16xf32, #tpu.memory_space<vmem_shared>>)
      %dma_wait3A_935 = arith.constant 11 : i32
      %dma_wait3A_936 = arith.constant 0 : i32
      %dma_wait3A_937 = arith.constant 0 : i32
      %dma_wait3A_938 = tpu.memref_slice %arg7[%dma_wait3A_935, %dma_wait3A_936, %dma_wait3A_937] : memref<25x80x16xf32, #tpu.memory_space<vmem>> -> memref<1x80x16xf32, #tpu.memory_space<vmem>>
      %dma_wait3A_939 = tpu.memref_squeeze %dma_wait3A_938 : memref<1x80x16xf32, #tpu.memory_space<vmem>> -> memref<80x16xf32, #tpu.memory_space<vmem>>
      %dma_wait3A_940 = tpu.memref_slice %arg6[%add3A_566] : memref<10000xi32, #tpu.memory_space<vmem>> -> memref<80xi32, #tpu.memory_space<vmem>>
      %dma_wait3A_941 = arith.constant 0 : i32
      %dma_wait3A_942 = arith.constant 0 : i32
      %dma_wait3A_943 = tpu.memref_slice %arg10[%dma_wait3A_941, %dma_wait3A_942] : memref<10240x16xf32, #tpu.memory_space<vmem_shared>> -> memref<10240x16xf32, #tpu.memory_space<vmem_shared>>
      tpu.wait_indirect_dma semaphore(%arg13 : memref<!tpu.dma_semaphore, #tpu.memory_space<semaphore_mem>>) src(%dma_wait3A_939 : memref<80x16xf32, #tpu.memory_space<vmem>>) dst(%dma_wait3A_943 : memref<10240x16xf32, #tpu.memory_space<vmem_shared>>)
      %dma_wait3A_944 = arith.constant 12 : i32
      %dma_wait3A_945 = arith.constant 0 : i32
      %dma_wait3A_946 = arith.constant 0 : i32
      %dma_wait3A_947 = tpu.memref_slice %arg7[%dma_wait3A_944, %dma_wait3A_945, %dma_wait3A_946] : memref<25x80x16xf32, #tpu.memory_space<vmem>> -> memref<1x80x16xf32, #tpu.memory_space<vmem>>
      %dma_wait3A_948 = tpu.memref_squeeze %dma_wait3A_947 : memref<1x80x16xf32, #tpu.memory_space<vmem>> -> memref<80x16xf32, #tpu.memory_space<vmem>>
      %dma_wait3A_949 = tpu.memref_slice %arg6[%add3A_694] : memref<10000xi32, #tpu.memory_space<vmem>> -> memref<80xi32, #tpu.memory_space<vmem>>
      %dma_wait3A_950 = arith.constant 0 : i32
      %dma_wait3A_951 = arith.constant 0 : i32
      %dma_wait3A_952 = tpu.memref_slice %arg10[%dma_wait3A_950, %dma_wait3A_951] : memref<10240x16xf32, #tpu.memory_space<vmem_shared>> -> memref<10240x16xf32, #tpu.memory_space<vmem_shared>>
      tpu.wait_indirect_dma semaphore(%arg13 : memref<!tpu.dma_semaphore, #tpu.memory_space<semaphore_mem>>) src(%dma_wait3A_948 : memref<80x16xf32, #tpu.memory_space<vmem>>) dst(%dma_wait3A_952 : memref<10240x16xf32, #tpu.memory_space<vmem_shared>>)
      %dma_wait3A_953 = arith.constant 13 : i32
      %dma_wait3A_954 = arith.constant 0 : i32
      %dma_wait3A_955 = arith.constant 0 : i32
      %dma_wait3A_956 = tpu.memref_slice %arg7[%dma_wait3A_953, %dma_wait3A_954, %dma_wait3A_955] : memref<25x80x16xf32, #tpu.memory_space<vmem>> -> memref<1x80x16xf32, #tpu.memory_space<vmem>>
      %dma_wait3A_957 = tpu.memref_squeeze %dma_wait3A_956 : memref<1x80x16xf32, #tpu.memory_space<vmem>> -> memref<80x16xf32, #tpu.memory_space<vmem>>
      %dma_wait3A_958 = tpu.memref_slice %arg6[%add3A_705] : memref<10000xi32, #tpu.memory_space<vmem>> -> memref<80xi32, #tpu.memory_space<vmem>>
      %dma_wait3A_959 = arith.constant 0 : i32
      %dma_wait3A_960 = arith.constant 0 : i32
      %dma_wait3A_961 = tpu.memref_slice %arg10[%dma_wait3A_959, %dma_wait3A_960] : memref<10240x16xf32, #tpu.memory_space<vmem_shared>> -> memref<10240x16xf32, #tpu.memory_space<vmem_shared>>
      tpu.wait_indirect_dma semaphore(%arg13 : memref<!tpu.dma_semaphore, #tpu.memory_space<semaphore_mem>>) src(%dma_wait3A_957 : memref<80x16xf32, #tpu.memory_space<vmem>>) dst(%dma_wait3A_961 : memref<10240x16xf32, #tpu.memory_space<vmem_shared>>)
      %dma_wait3A_962 = arith.constant 14 : i32
      %dma_wait3A_963 = arith.constant 0 : i32
      %dma_wait3A_964 = arith.constant 0 : i32
      %dma_wait3A_965 = tpu.memref_slice %arg7[%dma_wait3A_962, %dma_wait3A_963, %dma_wait3A_964] : memref<25x80x16xf32, #tpu.memory_space<vmem>> -> memref<1x80x16xf32, #tpu.memory_space<vmem>>
      %dma_wait3A_966 = tpu.memref_squeeze %dma_wait3A_965 : memref<1x80x16xf32, #tpu.memory_space<vmem>> -> memref<80x16xf32, #tpu.memory_space<vmem>>
      %dma_wait3A_967 = tpu.memref_slice %arg6[%add3A_716] : memref<10000xi32, #tpu.memory_space<vmem>> -> memref<80xi32, #tpu.memory_space<vmem>>
      %dma_wait3A_968 = arith.constant 0 : i32
      %dma_wait3A_969 = arith.constant 0 : i32
      %dma_wait3A_970 = tpu.memref_slice %arg10[%dma_wait3A_968, %dma_wait3A_969] : memref<10240x16xf32, #tpu.memory_space<vmem_shared>> -> memref<10240x16xf32, #tpu.memory_space<vmem_shared>>
      tpu.wait_indirect_dma semaphore(%arg13 : memref<!tpu.dma_semaphore, #tpu.memory_space<semaphore_mem>>) src(%dma_wait3A_966 : memref<80x16xf32, #tpu.memory_space<vmem>>) dst(%dma_wait3A_970 : memref<10240x16xf32, #tpu.memory_space<vmem_shared>>)
      %dma_wait3A_971 = arith.constant 15 : i32
      %dma_wait3A_972 = arith.constant 0 : i32
      %dma_wait3A_973 = arith.constant 0 : i32
      %dma_wait3A_974 = tpu.memref_slice %arg7[%dma_wait3A_971, %dma_wait3A_972, %dma_wait3A_973] : memref<25x80x16xf32, #tpu.memory_space<vmem>> -> memref<1x80x16xf32, #tpu.memory_space<vmem>>
      %dma_wait3A_975 = tpu.memref_squeeze %dma_wait3A_974 : memref<1x80x16xf32, #tpu.memory_space<vmem>> -> memref<80x16xf32, #tpu.memory_space<vmem>>
      %dma_wait3A_976 = tpu.memref_slice %arg6[%add3A_727] : memref<10000xi32, #tpu.memory_space<vmem>> -> memref<80xi32, #tpu.memory_space<vmem>>
      %dma_wait3A_977 = arith.constant 0 : i32
      %dma_wait3A_978 = arith.constant 0 : i32
      %dma_wait3A_979 = tpu.memref_slice %arg10[%dma_wait3A_977, %dma_wait3A_978] : memref<10240x16xf32, #tpu.memory_space<vmem_shared>> -> memref<10240x16xf32, #tpu.memory_space<vmem_shared>>
      tpu.wait_indirect_dma semaphore(%arg13 : memref<!tpu.dma_semaphore, #tpu.memory_space<semaphore_mem>>) src(%dma_wait3A_975 : memref<80x16xf32, #tpu.memory_space<vmem>>) dst(%dma_wait3A_979 : memref<10240x16xf32, #tpu.memory_space<vmem_shared>>)
      %dma_wait3A_980 = arith.constant 16 : i32
      %dma_wait3A_981 = arith.constant 0 : i32
      %dma_wait3A_982 = arith.constant 0 : i32
      %dma_wait3A_983 = tpu.memref_slice %arg7[%dma_wait3A_980, %dma_wait3A_981, %dma_wait3A_982] : memref<25x80x16xf32, #tpu.memory_space<vmem>> -> memref<1x80x16xf32, #tpu.memory_space<vmem>>
      %dma_wait3A_984 = tpu.memref_squeeze %dma_wait3A_983 : memref<1x80x16xf32, #tpu.memory_space<vmem>> -> memref<80x16xf32, #tpu.memory_space<vmem>>
      %dma_wait3A_985 = tpu.memref_slice %arg6[%add3A_738] : memref<10000xi32, #tpu.memory_space<vmem>> -> memref<80xi32, #tpu.memory_space<vmem>>
      %dma_wait3A_986 = arith.constant 0 : i32
      %dma_wait3A_987 = arith.constant 0 : i32
      %dma_wait3A_988 = tpu.memref_slice %arg10[%dma_wait3A_986, %dma_wait3A_987] : memref<10240x16xf32, #tpu.memory_space<vmem_shared>> -> memref<10240x16xf32, #tpu.memory_space<vmem_shared>>
      tpu.wait_indirect_dma semaphore(%arg13 : memref<!tpu.dma_semaphore, #tpu.memory_space<semaphore_mem>>) src(%dma_wait3A_984 : memref<80x16xf32, #tpu.memory_space<vmem>>) dst(%dma_wait3A_988 : memref<10240x16xf32, #tpu.memory_space<vmem_shared>>)
      %dma_wait3A_989 = arith.constant 17 : i32
      %dma_wait3A_990 = arith.constant 0 : i32
      %dma_wait3A_991 = arith.constant 0 : i32
      %dma_wait3A_992 = tpu.memref_slice %arg7[%dma_wait3A_989, %dma_wait3A_990, %dma_wait3A_991] : memref<25x80x16xf32, #tpu.memory_space<vmem>> -> memref<1x80x16xf32, #tpu.memory_space<vmem>>
      %dma_wait3A_993 = tpu.memref_squeeze %dma_wait3A_992 : memref<1x80x16xf32, #tpu.memory_space<vmem>> -> memref<80x16xf32, #tpu.memory_space<vmem>>
      %dma_wait3A_994 = tpu.memref_slice %arg6[%add3A_749] : memref<10000xi32, #tpu.memory_space<vmem>> -> memref<80xi32, #tpu.memory_space<vmem>>
      %dma_wait3A_995 = arith.constant 0 : i32
      %dma_wait3A_996 = arith.constant 0 : i32
      %dma_wait3A_997 = tpu.memref_slice %arg10[%dma_wait3A_995, %dma_wait3A_996] : memref<10240x16xf32, #tpu.memory_space<vmem_shared>> -> memref<10240x16xf32, #tpu.memory_space<vmem_shared>>
      tpu.wait_indirect_dma semaphore(%arg13 : memref<!tpu.dma_semaphore, #tpu.memory_space<semaphore_mem>>) src(%dma_wait3A_993 : memref<80x16xf32, #tpu.memory_space<vmem>>) dst(%dma_wait3A_997 : memref<10240x16xf32, #tpu.memory_space<vmem_shared>>)
      %dma_wait3A_998 = arith.constant 18 : i32
      %dma_wait3A_999 = arith.constant 0 : i32
      %dma_wait3A_1000 = arith.constant 0 : i32
      %dma_wait3A_1001 = tpu.memref_slice %arg7[%dma_wait3A_998, %dma_wait3A_999, %dma_wait3A_1000] : memref<25x80x16xf32, #tpu.memory_space<vmem>> -> memref<1x80x16xf32, #tpu.memory_space<vmem>>
      %dma_wait3A_1002 = tpu.memref_squeeze %dma_wait3A_1001 : memref<1x80x16xf32, #tpu.memory_space<vmem>> -> memref<80x16xf32, #tpu.memory_space<vmem>>
      %dma_wait3A_1003 = tpu.memref_slice %arg6[%add3A_760] : memref<10000xi32, #tpu.memory_space<vmem>> -> memref<80xi32, #tpu.memory_space<vmem>>
      %dma_wait3A_1004 = arith.constant 0 : i32
      %dma_wait3A_1005 = arith.constant 0 : i32
      %dma_wait3A_1006 = tpu.memref_slice %arg10[%dma_wait3A_1004, %dma_wait3A_1005] : memref<10240x16xf32, #tpu.memory_space<vmem_shared>> -> memref<10240x16xf32, #tpu.memory_space<vmem_shared>>
      tpu.wait_indirect_dma semaphore(%arg13 : memref<!tpu.dma_semaphore, #tpu.memory_space<semaphore_mem>>) src(%dma_wait3A_1002 : memref<80x16xf32, #tpu.memory_space<vmem>>) dst(%dma_wait3A_1006 : memref<10240x16xf32, #tpu.memory_space<vmem_shared>>)
      %dma_wait3A_1007 = arith.constant 19 : i32
      %dma_wait3A_1008 = arith.constant 0 : i32
      %dma_wait3A_1009 = arith.constant 0 : i32
      %dma_wait3A_1010 = tpu.memref_slice %arg7[%dma_wait3A_1007, %dma_wait3A_1008, %dma_wait3A_1009] : memref<25x80x16xf32, #tpu.memory_space<vmem>> -> memref<1x80x16xf32, #tpu.memory_space<vmem>>
      %dma_wait3A_1011 = tpu.memref_squeeze %dma_wait3A_1010 : memref<1x80x16xf32, #tpu.memory_space<vmem>> -> memref<80x16xf32, #tpu.memory_space<vmem>>
      %dma_wait3A_1012 = tpu.memref_slice %arg6[%add3A_771] : memref<10000xi32, #tpu.memory_space<vmem>> -> memref<80xi32, #tpu.memory_space<vmem>>
      %dma_wait3A_1013 = arith.constant 0 : i32
      %dma_wait3A_1014 = arith.constant 0 : i32
      %dma_wait3A_1015 = tpu.memref_slice %arg10[%dma_wait3A_1013, %dma_wait3A_1014] : memref<10240x16xf32, #tpu.memory_space<vmem_shared>> -> memref<10240x16xf32, #tpu.memory_space<vmem_shared>>
      tpu.wait_indirect_dma semaphore(%arg13 : memref<!tpu.dma_semaphore, #tpu.memory_space<semaphore_mem>>) src(%dma_wait3A_1011 : memref<80x16xf32, #tpu.memory_space<vmem>>) dst(%dma_wait3A_1015 : memref<10240x16xf32, #tpu.memory_space<vmem_shared>>)
      %dma_wait3A_1016 = arith.constant 20 : i32
      %dma_wait3A_1017 = arith.constant 0 : i32
      %dma_wait3A_1018 = arith.constant 0 : i32
      %dma_wait3A_1019 = tpu.memref_slice %arg7[%dma_wait3A_1016, %dma_wait3A_1017, %dma_wait3A_1018] : memref<25x80x16xf32, #tpu.memory_space<vmem>> -> memref<1x80x16xf32, #tpu.memory_space<vmem>>
      %dma_wait3A_1020 = tpu.memref_squeeze %dma_wait3A_1019 : memref<1x80x16xf32, #tpu.memory_space<vmem>> -> memref<80x16xf32, #tpu.memory_space<vmem>>
      %dma_wait3A_1021 = tpu.memref_slice %arg6[%add3A_782] : memref<10000xi32, #tpu.memory_space<vmem>> -> memref<80xi32, #tpu.memory_space<vmem>>
      %dma_wait3A_1022 = arith.constant 0 : i32
      %dma_wait3A_1023 = arith.constant 0 : i32
      %dma_wait3A_1024 = tpu.memref_slice %arg10[%dma_wait3A_1022, %dma_wait3A_1023] : memref<10240x16xf32, #tpu.memory_space<vmem_shared>> -> memref<10240x16xf32, #tpu.memory_space<vmem_shared>>
      tpu.wait_indirect_dma semaphore(%arg13 : memref<!tpu.dma_semaphore, #tpu.memory_space<semaphore_mem>>) src(%dma_wait3A_1020 : memref<80x16xf32, #tpu.memory_space<vmem>>) dst(%dma_wait3A_1024 : memref<10240x16xf32, #tpu.memory_space<vmem_shared>>)
      %dma_wait3A_1025 = arith.constant 21 : i32
      %dma_wait3A_1026 = arith.constant 0 : i32
      %dma_wait3A_1027 = arith.constant 0 : i32
      %dma_wait3A_1028 = tpu.memref_slice %arg7[%dma_wait3A_1025, %dma_wait3A_1026, %dma_wait3A_1027] : memref<25x80x16xf32, #tpu.memory_space<vmem>> -> memref<1x80x16xf32, #tpu.memory_space<vmem>>
      %dma_wait3A_1029 = tpu.memref_squeeze %dma_wait3A_1028 : memref<1x80x16xf32, #tpu.memory_space<vmem>> -> memref<80x16xf32, #tpu.memory_space<vmem>>
      %dma_wait3A_1030 = tpu.memref_slice %arg6[%add3A_793] : memref<10000xi32, #tpu.memory_space<vmem>> -> memref<80xi32, #tpu.memory_space<vmem>>
      %dma_wait3A_1031 = arith.constant 0 : i32
      %dma_wait3A_1032 = arith.constant 0 : i32
      %dma_wait3A_1033 = tpu.memref_slice %arg10[%dma_wait3A_1031, %dma_wait3A_1032] : memref<10240x16xf32, #tpu.memory_space<vmem_shared>> -> memref<10240x16xf32, #tpu.memory_space<vmem_shared>>
      tpu.wait_indirect_dma semaphore(%arg13 : memref<!tpu.dma_semaphore, #tpu.memory_space<semaphore_mem>>) src(%dma_wait3A_1029 : memref<80x16xf32, #tpu.memory_space<vmem>>) dst(%dma_wait3A_1033 : memref<10240x16xf32, #tpu.memory_space<vmem_shared>>)
      %dma_wait3A_1034 = arith.constant 22 : i32
      %dma_wait3A_1035 = arith.constant 0 : i32
      %dma_wait3A_1036 = arith.constant 0 : i32
      %dma_wait3A_1037 = tpu.memref_slice %arg7[%dma_wait3A_1034, %dma_wait3A_1035, %dma_wait3A_1036] : memref<25x80x16xf32, #tpu.memory_space<vmem>> -> memref<1x80x16xf32, #tpu.memory_space<vmem>>
      %dma_wait3A_1038 = tpu.memref_squeeze %dma_wait3A_1037 : memref<1x80x16xf32, #tpu.memory_space<vmem>> -> memref<80x16xf32, #tpu.memory_space<vmem>>
      %dma_wait3A_1039 = tpu.memref_slice %arg6[%add3A_804] : memref<10000xi32, #tpu.memory_space<vmem>> -> memref<80xi32, #tpu.memory_space<vmem>>
      %dma_wait3A_1040 = arith.constant 0 : i32
      %dma_wait3A_1041 = arith.constant 0 : i32
      %dma_wait3A_1042 = tpu.memref_slice %arg10[%dma_wait3A_1040, %dma_wait3A_1041] : memref<10240x16xf32, #tpu.memory_space<vmem_shared>> -> memref<10240x16xf32, #tpu.memory_space<vmem_shared>>
      tpu.wait_indirect_dma semaphore(%arg13 : memref<!tpu.dma_semaphore, #tpu.memory_space<semaphore_mem>>) src(%dma_wait3A_1038 : memref<80x16xf32, #tpu.memory_space<vmem>>) dst(%dma_wait3A_1042 : memref<10240x16xf32, #tpu.memory_space<vmem_shared>>)
      %dma_wait3A_1043 = arith.constant 23 : i32
      %dma_wait3A_1044 = arith.constant 0 : i32
      %dma_wait3A_1045 = arith.constant 0 : i32
      %dma_wait3A_1046 = tpu.memref_slice %arg7[%dma_wait3A_1043, %dma_wait3A_1044, %dma_wait3A_1045] : memref<25x80x16xf32, #tpu.memory_space<vmem>> -> memref<1x80x16xf32, #tpu.memory_space<vmem>>
      %dma_wait3A_1047 = tpu.memref_squeeze %dma_wait3A_1046 : memref<1x80x16xf32, #tpu.memory_space<vmem>> -> memref<80x16xf32, #tpu.memory_space<vmem>>
      %dma_wait3A_1048 = tpu.memref_slice %arg6[%add3A_815] : memref<10000xi32, #tpu.memory_space<vmem>> -> memref<80xi32, #tpu.memory_space<vmem>>
      %dma_wait3A_1049 = arith.constant 0 : i32
      %dma_wait3A_1050 = arith.constant 0 : i32
      %dma_wait3A_1051 = tpu.memref_slice %arg10[%dma_wait3A_1049, %dma_wait3A_1050] : memref<10240x16xf32, #tpu.memory_space<vmem_shared>> -> memref<10240x16xf32, #tpu.memory_space<vmem_shared>>
      tpu.wait_indirect_dma semaphore(%arg13 : memref<!tpu.dma_semaphore, #tpu.memory_space<semaphore_mem>>) src(%dma_wait3A_1047 : memref<80x16xf32, #tpu.memory_space<vmem>>) dst(%dma_wait3A_1051 : memref<10240x16xf32, #tpu.memory_space<vmem_shared>>)
      %dma_wait3A_1052 = arith.constant 24 : i32
      %dma_wait3A_1053 = arith.constant 0 : i32
      %dma_wait3A_1054 = arith.constant 0 : i32
      %dma_wait3A_1055 = tpu.memref_slice %arg7[%dma_wait3A_1052, %dma_wait3A_1053, %dma_wait3A_1054] : memref<25x80x16xf32, #tpu.memory_space<vmem>> -> memref<1x80x16xf32, #tpu.memory_space<vmem>>
      %dma_wait3A_1056 = tpu.memref_squeeze %dma_wait3A_1055 : memref<1x80x16xf32, #tpu.memory_space<vmem>> -> memref<80x16xf32, #tpu.memory_space<vmem>>
      %dma_wait3A_1057 = tpu.memref_slice %arg6[%add3A_826] : memref<10000xi32, #tpu.memory_space<vmem>> -> memref<80xi32, #tpu.memory_space<vmem>>
      %dma_wait3A_1058 = arith.constant 0 : i32
      %dma_wait3A_1059 = arith.constant 0 : i32
      %dma_wait3A_1060 = tpu.memref_slice %arg10[%dma_wait3A_1058, %dma_wait3A_1059] : memref<10240x16xf32, #tpu.memory_space<vmem_shared>> -> memref<10240x16xf32, #tpu.memory_space<vmem_shared>>
      tpu.wait_indirect_dma semaphore(%arg13 : memref<!tpu.dma_semaphore, #tpu.memory_space<semaphore_mem>>) src(%dma_wait3A_1056 : memref<80x16xf32, #tpu.memory_space<vmem>>) dst(%dma_wait3A_1060 : memref<10240x16xf32, #tpu.memory_space<vmem_shared>>)
    }
    %scan3A_46 = arith.constant 5 : i32
    %barrier3A_47 = arith.constant 0 : index
    tpu.barrier barrier_id(%barrier3A_47)
    %mul3A_48 = arith.constant 640 : i32
    %mul3A_49 = arith.muli %arg1, %mul3A_48 : i32
    %mul3A_50 = arith.constant 640 : i32
    %mul3A_51 = arith.muli %arg1, %mul3A_50 : i32
    "tpu.region"() ({
      %run_scoped3A = tpu.sem_alloc : memref<!tpu.dma_semaphore, #tpu.memory_space<semaphore_mem>>
      %dma_start3A_52 = arith.constant 0 : i32
      %dma_start3A_53 = tpu.memref_slice %arg4[%arg0, %mul3A_51, %dma_start3A_52] : memref<2x10240x16xf32, #tpu.memory_space<hbm>> -> memref<1x640x16xf32, #tpu.memory_space<hbm>>
      %dma_start3A_54 = tpu.memref_squeeze %dma_start3A_53 : memref<1x640x16xf32, #tpu.memory_space<hbm>> -> memref<640x16xf32, #tpu.memory_space<hbm>>
      %dma_start3A_55 = arith.constant 0 : i32
      %dma_start3A_56 = tpu.memref_slice %arg10[%mul3A_49, %dma_start3A_55] : memref<10240x16xf32, #tpu.memory_space<vmem_shared>> -> memref<640x16xf32, #tpu.memory_space<vmem_shared>>
      tpu.enqueue_dma source(%dma_start3A_56 : memref<640x16xf32, #tpu.memory_space<vmem_shared>>) target(%dma_start3A_54 : memref<640x16xf32, #tpu.memory_space<hbm>>) target_semaphore(%run_scoped3A : memref<!tpu.dma_semaphore, #tpu.memory_space<semaphore_mem>>)
      %dma_wait3A_57 = arith.constant 0 : i32
      %dma_wait3A_58 = tpu.memref_slice %arg4[%arg0, %mul3A_51, %dma_wait3A_57] : memref<2x10240x16xf32, #tpu.memory_space<hbm>> -> memref<1x640x16xf32, #tpu.memory_space<hbm>>
      %dma_wait3A_59 = tpu.memref_squeeze %dma_wait3A_58 : memref<1x640x16xf32, #tpu.memory_space<hbm>> -> memref<640x16xf32, #tpu.memory_space<hbm>>
      %dma_wait3A_60 = arith.constant 0 : i32
      %dma_wait3A_61 = tpu.memref_slice %arg10[%mul3A_49, %dma_wait3A_60] : memref<10240x16xf32, #tpu.memory_space<vmem_shared>> -> memref<640x16xf32, #tpu.memory_space<vmem_shared>>
      tpu.wait_dma2 semaphore(%run_scoped3A : memref<!tpu.dma_semaphore, #tpu.memory_space<semaphore_mem>>) src(%dma_wait3A_61 : memref<640x16xf32, #tpu.memory_space<vmem_shared>>) dst(%dma_wait3A_59 : memref<640x16xf32, #tpu.memory_space<hbm>>)
      tpu.yield
    }) : () -> ()
    return
  }
}

#map = affine_map<(d0, d1) -> (0, 0, 0)>
#map1 = affine_map<(d0, d1) -> (0)>
#map2 = affine_map<(d0, d1) -> (0, 0)>
module attributes {stable_mosaic.version = 14 : i64} {
  func.func @_sc_pass2(%arg0: i32, %arg1: i32, %arg2: memref<2x10240x16xf32, #tpu.memory_space<hbm>>, %arg3: memref<10000xi32, #tpu.memory_space<hbm>>, %arg4: memref<2x320000xi32, #tpu.memory_space<hbm>>, %arg5: memref<10x16xf32, #tpu.memory_space<hbm>>, %arg6: memref<16x128xf32, #tpu.memory_space<hbm>>, %arg7: memref<640x16xf32, #tpu.memory_space<vmem>>, %arg8: memref<640x16xf32, #tpu.memory_space<vmem>>, %arg9: memref<10x16xf32, #tpu.memory_space<vmem>>, %arg10: memref<640xf32, #tpu.memory_space<vmem>>, %arg11: memref<10240xf32, #tpu.memory_space<vmem>>, %arg12: memref<10000xi32, #tpu.memory_space<vmem>>, %arg13: memref<10000xi32, #tpu.memory_space<vmem>>, %arg14: memref<10000xi32, #tpu.memory_space<vmem>>, %arg15: memref<1024xf32, #tpu.memory_space<vmem>>, %arg16: memref<64xf32, #tpu.memory_space<vmem>>, %arg17: memref<10240xf32, #tpu.memory_space<vmem_shared>>, %arg18: memref<!tpu.dma_semaphore, #tpu.memory_space<semaphore_mem>>) attributes {dimension_semantics = [#tpu.dimension_semantics<core_parallel>, #tpu.dimension_semantics<subcore_parallel>], iteration_bounds = array<i64: 2, 16>, scalar_prefetch = 0 : i64, scratch_operands = 12 : i64, tpu.core_type = #tpu.core_type<sc_vector_subcore>, window_params = [{transform_indices = #map}, {transform_indices = #map1}, {transform_indices = #map2}, {transform_indices = #map2}, {transform_indices = #map2}]} {
    %mul3A = arith.constant 2 : i32
    %mul3A_0 = arith.muli %arg1, %mul3A : i32
    %add3A = arith.addi %mul3A_0, %arg0 : i32
    %mul3A_1 = arith.constant 10000 : i32
    %mul3A_2 = arith.muli %add3A, %mul3A_1 : i32
    %mul3A_3 = arith.constant 640 : i32
    %mul3A_4 = arith.muli %arg1, %mul3A_3 : i32
    %dma_start3A = arith.constant 0 : i32
    %dma_start3A_5 = arith.constant 0 : i32
    %dma_start3A_6 = tpu.memref_slice %arg2[%dma_start3A, %mul3A_4, %dma_start3A_5] : memref<2x10240x16xf32, #tpu.memory_space<hbm>> -> memref<1x640x16xf32, #tpu.memory_space<hbm>>
    %dma_start3A_7 = tpu.memref_squeeze %dma_start3A_6 : memref<1x640x16xf32, #tpu.memory_space<hbm>> -> memref<640x16xf32, #tpu.memory_space<hbm>>
    %dma_start3A_8 = arith.constant 0 : i32
    %dma_start3A_9 = tpu.memref_slice %arg2[%dma_start3A, %mul3A_4, %dma_start3A_8] : memref<2x10240x16xf32, #tpu.memory_space<hbm>> -> memref<1x640x16xf32, #tpu.memory_space<hbm>>
    %dma_start3A_10 = tpu.memref_squeeze %dma_start3A_9 : memref<1x640x16xf32, #tpu.memory_space<hbm>> -> memref<640x16xf32, #tpu.memory_space<hbm>>
    tpu.enqueue_dma source(%dma_start3A_10 : memref<640x16xf32, #tpu.memory_space<hbm>>) target(%arg7 : memref<640x16xf32, #tpu.memory_space<vmem>>) target_semaphore(%arg18 : memref<!tpu.dma_semaphore, #tpu.memory_space<semaphore_mem>>)
    %dma_start3A_11 = arith.constant 1 : i32
    %dma_start3A_12 = arith.constant 0 : i32
    %dma_start3A_13 = tpu.memref_slice %arg2[%dma_start3A_11, %mul3A_4, %dma_start3A_12] : memref<2x10240x16xf32, #tpu.memory_space<hbm>> -> memref<1x640x16xf32, #tpu.memory_space<hbm>>
    %dma_start3A_14 = tpu.memref_squeeze %dma_start3A_13 : memref<1x640x16xf32, #tpu.memory_space<hbm>> -> memref<640x16xf32, #tpu.memory_space<hbm>>
    %dma_start3A_15 = arith.constant 0 : i32
    %dma_start3A_16 = tpu.memref_slice %arg2[%dma_start3A_11, %mul3A_4, %dma_start3A_15] : memref<2x10240x16xf32, #tpu.memory_space<hbm>> -> memref<1x640x16xf32, #tpu.memory_space<hbm>>
    %dma_start3A_17 = tpu.memref_squeeze %dma_start3A_16 : memref<1x640x16xf32, #tpu.memory_space<hbm>> -> memref<640x16xf32, #tpu.memory_space<hbm>>
    tpu.enqueue_dma source(%dma_start3A_17 : memref<640x16xf32, #tpu.memory_space<hbm>>) target(%arg8 : memref<640x16xf32, #tpu.memory_space<vmem>>) target_semaphore(%arg18 : memref<!tpu.dma_semaphore, #tpu.memory_space<semaphore_mem>>)
    tpu.enqueue_dma source(%arg5 : memref<10x16xf32, #tpu.memory_space<hbm>>) target(%arg9 : memref<10x16xf32, #tpu.memory_space<vmem>>) target_semaphore(%arg18 : memref<!tpu.dma_semaphore, #tpu.memory_space<semaphore_mem>>)
    tpu.enqueue_dma source(%arg3 : memref<10000xi32, #tpu.memory_space<hbm>>) target(%arg12 : memref<10000xi32, #tpu.memory_space<vmem>>) target_semaphore(%arg18 : memref<!tpu.dma_semaphore, #tpu.memory_space<semaphore_mem>>)
    %dma_start3A_18 = arith.constant 0 : i32
    %dma_start3A_19 = tpu.memref_slice %arg4[%dma_start3A_18, %mul3A_2] : memref<2x320000xi32, #tpu.memory_space<hbm>> -> memref<1x10000xi32, #tpu.memory_space<hbm>>
    %dma_start3A_20 = tpu.memref_squeeze %dma_start3A_19 : memref<1x10000xi32, #tpu.memory_space<hbm>> -> memref<10000xi32, #tpu.memory_space<hbm>>
    %dma_start3A_21 = tpu.memref_slice %arg4[%dma_start3A_18, %mul3A_2] : memref<2x320000xi32, #tpu.memory_space<hbm>> -> memref<1x10000xi32, #tpu.memory_space<hbm>>
    %dma_start3A_22 = tpu.memref_squeeze %dma_start3A_21 : memref<1x10000xi32, #tpu.memory_space<hbm>> -> memref<10000xi32, #tpu.memory_space<hbm>>
    tpu.enqueue_dma source(%dma_start3A_22 : memref<10000xi32, #tpu.memory_space<hbm>>) target(%arg13 : memref<10000xi32, #tpu.memory_space<vmem>>) target_semaphore(%arg18 : memref<!tpu.dma_semaphore, #tpu.memory_space<semaphore_mem>>)
    %dma_start3A_23 = arith.constant 1 : i32
    %dma_start3A_24 = tpu.memref_slice %arg4[%dma_start3A_23, %mul3A_2] : memref<2x320000xi32, #tpu.memory_space<hbm>> -> memref<1x10000xi32, #tpu.memory_space<hbm>>
    %dma_start3A_25 = tpu.memref_squeeze %dma_start3A_24 : memref<1x10000xi32, #tpu.memory_space<hbm>> -> memref<10000xi32, #tpu.memory_space<hbm>>
    %dma_start3A_26 = tpu.memref_slice %arg4[%dma_start3A_23, %mul3A_2] : memref<2x320000xi32, #tpu.memory_space<hbm>> -> memref<1x10000xi32, #tpu.memory_space<hbm>>
    %dma_start3A_27 = tpu.memref_squeeze %dma_start3A_26 : memref<1x10000xi32, #tpu.memory_space<hbm>> -> memref<10000xi32, #tpu.memory_space<hbm>>
    tpu.enqueue_dma source(%dma_start3A_27 : memref<10000xi32, #tpu.memory_space<hbm>>) target(%arg14 : memref<10000xi32, #tpu.memory_space<vmem>>) target_semaphore(%arg18 : memref<!tpu.dma_semaphore, #tpu.memory_space<semaphore_mem>>)
    %scan3A = arith.constant 0 : i32
    %scan3A_28 = arith.constant 64 : i32
    %scan3A_29 = arith.addi %scan3A, %scan3A_28 : i32
    %scan3A_30 = arith.constant 1 : i32
    scf.for %scan3A_102 = %scan3A to %scan3A_29 step %scan3A_30  : i32 {
      %mul3A_103 = arith.constant 1 : i32
      %mul3A_104 = arith.muli %scan3A_102, %mul3A_103 : i32
      %add3A_105 = arith.constant 0 : i32
      %add3A_106 = arith.addi %add3A_105, %mul3A_104 : i32
      %broadcast_in_dim3A = arith.constant 0.000000e+00 : f32
      %broadcast_in_dim3A_107 = vector.broadcast %broadcast_in_dim3A : f32 to vector<16xf32>
      %mul3A_108 = arith.constant 16 : i32
      %mul3A_109 = arith.muli %add3A_106, %mul3A_108 : i32
      %swap3A = arith.index_cast %mul3A_109 : i32 to index
      %swap3A_110 = tpu.vector_load %arg15[%swap3A] {strides = array<i32>} : memref<1024xf32, #tpu.memory_space<vmem>>, vector<16xf32>,
      tpu.vector_store %arg15[%swap3A], %broadcast_in_dim3A_107 {strides = array<i32>} : memref<1024xf32, #tpu.memory_space<vmem>>, vector<16xf32>,
    }
    %scan3A_31 = arith.constant 64 : i32
    %dma_wait3A = arith.constant 0 : i32
    %dma_wait3A_32 = arith.constant 0 : i32
    %dma_wait3A_33 = tpu.memref_slice %arg2[%dma_wait3A, %mul3A_4, %dma_wait3A_32] : memref<2x10240x16xf32, #tpu.memory_space<hbm>> -> memref<1x640x16xf32, #tpu.memory_space<hbm>>
    %dma_wait3A_34 = tpu.memref_squeeze %dma_wait3A_33 : memref<1x640x16xf32, #tpu.memory_space<hbm>> -> memref<640x16xf32, #tpu.memory_space<hbm>>
    %dma_wait3A_35 = arith.constant 0 : i32
    %dma_wait3A_36 = tpu.memref_slice %arg2[%dma_wait3A, %mul3A_4, %dma_wait3A_35] : memref<2x10240x16xf32, #tpu.memory_space<hbm>> -> memref<1x640x16xf32, #tpu.memory_space<hbm>>
    %dma_wait3A_37 = tpu.memref_squeeze %dma_wait3A_36 : memref<1x640x16xf32, #tpu.memory_space<hbm>> -> memref<640x16xf32, #tpu.memory_space<hbm>>
    tpu.wait_dma2 semaphore(%arg18 : memref<!tpu.dma_semaphore, #tpu.memory_space<semaphore_mem>>) src(%dma_wait3A_37 : memref<640x16xf32, #tpu.memory_space<hbm>>) dst(%arg7 : memref<640x16xf32, #tpu.memory_space<vmem>>)
    %dma_wait3A_38 = arith.constant 1 : i32
    %dma_wait3A_39 = arith.constant 0 : i32
    %dma_wait3A_40 = tpu.memref_slice %arg2[%dma_wait3A_38, %mul3A_4, %dma_wait3A_39] : memref<2x10240x16xf32, #tpu.memory_space<hbm>> -> memref<1x640x16xf32, #tpu.memory_space<hbm>>
    %dma_wait3A_41 = tpu.memref_squeeze %dma_wait3A_40 : memref<1x640x16xf32, #tpu.memory_space<hbm>> -> memref<640x16xf32, #tpu.memory_space<hbm>>
    %dma_wait3A_42 = arith.constant 0 : i32
    %dma_wait3A_43 = tpu.memref_slice %arg2[%dma_wait3A_38, %mul3A_4, %dma_wait3A_42] : memref<2x10240x16xf32, #tpu.memory_space<hbm>> -> memref<1x640x16xf32, #tpu.memory_space<hbm>>
    %dma_wait3A_44 = tpu.memref_squeeze %dma_wait3A_43 : memref<1x640x16xf32, #tpu.memory_space<hbm>> -> memref<640x16xf32, #tpu.memory_space<hbm>>
    tpu.wait_dma2 semaphore(%arg18 : memref<!tpu.dma_semaphore, #tpu.memory_space<semaphore_mem>>) src(%dma_wait3A_44 : memref<640x16xf32, #tpu.memory_space<hbm>>) dst(%arg8 : memref<640x16xf32, #tpu.memory_space<vmem>>)
    tpu.wait_dma2 semaphore(%arg18 : memref<!tpu.dma_semaphore, #tpu.memory_space<semaphore_mem>>) src(%arg5 : memref<10x16xf32, #tpu.memory_space<hbm>>) dst(%arg9 : memref<10x16xf32, #tpu.memory_space<vmem>>)
    %iota3A = tpu.iota {dimensions = array<i32: 0>} : vector<16xi32>
    %scan3A_45 = arith.constant 0 : i32
    %scan3A_46 = arith.constant 40 : i32
    %scan3A_47 = arith.addi %scan3A_45, %scan3A_46 : i32
    %scan3A_48 = arith.constant 1 : i32
    scf.for %scan3A_102 = %scan3A_45 to %scan3A_47 step %scan3A_48  : i32 {
      %mul3A_103 = arith.constant 1 : i32
      %mul3A_104 = arith.muli %scan3A_102, %mul3A_103 : i32
      %add3A_105 = arith.constant 0 : i32
      %add3A_106 = arith.addi %add3A_105, %mul3A_104 : i32
      %mul3A_107 = arith.constant 16 : i32
      %mul3A_108 = arith.muli %add3A_106, %mul3A_107 : i32
      %add3A_109 = vector.broadcast %mul3A_108 : i32 to vector<16xi32>
      %add3A_110 = arith.addi %iota3A, %add3A_109 : vector<16xi32>
      %broadcast_in_dim3A = arith.constant 0.000000e+00 : f32
      %broadcast_in_dim3A_111 = vector.broadcast %broadcast_in_dim3A : f32 to vector<16xf32>
      %broadcast_in_dim3A_112 = arith.constant 0 : i32
      %broadcast_in_dim3A_113 = vector.broadcast %broadcast_in_dim3A_112 : i32 to vector<16xi32>
      %gather3A = tpu.vector_load_idx %arg7[%add3A_110, %broadcast_in_dim3A_113] : memref<640x16xf32, #tpu.memory_space<vmem>>[vector<16xi32>, vector<16xi32>], vector<16xf32>,
      %gather3A_114 = tpu.vector_load_idx %arg8[%add3A_110, %broadcast_in_dim3A_113] : memref<640x16xf32, #tpu.memory_space<vmem>>[vector<16xi32>, vector<16xi32>], vector<16xf32>,
      %add3A_115 = arith.addf %gather3A, %gather3A_114 : vector<16xf32>
      %max3A = arith.constant 0.000000e+00 : f32
      %max3A_116 = vector.broadcast %max3A : f32 to vector<16xf32>
      %max3A_117 = arith.maximumf %add3A_115, %max3A_116 : vector<16xf32>
      %get3A = arith.constant 0 : i32
      %get3A_118 = arith.index_cast %get3A : i32 to index
      %get3A_119 = arith.constant 0 : index
      %get3A_120 = tpu.vector_load %arg9[%get3A_118, %get3A_119] {strides = array<i32>} : memref<10x16xf32, #tpu.memory_space<vmem>>, vector<16xf32>,
      %mul3A_121 = arith.mulf %max3A_117, %get3A_120 : vector<16xf32>
      %add3A_122 = arith.addf %broadcast_in_dim3A_111, %mul3A_121 : vector<16xf32>
      %broadcast_in_dim3A_123 = arith.constant 1 : i32
      %broadcast_in_dim3A_124 = vector.broadcast %broadcast_in_dim3A_123 : i32 to vector<16xi32>
      %gather3A_125 = tpu.vector_load_idx %arg7[%add3A_110, %broadcast_in_dim3A_124] : memref<640x16xf32, #tpu.memory_space<vmem>>[vector<16xi32>, vector<16xi32>], vector<16xf32>,
      %gather3A_126 = tpu.vector_load_idx %arg8[%add3A_110, %broadcast_in_dim3A_124] : memref<640x16xf32, #tpu.memory_space<vmem>>[vector<16xi32>, vector<16xi32>], vector<16xf32>,
      %add3A_127 = arith.addf %gather3A_125, %gather3A_126 : vector<16xf32>
      %max3A_128 = arith.constant 0.000000e+00 : f32
      %max3A_129 = vector.broadcast %max3A_128 : f32 to vector<16xf32>
      %max3A_130 = arith.maximumf %add3A_127, %max3A_129 : vector<16xf32>
      %get3A_131 = arith.constant 1 : i32
      %get3A_132 = arith.index_cast %get3A_131 : i32 to index
      %get3A_133 = arith.constant 0 : index
      %get3A_134 = tpu.vector_load %arg9[%get3A_132, %get3A_133] {strides = array<i32>} : memref<10x16xf32, #tpu.memory_space<vmem>>, vector<16xf32>,
      %mul3A_135 = arith.mulf %max3A_130, %get3A_134 : vector<16xf32>
      %add3A_136 = arith.addf %add3A_122, %mul3A_135 : vector<16xf32>
      %broadcast_in_dim3A_137 = arith.constant 2 : i32
      %broadcast_in_dim3A_138 = vector.broadcast %broadcast_in_dim3A_137 : i32 to vector<16xi32>
      %gather3A_139 = tpu.vector_load_idx %arg7[%add3A_110, %broadcast_in_dim3A_138] : memref<640x16xf32, #tpu.memory_space<vmem>>[vector<16xi32>, vector<16xi32>], vector<16xf32>,
      %gather3A_140 = tpu.vector_load_idx %arg8[%add3A_110, %broadcast_in_dim3A_138] : memref<640x16xf32, #tpu.memory_space<vmem>>[vector<16xi32>, vector<16xi32>], vector<16xf32>,
      %add3A_141 = arith.addf %gather3A_139, %gather3A_140 : vector<16xf32>
      %max3A_142 = arith.constant 0.000000e+00 : f32
      %max3A_143 = vector.broadcast %max3A_142 : f32 to vector<16xf32>
      %max3A_144 = arith.maximumf %add3A_141, %max3A_143 : vector<16xf32>
      %get3A_145 = arith.constant 2 : i32
      %get3A_146 = arith.index_cast %get3A_145 : i32 to index
      %get3A_147 = arith.constant 0 : index
      %get3A_148 = tpu.vector_load %arg9[%get3A_146, %get3A_147] {strides = array<i32>} : memref<10x16xf32, #tpu.memory_space<vmem>>, vector<16xf32>,
      %mul3A_149 = arith.mulf %max3A_144, %get3A_148 : vector<16xf32>
      %add3A_150 = arith.addf %add3A_136, %mul3A_149 : vector<16xf32>
      %broadcast_in_dim3A_151 = arith.constant 3 : i32
      %broadcast_in_dim3A_152 = vector.broadcast %broadcast_in_dim3A_151 : i32 to vector<16xi32>
      %gather3A_153 = tpu.vector_load_idx %arg7[%add3A_110, %broadcast_in_dim3A_152] : memref<640x16xf32, #tpu.memory_space<vmem>>[vector<16xi32>, vector<16xi32>], vector<16xf32>,
      %gather3A_154 = tpu.vector_load_idx %arg8[%add3A_110, %broadcast_in_dim3A_152] : memref<640x16xf32, #tpu.memory_space<vmem>>[vector<16xi32>, vector<16xi32>], vector<16xf32>,
      %add3A_155 = arith.addf %gather3A_153, %gather3A_154 : vector<16xf32>
      %max3A_156 = arith.constant 0.000000e+00 : f32
      %max3A_157 = vector.broadcast %max3A_156 : f32 to vector<16xf32>
      %max3A_158 = arith.maximumf %add3A_155, %max3A_157 : vector<16xf32>
      %get3A_159 = arith.constant 3 : i32
      %get3A_160 = arith.index_cast %get3A_159 : i32 to index
      %get3A_161 = arith.constant 0 : index
      %get3A_162 = tpu.vector_load %arg9[%get3A_160, %get3A_161] {strides = array<i32>} : memref<10x16xf32, #tpu.memory_space<vmem>>, vector<16xf32>,
      %mul3A_163 = arith.mulf %max3A_158, %get3A_162 : vector<16xf32>
      %add3A_164 = arith.addf %add3A_150, %mul3A_163 : vector<16xf32>
      %broadcast_in_dim3A_165 = arith.constant 4 : i32
      %broadcast_in_dim3A_166 = vector.broadcast %broadcast_in_dim3A_165 : i32 to vector<16xi32>
      %gather3A_167 = tpu.vector_load_idx %arg7[%add3A_110, %broadcast_in_dim3A_166] : memref<640x16xf32, #tpu.memory_space<vmem>>[vector<16xi32>, vector<16xi32>], vector<16xf32>,
      %gather3A_168 = tpu.vector_load_idx %arg8[%add3A_110, %broadcast_in_dim3A_166] : memref<640x16xf32, #tpu.memory_space<vmem>>[vector<16xi32>, vector<16xi32>], vector<16xf32>,
      %add3A_169 = arith.addf %gather3A_167, %gather3A_168 : vector<16xf32>
      %max3A_170 = arith.constant 0.000000e+00 : f32
      %max3A_171 = vector.broadcast %max3A_170 : f32 to vector<16xf32>
      %max3A_172 = arith.maximumf %add3A_169, %max3A_171 : vector<16xf32>
      %get3A_173 = arith.constant 4 : i32
      %get3A_174 = arith.index_cast %get3A_173 : i32 to index
      %get3A_175 = arith.constant 0 : index
      %get3A_176 = tpu.vector_load %arg9[%get3A_174, %get3A_175] {strides = array<i32>} : memref<10x16xf32, #tpu.memory_space<vmem>>, vector<16xf32>,
      %mul3A_177 = arith.mulf %max3A_172, %get3A_176 : vector<16xf32>
      %add3A_178 = arith.addf %add3A_164, %mul3A_177 : vector<16xf32>
      %broadcast_in_dim3A_179 = arith.constant 5 : i32
      %broadcast_in_dim3A_180 = vector.broadcast %broadcast_in_dim3A_179 : i32 to vector<16xi32>
      %gather3A_181 = tpu.vector_load_idx %arg7[%add3A_110, %broadcast_in_dim3A_180] : memref<640x16xf32, #tpu.memory_space<vmem>>[vector<16xi32>, vector<16xi32>], vector<16xf32>,
      %gather3A_182 = tpu.vector_load_idx %arg8[%add3A_110, %broadcast_in_dim3A_180] : memref<640x16xf32, #tpu.memory_space<vmem>>[vector<16xi32>, vector<16xi32>], vector<16xf32>,
      %add3A_183 = arith.addf %gather3A_181, %gather3A_182 : vector<16xf32>
      %max3A_184 = arith.constant 0.000000e+00 : f32
      %max3A_185 = vector.broadcast %max3A_184 : f32 to vector<16xf32>
      %max3A_186 = arith.maximumf %add3A_183, %max3A_185 : vector<16xf32>
      %get3A_187 = arith.constant 5 : i32
      %get3A_188 = arith.index_cast %get3A_187 : i32 to index
      %get3A_189 = arith.constant 0 : index
      %get3A_190 = tpu.vector_load %arg9[%get3A_188, %get3A_189] {strides = array<i32>} : memref<10x16xf32, #tpu.memory_space<vmem>>, vector<16xf32>,
      %mul3A_191 = arith.mulf %max3A_186, %get3A_190 : vector<16xf32>
      %add3A_192 = arith.addf %add3A_178, %mul3A_191 : vector<16xf32>
      %broadcast_in_dim3A_193 = arith.constant 6 : i32
      %broadcast_in_dim3A_194 = vector.broadcast %broadcast_in_dim3A_193 : i32 to vector<16xi32>
      %gather3A_195 = tpu.vector_load_idx %arg7[%add3A_110, %broadcast_in_dim3A_194] : memref<640x16xf32, #tpu.memory_space<vmem>>[vector<16xi32>, vector<16xi32>], vector<16xf32>,
      %gather3A_196 = tpu.vector_load_idx %arg8[%add3A_110, %broadcast_in_dim3A_194] : memref<640x16xf32, #tpu.memory_space<vmem>>[vector<16xi32>, vector<16xi32>], vector<16xf32>,
      %add3A_197 = arith.addf %gather3A_195, %gather3A_196 : vector<16xf32>
      %max3A_198 = arith.constant 0.000000e+00 : f32
      %max3A_199 = vector.broadcast %max3A_198 : f32 to vector<16xf32>
      %max3A_200 = arith.maximumf %add3A_197, %max3A_199 : vector<16xf32>
      %get3A_201 = arith.constant 6 : i32
      %get3A_202 = arith.index_cast %get3A_201 : i32 to index
      %get3A_203 = arith.constant 0 : index
      %get3A_204 = tpu.vector_load %arg9[%get3A_202, %get3A_203] {strides = array<i32>} : memref<10x16xf32, #tpu.memory_space<vmem>>, vector<16xf32>,
      %mul3A_205 = arith.mulf %max3A_200, %get3A_204 : vector<16xf32>
      %add3A_206 = arith.addf %add3A_192, %mul3A_205 : vector<16xf32>
      %broadcast_in_dim3A_207 = arith.constant 7 : i32
      %broadcast_in_dim3A_208 = vector.broadcast %broadcast_in_dim3A_207 : i32 to vector<16xi32>
      %gather3A_209 = tpu.vector_load_idx %arg7[%add3A_110, %broadcast_in_dim3A_208] : memref<640x16xf32, #tpu.memory_space<vmem>>[vector<16xi32>, vector<16xi32>], vector<16xf32>,
      %gather3A_210 = tpu.vector_load_idx %arg8[%add3A_110, %broadcast_in_dim3A_208] : memref<640x16xf32, #tpu.memory_space<vmem>>[vector<16xi32>, vector<16xi32>], vector<16xf32>,
      %add3A_211 = arith.addf %gather3A_209, %gather3A_210 : vector<16xf32>
      %max3A_212 = arith.constant 0.000000e+00 : f32
      %max3A_213 = vector.broadcast %max3A_212 : f32 to vector<16xf32>
      %max3A_214 = arith.maximumf %add3A_211, %max3A_213 : vector<16xf32>
      %get3A_215 = arith.constant 7 : i32
      %get3A_216 = arith.index_cast %get3A_215 : i32 to index
      %get3A_217 = arith.constant 0 : index
      %get3A_218 = tpu.vector_load %arg9[%get3A_216, %get3A_217] {strides = array<i32>} : memref<10x16xf32, #tpu.memory_space<vmem>>, vector<16xf32>,
      %mul3A_219 = arith.mulf %max3A_214, %get3A_218 : vector<16xf32>
      %add3A_220 = arith.addf %add3A_206, %mul3A_219 : vector<16xf32>
      %broadcast_in_dim3A_221 = arith.constant 8 : i32
      %broadcast_in_dim3A_222 = vector.broadcast %broadcast_in_dim3A_221 : i32 to vector<16xi32>
      %gather3A_223 = tpu.vector_load_idx %arg7[%add3A_110, %broadcast_in_dim3A_222] : memref<640x16xf32, #tpu.memory_space<vmem>>[vector<16xi32>, vector<16xi32>], vector<16xf32>,
      %gather3A_224 = tpu.vector_load_idx %arg8[%add3A_110, %broadcast_in_dim3A_222] : memref<640x16xf32, #tpu.memory_space<vmem>>[vector<16xi32>, vector<16xi32>], vector<16xf32>,
      %add3A_225 = arith.addf %gather3A_223, %gather3A_224 : vector<16xf32>
      %max3A_226 = arith.constant 0.000000e+00 : f32
      %max3A_227 = vector.broadcast %max3A_226 : f32 to vector<16xf32>
      %max3A_228 = arith.maximumf %add3A_225, %max3A_227 : vector<16xf32>
      %get3A_229 = arith.constant 8 : i32
      %get3A_230 = arith.index_cast %get3A_229 : i32 to index
      %get3A_231 = arith.constant 0 : index
      %get3A_232 = tpu.vector_load %arg9[%get3A_230, %get3A_231] {strides = array<i32>} : memref<10x16xf32, #tpu.memory_space<vmem>>, vector<16xf32>,
      %mul3A_233 = arith.mulf %max3A_228, %get3A_232 : vector<16xf32>
      %add3A_234 = arith.addf %add3A_220, %mul3A_233 : vector<16xf32>
      %broadcast_in_dim3A_235 = arith.constant 9 : i32
      %broadcast_in_dim3A_236 = vector.broadcast %broadcast_in_dim3A_235 : i32 to vector<16xi32>
      %gather3A_237 = tpu.vector_load_idx %arg7[%add3A_110, %broadcast_in_dim3A_236] : memref<640x16xf32, #tpu.memory_space<vmem>>[vector<16xi32>, vector<16xi32>], vector<16xf32>,
      %gather3A_238 = tpu.vector_load_idx %arg8[%add3A_110, %broadcast_in_dim3A_236] : memref<640x16xf32, #tpu.memory_space<vmem>>[vector<16xi32>, vector<16xi32>], vector<16xf32>,
      %add3A_239 = arith.addf %gather3A_237, %gather3A_238 : vector<16xf32>
      %max3A_240 = arith.constant 0.000000e+00 : f32
      %max3A_241 = vector.broadcast %max3A_240 : f32 to vector<16xf32>
      %max3A_242 = arith.maximumf %add3A_239, %max3A_241 : vector<16xf32>
      %get3A_243 = arith.constant 9 : i32
      %get3A_244 = arith.index_cast %get3A_243 : i32 to index
      %get3A_245 = arith.constant 0 : index
      %get3A_246 = tpu.vector_load %arg9[%get3A_244, %get3A_245] {strides = array<i32>} : memref<10x16xf32, #tpu.memory_space<vmem>>, vector<16xf32>,
      %mul3A_247 = arith.mulf %max3A_242, %get3A_246 : vector<16xf32>
      %add3A_248 = arith.addf %add3A_234, %mul3A_247 : vector<16xf32>
      %mul3A_249 = arith.constant 16 : i32
      %mul3A_250 = arith.muli %add3A_106, %mul3A_249 : i32
      %swap3A = arith.index_cast %mul3A_250 : i32 to index
      %swap3A_251 = tpu.vector_load %arg10[%swap3A] {strides = array<i32>} : memref<640xf32, #tpu.memory_space<vmem>>, vector<16xf32>,
      tpu.vector_store %arg10[%swap3A], %add3A_248 {strides = array<i32>} : memref<640xf32, #tpu.memory_space<vmem>>, vector<16xf32>,
    }
    %scan3A_49 = arith.constant 40 : i32
    "tpu.region"() ({
      %run_scoped3A = tpu.sem_alloc : memref<!tpu.dma_semaphore, #tpu.memory_space<semaphore_mem>>
      %dma_start3A_102 = tpu.memref_slice %arg17[%mul3A_4] : memref<10240xf32, #tpu.memory_space<vmem_shared>> -> memref<640xf32, #tpu.memory_space<vmem_shared>>
      %dma_start3A_103 = tpu.memref_slice %arg17[%mul3A_4] : memref<10240xf32, #tpu.memory_space<vmem_shared>> -> memref<640xf32, #tpu.memory_space<vmem_shared>>
      tpu.enqueue_dma source(%arg10 : memref<640xf32, #tpu.memory_space<vmem>>) target(%dma_start3A_103 : memref<640xf32, #tpu.memory_space<vmem_shared>>) target_semaphore(%run_scoped3A : memref<!tpu.dma_semaphore, #tpu.memory_space<semaphore_mem>>)
      %dma_wait3A_104 = tpu.memref_slice %arg17[%mul3A_4] : memref<10240xf32, #tpu.memory_space<vmem_shared>> -> memref<640xf32, #tpu.memory_space<vmem_shared>>
      %dma_wait3A_105 = tpu.memref_slice %arg17[%mul3A_4] : memref<10240xf32, #tpu.memory_space<vmem_shared>> -> memref<640xf32, #tpu.memory_space<vmem_shared>>
      tpu.wait_dma2 semaphore(%run_scoped3A : memref<!tpu.dma_semaphore, #tpu.memory_space<semaphore_mem>>) src(%arg10 : memref<640xf32, #tpu.memory_space<vmem>>) dst(%dma_wait3A_105 : memref<640xf32, #tpu.memory_space<vmem_shared>>)
      tpu.yield
    }) : () -> ()
    %barrier3A = arith.constant 0 : index
    tpu.barrier barrier_id(%barrier3A)
    "tpu.region"() ({
      %run_scoped3A = tpu.sem_alloc : memref<!tpu.dma_semaphore, #tpu.memory_space<semaphore_mem>>
      tpu.enqueue_dma source(%arg17 : memref<10240xf32, #tpu.memory_space<vmem_shared>>) target(%arg11 : memref<10240xf32, #tpu.memory_space<vmem>>) target_semaphore(%run_scoped3A : memref<!tpu.dma_semaphore, #tpu.memory_space<semaphore_mem>>)
      tpu.wait_dma2 semaphore(%run_scoped3A : memref<!tpu.dma_semaphore, #tpu.memory_space<semaphore_mem>>) src(%arg17 : memref<10240xf32, #tpu.memory_space<vmem_shared>>) dst(%arg11 : memref<10240xf32, #tpu.memory_space<vmem>>)
      tpu.yield
    }) : () -> ()
    tpu.wait_dma2 semaphore(%arg18 : memref<!tpu.dma_semaphore, #tpu.memory_space<semaphore_mem>>) src(%arg3 : memref<10000xi32, #tpu.memory_space<hbm>>) dst(%arg12 : memref<10000xi32, #tpu.memory_space<vmem>>)
    %dma_wait3A_50 = arith.constant 0 : i32
    %dma_wait3A_51 = tpu.memref_slice %arg4[%dma_wait3A_50, %mul3A_2] : memref<2x320000xi32, #tpu.memory_space<hbm>> -> memref<1x10000xi32, #tpu.memory_space<hbm>>
    %dma_wait3A_52 = tpu.memref_squeeze %dma_wait3A_51 : memref<1x10000xi32, #tpu.memory_space<hbm>> -> memref<10000xi32, #tpu.memory_space<hbm>>
    %dma_wait3A_53 = tpu.memref_slice %arg4[%dma_wait3A_50, %mul3A_2] : memref<2x320000xi32, #tpu.memory_space<hbm>> -> memref<1x10000xi32, #tpu.memory_space<hbm>>
    %dma_wait3A_54 = tpu.memref_squeeze %dma_wait3A_53 : memref<1x10000xi32, #tpu.memory_space<hbm>> -> memref<10000xi32, #tpu.memory_space<hbm>>
    tpu.wait_dma2 semaphore(%arg18 : memref<!tpu.dma_semaphore, #tpu.memory_space<semaphore_mem>>) src(%dma_wait3A_54 : memref<10000xi32, #tpu.memory_space<hbm>>) dst(%arg13 : memref<10000xi32, #tpu.memory_space<vmem>>)
    %dma_wait3A_55 = arith.constant 1 : i32
    %dma_wait3A_56 = tpu.memref_slice %arg4[%dma_wait3A_55, %mul3A_2] : memref<2x320000xi32, #tpu.memory_space<hbm>> -> memref<1x10000xi32, #tpu.memory_space<hbm>>
    %dma_wait3A_57 = tpu.memref_squeeze %dma_wait3A_56 : memref<1x10000xi32, #tpu.memory_space<hbm>> -> memref<10000xi32, #tpu.memory_space<hbm>>
    %dma_wait3A_58 = tpu.memref_slice %arg4[%dma_wait3A_55, %mul3A_2] : memref<2x320000xi32, #tpu.memory_space<hbm>> -> memref<1x10000xi32, #tpu.memory_space<hbm>>
    %dma_wait3A_59 = tpu.memref_squeeze %dma_wait3A_58 : memref<1x10000xi32, #tpu.memory_space<hbm>> -> memref<10000xi32, #tpu.memory_space<hbm>>
    tpu.wait_dma2 semaphore(%arg18 : memref<!tpu.dma_semaphore, #tpu.memory_space<semaphore_mem>>) src(%dma_wait3A_59 : memref<10000xi32, #tpu.memory_space<hbm>>) dst(%arg14 : memref<10000xi32, #tpu.memory_space<vmem>>)
    %scan3A_60 = arith.constant 0 : i32
    %scan3A_61 = arith.constant 156 : i32
    %scan3A_62 = arith.addi %scan3A_60, %scan3A_61 : i32
    %scan3A_63 = arith.constant 1 : i32
    scf.for %scan3A_102 = %scan3A_60 to %scan3A_62 step %scan3A_63  : i32 {
      %mul3A_103 = arith.constant 1 : i32
      %mul3A_104 = arith.muli %scan3A_102, %mul3A_103 : i32
      %add3A_105 = arith.constant 0 : i32
      %add3A_106 = arith.addi %add3A_105, %mul3A_104 : i32
      %mul3A_107 = arith.constant 64 : i32
      %mul3A_108 = arith.muli %add3A_106, %mul3A_107 : i32
      %add3A_109 = arith.constant 0 : i32
      %add3A_110 = arith.addi %mul3A_108, %add3A_109 : i32
      %get3A = arith.index_cast %add3A_110 : i32 to index
      %get3A_111 = tpu.vector_load %arg13[%get3A] {strides = array<i32>} : memref<10000xi32, #tpu.memory_space<vmem>>, vector<16xi32>,
      %mul3A_112 = arith.constant 64 : i32
      %mul3A_113 = arith.muli %add3A_106, %mul3A_112 : i32
      %add3A_114 = arith.constant 0 : i32
      %add3A_115 = arith.addi %mul3A_113, %add3A_114 : i32
      %get3A_116 = arith.index_cast %add3A_115 : i32 to index
      %get3A_117 = tpu.vector_load %arg14[%get3A_116] {strides = array<i32>} : memref<10000xi32, #tpu.memory_space<vmem>>, vector<16xi32>,
      %gather3A = tpu.vector_load_idx %arg11[%get3A_111] : memref<10240xf32, #tpu.memory_space<vmem>>[vector<16xi32>], vector<16xf32>,
      %gather3A_118 = tpu.vector_load_idx %arg12[%get3A_117] : memref<10000xi32, #tpu.memory_space<vmem>>[vector<16xi32>], vector<16xi32>,
      %mul3A_119 = arith.constant 16 : i32
      %mul3A_120 = vector.broadcast %mul3A_119 : i32 to vector<16xi32>
      %mul3A_121 = arith.muli %gather3A_118, %mul3A_120 : vector<16xi32>
      %add3A_122 = arith.addi %mul3A_121, %iota3A : vector<16xi32>
      tpu.vector_store_idx %arg15[%add3A_122], %gather3A {add = true} : memref<1024xf32, #tpu.memory_space<vmem>>[vector<16xi32>], vector<16xf32>,
      %mul3A_123 = arith.constant 64 : i32
      %mul3A_124 = arith.muli %add3A_106, %mul3A_123 : i32
      %add3A_125 = arith.constant 16 : i32
      %add3A_126 = arith.addi %mul3A_124, %add3A_125 : i32
      %get3A_127 = arith.index_cast %add3A_126 : i32 to index
      %get3A_128 = tpu.vector_load %arg13[%get3A_127] {strides = array<i32>} : memref<10000xi32, #tpu.memory_space<vmem>>, vector<16xi32>,
      %mul3A_129 = arith.constant 64 : i32
      %mul3A_130 = arith.muli %add3A_106, %mul3A_129 : i32
      %add3A_131 = arith.constant 16 : i32
      %add3A_132 = arith.addi %mul3A_130, %add3A_131 : i32
      %get3A_133 = arith.index_cast %add3A_132 : i32 to index
      %get3A_134 = tpu.vector_load %arg14[%get3A_133] {strides = array<i32>} : memref<10000xi32, #tpu.memory_space<vmem>>, vector<16xi32>,
      %gather3A_135 = tpu.vector_load_idx %arg11[%get3A_128] : memref<10240xf32, #tpu.memory_space<vmem>>[vector<16xi32>], vector<16xf32>,
      %gather3A_136 = tpu.vector_load_idx %arg12[%get3A_134] : memref<10000xi32, #tpu.memory_space<vmem>>[vector<16xi32>], vector<16xi32>,
      %mul3A_137 = arith.constant 16 : i32
      %mul3A_138 = vector.broadcast %mul3A_137 : i32 to vector<16xi32>
      %mul3A_139 = arith.muli %gather3A_136, %mul3A_138 : vector<16xi32>
      %add3A_140 = arith.addi %mul3A_139, %iota3A : vector<16xi32>
      tpu.vector_store_idx %arg15[%add3A_140], %gather3A_135 {add = true} : memref<1024xf32, #tpu.memory_space<vmem>>[vector<16xi32>], vector<16xf32>,
      %mul3A_141 = arith.constant 64 : i32
      %mul3A_142 = arith.muli %add3A_106, %mul3A_141 : i32
      %add3A_143 = arith.constant 32 : i32
      %add3A_144 = arith.addi %mul3A_142, %add3A_143 : i32
      %get3A_145 = arith.index_cast %add3A_144 : i32 to index
      %get3A_146 = tpu.vector_load %arg13[%get3A_145] {strides = array<i32>} : memref<10000xi32, #tpu.memory_space<vmem>>, vector<16xi32>,
      %mul3A_147 = arith.constant 64 : i32
      %mul3A_148 = arith.muli %add3A_106, %mul3A_147 : i32
      %add3A_149 = arith.constant 32 : i32
      %add3A_150 = arith.addi %mul3A_148, %add3A_149 : i32
      %get3A_151 = arith.index_cast %add3A_150 : i32 to index
      %get3A_152 = tpu.vector_load %arg14[%get3A_151] {strides = array<i32>} : memref<10000xi32, #tpu.memory_space<vmem>>, vector<16xi32>,
      %gather3A_153 = tpu.vector_load_idx %arg11[%get3A_146] : memref<10240xf32, #tpu.memory_space<vmem>>[vector<16xi32>], vector<16xf32>,
      %gather3A_154 = tpu.vector_load_idx %arg12[%get3A_152] : memref<10000xi32, #tpu.memory_space<vmem>>[vector<16xi32>], vector<16xi32>,
      %mul3A_155 = arith.constant 16 : i32
      %mul3A_156 = vector.broadcast %mul3A_155 : i32 to vector<16xi32>
      %mul3A_157 = arith.muli %gather3A_154, %mul3A_156 : vector<16xi32>
      %add3A_158 = arith.addi %mul3A_157, %iota3A : vector<16xi32>
      tpu.vector_store_idx %arg15[%add3A_158], %gather3A_153 {add = true} : memref<1024xf32, #tpu.memory_space<vmem>>[vector<16xi32>], vector<16xf32>,
      %mul3A_159 = arith.constant 64 : i32
      %mul3A_160 = arith.muli %add3A_106, %mul3A_159 : i32
      %add3A_161 = arith.constant 48 : i32
      %add3A_162 = arith.addi %mul3A_160, %add3A_161 : i32
      %get3A_163 = arith.index_cast %add3A_162 : i32 to index
      %get3A_164 = tpu.vector_load %arg13[%get3A_163] {strides = array<i32>} : memref<10000xi32, #tpu.memory_space<vmem>>, vector<16xi32>,
      %mul3A_165 = arith.constant 64 : i32
      %mul3A_166 = arith.muli %add3A_106, %mul3A_165 : i32
      %add3A_167 = arith.constant 48 : i32
      %add3A_168 = arith.addi %mul3A_166, %add3A_167 : i32
      %get3A_169 = arith.index_cast %add3A_168 : i32 to index
      %get3A_170 = tpu.vector_load %arg14[%get3A_169] {strides = array<i32>} : memref<10000xi32, #tpu.memory_space<vmem>>, vector<16xi32>,
      %gather3A_171 = tpu.vector_load_idx %arg11[%get3A_164] : memref<10240xf32, #tpu.memory_space<vmem>>[vector<16xi32>], vector<16xf32>,
      %gather3A_172 = tpu.vector_load_idx %arg12[%get3A_170] : memref<10000xi32, #tpu.memory_space<vmem>>[vector<16xi32>], vector<16xi32>,
      %mul3A_173 = arith.constant 16 : i32
      %mul3A_174 = vector.broadcast %mul3A_173 : i32 to vector<16xi32>
      %mul3A_175 = arith.muli %gather3A_172, %mul3A_174 : vector<16xi32>
      %add3A_176 = arith.addi %mul3A_175, %iota3A : vector<16xi32>
      tpu.vector_store_idx %arg15[%add3A_176], %gather3A_171 {add = true} : memref<1024xf32, #tpu.memory_space<vmem>>[vector<16xi32>], vector<16xf32>,
    }
    %scan3A_64 = arith.constant 156 : i32
    %scan3A_65 = arith.constant 0 : i32
    %scan3A_66 = arith.constant 4 : i32
    %scan3A_67 = arith.addi %scan3A_65, %scan3A_66 : i32
    %scan3A_68 = arith.constant 1 : i32
    scf.for %scan3A_102 = %scan3A_65 to %scan3A_67 step %scan3A_68  : i32 {
      %mul3A_103 = arith.constant 1 : i32
      %mul3A_104 = arith.muli %scan3A_102, %mul3A_103 : i32
      %add3A_105 = arith.constant 0 : i32
      %add3A_106 = arith.addi %add3A_105, %mul3A_104 : i32
      %broadcast_in_dim3A = arith.constant 0.000000e+00 : f32
      %broadcast_in_dim3A_107 = vector.broadcast %broadcast_in_dim3A : f32 to vector<16xf32>
      %mul3A_108 = arith.constant 16 : i32
      %mul3A_109 = arith.muli %add3A_106, %mul3A_108 : i32
      %add3A_110 = vector.broadcast %mul3A_109 : i32 to vector<16xi32>
      %add3A_111 = arith.addi %add3A_110, %iota3A : vector<16xi32>
      %mul3A_112 = arith.constant 16 : i32
      %mul3A_113 = vector.broadcast %mul3A_112 : i32 to vector<16xi32>
      %mul3A_114 = arith.muli %add3A_111, %mul3A_113 : vector<16xi32>
      %add3A_115 = arith.constant 0 : i32
      %add3A_116 = vector.broadcast %add3A_115 : i32 to vector<16xi32>
      %add3A_117 = arith.addi %mul3A_114, %add3A_116 : vector<16xi32>
      %gather3A = tpu.vector_load_idx %arg15[%add3A_117] : memref<1024xf32, #tpu.memory_space<vmem>>[vector<16xi32>], vector<16xf32>,
      %add3A_118 = arith.addf %broadcast_in_dim3A_107, %gather3A : vector<16xf32>
      %add3A_119 = arith.constant 1 : i32
      %add3A_120 = vector.broadcast %add3A_119 : i32 to vector<16xi32>
      %add3A_121 = arith.addi %mul3A_114, %add3A_120 : vector<16xi32>
      %gather3A_122 = tpu.vector_load_idx %arg15[%add3A_121] : memref<1024xf32, #tpu.memory_space<vmem>>[vector<16xi32>], vector<16xf32>,
      %add3A_123 = arith.addf %add3A_118, %gather3A_122 : vector<16xf32>
      %add3A_124 = arith.constant 2 : i32
      %add3A_125 = vector.broadcast %add3A_124 : i32 to vector<16xi32>
      %add3A_126 = arith.addi %mul3A_114, %add3A_125 : vector<16xi32>
      %gather3A_127 = tpu.vector_load_idx %arg15[%add3A_126] : memref<1024xf32, #tpu.memory_space<vmem>>[vector<16xi32>], vector<16xf32>,
      %add3A_128 = arith.addf %add3A_123, %gather3A_127 : vector<16xf32>
      %add3A_129 = arith.constant 3 : i32
      %add3A_130 = vector.broadcast %add3A_129 : i32 to vector<16xi32>
      %add3A_131 = arith.addi %mul3A_114, %add3A_130 : vector<16xi32>
      %gather3A_132 = tpu.vector_load_idx %arg15[%add3A_131] : memref<1024xf32, #tpu.memory_space<vmem>>[vector<16xi32>], vector<16xf32>,
      %add3A_133 = arith.addf %add3A_128, %gather3A_132 : vector<16xf32>
      %add3A_134 = arith.constant 4 : i32
      %add3A_135 = vector.broadcast %add3A_134 : i32 to vector<16xi32>
      %add3A_136 = arith.addi %mul3A_114, %add3A_135 : vector<16xi32>
      %gather3A_137 = tpu.vector_load_idx %arg15[%add3A_136] : memref<1024xf32, #tpu.memory_space<vmem>>[vector<16xi32>], vector<16xf32>,
      %add3A_138 = arith.addf %add3A_133, %gather3A_137 : vector<16xf32>
      %add3A_139 = arith.constant 5 : i32
      %add3A_140 = vector.broadcast %add3A_139 : i32 to vector<16xi32>
      %add3A_141 = arith.addi %mul3A_114, %add3A_140 : vector<16xi32>
      %gather3A_142 = tpu.vector_load_idx %arg15[%add3A_141] : memref<1024xf32, #tpu.memory_space<vmem>>[vector<16xi32>], vector<16xf32>,
      %add3A_143 = arith.addf %add3A_138, %gather3A_142 : vector<16xf32>
      %add3A_144 = arith.constant 6 : i32
      %add3A_145 = vector.broadcast %add3A_144 : i32 to vector<16xi32>
      %add3A_146 = arith.addi %mul3A_114, %add3A_145 : vector<16xi32>
      %gather3A_147 = tpu.vector_load_idx %arg15[%add3A_146] : memref<1024xf32, #tpu.memory_space<vmem>>[vector<16xi32>], vector<16xf32>,
      %add3A_148 = arith.addf %add3A_143, %gather3A_147 : vector<16xf32>
      %add3A_149 = arith.constant 7 : i32
      %add3A_150 = vector.broadcast %add3A_149 : i32 to vector<16xi32>
      %add3A_151 = arith.addi %mul3A_114, %add3A_150 : vector<16xi32>
      %gather3A_152 = tpu.vector_load_idx %arg15[%add3A_151] : memref<1024xf32, #tpu.memory_space<vmem>>[vector<16xi32>], vector<16xf32>,
      %add3A_153 = arith.addf %add3A_148, %gather3A_152 : vector<16xf32>
      %add3A_154 = arith.constant 8 : i32
      %add3A_155 = vector.broadcast %add3A_154 : i32 to vector<16xi32>
      %add3A_156 = arith.addi %mul3A_114, %add3A_155 : vector<16xi32>
      %gather3A_157 = tpu.vector_load_idx %arg15[%add3A_156] : memref<1024xf32, #tpu.memory_space<vmem>>[vector<16xi32>], vector<16xf32>,
      %add3A_158 = arith.addf %add3A_153, %gather3A_157 : vector<16xf32>
      %add3A_159 = arith.constant 9 : i32
      %add3A_160 = vector.broadcast %add3A_159 : i32 to vector<16xi32>
      %add3A_161 = arith.addi %mul3A_114, %add3A_160 : vector<16xi32>
      %gather3A_162 = tpu.vector_load_idx %arg15[%add3A_161] : memref<1024xf32, #tpu.memory_space<vmem>>[vector<16xi32>], vector<16xf32>,
      %add3A_163 = arith.addf %add3A_158, %gather3A_162 : vector<16xf32>
      %add3A_164 = arith.constant 10 : i32
      %add3A_165 = vector.broadcast %add3A_164 : i32 to vector<16xi32>
      %add3A_166 = arith.addi %mul3A_114, %add3A_165 : vector<16xi32>
      %gather3A_167 = tpu.vector_load_idx %arg15[%add3A_166] : memref<1024xf32, #tpu.memory_space<vmem>>[vector<16xi32>], vector<16xf32>,
      %add3A_168 = arith.addf %add3A_163, %gather3A_167 : vector<16xf32>
      %add3A_169 = arith.constant 11 : i32
      %add3A_170 = vector.broadcast %add3A_169 : i32 to vector<16xi32>
      %add3A_171 = arith.addi %mul3A_114, %add3A_170 : vector<16xi32>
      %gather3A_172 = tpu.vector_load_idx %arg15[%add3A_171] : memref<1024xf32, #tpu.memory_space<vmem>>[vector<16xi32>], vector<16xf32>,
      %add3A_173 = arith.addf %add3A_168, %gather3A_172 : vector<16xf32>
      %add3A_174 = arith.constant 12 : i32
      %add3A_175 = vector.broadcast %add3A_174 : i32 to vector<16xi32>
      %add3A_176 = arith.addi %mul3A_114, %add3A_175 : vector<16xi32>
      %gather3A_177 = tpu.vector_load_idx %arg15[%add3A_176] : memref<1024xf32, #tpu.memory_space<vmem>>[vector<16xi32>], vector<16xf32>,
      %add3A_178 = arith.addf %add3A_173, %gather3A_177 : vector<16xf32>
      %add3A_179 = arith.constant 13 : i32
      %add3A_180 = vector.broadcast %add3A_179 : i32 to vector<16xi32>
      %add3A_181 = arith.addi %mul3A_114, %add3A_180 : vector<16xi32>
      %gather3A_182 = tpu.vector_load_idx %arg15[%add3A_181] : memref<1024xf32, #tpu.memory_space<vmem>>[vector<16xi32>], vector<16xf32>,
      %add3A_183 = arith.addf %add3A_178, %gather3A_182 : vector<16xf32>
      %add3A_184 = arith.constant 14 : i32
      %add3A_185 = vector.broadcast %add3A_184 : i32 to vector<16xi32>
      %add3A_186 = arith.addi %mul3A_114, %add3A_185 : vector<16xi32>
      %gather3A_187 = tpu.vector_load_idx %arg15[%add3A_186] : memref<1024xf32, #tpu.memory_space<vmem>>[vector<16xi32>], vector<16xf32>,
      %add3A_188 = arith.addf %add3A_183, %gather3A_187 : vector<16xf32>
      %add3A_189 = arith.constant 15 : i32
      %add3A_190 = vector.broadcast %add3A_189 : i32 to vector<16xi32>
      %add3A_191 = arith.addi %mul3A_114, %add3A_190 : vector<16xi32>
      %gather3A_192 = tpu.vector_load_idx %arg15[%add3A_191] : memref<1024xf32, #tpu.memory_space<vmem>>[vector<16xi32>], vector<16xf32>,
      %add3A_193 = arith.addf %add3A_188, %gather3A_192 : vector<16xf32>
      %mul3A_194 = arith.constant 16 : i32
      %mul3A_195 = arith.muli %add3A_106, %mul3A_194 : i32
      %swap3A = arith.index_cast %mul3A_195 : i32 to index
      %swap3A_196 = tpu.vector_load %arg16[%swap3A] {strides = array<i32>} : memref<64xf32, #tpu.memory_space<vmem>>, vector<16xf32>,
      tpu.vector_store %arg16[%swap3A], %add3A_193 {strides = array<i32>} : memref<64xf32, #tpu.memory_space<vmem>>, vector<16xf32>,
    }
    %scan3A_69 = arith.constant 4 : i32
    %jit3A = arith.constant 2 : i32
    %div3A = arith.divsi %add3A, %jit3A : i32
    %sign3A = arith.constant 0 : i32
    %sign3A_70 = arith.cmpi sgt, %add3A, %sign3A : i32
    %sign3A_71 = arith.extui %sign3A_70 : i1 to i32
    %sign3A_72 = arith.constant 0 : i32
    %sign3A_73 = arith.cmpi slt, %add3A, %sign3A_72 : i32
    %sign3A_74 = arith.extui %sign3A_73 : i1 to i32
    %sign3A_75 = arith.subi %sign3A_71, %sign3A_74 : i32
    %sign3A_76 = arith.constant 0 : i32
    %sign3A_77 = arith.cmpi sgt, %jit3A, %sign3A_76 : i32
    %sign3A_78 = arith.extui %sign3A_77 : i1 to i32
    %sign3A_79 = arith.constant 0 : i32
    %sign3A_80 = arith.cmpi slt, %jit3A, %sign3A_79 : i32
    %sign3A_81 = arith.extui %sign3A_80 : i1 to i32
    %sign3A_82 = arith.subi %sign3A_78, %sign3A_81 : i32
    %ne3A = arith.cmpi ne, %sign3A_75, %sign3A_82 : i32
    %rem3A = arith.remsi %add3A, %jit3A : i32
    %ne3A_83 = arith.constant 0 : i32
    %ne3A_84 = arith.cmpi ne, %rem3A, %ne3A_83 : i32
    %and3A = arith.andi %ne3A, %ne3A_84 : i1
    %sub3A = arith.constant 1 : i32
    %sub3A_85 = arith.subi %div3A, %sub3A : i32
    %select_n3A = arith.select %and3A, %sub3A_85, %div3A : i32
    %jit3A_86 = arith.constant 2 : i32
    %eq3A = arith.constant 0 : i32
    %eq3A_87 = arith.cmpi eq, %jit3A_86, %eq3A : i32
    %jit3A_88 = arith.constant 1 : i32
    %select_n3A_89 = arith.select %eq3A_87, %jit3A_88, %jit3A_86 : i32
    %rem3A_90 = arith.remsi %add3A, %select_n3A_89 : i32
    %ne3A_91 = arith.constant 0 : i32
    %ne3A_92 = arith.cmpi ne, %rem3A_90, %ne3A_91 : i32
    %lt3A = arith.constant 0 : i32
    %lt3A_93 = arith.cmpi slt, %rem3A_90, %lt3A : i32
    %lt3A_94 = arith.constant 0 : i32
    %lt3A_95 = arith.cmpi slt, %select_n3A_89, %lt3A_94 : i32
    %ne3A_96 = arith.xori %lt3A_93, %lt3A_95 : i1
    %and3A_97 = arith.andi %ne3A_96, %ne3A_92 : i1
    %add3A_98 = arith.addi %rem3A_90, %select_n3A_89 : i32
    %select_n3A_99 = arith.select %and3A_97, %add3A_98, %rem3A_90 : i32
    %mul3A_100 = arith.constant 64 : i32
    %mul3A_101 = arith.muli %select_n3A_99, %mul3A_100 : i32
    "tpu.region"() ({
      %run_scoped3A = tpu.sem_alloc : memref<!tpu.dma_semaphore, #tpu.memory_space<semaphore_mem>>
      %dma_start3A_102 = tpu.memref_slice %arg6[%select_n3A, %mul3A_101] : memref<16x128xf32, #tpu.memory_space<hbm>> -> memref<1x64xf32, #tpu.memory_space<hbm>>
      %dma_start3A_103 = tpu.memref_squeeze %dma_start3A_102 : memref<1x64xf32, #tpu.memory_space<hbm>> -> memref<64xf32, #tpu.memory_space<hbm>>
      %dma_start3A_104 = tpu.memref_slice %arg6[%select_n3A, %mul3A_101] : memref<16x128xf32, #tpu.memory_space<hbm>> -> memref<1x64xf32, #tpu.memory_space<hbm>>
      %dma_start3A_105 = tpu.memref_squeeze %dma_start3A_104 : memref<1x64xf32, #tpu.memory_space<hbm>> -> memref<64xf32, #tpu.memory_space<hbm>>
      tpu.enqueue_dma source(%arg16 : memref<64xf32, #tpu.memory_space<vmem>>) target(%dma_start3A_105 : memref<64xf32, #tpu.memory_space<hbm>>) target_semaphore(%run_scoped3A : memref<!tpu.dma_semaphore, #tpu.memory_space<semaphore_mem>>)
      %dma_wait3A_106 = tpu.memref_slice %arg6[%select_n3A, %mul3A_101] : memref<16x128xf32, #tpu.memory_space<hbm>> -> memref<1x64xf32, #tpu.memory_space<hbm>>
      %dma_wait3A_107 = tpu.memref_squeeze %dma_wait3A_106 : memref<1x64xf32, #tpu.memory_space<hbm>> -> memref<64xf32, #tpu.memory_space<hbm>>
      %dma_wait3A_108 = tpu.memref_slice %arg6[%select_n3A, %mul3A_101] : memref<16x128xf32, #tpu.memory_space<hbm>> -> memref<1x64xf32, #tpu.memory_space<hbm>>
      %dma_wait3A_109 = tpu.memref_squeeze %dma_wait3A_108 : memref<1x64xf32, #tpu.memory_space<hbm>> -> memref<64xf32, #tpu.memory_space<hbm>>
      tpu.wait_dma2 semaphore(%run_scoped3A : memref<!tpu.dma_semaphore, #tpu.memory_space<semaphore_mem>>) src(%arg16 : memref<64xf32, #tpu.memory_space<vmem>>) dst(%dma_wait3A_109 : memref<64xf32, #tpu.memory_space<hbm>>)
      tpu.yield
    }) : () -> ()
    return
  }
}

module attributes {stable_mosaic.version = 14 : i64} {
  func.func @_mm_body(%arg0: i32, %arg1: memref<2000x128xf32, #tpu.memory_space<vmem>>, %arg2: memref<128x16xf32, #tpu.memory_space<vmem>>, %arg3: memref<2000x128xf32, #tpu.memory_space<vmem>>) attributes {dimension_semantics = [#tpu.dimension_semantics<arbitrary>], iteration_bounds = array<i64: 5>, scalar_prefetch = 0 : i64, scratch_operands = 0 : i64, tpu.core_type = #tpu.core_type<tc>, window_params = [{transform_indices = @transform_0, window_bounds = array<i64: 2000, 128>}, {pipeline_mode = #tpu.pipeline_mode<synchronous>, transform_indices = @transform_1, window_bounds = array<i64: 128, 16>}, {transform_indices = @transform_2, window_bounds = array<i64: 2000, 128>}]} {
    %get3A = arith.constant 0 : index
    %get3A_0 = arith.constant 0 : index
    %get3A_1 = vector.load %arg1[%get3A, %get3A_0] : memref<2000x128xf32, #tpu.memory_space<vmem>>, vector<2000x128xf32>
    %get3A_2 = arith.constant 0 : index
    %get3A_3 = arith.constant 0 : index
    %get3A_4 = vector.load %arg2[%get3A_2, %get3A_3] : memref<128x16xf32, #tpu.memory_space<vmem>>, vector<128x16xf32>
    %dot_general3A = arith.constant dense<0.000000e+00> : vector<2000x16xf32>
    %dot_general3A_5 = tpu.matmul %get3A_1, %get3A_4, %dot_general3A {dimension_numbers = #tpu.dot_dimension_numbers<[1], [0], [0], [1], [0, 0, 1, 1], [], []>, precision = #tpu.contract_precision<fp32>, transpose_lhs_hint = false} : vector<2000x128xf32>, vector<128x16xf32>, vector<2000x16xf32> -> vector<2000x16xf32>
    %broadcast_in_dim3A = arith.constant 0.000000e+00 : f32
    %broadcast_in_dim3A_6 = vector.broadcast %broadcast_in_dim3A : f32 to vector<2000x112xf32>
    %concatenate3A = tpu.concatenate %dot_general3A_5, %broadcast_in_dim3A_6 in 1 : vector<2000x16xf32>, vector<2000x112xf32> -> vector<2000x128xf32>
    %swap3A = arith.constant 0 : index
    %swap3A_7 = arith.constant 0 : index
    %swap3A_8 = vector.load %arg3[%swap3A, %swap3A_7] : memref<2000x128xf32, #tpu.memory_space<vmem>>, vector<2000x128xf32>
    tpu.vector_store %arg3[%swap3A, %swap3A_7], %concatenate3A {strides = array<i32>} : memref<2000x128xf32, #tpu.memory_space<vmem>>, vector<2000x128xf32>,
    return
  }
  func.func @transform_0(%arg0: i32) -> (i32, i32) {
    %c0_i32 = arith.constant 0 : i32
    %c0_i32_0 = arith.constant 0 : i32
    return %arg0, %c0_i32 : i32, i32
  }
  func.func @transform_1(%arg0: i32) -> (i32, i32) {
    %c0_i32 = arith.constant 0 : i32
    %c0_i32_0 = arith.constant 0 : i32
    %c0_i32_1 = arith.constant 0 : i32
    return %c0_i32, %c0_i32_0 : i32, i32
  }
  func.func @transform_2(%arg0: i32) -> (i32, i32) {
    %c0_i32 = arith.constant 0 : i32
    %c0_i32_0 = arith.constant 0 : i32
    return %arg0, %c0_i32 : i32, i32
  }
}

module attributes {stable_mosaic.version = 14 : i64} {
  func.func @_fin_body(%arg0: memref<16x128xf32, #tpu.memory_space<vmem>>, %arg1: memref<1x10240xi32, #tpu.memory_space<vmem>>, %arg2: memref<64x1xf32, #tpu.memory_space<vmem>>) attributes {dimension_semantics = [], scalar_prefetch = 0 : i64, scratch_operands = 0 : i64, tpu.core_type = #tpu.core_type<tc>} {
    %get3A = arith.constant 0 : index
    %get3A_0 = arith.constant 0 : index
    %get3A_1 = vector.load %arg0[%get3A, %get3A_0] : memref<16x128xf32, #tpu.memory_space<vmem>>, vector<16x128xf32>
    %slice3A = vector.extract_strided_slice %get3A_1 {offsets = [0, 0], sizes = [16, 64], strides = [1, 1]} : vector<16x128xf32> to vector<16x64xf32>
    %slice3A_2 = vector.extract_strided_slice %get3A_1 {offsets = [0, 64], sizes = [16, 64], strides = [1, 1]} : vector<16x128xf32> to vector<16x64xf32>
    %add3A = arith.addf %slice3A, %slice3A_2 : vector<16x64xf32>
    %reduce_sum3A = arith.constant dense<0.000000e+00> : vector<64xf32>
    %reduce_sum3A_3 = vector.multi_reduction <add>, %add3A, %reduce_sum3A [0] : vector<16x64xf32> to vector<64xf32>
    %get3A_4 = arith.constant 0 : index
    %get3A_5 = arith.constant 0 : index
    %get3A_6 = vector.load %arg1[%get3A_4, %get3A_5] : memref<1x10240xi32, #tpu.memory_space<vmem>>, vector<1x10240xi32>
    %iota3A = tpu.iota {dimensions = array<i32: 0>} : vector<64x10240xi32>
    %eq3A = vector.broadcast %get3A_6 : vector<1x10240xi32> to vector<64x10240xi32>
    %eq3A_7 = arith.cmpi eq, %eq3A, %iota3A : vector<64x10240xi32>
    %convert_element_type3A = arith.extui %eq3A_7 : vector<64x10240xi1> to vector<64x10240xi32>
    %convert_element_type3A_8 = arith.sitofp %convert_element_type3A : vector<64x10240xi32> to vector<64x10240xf32>
    %reduce_sum3A_9 = arith.constant dense<0.000000e+00> : vector<64xf32>
    %reduce_sum3A_10 = vector.multi_reduction <add>, %convert_element_type3A_8, %reduce_sum3A_9 [1] : vector<64x10240xf32> to vector<64xf32>
    %max3A = arith.constant 1.000000e+00 : f32
    %max3A_11 = vector.broadcast %max3A : f32 to vector<64xf32>
    %max3A_12 = arith.maximumf %reduce_sum3A_10, %max3A_11 : vector<64xf32>
    %div3A = arith.divf %reduce_sum3A_3, %max3A_12 : vector<64xf32>
    %logistic3A = arith.negf %div3A : vector<64xf32>
    %logistic3A_13 = math.exp %logistic3A : vector<64xf32>
    %logistic3A_14 = arith.constant 1.000000e+00 : f32
    %logistic3A_15 = vector.broadcast %logistic3A_14 : f32 to vector<64xf32>
    %logistic3A_16 = arith.addf %logistic3A_15, %logistic3A_13 : vector<64xf32>
    %logistic3A_17 = arith.divf %logistic3A_15, %logistic3A_16 : vector<64xf32>
    %broadcast_in_dim3A = vector.shape_cast %logistic3A_17 : vector<64xf32> to vector<64x1xf32>
    %swap3A = arith.constant 0 : index
    %swap3A_18 = arith.constant 0 : index
    %swap3A_19 = vector.load %arg2[%swap3A, %swap3A_18] : memref<64x1xf32, #tpu.memory_space<vmem>>, vector<64x1xf32>
    tpu.vector_store %arg2[%swap3A, %swap3A_18], %broadcast_in_dim3A {strides = array<i32>} : memref<64x1xf32, #tpu.memory_space<vmem>>, vector<64x1xf32>,
    return
  }
}

</mosaic_0001>

<sc_bundles>
// kernel: kernel.6.cloned.1.call-start
scs
__scs_entry_jumppad:
0x0: {  	(pc) =	sbr.rel $0x88, $3  }
0x1: {  	(tag) =	ssettag $0x0;
	lr =	simm.s32 $0x1  }
0x2: {  	[smem:$0x3F9B] =	sst lr;
	_ =	strace $0xD0000000  }
0x3: {  	_ = 	snop  }
0x4: {  	_ = 	snop  }
0x5: {  	_ = 	snop  }
0x6: {  	_ = 	snop  }
0x7: {  	_ = 	snop  }
__scs_overlays_trampoline_lowered:
0x8: {  	[smem:$0x3FAA] =	sst s0  }
0x9: {  	[smem:$0x3FAB] =	sst s1  }
0xa: {  	[smem:$0x3FAC] =	sst s2  }
0xb: {  	[smem:$0x3FAD] =	sst s3  }
0xc: {  	[smem:$0x3FAE] =	sst s4  }
0xd: {  	[smem:$0x3FAF] =	sst s5  }
0xe: {  	[smem:$0x3FB0] =	sst s6  }
0xf: {  	[smem:$0x3FB1] =	sst s7  }
0x10: {  	[smem:$0x3FB2] =	sst s8  }
0x11: {  	[smem:$0x3FB3] =	sst s9;
	s0 =	simm.s32 @!p0 $0x0  }
0x12: {  	s1 =	sld [smem:$0x3F99];
	s0 =	simm.s32 @p0 $0x1  }
0x13: {  	[smem:$0x3FB4] =	sst s0;
	s0 =	simm.s32 @!p1 $0x0  }
0x14: {  	s2 =	sld [smem:$0x3F98];
	s0 =	simm.s32 @p1 $0x1  }
0x15: {  	[smem:$0x3FB5] =	sst s0;
	s0 =	simm.s32 @!p2 $0x0  }
0x16: {  	s3 =	sld [smem:$0x3FDB];
	s0 =	simm.s32 @p2 $0x1  }
0x17: {  	s4 =	simm.s32 $0x1BF5;
	[smem:$0x3FB7] =	sst s0  }
0x18: {  	s0 =	sld [smem:$0x3F9A];
	_ =	swait.ge [sflag:s4], $0x0  }
0x19: {  	s7 =	sld [smem:$0x3F9B]  }
0x1a: {  	s8 =	sadd.s32 $0xFFFFE003, lr  }
0x1b: {  	s9 =	sadd.s32 $0xFFFFFEF7, lr;
	s5 =	simm.s32 $0xFFFFFFFF;
	p2 =	slt.u32 s8, $0xFFFFF086  }
0x1c: {  	p1 =	slt.u32 s9, $0xF7A;
	s5 =	simm.s32 @!p2 $0x0  }
0x1d: {  	s5 =	simm.s32 @p1 $0x1;
	p0 =	seq.s32 s7, s2  }
0x1e: {  	s7 =	smul.u32 @!p0 $0xF7A, s2;
	p2 =	seq.s32 @!p0 s5, $0x0  }
0x1f: {  	s9 =	smul.u32 $0xF7A, s1;
	s8 =	simm.s32 @!p0 $0x1BF5;
	p2 =	por !p2, p0  }
0x20: {  	[sflag:s8] =	ssyncset.s32 @!p0 $0xFFFFF086;
	s6 =	sadd.s32 @!p0 s3, s7;
	s7 =	simm.s32 @!p0 $0x108  }
0x21: {  	s3 =	sadd.s32 s3, s9;
	s6 =	sadd.s32 @!p0 $0x88, s6;
	s7 =	simm.s32 @p2 $0x1082  }
0x22: {  	[simem:s7], [sflag:s8] =	dma.local @!p0 [hbm:s6], $0xF7A  }
0x23: {  	s9 =	sor.u32 $0xD0000000, s2;
	s6 =	simm.s32 $0x108;
	_ =	swait.ge @!p0 [sflag:s8], $0x0  }
0x24: {  	s3 =	sadd.s32 $0x88, s3;
	s6 =	simm.s32 @!p1 $0x1082;
	[sflag:s4] =	ssyncset.s32 $0xFFFFF086  }
0x25: {  	[simem:s6], [sflag:s4] =	dma.local [hbm:s3], $0xF7A  }
0x26: {  	[smem:$0x3F9B] =	sst s1;
	(tag) =	ssettag s2;
	_ =	strace s9  }
0x27: {  	s1 =	sld [smem:$0x3FAB]  }
0x28: {  	s2 =	sld [smem:$0x3FAC]  }
0x29: {  	s4 =	sld [smem:$0x3FAE]  }
0x2a: {  	p0 =	seq.s32 s5, $0x0;
	s5 =	sld [smem:$0x3FAF]  }
0x2b: {  	s6 =	sld [smem:$0x3FB0]  }
0x2c: {  	s7 =	sld [smem:$0x3FB1]  }
0x2d: {  	s3 =	simm.s32 $0x108;
	s8 =	sld [smem:$0x3FB2]  }
0x2e: {  	s3 =	simm.s32 @!p0 $0x1082;
	s9 =	sld [smem:$0x3FB3]  }
0x2f: {  	lr =	sadd.s32 s0, s3;
	s0 =	sld [smem:$0x3FAA]  }
0x30: {  	s3 =	sld [smem:$0x3FAD]  }
0x31: {  	[smem:$0x3FB6] =	sst s10  }
0x32: {  	s10 =	sld [smem:$0x3FB4];
	_ =	sdelay $0x3  }
0x33: {  	p0 =	seq.s32 s10, $0x1;
	s10 =	sld [smem:$0x3FB6];
	_ =	sdelay $0x3  }
0x34: {  	[smem:$0x3FB6] =	sst s10  }
0x35: {  	s10 =	sld [smem:$0x3FB5];
	_ =	sdelay $0x3  }
0x36: {  	p1 =	seq.s32 s10, $0x1;
	s10 =	sld [smem:$0x3FB6];
	_ =	sdelay $0x3  }
0x37: {  	[smem:$0x3FB6] =	sst s10  }
0x38: {  	s10 =	sld [smem:$0x3FB7]  }
0x39: {  	_ = 	snop;
	(pc) =	sbr.ind lr, $3  }
0x3a: {  	_ = 	snop  }
0x3b: {  	_ = 	snop  }
0x3c: {  	p2 =	seq.s32 s10, $0x1;
	s10 =	sld [smem:$0x3FB6]  }
0x3d: {  	_ =	shalt  }
0x3e: {  	_ =	shalt  }
0x3f: {  	_ =	shalt  }
0x40: {  	_ =	shalt  }
0x41: {  	_ =	shalt  }
0x42: {  	_ =	shalt  }
0x43: {  	_ =	shalt  }
0x44: {  	_ =	shalt  }
0x45: {  	_ =	shalt  }
0x46: {  	_ =	shalt  }
0x47: {  	_ =	shalt  }
0x48: {  	_ =	shalt  }
0x49: {  	_ =	shalt  }
0x4a: {  	_ =	shalt  }
0x4b: {  	_ =	shalt  }
0x4c: {  	_ =	shalt  }
0x4d: {  	_ =	shalt  }
0x4e: {  	_ =	shalt  }
0x4f: {  	_ =	shalt  }
0x50: {  	_ =	shalt  }
0x51: {  	_ =	shalt  }
0x52: {  	_ =	shalt  }
0x53: {  	_ =	shalt  }
0x54: {  	_ =	shalt  }
0x55: {  	_ =	shalt  }
0x56: {  	_ =	shalt  }
0x57: {  	_ =	shalt  }
0x58: {  	_ =	shalt  }
0x59: {  	_ =	shalt  }
0x5a: {  	_ =	shalt  }
0x5b: {  	_ =	shalt  }
0x5c: {  	_ =	shalt  }
0x5d: {  	_ =	shalt  }
0x5e: {  	_ =	shalt  }
0x5f: {  	_ =	shalt  }
0x60: {  	_ =	shalt  }
0x61: {  	_ =	shalt  }
0x62: {  	_ =	shalt  }
0x63: {  	_ =	shalt  }
0x64: {  	_ =	shalt  }
0x65: {  	_ =	shalt  }
0x66: {  	_ =	shalt  }
0x67: {  	_ =	shalt  }
0x68: {  	_ =	shalt  }
0x69: {  	_ =	shalt  }
0x6a: {  	_ =	shalt  }
0x6b: {  	_ =	shalt  }
0x6c: {  	_ =	shalt  }
0x6d: {  	_ =	shalt  }
0x6e: {  	_ =	shalt  }
0x6f: {  	_ =	shalt  }
0x70: {  	_ =	shalt  }
0x71: {  	_ =	shalt  }
0x72: {  	_ =	shalt  }
0x73: {  	_ =	shalt  }
0x74: {  	_ =	shalt  }
0x75: {  	_ =	shalt  }
0x76: {  	_ =	shalt  }
0x77: {  	_ =	shalt  }
0x78: {  	_ =	shalt  }
0x79: {  	_ =	shalt  }
0x7a: {  	_ =	shalt  }
0x7b: {  	_ =	shalt  }
0x7c: {  	_ =	shalt  }
0x7d: {  	_ =	shalt  }
0x7e: {  	_ =	shalt  }
0x7f: {  	_ =	shalt  }
0x80: {  	_ =	shalt  }
0x81: {  	_ =	shalt  }
0x82: {  	_ =	shalt  }
0x83: {  	_ =	shalt  }
0x84: {  	_ =	shalt  }
0x85: {  	_ =	shalt  }
0x86: {  	_ =	shalt  }
0x87: {  	_ =	shalt  }
.Lfunc_end0:
.L_simem_size_0:
called_computation_lowered:
.L_overlay_start_0:
0x88: {  	s2 =	sld [smem:$0x3FD9]  }
0x89: {  	s3 =	sld [smem:$0x3FFE];
	_ =	sdelay $0x1  }
0x8a: {  	s1 =	srdreg.scid  }
0x8b: {  	s0 =	sand.u32 $0x1, s1  }
0x8c: {  	s16 =	sshll.u32 s0, $0xA;
	s2 =	sadd.s32 s3, s2  }
0x8d: {  	s2 =	sadd.s32 s2, s16  }
0x8e: {  	[smem:$0x3FC2] =	sst s2  }
0x8f: {  	_ = 	snop  }
0x90: {  	(tm) =	ssettm $0x1  }
0x91: {  	s17 =	sld [smem:$0x3FFB];
	_ =	sdelay $0x3  }
0x92: {  	_ =	strace s17  }
0x93: {  	s2 =	sld [smem:$0x3FFC];
	_ =	sdelay $0x3  }
0x94: {  	_ =	strace s2  }
0x95: {  	s2 =	sld [smem:$0x3FFD];
	_ =	sdelay $0x3  }
0x96: {  	_ =	strace s2  }
0x97: {  	_ =	strace $0x8FFFFFFF  }
0x98: {  	s18 =	sld [smem:$0x3FDB];
	_ =	sdelay $0x1  }
0x99: {  	s19 =	simm.s32 $_scs_section_size  }
0x9a: {  	s4 =	simm.s32 $_size__tile_overlayer_lowered;
	s5 =	simm.s32 $_tile_overlayer_lowered  }
0x9b: {  	s22 =	simm.s32 $0x1BFF;
	s21 =	sshll.u32 s5, $0x1;
	s2 =	sadd.s32 s19, s18  }
0x9c: {  	s6 =	simm.s32 $0x0;
	s20 =	sshll.u32 s4, $0x1;
	s4 =	sadd.s32 s21, s2  }
0x9d: {  	[timem:s6], [sflag:s22] =	dma.local [hbm:s4], s20  }
0x9e: {  	_ =	swait.ge [sflag:s22], s20  }
0x9f: {  	s3 =	ssub.s32 $0x0, s20;
	[sflag:s22] =	ssyncset.done $0x0  }
0xa0: {  	[sflag:s22] =	ssyncadd.s32 s3;
	_ =	sdelay $0x1  }
0xa1: {  	s23 =	simm.s32 $0x1B8B  }
0xa2: {  	_ =	swait.ge [sflag:s23], $0x1  }
0xa3: {  	[sflag:s23] =	ssyncset.done $0x0  }
0xa4: {  	s25 =	simm.s32 $0x1B8E;
	s24 =	sld [smem:$0x3FFE];
	[sflag:s23] =	ssyncadd.s32 $0xFFFFFFFF  }
0xa5: {  	s26 =	simm.s32 $execute0_lowered;
	[smem:$0x3FD2] =	sst s25  }
0xa6: {  	s4 =	sshll.u32 s26, $0x1;
	_ =	strace $0x80000046;
	[dreg:$0x1] =	wrdreg $0xFFFFFFFF  }
0xa7: {  	s28 =	simm.s32 $_size_execute0_lowered;
	s2 =	sadd.s32 s2, s4;
	[dreg:$0x0] =	wrdreg $0x0  }
0xa8: {  	s4 =	sshll.u32 s28, $0x1;
	[dreg:$0x2] =	wrdreg s2  }
0xa9: {  	[dreg:$0x3] =	wrdreg s4  }
0xaa: {  	[dreg:$0x4] =	wrdreg $0xC0  }
0xab: {  	_ =	task [dreg:s6], $0x5FFFF  }
0xac: {  	[dreg:$0x1] =	wrdreg $0xFFFFFFFF  }
0xad: {  	[dreg:$0x0] =	wrdreg $0x60  }
0xae: {  	[dreg:$0x2] =	wrdreg s24  }
0xaf: {  	[dreg:$0x3] =	wrdreg $0xD3200  }
0xb0: {  	[dreg:$0x4] =	wrdreg $0xFB200  }
0xb1: {  	[dreg:$0x5] =	wrdreg $0x9  }
0xb2: {  	_ =	task.clear_ibuf [dreg:s6], $0x6FFFF;
	_ =	strace $0x90000046  }
0xb3: {  	s29 =	simm.s32 $0x9;
	_ =	strace $0x80000048  }
0xb4: {  	_ =	swait.ge [sflag:s29], $0x1  }
0xb5: {  	[sflag:s29] =	ssyncadd.s32 $0xFFFFFFFF  }
0xb6: {  	_ =	strace $0x90000048  }
0xb7: {  	_ =	sfence  }
0xb8: {  	s30 =	sld [smem:$0x0];
	_ =	sdelay $0x2  }
0xb9: {  	s31 =	sshll.u32 s1, $0xD;
	s1 =	sshrl.u32 s1, $0x2  }
0xba: {  	s3 =	sand.u32 $0x4000, s31;
	s1 =	sadd.s32 s1, s30  }
0xbb: {  	s0 =	sor.u32 s3, s0;
	s1 =	sshll.u32 s1, $0x11  }
0xbc: {  	s0 =	sor.u32 s1, s0  }
0xbd: {  	s0 =	sadd.s32 $0x8F2B, s0  }
0xbe: {  	[sflag:s0] =	ssyncadd.remote.s32 $0x1  }
0xbf: {  	_ =	sfence.sel $0xFFFF  }
0xc0: {  	[dreg:$0x0] =	wrdreg $0xFFFFFFFF;
	(pc) =	sbr.abs _section_cstart, $3  }
0xc1: {  	[dreg:$0x1] =	wrdreg $0xFFFFFFFF  }
0xc2: {  	_ =	task.clear_ibuf [dreg:s6], $0x2FFFF;
	_ =	strace $0x9FFFFFFF  }
0xc3: {  	(tm) =	ssettm $0x7FFFFFFF  }
tec
execute0_lowered:
.L_overlay_start_1:
0x0: {  	(tag) =	ssettag $0x1  }
0x1: {  	s0 =	rddreg [dreg:$0x0]  }
0x2: {  	s9 =	stileid.u32;
	s2 =	rddreg [dreg:$0x1]  }
0x3: {  	s1 =	srdreg.scid;
	s3 =	rddreg [dreg:$0x2];
	s6 =	simm.s32 $0x0  }
0x4: {  	s11 =	simm.s32 $0x8020;
	s12 =	simm.s32 $0x8520;
	s13 =	simm.s32 $0x8A20  }
0x5: {  	s14 =	simm.s32 $0x8F20;
	s15 =	simm.s32 $0x9420;
	s16 =	simm.s32 $0x9920  }
0x6: {  	s10 =	simm.s32 $0xAD20;
	s31 =	simm.s32 $0xB720;
	s29 =	simm.s32 $0x0  }
0x7: {  	s1 =	sand.u32 $0x1, s1;
	s4 =	sshll.u32 s9, $0x1;
	s5 =	smul.u32 $0x2800, s9  }
0x8: {  	[smem:$0x7FF] =	sst s6;
	s18 =	smul.u32 $0xA000, s9;
	s20 =	sshll.u32 s9, $0x6  }
0x9: {  	s9 =	simm.s32 $0x7B20;
	s4 =	sor.u32 s1, s4;
	s17 =	smul.u32 $0x28000, s1  }
0xa: {  	_ =	strace $0x80000047;
	s1 =	ssub.s32 $0x2, s1;
	[dreg:$0x6] =	wrdreg s20  }
0xb: {  	s4 =	smul.u32 $0x2710, s4;
	s7 =	sadd.s32 s5, s0;
	s8 =	sshrl.u32 s1, $0x1  }
0xc: {  	s19 =	sadd.s32 s5, s2;
	s23 =	sadd.s32 s5, s3;
	s6 =	sadd.s32 s5, s17  }
0xd: {  	s1 =	ssub.s32 s1, s8;
	s7 =	sadd.s32 $0x14400, s7;
	s30 =	sshrl.u32 s19, $0x3  }
0xe: {  	s19 =	simm.s32 $0x2;
	s5 =	simm.s32 $0x6C20;
	s8 =	simm.s32 $0x7620  }
0xf: {  	s17 =	simm.s32 $0x9E20;
	s4 =	sshrl.u32 s4, $0x3;
	s6 =	sshrl.u32 s6, $0x3  }
0x10: {  	[dreg:$0x5] =	wrdreg s7;
	s7 =	sor.u32 $0x1C01, s20;
	s1 =	smax.u32 s1, $0x1  }
0x11: {  	[dreg:$0x11] =	wrdreg s30;
	s20 =	simm.s32 $0x5D20;
	s4 =	sadd.s32 s4, s0  }
0x12: {  	s0 =	sadd.s32 s6, s0;
	[dreg:$0x7] =	wrdreg s7;
	s6 =	sshrl.u32 s18, $0x2  }
0x13: {  	[dreg:$0xc] =	wrdreg s1;
	s18 =	simm.s32 $0x1;
	s21 =	sadd.s32 $0xA00, s4  }
0x14: {  	s1 =	simm.s32 $0x5320;
	s4 =	sadd.s32 $0xA640, s4;
	[dreg:$0x8] =	wrdreg s21  }
0x15: {  	s7 =	simm.s32 $0x7120;
	s0 =	sadd.s32 $0x3C400, s0;
	[dreg:$0x9] =	wrdreg s4  }
0x16: {  	s22 =	sadd.s32 s6, s3;
	s6 =	simm.s32 $0xA820;
	[dreg:$0xb] =	wrdreg s0  }
0x17: {  	s24 =	sadd.s32 $0x800, s22;
	s25 =	sadd.s32 $0x1000, s22;
	[dreg:$0xa] =	wrdreg s22  }
0x18: {  	s26 =	sadd.s32 $0x1800, s22;
	s28 =	sadd.s32 $0x2000, s22;
	[dreg:$0xd] =	wrdreg s24  }
0x19: {  	s0 =	sshrl.u32 s23, $0x3;
	s21 =	simm.s32 $0x6220;
	[dreg:$0xe] =	wrdreg s25  }
0x1a: {  	s4 =	simm.s32 $0x6720;
	s22 =	simm.s32 $0xB220;
	[dreg:$0xf] =	wrdreg s26  }
0x1b: {  	s23 =	simm.s32 $0x3;
	[dreg:$0x10] =	wrdreg s28;
	s24 =	simm.s32 $0x50  }
0x1c: {  	v0 =	vimm.f32 $0.0e+00;
	[dreg:$0x12] =	wrdreg s0;
	s0 =	simm.s32 $0x5820;
	s25 =	simm.s32 $0xA320  }
.LBB2_1:
0x1d: {  	[dreg:$0x13] =	wrdreg s29  }
0x1e: {  	s26 =	rddreg [dreg:$0x5]  }
0x1f: {  	s28 =	rddreg [dreg:$0x7]  }
0x20: {  	s29 =	rddreg [dreg:$0x11];
	s30 =	simm.s32 $0x10  }
0x21: {  	[spmem:s29@s19], [sflag:s28] =	dma.strided [hbm:s26@s30], $0x500, s18, $0x2   }
0x22: {  	s26 =	simm.s32 $0x0;
	s28 =	rddreg [dreg:$0x8]  }
0x23: {  	[tilespmem:s26], [sflag:$0x2] =	stream.linear.gather [hbm4b:s28+s26], $0x2710, $0x38;
	[tilespmem:$0x12320] =	vst v63  }
0x24: {  	s30 =	simm.s32 $0x2710;
	s28 =	rddreg [dreg:$0x9]  }
0x25: {  	[tilespmem:s30], [sflag:$0x2] =	stream.linear.gather [hbm4b:s28+s26], $0x2710, $0x38;
	[tilespmem:$0x12320] =	vst v63  }
0x26: {  	s26 =	simm.s32 $0x40;
	s28 =	simm.s32 $0x0  }
.LBB2_2:
0x27: {  	p0 =	seq.s32 s26, $0x1FC0;
	[tilespmem:s28+$0xCB20] =	vst v0;
	s28 =	smov.u32 s26;
	s26 =	sadd.s32 $0x40, s26  }
.Ltmp0:
0x28: {  	(pc) =	sbr.rel @!p0 .LBB2_2-.Ltmp0, $2  }
0x29: {  	_ =	sdelay $0x2  }
0x2a: {  	s28 =	sshra.s32 s28, $0x2  }
0x2b: {  	[tilespmem:s28+$0xCB20] =	vst v0;
	s26 =	rddreg [dreg:$0xa];
	s28 =	simm.s32 $0xCB20;
	s29 =	simm.s32 $0x4  }
0x2c: {  	[spmem:s26] =	stream.linear.scatter [tilespmem:s28], [sflag:$0x4], $0x800, $0x38;
	[tilespmem:$0x12320] =	vst v63  }
0x2d: {  	_ =	swait.ge [sflag:s29], $0x800  }
0x2e: {  	[sflag:s29] =	ssyncset.done $0x0  }
0x2f: {  	s26 =	rddreg [dreg:$0xd];
	[sflag:s29] =	ssyncadd.s32 $0xFFFFF800  }
0x30: {  	[spmem:s26] =	stream.linear.scatter [tilespmem:s28], [sflag:$0x4], $0x800, $0x38;
	[tilespmem:$0x12320] =	vst v63  }
0x31: {  	_ =	swait.ge [sflag:s29], $0x800  }
0x32: {  	[sflag:s29] =	ssyncset.done $0x0  }
0x33: {  	s26 =	rddreg [dreg:$0xe];
	[sflag:s29] =	ssyncadd.s32 $0xFFFFF800  }
0x34: {  	[spmem:s26] =	stream.linear.scatter [tilespmem:s28], [sflag:$0x4], $0x800, $0x38;
	[tilespmem:$0x12320] =	vst v63  }
0x35: {  	_ =	swait.ge [sflag:s29], $0x800  }
0x36: {  	[sflag:s29] =	ssyncset.done $0x0  }
0x37: {  	s26 =	rddreg [dreg:$0xf];
	[sflag:s29] =	ssyncadd.s32 $0xFFFFF800  }
0x38: {  	[spmem:s26] =	stream.linear.scatter [tilespmem:s28], [sflag:$0x4], $0x800, $0x38;
	[tilespmem:$0x12320] =	vst v63  }
0x39: {  	_ =	swait.ge [sflag:s29], $0x800  }
0x3a: {  	[sflag:s29] =	ssyncset.done $0x0  }
0x3b: {  	s26 =	rddreg [dreg:$0x10];
	[sflag:s29] =	ssyncadd.s32 $0xFFFFF800  }
0x3c: {  	[spmem:s26] =	stream.linear.scatter [tilespmem:s28], [sflag:$0x4], $0x800, $0x38;
	[tilespmem:$0x12320] =	vst v63  }
0x3d: {  	_ =	swait.ge [sflag:s29], $0x800  }
0x3e: {  	[sflag:s29] =	ssyncset.done $0x0  }
0x3f: {  	[sflag:s29] =	ssyncadd.s32 $0xFFFFF800  }
0x40: {  	_ =	swait.ge [sflag:s18], $0x500  }
0x41: {  	[sflag:s18] =	ssyncset.done $0x0  }
0x42: {  	[sflag:s18] =	ssyncadd.s32 $0xFFFFFB00  }
0x43: {  	_ =	swait.ge [sflag:s19], $0x2710  }
0x44: {  	[sflag:s19] =	ssyncset.done $0x0  }
0x45: {  	[sflag:s19] =	ssyncadd.s32 $0xFFFFD8F0  }
0x46: {  	_ =	swait.ge [sflag:s19], $0x2710  }
0x47: {  	[sflag:s19] =	ssyncset.done $0x0  }
0x48: {  	[sflag:s19] =	ssyncadd.s32 $0xFFFFD8F0  }
0x49: {  	s30 =	simm.s32 $0x4E20;
	s29 =	simm.s32 $0x0;
	[bflag:$0x0] =	sbarrier.arrive $0xFFFF  }
0x4a: {  	[tilespmem:s30], [sflag:$0x1] =	stream.indirect.gather [spmem:s2], $0x10, s29, s24, $0xb8;
	[tilespmem:$0x12320] =	vst v63  }
0x4b: {  	s29 =	simm.s32 $0x50  }
0x4c: {  	[tilespmem:s1], [sflag:$0x1] =	stream.indirect.gather [spmem:s2], $0x10, s29, s24, $0xb8;
	[tilespmem:$0x12320] =	vst v63  }
0x4d: {  	s29 =	simm.s32 $0xA0  }
0x4e: {  	[tilespmem:s0], [sflag:$0x1] =	stream.indirect.gather [spmem:s2], $0x10, s29, s24, $0xb8;
	[tilespmem:$0x12320] =	vst v63  }
0x4f: {  	s29 =	simm.s32 $0xF0  }
0x50: {  	[tilespmem:s20], [sflag:$0x1] =	stream.indirect.gather [spmem:s2], $0x10, s29, s24, $0xb8;
	[tilespmem:$0x12320] =	vst v63  }
0x51: {  	s29 =	simm.s32 $0x140  }
0x52: {  	[tilespmem:s21], [sflag:$0x1] =	stream.indirect.gather [spmem:s2], $0x10, s29, s24, $0xb8;
	[tilespmem:$0x12320] =	vst v63  }
0x53: {  	s29 =	simm.s32 $0x190  }
0x54: {  	[tilespmem:s4], [sflag:$0x1] =	stream.indirect.gather [spmem:s2], $0x10, s29, s24, $0xb8;
	[tilespmem:$0x12320] =	vst v63  }
0x55: {  	s29 =	simm.s32 $0x1E0  }
0x56: {  	[tilespmem:s5], [sflag:$0x1] =	stream.indirect.gather [spmem:s2], $0x10, s29, s24, $0xb8;
	[tilespmem:$0x12320] =	vst v63  }
0x57: {  	s29 =	simm.s32 $0x230  }
0x58: {  	[tilespmem:s7], [sflag:$0x1] =	stream.indirect.gather [spmem:s2], $0x10, s29, s24, $0xb8;
	[tilespmem:$0x12320] =	vst v63  }
0x59: {  	s29 =	simm.s32 $0x280  }
0x5a: {  	[tilespmem:s8], [sflag:$0x1] =	stream.indirect.gather [spmem:s2], $0x10, s29, s24, $0xb8;
	[tilespmem:$0x12320] =	vst v63  }
0x5b: {  	s29 =	simm.s32 $0x2D0  }
0x5c: {  	[tilespmem:s9], [sflag:$0x1] =	stream.indirect.gather [spmem:s2], $0x10, s29, s24, $0xb8;
	[tilespmem:$0x12320] =	vst v63  }
0x5d: {  	s29 =	simm.s32 $0x320  }
0x5e: {  	[tilespmem:s11], [sflag:$0x1] =	stream.indirect.gather [spmem:s2], $0x10, s29, s24, $0xb8;
	[tilespmem:$0x12320] =	vst v63  }
0x5f: {  	s29 =	simm.s32 $0x370  }
0x60: {  	[tilespmem:s12], [sflag:$0x1] =	stream.indirect.gather [spmem:s2], $0x10, s29, s24, $0xb8;
	[tilespmem:$0x12320] =	vst v63  }
0x61: {  	s29 =	simm.s32 $0x3C0  }
0x62: {  	[tilespmem:s13], [sflag:$0x2] =	stream.indirect.gather [spmem:s2], $0x10, s29, s24, $0xb8;
	[tilespmem:$0x12320] =	vst v63  }
0x63: {  	s29 =	simm.s32 $0x410  }
0x64: {  	[tilespmem:s14], [sflag:$0x2] =	stream.indirect.gather [spmem:s2], $0x10, s29, s24, $0xb8;
	[tilespmem:$0x12320] =	vst v63  }
0x65: {  	s29 =	simm.s32 $0x460  }
0x66: {  	[tilespmem:s15], [sflag:$0x2] =	stream.indirect.gather [spmem:s2], $0x10, s29, s24, $0xb8;
	[tilespmem:$0x12320] =	vst v63  }
0x67: {  	s29 =	simm.s32 $0x4B0  }
0x68: {  	[tilespmem:s16], [sflag:$0x2] =	stream.indirect.gather [spmem:s2], $0x10, s29, s24, $0xb8;
	[tilespmem:$0x12320] =	vst v63  }
0x69: {  	s29 =	simm.s32 $0x500  }
0x6a: {  	[tilespmem:s17], [sflag:$0x2] =	stream.indirect.gather [spmem:s2], $0x10, s29, s24, $0xb8;
	[tilespmem:$0x12320] =	vst v63  }
0x6b: {  	s29 =	simm.s32 $0x550  }
0x6c: {  	[tilespmem:s25], [sflag:$0x2] =	stream.indirect.gather [spmem:s2], $0x10, s29, s24, $0xb8;
	[tilespmem:$0x12320] =	vst v63  }
0x6d: {  	s29 =	simm.s32 $0x5A0  }
0x6e: {  	[tilespmem:s6], [sflag:$0x2] =	stream.indirect.gather [spmem:s2], $0x10, s29, s24, $0xb8;
	[tilespmem:$0x12320] =	vst v63  }
0x6f: {  	s29 =	simm.s32 $0x5F0  }
0x70: {  	[tilespmem:s10], [sflag:$0x2] =	stream.indirect.gather [spmem:s2], $0x10, s29, s24, $0xb8;
	[tilespmem:$0x12320] =	vst v63  }
0x71: {  	s29 =	simm.s32 $0x640  }
0x72: {  	[tilespmem:s22], [sflag:$0x2] =	stream.indirect.gather [spmem:s2], $0x10, s29, s24, $0xb8;
	[tilespmem:$0x12320] =	vst v63  }
0x73: {  	s29 =	simm.s32 $0x690  }
0x74: {  	[tilespmem:s31], [sflag:$0x2] =	stream.indirect.gather [spmem:s2], $0x10, s29, s24, $0xb8;
	[tilespmem:$0x12320] =	vst v63  }
0x75: {  	s28 =	simm.s32 $0xBC20;
	s29 =	simm.s32 $0x6E0  }
0x76: {  	[tilespmem:s28], [sflag:$0x2] =	stream.indirect.gather [spmem:s2], $0x10, s29, s24, $0xb8;
	[tilespmem:$0x12320] =	vst v63  }
0x77: {  	s26 =	simm.s32 $0x730;
	s29 =	simm.s32 $0xC120  }
0x78: {  	[tilespmem:s29], [sflag:$0x2] =	stream.indirect.gather [spmem:s2], $0x10, s26, s24, $0xb8;
	[tilespmem:$0x12320] =	vst v63  }
0x79: {  	s28 =	simm.s32 $0xC620;
	s26 =	simm.s32 $0x780  }
0x7a: {  	[tilespmem:s28], [sflag:$0x2] =	stream.indirect.gather [spmem:s2], $0x10, s26, s24, $0xb8;
	[tilespmem:$0x12320] =	vst v63  }
0x7b: {  	_ =	swait.ge [sflag:s18], $0x500  }
0x7c: {  	[sflag:s18] =	ssyncset.done $0x0  }
0x7d: {  	[sflag:s18] =	ssyncadd.s32 $0xFFFFFB00  }
0x7e: {  	_ =	swait.ge [sflag:s18], $0x500  }
0x7f: {  	[sflag:s18] =	ssyncset.done $0x0  }
0x80: {  	[sflag:s18] =	ssyncadd.s32 $0xFFFFFB00  }
0x81: {  	_ =	swait.ge [sflag:s18], $0x500  }
0x82: {  	[sflag:s18] =	ssyncset.done $0x0  }
0x83: {  	[sflag:s18] =	ssyncadd.s32 $0xFFFFFB00  }
0x84: {  	_ =	swait.ge [sflag:s18], $0x500  }
0x85: {  	[sflag:s18] =	ssyncset.done $0x0  }
0x86: {  	[sflag:s18] =	ssyncadd.s32 $0xFFFFFB00  }
0x87: {  	_ =	swait.ge [sflag:s18], $0x500  }
0x88: {  	[sflag:s18] =	ssyncset.done $0x0  }
0x89: {  	[sflag:s18] =	ssyncadd.s32 $0xFFFFFB00  }
0x8a: {  	_ =	swait.ge [sflag:s18], $0x500  }
0x8b: {  	[sflag:s18] =	ssyncset.done $0x0  }
0x8c: {  	[sflag:s18] =	ssyncadd.s32 $0xFFFFFB00  }
0x8d: {  	_ =	swait.ge [sflag:s18], $0x500  }
0x8e: {  	[sflag:s18] =	ssyncset.done $0x0  }
0x8f: {  	[sflag:s18] =	ssyncadd.s32 $0xFFFFFB00  }
0x90: {  	_ =	swait.ge [sflag:s18], $0x500  }
0x91: {  	[sflag:s18] =	ssyncset.done $0x0  }
0x92: {  	[sflag:s18] =	ssyncadd.s32 $0xFFFFFB00  }
0x93: {  	_ =	swait.ge [sflag:s18], $0x500  }
0x94: {  	[sflag:s18] =	ssyncset.done $0x0  }
0x95: {  	[sflag:s18] =	ssyncadd.s32 $0xFFFFFB00  }
0x96: {  	_ =	swait.ge [sflag:s18], $0x500  }
0x97: {  	[sflag:s18] =	ssyncset.done $0x0  }
0x98: {  	[sflag:s18] =	ssyncadd.s32 $0xFFFFFB00  }
0x99: {  	_ =	swait.ge [sflag:s18], $0x500  }
0x9a: {  	[sflag:s18] =	ssyncset.done $0x0  }
0x9b: {  	[sflag:s18] =	ssyncadd.s32 $0xFFFFFB00  }
0x9c: {  	_ =	swait.ge [sflag:s18], $0x500  }
0x9d: {  	[sflag:s18] =	ssyncset.done $0x0  }
0x9e: {  	s26 =	simm.s32 $0x2710;
	[sflag:s18] =	ssyncadd.s32 $0xFFFFFB00  }
0x9f: {  	[spmem:s3] =	stream.indirect.scatter.add.f32 [tilespmem:s30], [sflag:$0x3], $0x10, s26, s24, $0xb8;
	[tilespmem:$0x12320] =	vst v63  }
0xa0: {  	s30 =	simm.s32 $0x2760  }
0xa1: {  	[spmem:s3] =	stream.indirect.scatter.add.f32 [tilespmem:s1], [sflag:$0x3], $0x10, s30, s24, $0xb8;
	[tilespmem:$0x12320] =	vst v63  }
0xa2: {  	s30 =	simm.s32 $0x27B0  }
0xa3: {  	[spmem:s3] =	stream.indirect.scatter.add.f32 [tilespmem:s0], [sflag:$0x3], $0x10, s30, s24, $0xb8;
	[tilespmem:$0x12320] =	vst v63  }
0xa4: {  	s1 =	simm.s32 $0x2800  }
0xa5: {  	[spmem:s3] =	stream.indirect.scatter.add.f32 [tilespmem:s20], [sflag:$0x3], $0x10, s1, s24, $0xb8;
	[tilespmem:$0x12320] =	vst v63  }
0xa6: {  	s20 =	simm.s32 $0x2850  }
0xa7: {  	[spmem:s3] =	stream.indirect.scatter.add.f32 [tilespmem:s21], [sflag:$0x3], $0x10, s20, s24, $0xb8;
	[tilespmem:$0x12320] =	vst v63  }
0xa8: {  	s30 =	simm.s32 $0x28A0  }
0xa9: {  	[spmem:s3] =	stream.indirect.scatter.add.f32 [tilespmem:s4], [sflag:$0x3], $0x10, s30, s24, $0xb8;
	[tilespmem:$0x12320] =	vst v63  }
0xaa: {  	s0 =	simm.s32 $0x28F0  }
0xab: {  	[spmem:s3] =	stream.indirect.scatter.add.f32 [tilespmem:s5], [sflag:$0x3], $0x10, s0, s24, $0xb8;
	[tilespmem:$0x12320] =	vst v63  }
0xac: {  	s1 =	simm.s32 $0x2940  }
0xad: {  	[spmem:s3] =	stream.indirect.scatter.add.f32 [tilespmem:s7], [sflag:$0x3], $0x10, s1, s24, $0xb8;
	[tilespmem:$0x12320] =	vst v63  }
0xae: {  	s4 =	simm.s32 $0x2990  }
0xaf: {  	[spmem:s3] =	stream.indirect.scatter.add.f32 [tilespmem:s8], [sflag:$0x3], $0x10, s4, s24, $0xb8;
	[tilespmem:$0x12320] =	vst v63  }
0xb0: {  	s5 =	simm.s32 $0x29E0  }
0xb1: {  	[spmem:s3] =	stream.indirect.scatter.add.f32 [tilespmem:s9], [sflag:$0x3], $0x10, s5, s24, $0xb8;
	[tilespmem:$0x12320] =	vst v63  }
0xb2: {  	s7 =	simm.s32 $0x2A30  }
0xb3: {  	[spmem:s3] =	stream.indirect.scatter.add.f32 [tilespmem:s11], [sflag:$0x3], $0x10, s7, s24, $0xb8;
	[tilespmem:$0x12320] =	vst v63  }
0xb4: {  	s8 =	simm.s32 $0x2A80  }
0xb5: {  	[spmem:s3] =	stream.indirect.scatter.add.f32 [tilespmem:s12], [sflag:$0x3], $0x10, s8, s24, $0xb8;
	[tilespmem:$0x12320] =	vst v63  }
0xb6: {  	_ =	swait.ge [sflag:s19], $0x500  }
0xb7: {  	[sflag:s19] =	ssyncset.done $0x0  }
0xb8: {  	[sflag:s19] =	ssyncadd.s32 $0xFFFFFB00  }
0xb9: {  	_ =	swait.ge [sflag:s19], $0x500  }
0xba: {  	[sflag:s19] =	ssyncset.done $0x0  }
0xbb: {  	[sflag:s19] =	ssyncadd.s32 $0xFFFFFB00  }
0xbc: {  	_ =	swait.ge [sflag:s19], $0x500  }
0xbd: {  	[sflag:s19] =	ssyncset.done $0x0  }
0xbe: {  	[sflag:s19] =	ssyncadd.s32 $0xFFFFFB00  }
0xbf: {  	_ =	swait.ge [sflag:s19], $0x500  }
0xc0: {  	[sflag:s19] =	ssyncset.done $0x0  }
0xc1: {  	[sflag:s19] =	ssyncadd.s32 $0xFFFFFB00  }
0xc2: {  	_ =	swait.ge [sflag:s19], $0x500  }
0xc3: {  	[sflag:s19] =	ssyncset.done $0x0  }
0xc4: {  	[sflag:s19] =	ssyncadd.s32 $0xFFFFFB00  }
0xc5: {  	_ =	swait.ge [sflag:s19], $0x500  }
0xc6: {  	[sflag:s19] =	ssyncset.done $0x0  }
0xc7: {  	[sflag:s19] =	ssyncadd.s32 $0xFFFFFB00  }
0xc8: {  	_ =	swait.ge [sflag:s19], $0x500  }
0xc9: {  	[sflag:s19] =	ssyncset.done $0x0  }
0xca: {  	[sflag:s19] =	ssyncadd.s32 $0xFFFFFB00  }
0xcb: {  	_ =	swait.ge [sflag:s19], $0x500  }
0xcc: {  	[sflag:s19] =	ssyncset.done $0x0  }
0xcd: {  	[sflag:s19] =	ssyncadd.s32 $0xFFFFFB00  }
0xce: {  	_ =	swait.ge [sflag:s19], $0x500  }
0xcf: {  	[sflag:s19] =	ssyncset.done $0x0  }
0xd0: {  	[sflag:s19] =	ssyncadd.s32 $0xFFFFFB00  }
0xd1: {  	_ =	swait.ge [sflag:s19], $0x500  }
0xd2: {  	[sflag:s19] =	ssyncset.done $0x0  }
0xd3: {  	[sflag:s19] =	ssyncadd.s32 $0xFFFFFB00  }
0xd4: {  	_ =	swait.ge [sflag:s19], $0x500  }
0xd5: {  	[sflag:s19] =	ssyncset.done $0x0  }
0xd6: {  	[sflag:s19] =	ssyncadd.s32 $0xFFFFFB00  }
0xd7: {  	_ =	swait.ge [sflag:s19], $0x500  }
0xd8: {  	[sflag:s19] =	ssyncset.done $0x0  }
0xd9: {  	[sflag:s19] =	ssyncadd.s32 $0xFFFFFB00  }
0xda: {  	_ =	swait.ge [sflag:s19], $0x500  }
0xdb: {  	[sflag:s19] =	ssyncset.done $0x0  }
0xdc: {  	s9 =	simm.s32 $0x2AD0;
	[sflag:s19] =	ssyncadd.s32 $0xFFFFFB00  }
0xdd: {  	[spmem:s3] =	stream.indirect.scatter.add.f32 [tilespmem:s13], [sflag:$0x3], $0x10, s9, s24, $0xb8;
	[tilespmem:$0x12320] =	vst v63  }
0xde: {  	s11 =	simm.s32 $0x2B20  }
0xdf: {  	[spmem:s3] =	stream.indirect.scatter.add.f32 [tilespmem:s14], [sflag:$0x3], $0x10, s11, s24, $0xb8;
	[tilespmem:$0x12320] =	vst v63  }
0xe0: {  	s12 =	simm.s32 $0x2B70  }
0xe1: {  	[spmem:s3] =	stream.indirect.scatter.add.f32 [tilespmem:s15], [sflag:$0x3], $0x10, s12, s24, $0xb8;
	[tilespmem:$0x12320] =	vst v63  }
0xe2: {  	s13 =	simm.s32 $0x2BC0  }
0xe3: {  	[spmem:s3] =	stream.indirect.scatter.add.f32 [tilespmem:s16], [sflag:$0x3], $0x10, s13, s24, $0xb8;
	[tilespmem:$0x12320] =	vst v63  }
0xe4: {  	s14 =	simm.s32 $0x2C10  }
0xe5: {  	[spmem:s3] =	stream.indirect.scatter.add.f32 [tilespmem:s17], [sflag:$0x3], $0x10, s14, s24, $0xb8;
	[tilespmem:$0x12320] =	vst v63  }
0xe6: {  	s15 =	simm.s32 $0x2C60  }
0xe7: {  	[spmem:s3] =	stream.indirect.scatter.add.f32 [tilespmem:s25], [sflag:$0x3], $0x10, s15, s24, $0xb8;
	[tilespmem:$0x12320] =	vst v63  }
0xe8: {  	s16 =	simm.s32 $0x2CB0  }
0xe9: {  	[spmem:s3] =	stream.indirect.scatter.add.f32 [tilespmem:s6], [sflag:$0x3], $0x10, s16, s24, $0xb8;
	[tilespmem:$0x12320] =	vst v63  }
0xea: {  	s17 =	simm.s32 $0x2D00  }
0xeb: {  	[spmem:s3] =	stream.indirect.scatter.add.f32 [tilespmem:s10], [sflag:$0x3], $0x10, s17, s24, $0xb8;
	[tilespmem:$0x12320] =	vst v63  }
0xec: {  	s20 =	simm.s32 $0x2D50  }
0xed: {  	[spmem:s3] =	stream.indirect.scatter.add.f32 [tilespmem:s22], [sflag:$0x3], $0x10, s20, s24, $0xb8;
	[tilespmem:$0x12320] =	vst v63  }
0xee: {  	s21 =	simm.s32 $0x2DA0  }
0xef: {  	[spmem:s3] =	stream.indirect.scatter.add.f32 [tilespmem:s31], [sflag:$0x3], $0x10, s21, s24, $0xb8;
	[tilespmem:$0x12320] =	vst v63  }
0xf0: {  	s25 =	simm.s32 $0xBC20;
	s22 =	simm.s32 $0x2DF0  }
0xf1: {  	[spmem:s3] =	stream.indirect.scatter.add.f32 [tilespmem:s25], [sflag:$0x3], $0x10, s22, s24, $0xb8;
	[tilespmem:$0x12320] =	vst v63  }
0xf2: {  	s30 =	simm.s32 $0x2E40  }
0xf3: {  	[spmem:s3] =	stream.indirect.scatter.add.f32 [tilespmem:s29], [sflag:$0x3], $0x10, s30, s24, $0xb8;
	[tilespmem:$0x12320] =	vst v63  }
0xf4: {  	s28 =	simm.s32 $0xC620;
	s31 =	simm.s32 $0x2E90  }
0xf5: {  	[spmem:s3] =	stream.indirect.scatter.add.f32 [tilespmem:s28], [sflag:$0x3], $0x10, s31, s24, $0xb8;
	[tilespmem:$0x12320] =	vst v63  }
0xf6: {  	_ =	swait.ge [sflag:s23], $0x500  }
0xf7: {  	[sflag:s23] =	ssyncset.done $0x0  }
0xf8: {  	[sflag:s23] =	ssyncadd.s32 $0xFFFFFB00  }
0xf9: {  	_ =	swait.ge [sflag:s23], $0x500  }
0xfa: {  	[sflag:s23] =	ssyncset.done $0x0  }
0xfb: {  	[sflag:s23] =	ssyncadd.s32 $0xFFFFFB00  }
0xfc: {  	_ =	swait.ge [sflag:s23], $0x500  }
0xfd: {  	[sflag:s23] =	ssyncset.done $0x0  }
0xfe: {  	[sflag:s23] =	ssyncadd.s32 $0xFFFFFB00  }
0xff: {  	_ =	swait.ge [sflag:s23], $0x500  }
0x100: {  	[sflag:s23] =	ssyncset.done $0x0  }
0x101: {  	[sflag:s23] =	ssyncadd.s32 $0xFFFFFB00  }
0x102: {  	_ =	swait.ge [sflag:s23], $0x500  }
0x103: {  	[sflag:s23] =	ssyncset.done $0x0  }
0x104: {  	[sflag:s23] =	ssyncadd.s32 $0xFFFFFB00  }
0x105: {  	_ =	swait.ge [sflag:s23], $0x500  }
0x106: {  	[sflag:s23] =	ssyncset.done $0x0  }
0x107: {  	[sflag:s23] =	ssyncadd.s32 $0xFFFFFB00  }
0x108: {  	_ =	swait.ge [sflag:s23], $0x500  }
0x109: {  	[sflag:s23] =	ssyncset.done $0x0  }
0x10a: {  	[sflag:s23] =	ssyncadd.s32 $0xFFFFFB00  }
0x10b: {  	_ =	swait.ge [sflag:s23], $0x500  }
0x10c: {  	[sflag:s23] =	ssyncset.done $0x0  }
0x10d: {  	[sflag:s23] =	ssyncadd.s32 $0xFFFFFB00  }
0x10e: {  	_ =	swait.ge [sflag:s23], $0x500  }
0x10f: {  	[sflag:s23] =	ssyncset.done $0x0  }
0x110: {  	[sflag:s23] =	ssyncadd.s32 $0xFFFFFB00  }
0x111: {  	_ =	swait.ge [sflag:s23], $0x500  }
0x112: {  	[sflag:s23] =	ssyncset.done $0x0  }
0x113: {  	[sflag:s23] =	ssyncadd.s32 $0xFFFFFB00  }
0x114: {  	_ =	swait.ge [sflag:s23], $0x500  }
0x115: {  	[sflag:s23] =	ssyncset.done $0x0  }
0x116: {  	[sflag:s23] =	ssyncadd.s32 $0xFFFFFB00  }
0x117: {  	_ =	swait.ge [sflag:s23], $0x500  }
0x118: {  	[sflag:s23] =	ssyncset.done $0x0  }
0x119: {  	[sflag:s23] =	ssyncadd.s32 $0xFFFFFB00  }
0x11a: {  	_ =	swait.ge [sflag:s23], $0x500  }
0x11b: {  	[sflag:s23] =	ssyncset.done $0x0  }
0x11c: {  	[sflag:s23] =	ssyncadd.s32 $0xFFFFFB00  }
0x11d: {  	_ =	swait.ge [sflag:s23], $0x500  }
0x11e: {  	[sflag:s23] =	ssyncset.done $0x0  }
0x11f: {  	[sflag:s23] =	ssyncadd.s32 $0xFFFFFB00  }
0x120: {  	_ =	swait.ge [sflag:s23], $0x500  }
0x121: {  	[sflag:s23] =	ssyncset.done $0x0  }
0x122: {  	[sflag:s23] =	ssyncadd.s32 $0xFFFFFB00  }
0x123: {  	_ =	swait.ge [sflag:s23], $0x500  }
0x124: {  	[sflag:s23] =	ssyncset.done $0x0  }
0x125: {  	[sflag:s23] =	ssyncadd.s32 $0xFFFFFB00  }
0x126: {  	_ =	swait.ge [sflag:s23], $0x500  }
0x127: {  	[sflag:s23] =	ssyncset.done $0x0  }
0x128: {  	[sflag:s23] =	ssyncadd.s32 $0xFFFFFB00  }
0x129: {  	_ =	swait.ge [sflag:s23], $0x500  }
0x12a: {  	[sflag:s23] =	ssyncset.done $0x0  }
0x12b: {  	[sflag:s23] =	ssyncadd.s32 $0xFFFFFB00  }
0x12c: {  	_ =	swait.ge [sflag:s23], $0x500  }
0x12d: {  	[sflag:s23] =	ssyncset.done $0x0  }
0x12e: {  	[sflag:s23] =	ssyncadd.s32 $0xFFFFFB00  }
0x12f: {  	_ =	swait.ge [sflag:s23], $0x500  }
0x130: {  	[sflag:s23] =	ssyncset.done $0x0  }
0x131: {  	[sflag:s23] =	ssyncadd.s32 $0xFFFFFB00  }
0x132: {  	_ =	swait.ge [sflag:s23], $0x500  }
0x133: {  	[sflag:s23] =	ssyncset.done $0x0  }
0x134: {  	[sflag:s23] =	ssyncadd.s32 $0xFFFFFB00  }
0x135: {  	_ =	swait.ge [sflag:s23], $0x500  }
0x136: {  	[sflag:s23] =	ssyncset.done $0x0  }
0x137: {  	[sflag:s23] =	ssyncadd.s32 $0xFFFFFB00  }
0x138: {  	_ =	swait.ge [sflag:s23], $0x500  }
0x139: {  	[sflag:s23] =	ssyncset.done $0x0  }
0x13a: {  	[sflag:s23] =	ssyncadd.s32 $0xFFFFFB00  }
0x13b: {  	_ =	swait.ge [sflag:s23], $0x500  }
0x13c: {  	[sflag:s23] =	ssyncset.done $0x0  }
0x13d: {  	[sflag:s23] =	ssyncadd.s32 $0xFFFFFB00  }
0x13e: {  	_ =	swait.ge [sflag:s23], $0x500  }
0x13f: {  	s10 =	simm.s32 $0x1F40;
	s28 =	simm.s32 $0x3E80;
	[sflag:s23] =	ssyncset.done $0x0  }
.LBB2_4:
0x140: {  	s29 =	sshra.s32 s10, $0x2;
	[sflag:s23] =	ssyncadd.s32 $0xFFFFFB00  }
0x141: {  	s10 =	smov.u32 s28;
	s0 =	sadd.s32 $0x1F40, s28;
	s9 =	simm.s32 $0x4E20  }
0x142: {  	[tilespmem:s9], [sflag:$0x1] =	stream.indirect.gather [spmem:s2], $0x10, s29, s24, $0xb8;
	[tilespmem:$0x12320] =	vst v63  }
0x143: {  	p0 =	sne.s32 s28, $0x7D00;
	s26 =	simm.s32 $0x5320;
	s28 =	sadd.s32 $0x50, s29  }
0x144: {  	[tilespmem:s26], [sflag:$0x1] =	stream.indirect.gather [spmem:s2], $0x10, s28, s24, $0xb8;
	[tilespmem:$0x12320] =	vst v63  }
0x145: {  	s8 =	simm.s32 $0x5820;
	s28 =	sadd.s32 $0xA0, s29  }
0x146: {  	[tilespmem:s8], [sflag:$0x1] =	stream.indirect.gather [spmem:s2], $0x10, s28, s24, $0xb8;
	[tilespmem:$0x12320] =	vst v63  }
0x147: {  	s6 =	simm.s32 $0x5D20;
	s28 =	sadd.s32 $0xF0, s29  }
0x148: {  	[tilespmem:s6], [sflag:$0x1] =	stream.indirect.gather [spmem:s2], $0x10, s28, s24, $0xb8;
	[tilespmem:$0x12320] =	vst v63  }
0x149: {  	s31 =	simm.s32 $0x6220;
	s28 =	sadd.s32 $0x140, s29  }
0x14a: {  	[tilespmem:s31], [sflag:$0x1] =	stream.indirect.gather [spmem:s2], $0x10, s28, s24, $0xb8;
	[tilespmem:$0x12320] =	vst v63  }
0x14b: {  	s1 =	simm.s32 $0x6720;
	s28 =	sadd.s32 $0x190, s29  }
0x14c: {  	[tilespmem:s1], [sflag:$0x1] =	stream.indirect.gather [spmem:s2], $0x10, s28, s24, $0xb8;
	[tilespmem:$0x12320] =	vst v63  }
0x14d: {  	[dreg:$0x4] =	wrdreg s0;
	s0 =	simm.s32 $0x6C20;
	s28 =	sadd.s32 $0x1E0, s29  }
0x14e: {  	[tilespmem:s0], [sflag:$0x1] =	stream.indirect.gather [spmem:s2], $0x10, s28, s24, $0xb8;
	[tilespmem:$0x12320] =	vst v63  }
0x14f: {  	s20 =	simm.s32 $0x7120;
	s28 =	sadd.s32 $0x230, s29  }
0x150: {  	[tilespmem:s20], [sflag:$0x1] =	stream.indirect.gather [spmem:s2], $0x10, s28, s24, $0xb8;
	[tilespmem:$0x12320] =	vst v63  }
0x151: {  	s21 =	simm.s32 $0x7620;
	s28 =	sadd.s32 $0x280, s29  }
0x152: {  	[tilespmem:s21], [sflag:$0x1] =	stream.indirect.gather [spmem:s2], $0x10, s28, s24, $0xb8;
	[tilespmem:$0x12320] =	vst v63  }
0x153: {  	s4 =	simm.s32 $0x7B20;
	s28 =	sadd.s32 $0x2D0, s29  }
0x154: {  	[tilespmem:s4], [sflag:$0x1] =	stream.indirect.gather [spmem:s2], $0x10, s28, s24, $0xb8;
	[tilespmem:$0x12320] =	vst v63  }
0x155: {  	s5 =	simm.s32 $0x8020;
	s28 =	sadd.s32 $0x320, s29  }
0x156: {  	[tilespmem:s5], [sflag:$0x1] =	stream.indirect.gather [spmem:s2], $0x10, s28, s24, $0xb8;
	[tilespmem:$0x12320] =	vst v63  }
0x157: {  	s7 =	simm.s32 $0x8520;
	s28 =	sadd.s32 $0x370, s29  }
0x158: {  	[tilespmem:s7], [sflag:$0x1] =	stream.indirect.gather [spmem:s2], $0x10, s28, s24, $0xb8;
	[tilespmem:$0x12320] =	vst v63  }
0x159: {  	s11 =	simm.s32 $0x8A20;
	s28 =	sadd.s32 $0x3C0, s29  }
0x15a: {  	[tilespmem:s11], [sflag:$0x2] =	stream.indirect.gather [spmem:s2], $0x10, s28, s24, $0xb8;
	[tilespmem:$0x12320] =	vst v63  }
0x15b: {  	s17 =	simm.s32 $0x8F20;
	s28 =	sadd.s32 $0x410, s29  }
0x15c: {  	[tilespmem:s17], [sflag:$0x2] =	stream.indirect.gather [spmem:s2], $0x10, s28, s24, $0xb8;
	[tilespmem:$0x12320] =	vst v63  }
0x15d: {  	s11 =	simm.s32 $0x9420;
	s28 =	sadd.s32 $0x460, s29  }
0x15e: {  	[tilespmem:s11], [sflag:$0x2] =	stream.indirect.gather [spmem:s2], $0x10, s28, s24, $0xb8;
	[tilespmem:$0x12320] =	vst v63  }
0x15f: {  	s12 =	simm.s32 $0x9920;
	s28 =	sadd.s32 $0x4B0, s29  }
0x160: {  	[tilespmem:s12], [sflag:$0x2] =	stream.indirect.gather [spmem:s2], $0x10, s28, s24, $0xb8;
	[tilespmem:$0x12320] =	vst v63  }
0x161: {  	s13 =	simm.s32 $0x9E20;
	s28 =	sadd.s32 $0x500, s29  }
0x162: {  	[tilespmem:s13], [sflag:$0x2] =	stream.indirect.gather [spmem:s2], $0x10, s28, s24, $0xb8;
	[tilespmem:$0x12320] =	vst v63  }
0x163: {  	s14 =	simm.s32 $0xA320;
	s28 =	sadd.s32 $0x550, s29  }
0x164: {  	[tilespmem:s14], [sflag:$0x2] =	stream.indirect.gather [spmem:s2], $0x10, s28, s24, $0xb8;
	[tilespmem:$0x12320] =	vst v63  }
0x165: {  	s15 =	simm.s32 $0xA820;
	s28 =	sadd.s32 $0x5A0, s29  }
0x166: {  	[tilespmem:s15], [sflag:$0x2] =	stream.indirect.gather [spmem:s2], $0x10, s28, s24, $0xb8;
	[tilespmem:$0x12320] =	vst v63  }
0x167: {  	s16 =	simm.s32 $0xAD20;
	s28 =	sadd.s32 $0x5F0, s29  }
0x168: {  	[tilespmem:s16], [sflag:$0x2] =	stream.indirect.gather [spmem:s2], $0x10, s28, s24, $0xb8;
	[tilespmem:$0x12320] =	vst v63  }
0x169: {  	s17 =	simm.s32 $0xB220;
	s28 =	sadd.s32 $0x640, s29  }
0x16a: {  	[tilespmem:s17], [sflag:$0x2] =	stream.indirect.gather [spmem:s2], $0x10, s28, s24, $0xb8;
	[tilespmem:$0x12320] =	vst v63  }
0x16b: {  	s25 =	simm.s32 $0xB720;
	s28 =	sadd.s32 $0x690, s29  }
0x16c: {  	[tilespmem:s25], [sflag:$0x2] =	stream.indirect.gather [spmem:s2], $0x10, s28, s24, $0xb8;
	[tilespmem:$0x12320] =	vst v63  }
0x16d: {  	s22 =	simm.s32 $0xBC20;
	s28 =	sadd.s32 $0x6E0, s29  }
0x16e: {  	[tilespmem:s22], [sflag:$0x2] =	stream.indirect.gather [spmem:s2], $0x10, s28, s24, $0xb8;
	[tilespmem:$0x12320] =	vst v63  }
0x16f: {  	s30 =	simm.s32 $0xC120;
	s28 =	sadd.s32 $0x730, s29  }
0x170: {  	[tilespmem:s30], [sflag:$0x2] =	stream.indirect.gather [spmem:s2], $0x10, s28, s24, $0xb8;
	[tilespmem:$0x12320] =	vst v63  }
0x171: {  	s28 =	sadd.s32 $0x780, s29;
	s30 =	simm.s32 $0xC620  }
0x172: {  	[tilespmem:s30], [sflag:$0x2] =	stream.indirect.gather [spmem:s2], $0x10, s28, s24, $0xb8;
	[tilespmem:$0x12320] =	vst v63  }
0x173: {  	_ =	swait.ge [sflag:s18], $0x500  }
0x174: {  	[sflag:s18] =	ssyncset.done $0x0  }
0x175: {  	[sflag:s18] =	ssyncadd.s32 $0xFFFFFB00  }
0x176: {  	_ =	swait.ge [sflag:s18], $0x500  }
0x177: {  	[sflag:s18] =	ssyncset.done $0x0  }
0x178: {  	[sflag:s18] =	ssyncadd.s32 $0xFFFFFB00  }
0x179: {  	_ =	swait.ge [sflag:s18], $0x500  }
0x17a: {  	[sflag:s18] =	ssyncset.done $0x0  }
0x17b: {  	[sflag:s18] =	ssyncadd.s32 $0xFFFFFB00  }
0x17c: {  	_ =	swait.ge [sflag:s18], $0x500  }
0x17d: {  	[sflag:s18] =	ssyncset.done $0x0  }
0x17e: {  	[sflag:s18] =	ssyncadd.s32 $0xFFFFFB00  }
0x17f: {  	_ =	swait.ge [sflag:s18], $0x500  }
0x180: {  	[sflag:s18] =	ssyncset.done $0x0  }
0x181: {  	[sflag:s18] =	ssyncadd.s32 $0xFFFFFB00  }
0x182: {  	_ =	swait.ge [sflag:s18], $0x500  }
0x183: {  	[sflag:s18] =	ssyncset.done $0x0  }
0x184: {  	[sflag:s18] =	ssyncadd.s32 $0xFFFFFB00  }
0x185: {  	_ =	swait.ge [sflag:s18], $0x500  }
0x186: {  	[sflag:s18] =	ssyncset.done $0x0  }
0x187: {  	[sflag:s18] =	ssyncadd.s32 $0xFFFFFB00  }
0x188: {  	_ =	swait.ge [sflag:s18], $0x500  }
0x189: {  	[sflag:s18] =	ssyncset.done $0x0  }
0x18a: {  	[sflag:s18] =	ssyncadd.s32 $0xFFFFFB00  }
0x18b: {  	_ =	swait.ge [sflag:s18], $0x500  }
0x18c: {  	[sflag:s18] =	ssyncset.done $0x0  }
0x18d: {  	[sflag:s18] =	ssyncadd.s32 $0xFFFFFB00  }
0x18e: {  	_ =	swait.ge [sflag:s18], $0x500  }
0x18f: {  	[sflag:s18] =	ssyncset.done $0x0  }
0x190: {  	[sflag:s18] =	ssyncadd.s32 $0xFFFFFB00  }
0x191: {  	_ =	swait.ge [sflag:s18], $0x500  }
0x192: {  	[sflag:s18] =	ssyncset.done $0x0  }
0x193: {  	[sflag:s18] =	ssyncadd.s32 $0xFFFFFB00  }
0x194: {  	_ =	swait.ge [sflag:s18], $0x500  }
0x195: {  	[sflag:s18] =	ssyncset.done $0x0  }
0x196: {  	s28 =	sadd.s32 $0x2710, s29;
	[sflag:s18] =	ssyncadd.s32 $0xFFFFFB00  }
0x197: {  	[spmem:s3] =	stream.indirect.scatter.add.f32 [tilespmem:s9], [sflag:$0x3], $0x10, s28, s24, $0xb8;
	[tilespmem:$0x12320] =	vst v63  }
0x198: {  	s28 =	sadd.s32 $0x2760, s29  }
0x199: {  	[spmem:s3] =	stream.indirect.scatter.add.f32 [tilespmem:s26], [sflag:$0x3], $0x10, s28, s24, $0xb8;
	[tilespmem:$0x12320] =	vst v63  }
0x19a: {  	s28 =	sadd.s32 $0x27B0, s29  }
0x19b: {  	[spmem:s3] =	stream.indirect.scatter.add.f32 [tilespmem:s8], [sflag:$0x3], $0x10, s28, s24, $0xb8;
	[tilespmem:$0x12320] =	vst v63  }
0x19c: {  	s28 =	sadd.s32 $0x2800, s29  }
0x19d: {  	[spmem:s3] =	stream.indirect.scatter.add.f32 [tilespmem:s6], [sflag:$0x3], $0x10, s28, s24, $0xb8;
	[tilespmem:$0x12320] =	vst v63  }
0x19e: {  	s28 =	sadd.s32 $0x2850, s29  }
0x19f: {  	[spmem:s3] =	stream.indirect.scatter.add.f32 [tilespmem:s31], [sflag:$0x3], $0x10, s28, s24, $0xb8;
	[tilespmem:$0x12320] =	vst v63  }
0x1a0: {  	s28 =	sadd.s32 $0x28A0, s29  }
0x1a1: {  	[spmem:s3] =	stream.indirect.scatter.add.f32 [tilespmem:s1], [sflag:$0x3], $0x10, s28, s24, $0xb8;
	[tilespmem:$0x12320] =	vst v63  }
0x1a2: {  	s28 =	sadd.s32 $0x28F0, s29  }
0x1a3: {  	[spmem:s3] =	stream.indirect.scatter.add.f32 [tilespmem:s0], [sflag:$0x3], $0x10, s28, s24, $0xb8;
	[tilespmem:$0x12320] =	vst v63  }
0x1a4: {  	s28 =	sadd.s32 $0x2940, s29  }
0x1a5: {  	[spmem:s3] =	stream.indirect.scatter.add.f32 [tilespmem:s20], [sflag:$0x3], $0x10, s28, s24, $0xb8;
	[tilespmem:$0x12320] =	vst v63  }
0x1a6: {  	s28 =	sadd.s32 $0x2990, s29  }
0x1a7: {  	[spmem:s3] =	stream.indirect.scatter.add.f32 [tilespmem:s21], [sflag:$0x3], $0x10, s28, s24, $0xb8;
	[tilespmem:$0x12320] =	vst v63  }
0x1a8: {  	s28 =	sadd.s32 $0x29E0, s29  }
0x1a9: {  	[spmem:s3] =	stream.indirect.scatter.add.f32 [tilespmem:s4], [sflag:$0x3], $0x10, s28, s24, $0xb8;
	[tilespmem:$0x12320] =	vst v63  }
0x1aa: {  	s28 =	sadd.s32 $0x2A30, s29  }
0x1ab: {  	[spmem:s3] =	stream.indirect.scatter.add.f32 [tilespmem:s5], [sflag:$0x3], $0x10, s28, s24, $0xb8;
	[tilespmem:$0x12320] =	vst v63  }
0x1ac: {  	s28 =	sadd.s32 $0x2A80, s29  }
0x1ad: {  	[spmem:s3] =	stream.indirect.scatter.add.f32 [tilespmem:s7], [sflag:$0x3], $0x10, s28, s24, $0xb8;
	[tilespmem:$0x12320] =	vst v63  }
0x1ae: {  	_ =	swait.ge [sflag:s19], $0x500  }
0x1af: {  	[sflag:s19] =	ssyncset.done $0x0  }
0x1b0: {  	[sflag:s19] =	ssyncadd.s32 $0xFFFFFB00  }
0x1b1: {  	_ =	swait.ge [sflag:s19], $0x500  }
0x1b2: {  	[sflag:s19] =	ssyncset.done $0x0  }
0x1b3: {  	[sflag:s19] =	ssyncadd.s32 $0xFFFFFB00  }
0x1b4: {  	_ =	swait.ge [sflag:s19], $0x500  }
0x1b5: {  	[sflag:s19] =	ssyncset.done $0x0  }
0x1b6: {  	[sflag:s19] =	ssyncadd.s32 $0xFFFFFB00  }
0x1b7: {  	_ =	swait.ge [sflag:s19], $0x500  }
0x1b8: {  	[sflag:s19] =	ssyncset.done $0x0  }
0x1b9: {  	[sflag:s19] =	ssyncadd.s32 $0xFFFFFB00  }
0x1ba: {  	_ =	swait.ge [sflag:s19], $0x500  }
0x1bb: {  	[sflag:s19] =	ssyncset.done $0x0  }
0x1bc: {  	[sflag:s19] =	ssyncadd.s32 $0xFFFFFB00  }
0x1bd: {  	_ =	swait.ge [sflag:s19], $0x500  }
0x1be: {  	[sflag:s19] =	ssyncset.done $0x0  }
0x1bf: {  	[sflag:s19] =	ssyncadd.s32 $0xFFFFFB00  }
0x1c0: {  	_ =	swait.ge [sflag:s19], $0x500  }
0x1c1: {  	[sflag:s19] =	ssyncset.done $0x0  }
0x1c2: {  	[sflag:s19] =	ssyncadd.s32 $0xFFFFFB00  }
0x1c3: {  	_ =	swait.ge [sflag:s19], $0x500  }
0x1c4: {  	[sflag:s19] =	ssyncset.done $0x0  }
0x1c5: {  	[sflag:s19] =	ssyncadd.s32 $0xFFFFFB00  }
0x1c6: {  	_ =	swait.ge [sflag:s19], $0x500  }
0x1c7: {  	[sflag:s19] =	ssyncset.done $0x0  }
0x1c8: {  	[sflag:s19] =	ssyncadd.s32 $0xFFFFFB00  }
0x1c9: {  	_ =	swait.ge [sflag:s19], $0x500  }
0x1ca: {  	[sflag:s19] =	ssyncset.done $0x0  }
0x1cb: {  	[sflag:s19] =	ssyncadd.s32 $0xFFFFFB00  }
0x1cc: {  	_ =	swait.ge [sflag:s19], $0x500  }
0x1cd: {  	[sflag:s19] =	ssyncset.done $0x0  }
0x1ce: {  	[sflag:s19] =	ssyncadd.s32 $0xFFFFFB00  }
0x1cf: {  	_ =	swait.ge [sflag:s19], $0x500  }
0x1d0: {  	[sflag:s19] =	ssyncset.done $0x0  }
0x1d1: {  	[sflag:s19] =	ssyncadd.s32 $0xFFFFFB00  }
0x1d2: {  	_ =	swait.ge [sflag:s19], $0x500  }
0x1d3: {  	[sflag:s19] =	ssyncset.done $0x0  }
0x1d4: {  	s21 =	simm.s32 $0x8A20;
	s28 =	sadd.s32 $0x2AD0, s29;
	[sflag:s19] =	ssyncadd.s32 $0xFFFFFB00  }
0x1d5: {  	[spmem:s3] =	stream.indirect.scatter.add.f32 [tilespmem:s21], [sflag:$0x3], $0x10, s28, s24, $0xb8;
	[tilespmem:$0x12320] =	vst v63  }
0x1d6: {  	s26 =	simm.s32 $0x8F20;
	s28 =	sadd.s32 $0x2B20, s29  }
0x1d7: {  	[spmem:s3] =	stream.indirect.scatter.add.f32 [tilespmem:s26], [sflag:$0x3], $0x10, s28, s24, $0xb8;
	[tilespmem:$0x12320] =	vst v63  }
0x1d8: {  	s28 =	sadd.s32 $0x2B70, s29  }
0x1d9: {  	[spmem:s3] =	stream.indirect.scatter.add.f32 [tilespmem:s11], [sflag:$0x3], $0x10, s28, s24, $0xb8;
	[tilespmem:$0x12320] =	vst v63  }
0x1da: {  	s28 =	sadd.s32 $0x2BC0, s29  }
0x1db: {  	[spmem:s3] =	stream.indirect.scatter.add.f32 [tilespmem:s12], [sflag:$0x3], $0x10, s28, s24, $0xb8;
	[tilespmem:$0x12320] =	vst v63  }
0x1dc: {  	s28 =	sadd.s32 $0x2C10, s29  }
0x1dd: {  	[spmem:s3] =	stream.indirect.scatter.add.f32 [tilespmem:s13], [sflag:$0x3], $0x10, s28, s24, $0xb8;
	[tilespmem:$0x12320] =	vst v63  }
0x1de: {  	s28 =	sadd.s32 $0x2C60, s29  }
0x1df: {  	[spmem:s3] =	stream.indirect.scatter.add.f32 [tilespmem:s14], [sflag:$0x3], $0x10, s28, s24, $0xb8;
	[tilespmem:$0x12320] =	vst v63  }
0x1e0: {  	s28 =	sadd.s32 $0x2CB0, s29  }
0x1e1: {  	[spmem:s3] =	stream.indirect.scatter.add.f32 [tilespmem:s15], [sflag:$0x3], $0x10, s28, s24, $0xb8;
	[tilespmem:$0x12320] =	vst v63  }
0x1e2: {  	s28 =	sadd.s32 $0x2D00, s29  }
0x1e3: {  	[spmem:s3] =	stream.indirect.scatter.add.f32 [tilespmem:s16], [sflag:$0x3], $0x10, s28, s24, $0xb8;
	[tilespmem:$0x12320] =	vst v63  }
0x1e4: {  	s28 =	sadd.s32 $0x2D50, s29  }
0x1e5: {  	[spmem:s3] =	stream.indirect.scatter.add.f32 [tilespmem:s17], [sflag:$0x3], $0x10, s28, s24, $0xb8;
	[tilespmem:$0x12320] =	vst v63  }
0x1e6: {  	s28 =	sadd.s32 $0x2DA0, s29  }
0x1e7: {  	[spmem:s3] =	stream.indirect.scatter.add.f32 [tilespmem:s25], [sflag:$0x3], $0x10, s28, s24, $0xb8;
	[tilespmem:$0x12320] =	vst v63  }
0x1e8: {  	s28 =	sadd.s32 $0x2DF0, s29  }
0x1e9: {  	[spmem:s3] =	stream.indirect.scatter.add.f32 [tilespmem:s22], [sflag:$0x3], $0x10, s28, s24, $0xb8;
	[tilespmem:$0x12320] =	vst v63  }
0x1ea: {  	s31 =	simm.s32 $0xC120;
	s28 =	sadd.s32 $0x2E40, s29  }
0x1eb: {  	[spmem:s3] =	stream.indirect.scatter.add.f32 [tilespmem:s31], [sflag:$0x3], $0x10, s28, s24, $0xb8;
	[tilespmem:$0x12320] =	vst v63  }
0x1ec: {  	s28 =	sadd.s32 $0x2E90, s29  }
0x1ed: {  	[spmem:s3] =	stream.indirect.scatter.add.f32 [tilespmem:s30], [sflag:$0x3], $0x10, s28, s24, $0xb8;
	[tilespmem:$0x12320] =	vst v63  }
0x1ee: {  	_ =	swait.ge [sflag:s23], $0x500  }
0x1ef: {  	[sflag:s23] =	ssyncset.done $0x0  }
0x1f0: {  	[sflag:s23] =	ssyncadd.s32 $0xFFFFFB00  }
0x1f1: {  	_ =	swait.ge [sflag:s23], $0x500  }
0x1f2: {  	[sflag:s23] =	ssyncset.done $0x0  }
0x1f3: {  	[sflag:s23] =	ssyncadd.s32 $0xFFFFFB00  }
0x1f4: {  	_ =	swait.ge [sflag:s23], $0x500  }
0x1f5: {  	[sflag:s23] =	ssyncset.done $0x0  }
0x1f6: {  	[sflag:s23] =	ssyncadd.s32 $0xFFFFFB00  }
0x1f7: {  	_ =	swait.ge [sflag:s23], $0x500  }
0x1f8: {  	[sflag:s23] =	ssyncset.done $0x0  }
0x1f9: {  	[sflag:s23] =	ssyncadd.s32 $0xFFFFFB00  }
0x1fa: {  	_ =	swait.ge [sflag:s23], $0x500  }
0x1fb: {  	[sflag:s23] =	ssyncset.done $0x0  }
0x1fc: {  	[sflag:s23] =	ssyncadd.s32 $0xFFFFFB00  }
0x1fd: {  	_ =	swait.ge [sflag:s23], $0x500  }
0x1fe: {  	[sflag:s23] =	ssyncset.done $0x0  }
0x1ff: {  	[sflag:s23] =	ssyncadd.s32 $0xFFFFFB00  }
0x200: {  	_ =	swait.ge [sflag:s23], $0x500  }
0x201: {  	[sflag:s23] =	ssyncset.done $0x0  }
0x202: {  	[sflag:s23] =	ssyncadd.s32 $0xFFFFFB00  }
0x203: {  	_ =	swait.ge [sflag:s23], $0x500  }
0x204: {  	[sflag:s23] =	ssyncset.done $0x0  }
0x205: {  	[sflag:s23] =	ssyncadd.s32 $0xFFFFFB00  }
0x206: {  	_ =	swait.ge [sflag:s23], $0x500  }
0x207: {  	[sflag:s23] =	ssyncset.done $0x0  }
0x208: {  	[sflag:s23] =	ssyncadd.s32 $0xFFFFFB00  }
0x209: {  	_ =	swait.ge [sflag:s23], $0x500  }
0x20a: {  	[sflag:s23] =	ssyncset.done $0x0  }
0x20b: {  	[sflag:s23] =	ssyncadd.s32 $0xFFFFFB00  }
0x20c: {  	_ =	swait.ge [sflag:s23], $0x500  }
0x20d: {  	[sflag:s23] =	ssyncset.done $0x0  }
0x20e: {  	[sflag:s23] =	ssyncadd.s32 $0xFFFFFB00  }
0x20f: {  	_ =	swait.ge [sflag:s23], $0x500  }
0x210: {  	[sflag:s23] =	ssyncset.done $0x0  }
0x211: {  	[sflag:s23] =	ssyncadd.s32 $0xFFFFFB00  }
0x212: {  	_ =	swait.ge [sflag:s23], $0x500  }
0x213: {  	[sflag:s23] =	ssyncset.done $0x0  }
0x214: {  	[sflag:s23] =	ssyncadd.s32 $0xFFFFFB00  }
0x215: {  	_ =	swait.ge [sflag:s23], $0x500  }
0x216: {  	[sflag:s23] =	ssyncset.done $0x0  }
0x217: {  	[sflag:s23] =	ssyncadd.s32 $0xFFFFFB00  }
0x218: {  	_ =	swait.ge [sflag:s23], $0x500  }
0x219: {  	[sflag:s23] =	ssyncset.done $0x0  }
0x21a: {  	[sflag:s23] =	ssyncadd.s32 $0xFFFFFB00  }
0x21b: {  	_ =	swait.ge [sflag:s23], $0x500  }
0x21c: {  	[sflag:s23] =	ssyncset.done $0x0  }
0x21d: {  	[sflag:s23] =	ssyncadd.s32 $0xFFFFFB00  }
0x21e: {  	_ =	swait.ge [sflag:s23], $0x500  }
0x21f: {  	[sflag:s23] =	ssyncset.done $0x0  }
0x220: {  	[sflag:s23] =	ssyncadd.s32 $0xFFFFFB00  }
0x221: {  	_ =	swait.ge [sflag:s23], $0x500  }
0x222: {  	[sflag:s23] =	ssyncset.done $0x0  }
0x223: {  	[sflag:s23] =	ssyncadd.s32 $0xFFFFFB00  }
0x224: {  	_ =	swait.ge [sflag:s23], $0x500  }
0x225: {  	[sflag:s23] =	ssyncset.done $0x0  }
0x226: {  	[sflag:s23] =	ssyncadd.s32 $0xFFFFFB00  }
0x227: {  	_ =	swait.ge [sflag:s23], $0x500  }
0x228: {  	[sflag:s23] =	ssyncset.done $0x0  }
0x229: {  	[sflag:s23] =	ssyncadd.s32 $0xFFFFFB00  }
0x22a: {  	_ =	swait.ge [sflag:s23], $0x500  }
0x22b: {  	[sflag:s23] =	ssyncset.done $0x0  }
0x22c: {  	[sflag:s23] =	ssyncadd.s32 $0xFFFFFB00  }
0x22d: {  	_ =	swait.ge [sflag:s23], $0x500  }
0x22e: {  	[sflag:s23] =	ssyncset.done $0x0  }
0x22f: {  	[sflag:s23] =	ssyncadd.s32 $0xFFFFFB00  }
0x230: {  	_ =	swait.ge [sflag:s23], $0x500  }
0x231: {  	[sflag:s23] =	ssyncset.done $0x0  }
0x232: {  	[sflag:s23] =	ssyncadd.s32 $0xFFFFFB00  }
.Ltmp1:
0x233: {  	_ =	swait.ge [sflag:s23], $0x500;
	(pc) =	sbr.rel @p0 .LBB2_4-.Ltmp1, $4  }
0x234: {  	[sflag:s23] =	ssyncset.done $0x0  }
0x235: {  	[sflag:s23] =	ssyncadd.s32 $0xFFFFFB00  }
0x236: {  	_ =	swait.ge [sflag:s23], $0x500  }
0x237: {  	[sflag:s23] =	ssyncset.done $0x0;
	s28 =	rddreg [dreg:$0x4]  }
0x238: {  	s26 =	sshra.s32 s10, $0x2;
	[sflag:s23] =	ssyncadd.s32 $0xFFFFFB00;
	s8 =	simm.s32 $0x4E20  }
0x239: {  	[tilespmem:s8], [sflag:$0x1] =	stream.indirect.gather [spmem:s2], $0x10, s26, s24, $0xb8;
	[tilespmem:$0x12320] =	vst v63  }
0x23a: {  	s6 =	simm.s32 $0x5320;
	s28 =	sadd.s32 $0x50, s26  }
0x23b: {  	[tilespmem:s6], [sflag:$0x1] =	stream.indirect.gather [spmem:s2], $0x10, s28, s24, $0xb8;
	[tilespmem:$0x12320] =	vst v63  }
0x23c: {  	s31 =	simm.s32 $0x5820;
	s16 =	sadd.s32 $0xA0, s26  }
0x23d: {  	[tilespmem:s31], [sflag:$0x1] =	stream.indirect.gather [spmem:s2], $0x10, s16, s24, $0xb8;
	[tilespmem:$0x12320] =	vst v63  }
0x23e: {  	s30 =	simm.s32 $0x5D20;
	s17 =	sadd.s32 $0xF0, s26  }
0x23f: {  	[tilespmem:s30], [sflag:$0x1] =	stream.indirect.gather [spmem:s2], $0x10, s17, s24, $0xb8;
	[tilespmem:$0x12320] =	vst v63  }
0x240: {  	s29 =	simm.s32 $0x6220;
	s20 =	sadd.s32 $0x140, s26  }
0x241: {  	[tilespmem:s29], [sflag:$0x1] =	stream.indirect.gather [spmem:s2], $0x10, s20, s24, $0xb8;
	[tilespmem:$0x12320] =	vst v63  }
0x242: {  	s1 =	simm.s32 $0x6720;
	s21 =	sadd.s32 $0x190, s26  }
0x243: {  	[tilespmem:s1], [sflag:$0x1] =	stream.indirect.gather [spmem:s2], $0x10, s21, s24, $0xb8;
	[tilespmem:$0x12320] =	vst v63  }
0x244: {  	s0 =	simm.s32 $0x6C20;
	s22 =	sadd.s32 $0x1E0, s26  }
0x245: {  	[tilespmem:s0], [sflag:$0x1] =	stream.indirect.gather [spmem:s2], $0x10, s22, s24, $0xb8;
	[tilespmem:$0x12320] =	vst v63  }
0x246: {  	s25 =	sadd.s32 $0x230, s26;
	s20 =	simm.s32 $0x7120  }
0x247: {  	[tilespmem:s20], [sflag:$0x1] =	stream.indirect.gather [spmem:s2], $0x10, s25, s24, $0xb8;
	[tilespmem:$0x12320] =	vst v63  }
0x248: {  	s4 =	sadd.s32 $0x280, s26;
	s21 =	simm.s32 $0x7620  }
0x249: {  	[tilespmem:s21], [sflag:$0x1] =	stream.indirect.gather [spmem:s2], $0x10, s4, s24, $0xb8;
	[tilespmem:$0x12320] =	vst v63  }
0x24a: {  	s5 =	sadd.s32 $0x2D0, s26;
	s4 =	simm.s32 $0x7B20  }
0x24b: {  	[tilespmem:s4], [sflag:$0x1] =	stream.indirect.gather [spmem:s2], $0x10, s5, s24, $0xb8;
	[tilespmem:$0x12320] =	vst v63  }
0x24c: {  	s7 =	sadd.s32 $0x320, s26;
	s5 =	simm.s32 $0x8020  }
0x24d: {  	[tilespmem:s5], [sflag:$0x1] =	stream.indirect.gather [spmem:s2], $0x10, s7, s24, $0xb8;
	[tilespmem:$0x12320] =	vst v63  }
0x24e: {  	s9 =	sadd.s32 $0x370, s26;
	s7 =	simm.s32 $0x8520  }
0x24f: {  	[tilespmem:s7], [sflag:$0x1] =	stream.indirect.gather [spmem:s2], $0x10, s9, s24, $0xb8;
	[tilespmem:$0x12320] =	vst v63  }
0x250: {  	s10 =	sadd.s32 $0x3C0, s26;
	s9 =	simm.s32 $0x8A20  }
0x251: {  	[tilespmem:s9], [sflag:$0x2] =	stream.indirect.gather [spmem:s2], $0x10, s10, s24, $0xb8;
	[tilespmem:$0x12320] =	vst v63  }
0x252: {  	s12 =	simm.s32 $0x8F20;
	s11 =	sadd.s32 $0x410, s26  }
0x253: {  	[tilespmem:s12], [sflag:$0x2] =	stream.indirect.gather [spmem:s2], $0x10, s11, s24, $0xb8;
	[tilespmem:$0x12320] =	vst v63  }
0x254: {  	s13 =	sadd.s32 $0x460, s26;
	s11 =	simm.s32 $0x9420  }
0x255: {  	[tilespmem:s11], [sflag:$0x2] =	stream.indirect.gather [spmem:s2], $0x10, s13, s24, $0xb8;
	[tilespmem:$0x12320] =	vst v63  }
0x256: {  	s14 =	sadd.s32 $0x4B0, s26;
	s12 =	simm.s32 $0x9920  }
0x257: {  	[tilespmem:s12], [sflag:$0x2] =	stream.indirect.gather [spmem:s2], $0x10, s14, s24, $0xb8;
	[tilespmem:$0x12320] =	vst v63  }
0x258: {  	s15 =	sadd.s32 $0x500, s26;
	s13 =	simm.s32 $0x9E20  }
0x259: {  	[tilespmem:s13], [sflag:$0x2] =	stream.indirect.gather [spmem:s2], $0x10, s15, s24, $0xb8;
	[tilespmem:$0x12320] =	vst v63  }
0x25a: {  	s16 =	sadd.s32 $0x550, s26;
	s14 =	simm.s32 $0xA320  }
0x25b: {  	[tilespmem:s14], [sflag:$0x2] =	stream.indirect.gather [spmem:s2], $0x10, s16, s24, $0xb8;
	[tilespmem:$0x12320] =	vst v63  }
0x25c: {  	s17 =	sadd.s32 $0x5A0, s26;
	s15 =	simm.s32 $0xA820  }
0x25d: {  	[tilespmem:s15], [sflag:$0x2] =	stream.indirect.gather [spmem:s2], $0x10, s17, s24, $0xb8;
	[tilespmem:$0x12320] =	vst v63  }
0x25e: {  	s22 =	sadd.s32 $0x5F0, s26;
	s16 =	simm.s32 $0xAD20  }
0x25f: {  	[tilespmem:s16], [sflag:$0x2] =	stream.indirect.gather [spmem:s2], $0x10, s22, s24, $0xb8;
	[tilespmem:$0x12320] =	vst v63  }
0x260: {  	s25 =	sadd.s32 $0x640, s26;
	s17 =	simm.s32 $0xB220  }
0x261: {  	[tilespmem:s17], [sflag:$0x2] =	stream.indirect.gather [spmem:s2], $0x10, s25, s24, $0xb8;
	[tilespmem:$0x12320] =	vst v63  }
0x262: {  	s9 =	sadd.s32 $0x690, s26;
	s25 =	simm.s32 $0xB720  }
0x263: {  	[tilespmem:s25], [sflag:$0x2] =	stream.indirect.gather [spmem:s2], $0x10, s9, s24, $0xb8;
	[tilespmem:$0x12320] =	vst v63  }
0x264: {  	s10 =	sadd.s32 $0x6E0, s26;
	s22 =	simm.s32 $0xBC20  }
0x265: {  	[tilespmem:s22], [sflag:$0x2] =	stream.indirect.gather [spmem:s2], $0x10, s10, s24, $0xb8;
	[tilespmem:$0x12320] =	vst v63  }
0x266: {  	s9 =	sadd.s32 $0x730, s26;
	s10 =	simm.s32 $0xC120  }
0x267: {  	[tilespmem:s10], [sflag:$0x2] =	stream.indirect.gather [spmem:s2], $0x10, s9, s24, $0xb8;
	[tilespmem:$0x12320] =	vst v63  }
0x268: {  	s28 =	sadd.s32 $0x780, s26;
	s9 =	simm.s32 $0xC620  }
0x269: {  	[tilespmem:s9], [sflag:$0x2] =	stream.indirect.gather [spmem:s2], $0x10, s28, s24, $0xb8;
	[tilespmem:$0x12320] =	vst v63  }
0x26a: {  	_ =	swait.ge [sflag:s18], $0x500  }
0x26b: {  	[sflag:s18] =	ssyncset.done $0x0  }
0x26c: {  	[sflag:s18] =	ssyncadd.s32 $0xFFFFFB00  }
0x26d: {  	_ =	swait.ge [sflag:s18], $0x500  }
0x26e: {  	[sflag:s18] =	ssyncset.done $0x0  }
0x26f: {  	[sflag:s18] =	ssyncadd.s32 $0xFFFFFB00  }
0x270: {  	_ =	swait.ge [sflag:s18], $0x500  }
0x271: {  	[sflag:s18] =	ssyncset.done $0x0  }
0x272: {  	[sflag:s18] =	ssyncadd.s32 $0xFFFFFB00  }
0x273: {  	_ =	swait.ge [sflag:s18], $0x500  }
0x274: {  	[sflag:s18] =	ssyncset.done $0x0  }
0x275: {  	[sflag:s18] =	ssyncadd.s32 $0xFFFFFB00  }
0x276: {  	_ =	swait.ge [sflag:s18], $0x500  }
0x277: {  	[sflag:s18] =	ssyncset.done $0x0  }
0x278: {  	[sflag:s18] =	ssyncadd.s32 $0xFFFFFB00  }
0x279: {  	_ =	swait.ge [sflag:s18], $0x500  }
0x27a: {  	[sflag:s18] =	ssyncset.done $0x0  }
0x27b: {  	[sflag:s18] =	ssyncadd.s32 $0xFFFFFB00  }
0x27c: {  	_ =	swait.ge [sflag:s18], $0x500  }
0x27d: {  	[sflag:s18] =	ssyncset.done $0x0  }
0x27e: {  	[sflag:s18] =	ssyncadd.s32 $0xFFFFFB00  }
0x27f: {  	_ =	swait.ge [sflag:s18], $0x500  }
0x280: {  	[sflag:s18] =	ssyncset.done $0x0  }
0x281: {  	[sflag:s18] =	ssyncadd.s32 $0xFFFFFB00  }
0x282: {  	_ =	swait.ge [sflag:s18], $0x500  }
0x283: {  	[sflag:s18] =	ssyncset.done $0x0  }
0x284: {  	[sflag:s18] =	ssyncadd.s32 $0xFFFFFB00  }
0x285: {  	_ =	swait.ge [sflag:s18], $0x500  }
0x286: {  	[sflag:s18] =	ssyncset.done $0x0  }
0x287: {  	[sflag:s18] =	ssyncadd.s32 $0xFFFFFB00  }
0x288: {  	_ =	swait.ge [sflag:s18], $0x500  }
0x289: {  	[sflag:s18] =	ssyncset.done $0x0  }
0x28a: {  	[sflag:s18] =	ssyncadd.s32 $0xFFFFFB00  }
0x28b: {  	_ =	swait.ge [sflag:s18], $0x500  }
0x28c: {  	[sflag:s18] =	ssyncset.done $0x0  }
0x28d: {  	s28 =	sadd.s32 $0x2710, s26;
	[sflag:s18] =	ssyncadd.s32 $0xFFFFFB00  }
0x28e: {  	[spmem:s3] =	stream.indirect.scatter.add.f32 [tilespmem:s8], [sflag:$0x3], $0x10, s28, s24, $0xb8;
	[tilespmem:$0x12320] =	vst v63  }
0x28f: {  	s8 =	sadd.s32 $0x2760, s26  }
0x290: {  	[spmem:s3] =	stream.indirect.scatter.add.f32 [tilespmem:s6], [sflag:$0x3], $0x10, s8, s24, $0xb8;
	[tilespmem:$0x12320] =	vst v63  }
0x291: {  	s8 =	sadd.s32 $0x27B0, s26  }
0x292: {  	[spmem:s3] =	stream.indirect.scatter.add.f32 [tilespmem:s31], [sflag:$0x3], $0x10, s8, s24, $0xb8;
	[tilespmem:$0x12320] =	vst v63  }
0x293: {  	s6 =	sadd.s32 $0x2800, s26  }
0x294: {  	[spmem:s3] =	stream.indirect.scatter.add.f32 [tilespmem:s30], [sflag:$0x3], $0x10, s6, s24, $0xb8;
	[tilespmem:$0x12320] =	vst v63  }
0x295: {  	s8 =	sadd.s32 $0x2850, s26  }
0x296: {  	[spmem:s3] =	stream.indirect.scatter.add.f32 [tilespmem:s29], [sflag:$0x3], $0x10, s8, s24, $0xb8;
	[tilespmem:$0x12320] =	vst v63  }
0x297: {  	s30 =	sadd.s32 $0x28A0, s26  }
0x298: {  	[spmem:s3] =	stream.indirect.scatter.add.f32 [tilespmem:s1], [sflag:$0x3], $0x10, s30, s24, $0xb8;
	[tilespmem:$0x12320] =	vst v63  }
0x299: {  	s6 =	sadd.s32 $0x28F0, s26  }
0x29a: {  	[spmem:s3] =	stream.indirect.scatter.add.f32 [tilespmem:s0], [sflag:$0x3], $0x10, s6, s24, $0xb8;
	[tilespmem:$0x12320] =	vst v63  }
0x29b: {  	s8 =	sadd.s32 $0x2940, s26  }
0x29c: {  	[spmem:s3] =	stream.indirect.scatter.add.f32 [tilespmem:s20], [sflag:$0x3], $0x10, s8, s24, $0xb8;
	[tilespmem:$0x12320] =	vst v63  }
0x29d: {  	s20 =	sadd.s32 $0x2990, s26  }
0x29e: {  	[spmem:s3] =	stream.indirect.scatter.add.f32 [tilespmem:s21], [sflag:$0x3], $0x10, s20, s24, $0xb8;
	[tilespmem:$0x12320] =	vst v63  }
0x29f: {  	s21 =	sadd.s32 $0x29E0, s26  }
0x2a0: {  	[spmem:s3] =	stream.indirect.scatter.add.f32 [tilespmem:s4], [sflag:$0x3], $0x10, s21, s24, $0xb8;
	[tilespmem:$0x12320] =	vst v63  }
0x2a1: {  	s30 =	sadd.s32 $0x2A30, s26  }
0x2a2: {  	[spmem:s3] =	stream.indirect.scatter.add.f32 [tilespmem:s5], [sflag:$0x3], $0x10, s30, s24, $0xb8;
	[tilespmem:$0x12320] =	vst v63  }
0x2a3: {  	s0 =	sadd.s32 $0x2A80, s26  }
0x2a4: {  	[spmem:s3] =	stream.indirect.scatter.add.f32 [tilespmem:s7], [sflag:$0x3], $0x10, s0, s24, $0xb8;
	[tilespmem:$0x12320] =	vst v63  }
0x2a5: {  	_ =	swait.ge [sflag:s19], $0x500  }
0x2a6: {  	[sflag:s19] =	ssyncset.done $0x0  }
0x2a7: {  	[sflag:s19] =	ssyncadd.s32 $0xFFFFFB00  }
0x2a8: {  	_ =	swait.ge [sflag:s19], $0x500  }
0x2a9: {  	[sflag:s19] =	ssyncset.done $0x0  }
0x2aa: {  	[sflag:s19] =	ssyncadd.s32 $0xFFFFFB00  }
0x2ab: {  	_ =	swait.ge [sflag:s19], $0x500  }
0x2ac: {  	[sflag:s19] =	ssyncset.done $0x0  }
0x2ad: {  	[sflag:s19] =	ssyncadd.s32 $0xFFFFFB00  }
0x2ae: {  	_ =	swait.ge [sflag:s19], $0x500  }
0x2af: {  	[sflag:s19] =	ssyncset.done $0x0  }
0x2b0: {  	[sflag:s19] =	ssyncadd.s32 $0xFFFFFB00  }
0x2b1: {  	_ =	swait.ge [sflag:s19], $0x500  }
0x2b2: {  	[sflag:s19] =	ssyncset.done $0x0  }
0x2b3: {  	[sflag:s19] =	ssyncadd.s32 $0xFFFFFB00  }
0x2b4: {  	_ =	swait.ge [sflag:s19], $0x500  }
0x2b5: {  	[sflag:s19] =	ssyncset.done $0x0  }
0x2b6: {  	[sflag:s19] =	ssyncadd.s32 $0xFFFFFB00  }
0x2b7: {  	_ =	swait.ge [sflag:s19], $0x500  }
0x2b8: {  	[sflag:s19] =	ssyncset.done $0x0  }
0x2b9: {  	[sflag:s19] =	ssyncadd.s32 $0xFFFFFB00  }
0x2ba: {  	_ =	swait.ge [sflag:s19], $0x500  }
0x2bb: {  	[sflag:s19] =	ssyncset.done $0x0  }
0x2bc: {  	[sflag:s19] =	ssyncadd.s32 $0xFFFFFB00  }
0x2bd: {  	_ =	swait.ge [sflag:s19], $0x500  }
0x2be: {  	[sflag:s19] =	ssyncset.done $0x0  }
0x2bf: {  	[sflag:s19] =	ssyncadd.s32 $0xFFFFFB00  }
0x2c0: {  	_ =	swait.ge [sflag:s19], $0x500  }
0x2c1: {  	[sflag:s19] =	ssyncset.done $0x0  }
0x2c2: {  	[sflag:s19] =	ssyncadd.s32 $0xFFFFFB00  }
0x2c3: {  	_ =	swait.ge [sflag:s19], $0x500  }
0x2c4: {  	[sflag:s19] =	ssyncset.done $0x0  }
0x2c5: {  	[sflag:s19] =	ssyncadd.s32 $0xFFFFFB00  }
0x2c6: {  	_ =	swait.ge [sflag:s19], $0x500  }
0x2c7: {  	[sflag:s19] =	ssyncset.done $0x0  }
0x2c8: {  	[sflag:s19] =	ssyncadd.s32 $0xFFFFFB00  }
0x2c9: {  	_ =	swait.ge [sflag:s19], $0x500  }
0x2ca: {  	[sflag:s19] =	ssyncset.done $0x0  }
0x2cb: {  	s1 =	sadd.s32 $0x2AD0, s26;
	s4 =	simm.s32 $0x8A20;
	[sflag:s19] =	ssyncadd.s32 $0xFFFFFB00  }
0x2cc: {  	[spmem:s3] =	stream.indirect.scatter.add.f32 [tilespmem:s4], [sflag:$0x3], $0x10, s1, s24, $0xb8;
	[tilespmem:$0x12320] =	vst v63  }
0x2cd: {  	s6 =	simm.s32 $0x8F20;
	s5 =	sadd.s32 $0x2B20, s26  }
0x2ce: {  	[spmem:s3] =	stream.indirect.scatter.add.f32 [tilespmem:s6], [sflag:$0x3], $0x10, s5, s24, $0xb8;
	[tilespmem:$0x12320] =	vst v63  }
0x2cf: {  	s7 =	sadd.s32 $0x2B70, s26  }
0x2d0: {  	[spmem:s3] =	stream.indirect.scatter.add.f32 [tilespmem:s11], [sflag:$0x3], $0x10, s7, s24, $0xb8;
	[tilespmem:$0x12320] =	vst v63  }
0x2d1: {  	s8 =	sadd.s32 $0x2BC0, s26  }
0x2d2: {  	[spmem:s3] =	stream.indirect.scatter.add.f32 [tilespmem:s12], [sflag:$0x3], $0x10, s8, s24, $0xb8;
	[tilespmem:$0x12320] =	vst v63  }
0x2d3: {  	s11 =	sadd.s32 $0x2C10, s26  }
0x2d4: {  	[spmem:s3] =	stream.indirect.scatter.add.f32 [tilespmem:s13], [sflag:$0x3], $0x10, s11, s24, $0xb8;
	[tilespmem:$0x12320] =	vst v63  }
0x2d5: {  	s12 =	sadd.s32 $0x2C60, s26  }
0x2d6: {  	[spmem:s3] =	stream.indirect.scatter.add.f32 [tilespmem:s14], [sflag:$0x3], $0x10, s12, s24, $0xb8;
	[tilespmem:$0x12320] =	vst v63  }
0x2d7: {  	s13 =	sadd.s32 $0x2CB0, s26  }
0x2d8: {  	[spmem:s3] =	stream.indirect.scatter.add.f32 [tilespmem:s15], [sflag:$0x3], $0x10, s13, s24, $0xb8;
	[tilespmem:$0x12320] =	vst v63  }
0x2d9: {  	s14 =	sadd.s32 $0x2D00, s26  }
0x2da: {  	[spmem:s3] =	stream.indirect.scatter.add.f32 [tilespmem:s16], [sflag:$0x3], $0x10, s14, s24, $0xb8;
	[tilespmem:$0x12320] =	vst v63  }
0x2db: {  	s15 =	sadd.s32 $0x2D50, s26  }
0x2dc: {  	[spmem:s3] =	stream.indirect.scatter.add.f32 [tilespmem:s17], [sflag:$0x3], $0x10, s15, s24, $0xb8;
	[tilespmem:$0x12320] =	vst v63  }
0x2dd: {  	s16 =	sadd.s32 $0x2DA0, s26  }
0x2de: {  	[spmem:s3] =	stream.indirect.scatter.add.f32 [tilespmem:s25], [sflag:$0x3], $0x10, s16, s24, $0xb8;
	[tilespmem:$0x12320] =	vst v63  }
0x2df: {  	s17 =	sadd.s32 $0x2DF0, s26  }
0x2e0: {  	[spmem:s3] =	stream.indirect.scatter.add.f32 [tilespmem:s22], [sflag:$0x3], $0x10, s17, s24, $0xb8;
	[tilespmem:$0x12320] =	vst v63  }
0x2e1: {  	s20 =	sadd.s32 $0x2E40, s26  }
0x2e2: {  	[spmem:s3] =	stream.indirect.scatter.add.f32 [tilespmem:s10], [sflag:$0x3], $0x10, s20, s24, $0xb8;
	[tilespmem:$0x12320] =	vst v63  }
0x2e3: {  	s9 =	simm.s32 $0xC620;
	s26 =	sadd.s32 $0x2E90, s26  }
0x2e4: {  	[spmem:s3] =	stream.indirect.scatter.add.f32 [tilespmem:s9], [sflag:$0x3], $0x10, s26, s24, $0xb8;
	[tilespmem:$0x12320] =	vst v63  }
0x2e5: {  	_ =	swait.ge [sflag:s23], $0x500  }
0x2e6: {  	[sflag:s23] =	ssyncset.done $0x0  }
0x2e7: {  	[sflag:s23] =	ssyncadd.s32 $0xFFFFFB00  }
0x2e8: {  	_ =	swait.ge [sflag:s23], $0x500  }
0x2e9: {  	[sflag:s23] =	ssyncset.done $0x0  }
0x2ea: {  	[sflag:s23] =	ssyncadd.s32 $0xFFFFFB00  }
0x2eb: {  	_ =	swait.ge [sflag:s23], $0x500  }
0x2ec: {  	[sflag:s23] =	ssyncset.done $0x0  }
0x2ed: {  	[sflag:s23] =	ssyncadd.s32 $0xFFFFFB00  }
0x2ee: {  	_ =	swait.ge [sflag:s23], $0x500  }
0x2ef: {  	[sflag:s23] =	ssyncset.done $0x0  }
0x2f0: {  	[sflag:s23] =	ssyncadd.s32 $0xFFFFFB00  }
0x2f1: {  	_ =	swait.ge [sflag:s23], $0x500  }
0x2f2: {  	[sflag:s23] =	ssyncset.done $0x0  }
0x2f3: {  	[sflag:s23] =	ssyncadd.s32 $0xFFFFFB00  }
0x2f4: {  	_ =	swait.ge [sflag:s23], $0x500  }
0x2f5: {  	[sflag:s23] =	ssyncset.done $0x0  }
0x2f6: {  	[sflag:s23] =	ssyncadd.s32 $0xFFFFFB00  }
0x2f7: {  	_ =	swait.ge [sflag:s23], $0x500  }
0x2f8: {  	[sflag:s23] =	ssyncset.done $0x0  }
0x2f9: {  	[sflag:s23] =	ssyncadd.s32 $0xFFFFFB00  }
0x2fa: {  	_ =	swait.ge [sflag:s23], $0x500  }
0x2fb: {  	[sflag:s23] =	ssyncset.done $0x0  }
0x2fc: {  	[sflag:s23] =	ssyncadd.s32 $0xFFFFFB00  }
0x2fd: {  	_ =	swait.ge [sflag:s23], $0x500  }
0x2fe: {  	[sflag:s23] =	ssyncset.done $0x0  }
0x2ff: {  	[sflag:s23] =	ssyncadd.s32 $0xFFFFFB00  }
0x300: {  	_ =	swait.ge [sflag:s23], $0x500  }
0x301: {  	[sflag:s23] =	ssyncset.done $0x0  }
0x302: {  	[sflag:s23] =	ssyncadd.s32 $0xFFFFFB00  }
0x303: {  	_ =	swait.ge [sflag:s23], $0x500  }
0x304: {  	[sflag:s23] =	ssyncset.done $0x0  }
0x305: {  	[sflag:s23] =	ssyncadd.s32 $0xFFFFFB00  }
0x306: {  	_ =	swait.ge [sflag:s23], $0x500  }
0x307: {  	[sflag:s23] =	ssyncset.done $0x0  }
0x308: {  	[sflag:s23] =	ssyncadd.s32 $0xFFFFFB00  }
0x309: {  	_ =	swait.ge [sflag:s23], $0x500  }
0x30a: {  	[sflag:s23] =	ssyncset.done $0x0  }
0x30b: {  	[sflag:s23] =	ssyncadd.s32 $0xFFFFFB00  }
0x30c: {  	_ =	swait.ge [sflag:s23], $0x500  }
0x30d: {  	[sflag:s23] =	ssyncset.done $0x0  }
0x30e: {  	[sflag:s23] =	ssyncadd.s32 $0xFFFFFB00  }
0x30f: {  	_ =	swait.ge [sflag:s23], $0x500  }
0x310: {  	[sflag:s23] =	ssyncset.done $0x0  }
0x311: {  	[sflag:s23] =	ssyncadd.s32 $0xFFFFFB00  }
0x312: {  	_ =	swait.ge [sflag:s23], $0x500  }
0x313: {  	[sflag:s23] =	ssyncset.done $0x0  }
0x314: {  	[sflag:s23] =	ssyncadd.s32 $0xFFFFFB00  }
0x315: {  	_ =	swait.ge [sflag:s23], $0x500  }
0x316: {  	[sflag:s23] =	ssyncset.done $0x0  }
0x317: {  	[sflag:s23] =	ssyncadd.s32 $0xFFFFFB00  }
0x318: {  	_ =	swait.ge [sflag:s23], $0x500  }
0x319: {  	[sflag:s23] =	ssyncset.done $0x0  }
0x31a: {  	[sflag:s23] =	ssyncadd.s32 $0xFFFFFB00  }
0x31b: {  	_ =	swait.ge [sflag:s23], $0x500  }
0x31c: {  	[sflag:s23] =	ssyncset.done $0x0  }
0x31d: {  	[sflag:s23] =	ssyncadd.s32 $0xFFFFFB00  }
0x31e: {  	_ =	swait.ge [sflag:s23], $0x500  }
0x31f: {  	[sflag:s23] =	ssyncset.done $0x0  }
0x320: {  	[sflag:s23] =	ssyncadd.s32 $0xFFFFFB00  }
0x321: {  	_ =	swait.ge [sflag:s23], $0x500  }
0x322: {  	[sflag:s23] =	ssyncset.done $0x0  }
0x323: {  	[sflag:s23] =	ssyncadd.s32 $0xFFFFFB00  }
0x324: {  	_ =	swait.ge [sflag:s23], $0x500  }
0x325: {  	[sflag:s23] =	ssyncset.done $0x0  }
0x326: {  	[sflag:s23] =	ssyncadd.s32 $0xFFFFFB00  }
0x327: {  	_ =	swait.ge [sflag:s23], $0x500  }
0x328: {  	[sflag:s23] =	ssyncset.done $0x0  }
0x329: {  	[sflag:s23] =	ssyncadd.s32 $0xFFFFFB00  }
0x32a: {  	_ =	swait.ge [sflag:s23], $0x500  }
0x32b: {  	[sflag:s23] =	ssyncset.done $0x0  }
0x32c: {  	[sflag:s23] =	ssyncadd.s32 $0xFFFFFB00  }
0x32d: {  	_ =	swait.ge [sflag:s23], $0x500  }
0x32e: {  	[sflag:s23] =	ssyncset.done $0x0  }
0x32f: {  	[sflag:s23] =	ssyncadd.s32 $0xFFFFFB00  }
0x330: {  	[bflag:$0x0] =	sbarrier.arrive $0xFFFF  }
0x331: {  	s21 =	rddreg [dreg:$0x6]  }
0x332: {  	s31 =	simm.s32 $0xB720;
	s0 =	simm.s32 $0x5820;
	s22 =	rddreg [dreg:$0xb]  }
0x333: {  	s25 =	simm.s32 $0x4;
	s29 =	rddreg [dreg:$0x12];
	s26 =	sor.u32 $0x1C04, s21  }
0x334: {  	[hbm:s22], [sflag:s26] =	dma.local [spmem:s29], $0x500  }
0x335: {  	s1 =	simm.s32 $0x5320;
	s4 =	simm.s32 $0x6720;
	_ =	swait.ge [sflag:s25], $0x500  }
0x336: {  	s5 =	simm.s32 $0x6C20;
	s6 =	simm.s32 $0xA820;
	s29 =	rddreg [dreg:$0x13]  }
0x337: {  	s7 =	simm.s32 $0x7120;
	s30 =	rddreg [dreg:$0xc];
	s29 =	sadd.s32 $0x1, s29  }
0x338: {  	s8 =	simm.s32 $0x7620;
	s11 =	simm.s32 $0x8020;
	p0 =	sne.s32 s29, s30  }
.Ltmp2:
0x339: {  	s12 =	simm.s32 $0x8520;
	s13 =	simm.s32 $0x8A20;
	(pc) =	sbr.rel @p0 .LBB2_1-.Ltmp2, $4  }
0x33a: {  	s14 =	simm.s32 $0x8F20;
	s15 =	simm.s32 $0x9420;
	s16 =	simm.s32 $0x9920  }
0x33b: {  	s17 =	simm.s32 $0x9E20;
	s20 =	simm.s32 $0x5D20;
	s10 =	simm.s32 $0xAD20  }
0x33c: {  	s9 =	simm.s32 $0x7B20;
	s21 =	simm.s32 $0x6220;
	[sflag:s25] =	ssyncset.done $0x0  }
0x33d: {  	s22 =	simm.s32 $0xB220;
	[sflag:s25] =	ssyncadd.s32 $0xFFFFFB00;
	s25 =	simm.s32 $0xA320  }
0x33e: {  	_ =	sfence.sel $0x180000  }
0x33f: {  	[bflag:$0x0] =	sbarrier.arrive $0xFFFF  }
0x340: {  	_ =	strace $0x90000047  }
0x341: {  	s0 =	stileid.u32;
	[bflag:$0x2] =	sbarrier.arrive $0xFFFF  }
0x342: {  	p0 =	sne.s32 s0, $0x0;
	s0 =	rddreg [dreg:$0x3]  }
0x343: {  	s0 =	sadd.s32 @!p0 $0x100000, s0  }
0x344: {  	[sflag:s0] =	ssyncadd.tile.s32 @!p0 $0x1;
	_ =	shalt  }
.Lfunc_end2:
_tile_overlayer_lowered:
.L_overlay_start_2:
0x345: {  	(tag) =	ssettag $0x2  }
0x346: {  	s0 =	rddreg [dreg:$0x0];
	s2 =	stileid.u32  }
0x347: {  	s1 =	rddreg [dreg:$0x1];
	p0 =	sne.s32 s2, $0x0  }
0x348: {  	s3 =	rddreg [dreg:$0x2];
	[bflag:$0x3] =	sbarrier.arrive $0xFFFF;
	s2 =	simm.s32 @!p0 $0x1C04  }
0x349: {  	[timem:s3], [sflag:s2] =	dma.local @!p0 [hbm:s0], s1  }
0x34a: {  	s0 =	simm.s32 @!p0 $0x4  }
0x34b: {  	_ =	swait.ge @!p0 [sflag:s0], s1  }
0x34c: {  	s1 =	ssub.s32 @!p0 $0x0, s1;
	[sflag:s0] =	ssyncset.done @!p0 $0x0  }
0x34d: {  	[sflag:s0] =	ssyncadd.s32 @!p0 s1  }
0x34e: {  	[bflag:$0x3] =	sbarrier.arrive $0xFFFF  }
0x34f: {  	_ =	shalt  }

// kernel: kernel.9.cloned.1.call-start
scs
__scs_entry_jumppad:
0x0: {  	(pc) =	sbr.rel $0x88, $3  }
0x1: {  	(tag) =	ssettag $0x0;
	lr =	simm.s32 $0x1  }
0x2: {  	[smem:$0x3F9B] =	sst lr;
	_ =	strace $0xD0000000  }
0x3: {  	_ = 	snop  }
0x4: {  	_ = 	snop  }
0x5: {  	_ = 	snop  }
0x6: {  	_ = 	snop  }
0x7: {  	_ = 	snop  }
__scs_overlays_trampoline_lowered:
0x8: {  	[smem:$0x3FAA] =	sst s0  }
0x9: {  	[smem:$0x3FAB] =	sst s1  }
0xa: {  	[smem:$0x3FAC] =	sst s2  }
0xb: {  	[smem:$0x3FAD] =	sst s3  }
0xc: {  	[smem:$0x3FAE] =	sst s4  }
0xd: {  	[smem:$0x3FAF] =	sst s5  }
0xe: {  	[smem:$0x3FB0] =	sst s6  }
0xf: {  	[smem:$0x3FB1] =	sst s7  }
0x10: {  	[smem:$0x3FB2] =	sst s8  }
0x11: {  	[smem:$0x3FB3] =	sst s9;
	s0 =	simm.s32 @!p0 $0x0  }
0x12: {  	s1 =	sld [smem:$0x3F99];
	s0 =	simm.s32 @p0 $0x1  }
0x13: {  	[smem:$0x3FB4] =	sst s0;
	s0 =	simm.s32 @!p1 $0x0  }
0x14: {  	s2 =	sld [smem:$0x3F98];
	s0 =	simm.s32 @p1 $0x1  }
0x15: {  	[smem:$0x3FB5] =	sst s0;
	s0 =	simm.s32 @!p2 $0x0  }
0x16: {  	s3 =	sld [smem:$0x3FDB];
	s0 =	simm.s32 @p2 $0x1  }
0x17: {  	s4 =	simm.s32 $0x1BF5;
	[smem:$0x3FB7] =	sst s0  }
0x18: {  	s0 =	sld [smem:$0x3F9A];
	_ =	swait.ge [sflag:s4], $0x0  }
0x19: {  	s7 =	sld [smem:$0x3F9B]  }
0x1a: {  	s8 =	sadd.s32 $0xFFFFE003, lr  }
0x1b: {  	s9 =	sadd.s32 $0xFFFFFEF7, lr;
	s5 =	simm.s32 $0xFFFFFFFF;
	p2 =	slt.u32 s8, $0xFFFFF086  }
0x1c: {  	p1 =	slt.u32 s9, $0xF7A;
	s5 =	simm.s32 @!p2 $0x0  }
0x1d: {  	s5 =	simm.s32 @p1 $0x1;
	p0 =	seq.s32 s7, s2  }
0x1e: {  	s7 =	smul.u32 @!p0 $0xF7A, s2;
	p2 =	seq.s32 @!p0 s5, $0x0  }
0x1f: {  	s9 =	smul.u32 $0xF7A, s1;
	s8 =	simm.s32 @!p0 $0x1BF5;
	p2 =	por !p2, p0  }
0x20: {  	[sflag:s8] =	ssyncset.s32 @!p0 $0xFFFFF086;
	s6 =	sadd.s32 @!p0 s3, s7;
	s7 =	simm.s32 @!p0 $0x108  }
0x21: {  	s3 =	sadd.s32 s3, s9;
	s6 =	sadd.s32 @!p0 $0x88, s6;
	s7 =	simm.s32 @p2 $0x1082  }
0x22: {  	[simem:s7], [sflag:s8] =	dma.local @!p0 [hbm:s6], $0xF7A  }
0x23: {  	s9 =	sor.u32 $0xD0000000, s2;
	s6 =	simm.s32 $0x108;
	_ =	swait.ge @!p0 [sflag:s8], $0x0  }
0x24: {  	s3 =	sadd.s32 $0x88, s3;
	s6 =	simm.s32 @!p1 $0x1082;
	[sflag:s4] =	ssyncset.s32 $0xFFFFF086  }
0x25: {  	[simem:s6], [sflag:s4] =	dma.local [hbm:s3], $0xF7A  }
0x26: {  	[smem:$0x3F9B] =	sst s1;
	(tag) =	ssettag s2;
	_ =	strace s9  }
0x27: {  	s1 =	sld [smem:$0x3FAB]  }
0x28: {  	s2 =	sld [smem:$0x3FAC]  }
0x29: {  	s4 =	sld [smem:$0x3FAE]  }
0x2a: {  	p0 =	seq.s32 s5, $0x0;
	s5 =	sld [smem:$0x3FAF]  }
0x2b: {  	s6 =	sld [smem:$0x3FB0]  }
0x2c: {  	s7 =	sld [smem:$0x3FB1]  }
0x2d: {  	s3 =	simm.s32 $0x108;
	s8 =	sld [smem:$0x3FB2]  }
0x2e: {  	s3 =	simm.s32 @!p0 $0x1082;
	s9 =	sld [smem:$0x3FB3]  }
0x2f: {  	lr =	sadd.s32 s0, s3;
	s0 =	sld [smem:$0x3FAA]  }
0x30: {  	s3 =	sld [smem:$0x3FAD]  }
0x31: {  	[smem:$0x3FB6] =	sst s10  }
0x32: {  	s10 =	sld [smem:$0x3FB4];
	_ =	sdelay $0x3  }
0x33: {  	p0 =	seq.s32 s10, $0x1;
	s10 =	sld [smem:$0x3FB6];
	_ =	sdelay $0x3  }
0x34: {  	[smem:$0x3FB6] =	sst s10  }
0x35: {  	s10 =	sld [smem:$0x3FB5];
	_ =	sdelay $0x3  }
0x36: {  	p1 =	seq.s32 s10, $0x1;
	s10 =	sld [smem:$0x3FB6];
	_ =	sdelay $0x3  }
0x37: {  	[smem:$0x3FB6] =	sst s10  }
0x38: {  	s10 =	sld [smem:$0x3FB7]  }
0x39: {  	_ = 	snop;
	(pc) =	sbr.ind lr, $3  }
0x3a: {  	_ = 	snop  }
0x3b: {  	_ = 	snop  }
0x3c: {  	p2 =	seq.s32 s10, $0x1;
	s10 =	sld [smem:$0x3FB6]  }
0x3d: {  	_ =	shalt  }
0x3e: {  	_ =	shalt  }
0x3f: {  	_ =	shalt  }
0x40: {  	_ =	shalt  }
0x41: {  	_ =	shalt  }
0x42: {  	_ =	shalt  }
0x43: {  	_ =	shalt  }
0x44: {  	_ =	shalt  }
0x45: {  	_ =	shalt  }
0x46: {  	_ =	shalt  }
0x47: {  	_ =	shalt  }
0x48: {  	_ =	shalt  }
0x49: {  	_ =	shalt  }
0x4a: {  	_ =	shalt  }
0x4b: {  	_ =	shalt  }
0x4c: {  	_ =	shalt  }
0x4d: {  	_ =	shalt  }
0x4e: {  	_ =	shalt  }
0x4f: {  	_ =	shalt  }
0x50: {  	_ =	shalt  }
0x51: {  	_ =	shalt  }
0x52: {  	_ =	shalt  }
0x53: {  	_ =	shalt  }
0x54: {  	_ =	shalt  }
0x55: {  	_ =	shalt  }
0x56: {  	_ =	shalt  }
0x57: {  	_ =	shalt  }
0x58: {  	_ =	shalt  }
0x59: {  	_ =	shalt  }
0x5a: {  	_ =	shalt  }
0x5b: {  	_ =	shalt  }
0x5c: {  	_ =	shalt  }
0x5d: {  	_ =	shalt  }
0x5e: {  	_ =	shalt  }
0x5f: {  	_ =	shalt  }
0x60: {  	_ =	shalt  }
0x61: {  	_ =	shalt  }
0x62: {  	_ =	shalt  }
0x63: {  	_ =	shalt  }
0x64: {  	_ =	shalt  }
0x65: {  	_ =	shalt  }
0x66: {  	_ =	shalt  }
0x67: {  	_ =	shalt  }
0x68: {  	_ =	shalt  }
0x69: {  	_ =	shalt  }
0x6a: {  	_ =	shalt  }
0x6b: {  	_ =	shalt  }
0x6c: {  	_ =	shalt  }
0x6d: {  	_ =	shalt  }
0x6e: {  	_ =	shalt  }
0x6f: {  	_ =	shalt  }
0x70: {  	_ =	shalt  }
0x71: {  	_ =	shalt  }
0x72: {  	_ =	shalt  }
0x73: {  	_ =	shalt  }
0x74: {  	_ =	shalt  }
0x75: {  	_ =	shalt  }
0x76: {  	_ =	shalt  }
0x77: {  	_ =	shalt  }
0x78: {  	_ =	shalt  }
0x79: {  	_ =	shalt  }
0x7a: {  	_ =	shalt  }
0x7b: {  	_ =	shalt  }
0x7c: {  	_ =	shalt  }
0x7d: {  	_ =	shalt  }
0x7e: {  	_ =	shalt  }
0x7f: {  	_ =	shalt  }
0x80: {  	_ =	shalt  }
0x81: {  	_ =	shalt  }
0x82: {  	_ =	shalt  }
0x83: {  	_ =	shalt  }
0x84: {  	_ =	shalt  }
0x85: {  	_ =	shalt  }
0x86: {  	_ =	shalt  }
0x87: {  	_ =	shalt  }
.Lfunc_end0:
.L_simem_size_0:
called_computation.1_lowered:
.L_overlay_start_0:
0x88: {  	s2 =	sld [smem:$0x3FD9]  }
0x89: {  	s3 =	sld [smem:$0x3FFE];
	_ =	sdelay $0x1  }
0x8a: {  	s1 =	srdreg.scid  }
0x8b: {  	s0 =	sand.u32 $0x1, s1  }
0x8c: {  	s17 =	sshll.u32 s0, $0xA;
	s2 =	sadd.s32 s3, s2  }
0x8d: {  	s2 =	sadd.s32 s2, s17  }
0x8e: {  	[smem:$0x3FC2] =	sst s2  }
0x8f: {  	_ = 	snop  }
0x90: {  	s2 =	sld [smem:$0x3FC7];
	(tm) =	ssettm $0x1  }
0x91: {  	s18 =	sld [smem:$0x3FFB];
	_ =	sdelay $0x3  }
0x92: {  	_ =	strace s18  }
0x93: {  	s3 =	sld [smem:$0x3FFC];
	_ =	sdelay $0x3  }
0x94: {  	_ =	strace s3  }
0x95: {  	s3 =	sld [smem:$0x3FFD];
	_ =	sdelay $0x3  }
0x96: {  	_ =	strace s3  }
0x97: {  	_ =	strace $0x8FFFFFFF  }
0x98: {  	s19 =	sld [smem:$0x3FDB];
	_ =	sdelay $0x1  }
0x99: {  	s4 =	simm.s32 $_scs_section_size  }
0x9a: {  	s5 =	simm.s32 $_size__tile_overlayer_lowered;
	s6 =	simm.s32 $_tile_overlayer_lowered  }
0x9b: {  	s22 =	simm.s32 $0x1BFF;
	s21 =	sshll.u32 s6, $0x1;
	s3 =	sadd.s32 s4, s19  }
0x9c: {  	s7 =	simm.s32 $0x0;
	s20 =	sshll.u32 s5, $0x1;
	s5 =	sadd.s32 s21, s3  }
0x9d: {  	[timem:s7], [sflag:s22] =	dma.local [hbm:s5], s20  }
0x9e: {  	_ =	swait.ge [sflag:s22], s20  }
0x9f: {  	s4 =	ssub.s32 $0x0, s20;
	[sflag:s22] =	ssyncset.done $0x0  }
0xa0: {  	[sflag:s22] =	ssyncadd.s32 s4;
	_ =	sdelay $0x1  }
0xa1: {  	s23 =	simm.s32 $0x1B8B  }
0xa2: {  	_ =	swait.ge [sflag:s23], $0x1  }
0xa3: {  	[sflag:s23] =	ssyncset.done $0x0  }
0xa4: {  	s25 =	simm.s32 $0x1B8E;
	s24 =	sld [smem:$0x3FFE];
	[sflag:s23] =	ssyncadd.s32 $0xFFFFFFFF  }
0xa5: {  	s26 =	simm.s32 $execute0_lowered;
	[smem:$0x3FD2] =	sst s25  }
0xa6: {  	s5 =	sshll.u32 s26, $0x1;
	_ =	strace $0x80000049;
	[dreg:$0x1] =	wrdreg $0xFFFFFFFF  }
0xa7: {  	s28 =	simm.s32 $_size_execute0_lowered;
	s3 =	sadd.s32 s3, s5;
	[dreg:$0x0] =	wrdreg $0x0  }
0xa8: {  	s5 =	sshll.u32 s28, $0x1;
	[dreg:$0x2] =	wrdreg s3  }
0xa9: {  	[dreg:$0x3] =	wrdreg s5  }
0xaa: {  	[dreg:$0x4] =	wrdreg $0xC0  }
0xab: {  	_ =	task [dreg:s7], $0x5FFFF  }
0xac: {  	[dreg:$0x1] =	wrdreg $0xFFFFFFFF  }
0xad: {  	[dreg:$0x0] =	wrdreg $0x60  }
0xae: {  	[dreg:$0x2] =	wrdreg s24  }
0xaf: {  	[dreg:$0x3] =	wrdreg s2  }
0xb0: {  	[dreg:$0x4] =	wrdreg $0xF4900  }
0xb1: {  	[dreg:$0x5] =	wrdreg $0x9  }
0xb2: {  	_ =	task.clear_ibuf [dreg:s7], $0x6FFFF;
	_ =	strace $0x90000049  }
0xb3: {  	s29 =	simm.s32 $0x9;
	_ =	strace $0x8000004B  }
0xb4: {  	_ =	swait.ge [sflag:s29], $0x1  }
0xb5: {  	[sflag:s29] =	ssyncadd.s32 $0xFFFFFFFF  }
0xb6: {  	_ =	strace $0x9000004B  }
0xb7: {  	_ =	sfence  }
0xb8: {  	s30 =	sld [smem:$0x0];
	_ =	sdelay $0x2  }
0xb9: {  	s31 =	sshll.u32 s1, $0xD;
	s1 =	sshrl.u32 s1, $0x2  }
0xba: {  	s3 =	sand.u32 $0x4000, s31;
	s1 =	sadd.s32 s1, s30  }
0xbb: {  	s0 =	sor.u32 s3, s0;
	s1 =	sshll.u32 s1, $0x11  }
0xbc: {  	s0 =	sor.u32 s1, s0  }
0xbd: {  	s0 =	sadd.s32 $0x8F2B, s0  }
0xbe: {  	[sflag:s0] =	ssyncadd.remote.s32 $0x1  }
0xbf: {  	_ =	sfence.sel $0xFFFF  }
0xc0: {  	[dreg:$0x0] =	wrdreg $0xFFFFFFFF;
	(pc) =	sbr.abs _section_cstart, $3  }
0xc1: {  	[dreg:$0x1] =	wrdreg $0xFFFFFFFF  }
0xc2: {  	_ =	task.clear_ibuf [dreg:s7], $0x2FFFF;
	_ =	strace $0x9FFFFFFF  }
0xc3: {  	(tm) =	ssettm $0x7FFFFFFF  }
tec
execute0_lowered:
.L_overlay_start_1:
0x0: {  	(tag) =	ssettag $0x1  }
0x1: {  	s7 =	rddreg [dreg:$0x0]  }
0x2: {  	s2 =	rddreg [dreg:$0x1]  }
0x3: {  	s0 =	stileid.u32;
	s1 =	srdreg.scid  }
0x4: {  	s3 =	rddreg [dreg:$0x2];
	s4 =	simm.s32 $0x0;
	s9 =	simm.s32 $0x1  }
0x5: {  	s16 =	simm.s32 $0x7B20;
	s17 =	simm.s32 $0xA230;
	s18 =	simm.s32 $0xC940  }
0x6: {  	s19 =	simm.s32 $0x50A0;
	s20 =	simm.s32 $0x2;
	s21 =	simm.s32 $0x5320  }
0x7: {  	s22 =	simm.s32 $0xF050;
	s23 =	simm.s32 $0xF450;
	s24 =	simm.s32 $0x0  }
0x8: {  	s8 =	sand.u32 $0x1, s1;
	s5 =	sshll.u32 s0, $0x1;
	s1 =	rddreg [dreg:$0x3]  }
0x9: {  	s6 =	smul.u32 $0x2800, s0;
	[smem:$0x7FF] =	sst s4;
	s5 =	sor.u32 s8, s5  }
0xa: {  	s13 =	smul.u32 $0xA00, s0;
	p1 =	seq.s32 s8, $0x1;
	p0 =	seq.s32 s5, $0x0  }
0xb: {  	_ =	strace $0x8000004A;
	s12 =	sshll.u32 s8, $0x6;
	p0 =	por !p0, !p1  }
0xc: {  	s8 =	ssub.s32 $0x2, s8;
	s5 =	smul.u32 $0x2710, s5;
	p0 =	por !p0, !p0  }
0xd: {  	s6 =	sshrl.u32 s6, $0x3;
	s30 =	sshrl.u32 s8, $0x1;
	s9 =	simm.s32 @!p0 $0x0  }
0xe: {  	s31 =	sshrl.u32 s13, $0x2;
	s10 =	sadd.s32 s6, s7;
	s29 =	ssub.s32 s0, s9  }
0xf: {  	s6 =	simm.s32 $0x1;
	s15 =	ssub.s32 s8, s30;
	s9 =	sshll.u32 s29, $0x7  }
0x10: {  	s5 =	sshrl.u32 s5, $0x3;
	s8 =	sadd.s32 $0x41400, s10;
	s9 =	sor.u32 s12, s9  }
0x11: {  	s13 =	smax.u32 s15, $0x1;
	s15 =	simm.s32 $0x5000;
	s9 =	sshrl.u32 s9, $0x3  }
0x12: {  	v0 =	vlaneseq.u32;
	s11 =	sadd.s32 s5, s7;
	s5 =	sadd.s32 $0x46400, s7;
	s14 =	sadd.s32 s9, s7  }
0x13: {  	v2 =	vmul.u32 $0x10, v0;
	s7 =	sadd.s32 $0x3C400, s10;
	s9 =	sadd.s32 $0xA00, s11;
	s10 =	sadd.s32 $0xA640, s11  }
0x14: {  	v1 =	vimm.f32 $0.0e+00;
	s11 =	sadd.s32 s31, s3;
	s12 =	sadd.s32 $0x14400, s14;
	s14 =	simm.s32 $0x2800  }
.LBB2_1:
0x15: {  	[tilespmem:s4], [sflag:$0x1] =	stream.linear.gather [hbm4b:s7+s4], $0x2800, $0x38;
	[tilespmem:$0xF710] =	vst v63  }
0x16: {  	_ = 	snop  }
0x17: {  	[tilespmem:s14], [sflag:$0x1] =	stream.linear.gather [hbm4b:s8+s4], $0x2800, $0x38;
	[tilespmem:$0xF710] =	vst v63  }
0x18: {  	_ = 	snop  }
0x19: {  	[tilespmem:s15], [sflag:$0x1] =	stream.linear.gather [hbm4b:s5+s4], $0xA0, $0x38;
	[tilespmem:$0xF710] =	vst v63  }
0x1a: {  	_ = 	snop  }
0x1b: {  	[tilespmem:s16], [sflag:$0x1] =	stream.linear.gather [hbm4b:s2+s4], $0x2710, $0x38;
	[tilespmem:$0xF710] =	vst v63  }
0x1c: {  	_ = 	snop  }
0x1d: {  	[tilespmem:s17], [sflag:$0x1] =	stream.linear.gather [hbm4b:s9+s4], $0x2710, $0x38;
	[tilespmem:$0xF710] =	vst v63  }
0x1e: {  	s25 =	simm.s32 $0x40;
	s26 =	simm.s32 $0x0  }
0x1f: {  	[tilespmem:s18], [sflag:$0x1] =	stream.linear.gather [hbm4b:s10+s4], $0x2710, $0x38;
	[tilespmem:$0xF710] =	vst v63  }
.LBB2_2:
0x20: {  	p0 =	sne.s32 s25, $0xFC0;
	[tilespmem:s26+$0xF050] =	vst v1;
	s26 =	smov.u32 s25;
	s25 =	sadd.s32 $0x40, s25  }
.Ltmp0:
0x21: {  	(pc) =	sbr.rel @p0 .LBB2_2-.Ltmp0, $2  }
0x22: {  	_ =	sdelay $0x2  }
0x23: {  	s26 =	sshra.s32 s26, $0x2  }
0x24: {  	[tilespmem:s26+$0xF050] =	vst v1  }
0x25: {  	_ =	swait.ge [sflag:s6], $0x2800  }
0x26: {  	[sflag:s6] =	ssyncset.done $0x0  }
0x27: {  	[sflag:s6] =	ssyncadd.s32 $0xFFFFD800  }
0x28: {  	_ =	swait.ge [sflag:s6], $0x2800  }
0x29: {  	[sflag:s6] =	ssyncset.done $0x0  }
0x2a: {  	[sflag:s6] =	ssyncadd.s32 $0xFFFFD800  }
0x2b: {  	_ =	swait.ge [sflag:s6], $0xA0  }
0x2c: {  	[sflag:s6] =	ssyncset.done $0x0  }
0x2d: {  	[sflag:s6] =	ssyncadd.s32 $0xFFFFFF60  }
0x2e: {  	s25 =	simm.s32 $0x0;
	v3 =	vld [tilespmem:$0x5070]  }
0x2f: {  	v4 =	vmov s25;
	v5 =	vld [tilespmem:$0x5060]  }
0x30: {  	v4 =	vshll.u32 v4, $0x4;
	v6 =	vld [tilespmem:$0x5050]  }
0x31: {  	v4 =	vor.u32 v2, v4;
	v7 =	vld [tilespmem:$0x5040]  }
0x32: {  	v8 =	vld [tilespmem:$0x5030]  }
0x33: {  	v9 =	vor.u32 $0x1, v4;
	v10 =	vld [tilespmem:$0x5020]  }
0x34: {  	v11 =	vld [tilespmem:$0x5010]  }
0x35: {  	v13 =	vor.u32 $0x2, v4;
	v12 =	vld [tilespmem:$0x5000]  }
0x36: {  	v14 =	vld.idx.msk [tilespmem:v4+s14+$0x0], $0xffff  }
0x37: {  	v16 =	vor.u32 $0x3, v4;
	v15 =	vld.idx.msk [tilespmem:v4+s4+$0x0], $0xffff  }
0x38: {  	v17 =	vld.idx.msk [tilespmem:v9+s4+$0x0], $0xffff  }
0x39: {  	v18 =	vor.u32 $0x4, v4;
	v9 =	vld.idx.msk [tilespmem:v9+s14+$0x0], $0xffff  }
0x3a: {  	v19 =	vld.idx.msk [tilespmem:v13+s4+$0x0], $0xffff  }
0x3b: {  	v20 =	vor.u32 $0x5, v4;
	v13 =	vld.idx.msk [tilespmem:v13+s14+$0x0], $0xffff  }
0x3c: {  	v21 =	vld.idx.msk [tilespmem:v16+s4+$0x0], $0xffff;
	v14 =	vadd.f32 v14, v15  }
0x3d: {  	v45 =	vor.u32 $0x6, v4;
	v44 =	vld.idx.msk [tilespmem:v16+s14+$0x0], $0xffff  }
0x3e: {  	v22 =	vld.idx.msk [tilespmem:v18+s4+$0x0], $0xffff;
	v9 =	vadd.f32 v9, v17;
	v14 =	vmax.f32 v14, $0.0e+00  }
0x3f: {  	v47 =	vor.u32 $0x7, v4;
	v46 =	vld.idx.msk [tilespmem:v18+s14+$0x0], $0xffff;
	v12 =	vmul.f32 v14, v12  }
0x40: {  	v48 =	vld.idx.msk [tilespmem:v20+s4+$0x0], $0xffff;
	v13 =	vadd.f32 v13, v19;
	v9 =	vmax.f32 v9, $0.0e+00  }
0x41: {  	v50 =	vor.u32 $0x8, v4;
	v49 =	vld.idx.msk [tilespmem:v20+s14+$0x0], $0xffff;
	v9 =	vmul.f32 v9, v11;
	v12 =	vadd.f32 $0.0e+00, v12  }
0x42: {  	v51 =	vld.idx.msk [tilespmem:v45+s4+$0x0], $0xffff;
	v15 =	vadd.f32 v44, v21;
	v13 =	vmax.f32 v13, $0.0e+00  }
0x43: {  	v16 =	vld.idx.msk [tilespmem:v45+s14+$0x0], $0xffff;
	v4 =	vor.u32 $0x9, v4;
	v10 =	vmul.f32 v13, v10;
	v9 =	vadd.f32 v9, v12  }
0x44: {  	v52 =	vld.idx.msk [tilespmem:v47+s4+$0x0], $0xffff;
	v54 =	vadd.f32 v46, v22;
	v53 =	vmax.f32 v15, $0.0e+00  }
0x45: {  	v55 =	vld.idx.msk [tilespmem:v47+s14+$0x0], $0xffff;
	v8 =	vmul.f32 v53, v8;
	v9 =	vadd.f32 v10, v9  }
0x46: {  	v56 =	vld.idx.msk [tilespmem:v50+s4+$0x0], $0xffff;
	v57 =	vmax.f32 v54, $0.0e+00;
	v14 =	vadd.f32 v49, v48  }
0x47: {  	v58 =	vld.idx.msk [tilespmem:v50+s14+$0x0], $0xffff;
	v7 =	vmul.f32 v57, v7;
	v8 =	vadd.f32 v8, v9  }
0x48: {  	v59 =	vld.idx.msk [tilespmem:v4+s4+$0x0], $0xffff;
	v11 =	vadd.f32 v16, v51;
	v60 =	vmax.f32 v14, $0.0e+00  }
0x49: {  	v4 =	vld.idx.msk [tilespmem:v4+s14+$0x0], $0xffff;
	v6 =	vmul.f32 v60, v6;
	v7 =	vadd.f32 v7, v8  }
0x4a: {  	v62 =	vld [tilespmem:$0x5080];
	v61 =	vadd.f32 v55, v52;
	v8 =	vmax.f32 v11, $0.0e+00  }
0x4b: {  	v5 =	vmul.f32 v8, v5;
	v6 =	vadd.f32 v6, v7  }
0x4c: {  	v63 =	vld [tilespmem:$0x5090];
	v8 =	vadd.f32 v58, v56;
	v7 =	vmax.f32 v61, $0.0e+00  }
0x4d: {  	v3 =	vmul.f32 v7, v3;
	v5 =	vadd.f32 v5, v6  }
0x4e: {  	v4 =	vadd.f32 v4, v59;
	v6 =	vmax.f32 v8, $0.0e+00  }
0x4f: {  	v3 =	vadd.f32 v3, v5;
	v5 =	vmul.f32 v6, v62  }
0x50: {  	v4 =	vmax.f32 v4, $0.0e+00  }
0x51: {  	v4 =	vmul.f32 v4, v63;
	v3 =	vadd.f32 v5, v3;
	_ =	sdelay $0x1  }
0x52: {  	v3 =	vadd.f32 v4, v3  }
0x53: {  	s25 =	simm.s32 $0x50A0  }
0x54: {  	[tilespmem:s25+$0x0] =	vst v3  }
0x55: {  	s31 =	simm.s32 $0x10;
	v3 =	vld [tilespmem:$0x5070]  }
0x56: {  	v5 =	vmov s31;
	v4 =	vld [tilespmem:$0x5060]  }
0x57: {  	s26 =	simm.s32 $0x20;
	v6 =	vshll.u32 v5, $0x4;
	v5 =	vld [tilespmem:$0x5050]  }
.LBB2_4:
0x58: {  	p0 =	sne.s32 s26, $0x270;
	v6 =	vor.u32 v2, v6;
	v7 =	vld [tilespmem:$0x5040]  }
0x59: {  	v8 =	vld [tilespmem:$0x5030]  }
0x5a: {  	v9 =	vor.u32 $0x1, v6;
	v10 =	vld [tilespmem:$0x5020]  }
0x5b: {  	v11 =	vld [tilespmem:$0x5010]  }
0x5c: {  	v13 =	vor.u32 $0x2, v6;
	v12 =	vld [tilespmem:$0x5000]  }
0x5d: {  	v14 =	vld.idx.msk [tilespmem:v6+s14+$0x0], $0xffff  }
0x5e: {  	v16 =	vor.u32 $0x3, v6;
	v15 =	vld.idx.msk [tilespmem:v6+s4+$0x0], $0xffff  }
0x5f: {  	v17 =	vld.idx.msk [tilespmem:v9+s4+$0x0], $0xffff  }
0x60: {  	v18 =	vor.u32 $0x4, v6;
	v9 =	vld.idx.msk [tilespmem:v9+s14+$0x0], $0xffff  }
0x61: {  	v19 =	vld.idx.msk [tilespmem:v13+s4+$0x0], $0xffff  }
0x62: {  	v20 =	vor.u32 $0x5, v6;
	v13 =	vld.idx.msk [tilespmem:v13+s14+$0x0], $0xffff  }
0x63: {  	v21 =	vld.idx.msk [tilespmem:v16+s4+$0x0], $0xffff  }
0x64: {  	v14 =	vadd.f32 v14, v15;
	v15 =	vld.idx.msk [tilespmem:v16+s14+$0x0], $0xffff;
	v16 =	vor.u32 $0x6, v6  }
0x65: {  	v22 =	vld.idx.msk [tilespmem:v18+s4+$0x0], $0xffff  }
0x66: {  	v14 =	vmax.f32 v14, $0.0e+00;
	v9 =	vadd.f32 v9, v17;
	v17 =	vld.idx.msk [tilespmem:v18+s14+$0x0], $0xffff;
	v18 =	vor.u32 $0x7, v6  }
0x67: {  	v12 =	vmul.f32 v14, v12;
	v14 =	vld.idx.msk [tilespmem:v20+s4+$0x0], $0xffff  }
0x68: {  	v9 =	vmax.f32 v9, $0.0e+00;
	v13 =	vadd.f32 v13, v19;
	v19 =	vld.idx.msk [tilespmem:v20+s14+$0x0], $0xffff;
	v20 =	vor.u32 $0x8, v6  }
0x69: {  	v12 =	vadd.f32 $0.0e+00, v12;
	v9 =	vmul.f32 v9, v11;
	v11 =	vld.idx.msk [tilespmem:v16+s4+$0x0], $0xffff  }
0x6a: {  	v6 =	vor.u32 $0x9, v6;
	v13 =	vmax.f32 v13, $0.0e+00;
	v15 =	vadd.f32 v15, v21;
	v16 =	vld.idx.msk [tilespmem:v16+s14+$0x0], $0xffff  }
0x6b: {  	v9 =	vadd.f32 v9, v12;
	v10 =	vmul.f32 v13, v10;
	v12 =	vld.idx.msk [tilespmem:v18+s4+$0x0], $0xffff  }
0x6c: {  	v13 =	vmax.f32 v15, $0.0e+00;
	v15 =	vadd.f32 v17, v22;
	v17 =	vld.idx.msk [tilespmem:v18+s14+$0x0], $0xffff  }
0x6d: {  	v9 =	vadd.f32 v10, v9;
	v8 =	vmul.f32 v13, v8;
	v10 =	vld.idx.msk [tilespmem:v20+s4+$0x0], $0xffff  }
0x6e: {  	v13 =	vmax.f32 v15, $0.0e+00;
	v14 =	vadd.f32 v19, v14;
	v15 =	vld.idx.msk [tilespmem:v20+s14+$0x0], $0xffff  }
0x6f: {  	v8 =	vadd.f32 v8, v9;
	v7 =	vmul.f32 v13, v7;
	v9 =	vld.idx.msk [tilespmem:v6+s4+$0x0], $0xffff  }
0x70: {  	v13 =	vmax.f32 v14, $0.0e+00;
	v11 =	vadd.f32 v16, v11;
	v6 =	vld.idx.msk [tilespmem:v6+s14+$0x0], $0xffff  }
0x71: {  	v7 =	vadd.f32 v7, v8;
	v5 =	vmul.f32 v13, v5  }
0x72: {  	v8 =	vmax.f32 v11, $0.0e+00;
	v11 =	vadd.f32 v17, v12;
	v12 =	vld [tilespmem:$0x5080]  }
0x73: {  	v5 =	vadd.f32 v5, v7;
	v4 =	vmul.f32 v8, v4  }
0x74: {  	v7 =	vmax.f32 v11, $0.0e+00;
	v8 =	vadd.f32 v15, v10;
	v10 =	vld [tilespmem:$0x5090]  }
0x75: {  	v4 =	vadd.f32 v4, v5;
	v3 =	vmul.f32 v7, v3  }
0x76: {  	v5 =	vmax.f32 v8, $0.0e+00;
	v6 =	vadd.f32 v6, v9  }
0x77: {  	v3 =	vadd.f32 v3, v4;
	v4 =	vmul.f32 v5, v12  }
0x78: {  	v5 =	vmax.f32 v6, $0.0e+00  }
0x79: {  	v3 =	vadd.f32 v4, v3;
	v4 =	vmul.f32 v5, v10;
	_ =	sdelay $0x1  }
0x7a: {  	v3 =	vadd.f32 v4, v3  }
.Ltmp1:
0x7b: {  	s25 =	sadd.s32 $0x10, s25;
	(pc) =	sbr.rel @p0 .LBB2_4-.Ltmp1, $4  }
0x7c: {  	[tilespmem:s25+$0x0] =	vst v3  }
0x7d: {  	v3 =	vld [tilespmem:$0x5070]  }
0x7e: {  	v5 =	vmov s26;
	v4 =	vld [tilespmem:$0x5060]  }
0x7f: {  	s26 =	sadd.s32 $0x10, s26;
	v6 =	vshll.u32 v5, $0x4;
	v5 =	vld [tilespmem:$0x5050]  }
0x80: {  	v6 =	vor.u32 v2, v6;
	v7 =	vld [tilespmem:$0x5040]  }
0x81: {  	v8 =	vld [tilespmem:$0x5030]  }
0x82: {  	v10 =	vld [tilespmem:$0x5020];
	v9 =	vor.u32 $0x1, v6  }
0x83: {  	v11 =	vld [tilespmem:$0x5010]  }
0x84: {  	v12 =	vld [tilespmem:$0x5000];
	v13 =	vor.u32 $0x2, v6  }
0x85: {  	v14 =	vld.idx.msk [tilespmem:v6+s14+$0x0], $0xffff  }
0x86: {  	v16 =	vor.u32 $0x3, v6;
	v15 =	vld.idx.msk [tilespmem:v6+s4+$0x0], $0xffff  }
0x87: {  	v17 =	vld.idx.msk [tilespmem:v9+s4+$0x0], $0xffff  }
0x88: {  	v18 =	vor.u32 $0x4, v6;
	v9 =	vld.idx.msk [tilespmem:v9+s14+$0x0], $0xffff  }
0x89: {  	v19 =	vld.idx.msk [tilespmem:v13+s4+$0x0], $0xffff  }
0x8a: {  	v20 =	vor.u32 $0x5, v6;
	v13 =	vld.idx.msk [tilespmem:v13+s14+$0x0], $0xffff  }
0x8b: {  	v21 =	vld.idx.msk [tilespmem:v16+s4+$0x0], $0xffff;
	v14 =	vadd.f32 v14, v15  }
0x8c: {  	v38 =	vor.u32 $0x6, v6;
	v37 =	vld.idx.msk [tilespmem:v16+s14+$0x0], $0xffff  }
0x8d: {  	v22 =	vld.idx.msk [tilespmem:v18+s4+$0x0], $0xffff;
	v9 =	vadd.f32 v9, v17;
	v14 =	vmax.f32 v14, $0.0e+00  }
0x8e: {  	v40 =	vor.u32 $0x7, v6;
	v39 =	vld.idx.msk [tilespmem:v18+s14+$0x0], $0xffff;
	v12 =	vmul.f32 v14, v12  }
0x8f: {  	v41 =	vld.idx.msk [tilespmem:v20+s4+$0x0], $0xffff;
	v13 =	vadd.f32 v13, v19;
	v9 =	vmax.f32 v9, $0.0e+00  }
0x90: {  	v43 =	vor.u32 $0x8, v6;
	v42 =	vld.idx.msk [tilespmem:v20+s14+$0x0], $0xffff;
	v9 =	vmul.f32 v9, v11;
	v12 =	vadd.f32 $0.0e+00, v12  }
0x91: {  	v44 =	vld.idx.msk [tilespmem:v38+s4+$0x0], $0xffff;
	v15 =	vadd.f32 v37, v21;
	v13 =	vmax.f32 v13, $0.0e+00  }
0x92: {  	v6 =	vor.u32 $0x9, v6;
	v16 =	vld.idx.msk [tilespmem:v38+s14+$0x0], $0xffff;
	v10 =	vmul.f32 v13, v10;
	v9 =	vadd.f32 v9, v12  }
0x93: {  	v45 =	vld.idx.msk [tilespmem:v40+s4+$0x0], $0xffff;
	v47 =	vadd.f32 v39, v22;
	v46 =	vmax.f32 v15, $0.0e+00  }
0x94: {  	v48 =	vld.idx.msk [tilespmem:v40+s14+$0x0], $0xffff;
	v8 =	vmul.f32 v46, v8;
	v9 =	vadd.f32 v10, v9  }
0x95: {  	v49 =	vld.idx.msk [tilespmem:v43+s4+$0x0], $0xffff;
	v50 =	vmax.f32 v47, $0.0e+00;
	v14 =	vadd.f32 v42, v41  }
0x96: {  	v51 =	vld.idx.msk [tilespmem:v43+s14+$0x0], $0xffff;
	v7 =	vmul.f32 v50, v7;
	v8 =	vadd.f32 v8, v9  }
0x97: {  	v52 =	vld.idx.msk [tilespmem:v6+s4+$0x0], $0xffff;
	v11 =	vadd.f32 v16, v44;
	v53 =	vmax.f32 v14, $0.0e+00  }
0x98: {  	v6 =	vld.idx.msk [tilespmem:v6+s14+$0x0], $0xffff;
	v5 =	vmul.f32 v53, v5;
	v7 =	vadd.f32 v7, v8  }
0x99: {  	v56 =	vld [tilespmem:$0x5080];
	v55 =	vadd.f32 v48, v45;
	v54 =	vmax.f32 v11, $0.0e+00  }
0x9a: {  	v4 =	vmul.f32 v54, v4;
	v5 =	vadd.f32 v5, v7  }
0x9b: {  	v59 =	vld [tilespmem:$0x5090];
	v58 =	vadd.f32 v51, v49;
	v57 =	vmax.f32 v55, $0.0e+00  }
0x9c: {  	v3 =	vmul.f32 v57, v3;
	v4 =	vadd.f32 v4, v5  }
0x9d: {  	v60 =	vmax.f32 v58, $0.0e+00;
	v6 =	vadd.f32 v6, v52  }
0x9e: {  	v61 =	vmul.f32 v60, v56;
	v3 =	vadd.f32 v3, v4  }
0x9f: {  	v62 =	vmax.f32 v6, $0.0e+00  }
0xa0: {  	v63 =	vmul.f32 v62, v59;
	v3 =	vadd.f32 v61, v3;
	_ =	sdelay $0x1  }
0xa1: {  	v3 =	vadd.f32 v63, v3  }
0xa2: {  	s25 =	sadd.s32 $0x10, s25  }
0xa3: {  	[tilespmem:s25+$0x0] =	vst v3  }
0xa4: {  	[spmem:s11] =	stream.linear.scatter [tilespmem:s19], [sflag:$0x2], $0x280, $0x38;
	[tilespmem:$0xF710] =	vst v63  }
0xa5: {  	_ =	swait.ge [sflag:s20], $0x280  }
0xa6: {  	[sflag:s20] =	ssyncset.done $0x0  }
0xa7: {  	[sflag:s20] =	ssyncadd.s32 $0xFFFFFD80  }
0xa8: {  	[bflag:$0x0] =	sbarrier.arrive $0xFFFF  }
0xa9: {  	[tilespmem:s21], [sflag:$0x2] =	stream.linear.gather [spmem:s3], $0x2800, $0x38;
	[tilespmem:$0xF710] =	vst v63  }
0xaa: {  	_ =	swait.ge [sflag:s20], $0x2800  }
0xab: {  	[sflag:s20] =	ssyncset.done $0x0  }
0xac: {  	[sflag:s20] =	ssyncadd.s32 $0xFFFFD800  }
0xad: {  	_ =	swait.ge [sflag:s6], $0x2710  }
0xae: {  	[sflag:s6] =	ssyncset.done $0x0  }
0xaf: {  	[sflag:s6] =	ssyncadd.s32 $0xFFFFD8F0  }
0xb0: {  	_ =	swait.ge [sflag:s6], $0x2710  }
0xb1: {  	[sflag:s6] =	ssyncset.done $0x0  }
0xb2: {  	[sflag:s6] =	ssyncadd.s32 $0xFFFFD8F0  }
0xb3: {  	_ =	swait.ge [sflag:s6], $0x2710  }
0xb4: {  	[sflag:s6] =	ssyncset.done $0x0  }
0xb5: {  	s26 =	simm.s32 $0x0;
	s25 =	simm.s32 $0x0;
	[sflag:s6] =	ssyncadd.s32 $0xFFFFD8F0  }
.LBB2_6:
0xb6: {  	s28 =	sshra.s32 s26, $0x2  }
0xb7: {  	v3 =	vld [tilespmem:s28+$0xC940];
	_ =	sdelay $0x5  }
0xb8: {  	v4 =	vld [tilespmem:s28+$0xA230];
	_ =	sdelay $0x1  }
0xb9: {  	v3 =	vld.idx.msk [tilespmem:v3+s16+$0x0], $0xffff;
	_ =	sdelay $0x4  }
0xba: {  	v3 =	vshll.u32 v3, $0x4  }
0xbb: {  	v4 =	vld.idx.msk [tilespmem:v4+s21+$0x0], $0xffff;
	v3 =	vor.u32 v0, v3;
	_ =	sdelay $0x4  }
0xbc: {  	[tilespmem:v3+s22+$0x0] =	vst.idx.add.f32.msk $0xffff, v4  }
0xbd: {  	v3 =	vld [tilespmem:s28+$0xC950];
	_ =	sdelay $0x5  }
0xbe: {  	v4 =	vld [tilespmem:s28+$0xA240];
	_ =	sdelay $0x1  }
0xbf: {  	v3 =	vld.idx.msk [tilespmem:v3+s16+$0x0], $0xffff;
	_ =	sdelay $0x4  }
0xc0: {  	v3 =	vshll.u32 v3, $0x4  }
0xc1: {  	v4 =	vld.idx.msk [tilespmem:v4+s21+$0x0], $0xffff;
	v3 =	vor.u32 v0, v3;
	_ =	sdelay $0x4  }
0xc2: {  	[tilespmem:v3+s22+$0x0] =	vst.idx.add.f32.msk $0xffff, v4  }
0xc3: {  	v3 =	vld [tilespmem:s28+$0xC960];
	_ =	sdelay $0x5  }
0xc4: {  	v4 =	vld [tilespmem:s28+$0xA250];
	_ =	sdelay $0x1  }
0xc5: {  	v3 =	vld.idx.msk [tilespmem:v3+s16+$0x0], $0xffff;
	_ =	sdelay $0x4  }
0xc6: {  	v3 =	vshll.u32 v3, $0x4  }
0xc7: {  	v4 =	vld.idx.msk [tilespmem:v4+s21+$0x0], $0xffff;
	v3 =	vor.u32 v0, v3;
	_ =	sdelay $0x4  }
0xc8: {  	[tilespmem:v3+s22+$0x0] =	vst.idx.add.f32.msk $0xffff, v4  }
0xc9: {  	v3 =	vld [tilespmem:s28+$0xC970];
	_ =	sdelay $0x5  }
0xca: {  	v4 =	vld [tilespmem:s28+$0xA260];
	_ =	sdelay $0x1  }
0xcb: {  	v3 =	vld.idx.msk [tilespmem:v3+s16+$0x0], $0xffff;
	_ =	sdelay $0x4  }
0xcc: {  	v3 =	vshll.u32 v3, $0x4  }
0xcd: {  	p0 =	sne.s32 s26, $0x9B00;
	v4 =	vld.idx.msk [tilespmem:v4+s21+$0x0], $0xffff;
	v3 =	vor.u32 v0, v3  }
.Ltmp2:
0xce: {  	_ = 	snop;
	(pc) =	sbr.rel @p0 .LBB2_6-.Ltmp2, $2  }
0xcf: {  	_ =	sdelay $0x2  }
0xd0: {  	s26 =	sadd.s32 $0x100, s26;
	[tilespmem:v3+s22+$0x0] =	vst.idx.add.f32.msk $0xffff, v4  }
0xd1: {  	v3 =	vmov s25  }
0xd2: {  	v3 =	vshll.u32 v3, $0x4  }
0xd3: {  	v3 =	vor.u32 v2, v3;
	_ =	sdelay $0x1  }
0xd4: {  	v4 =	vor.u32 $0x1, v3;
	_ =	sdelay $0x1  }
0xd5: {  	v5 =	vor.u32 $0x2, v3  }
0xd6: {  	v6 =	vld.idx.msk [tilespmem:v3+s22+$0x0], $0xffff  }
0xd7: {  	v7 =	vor.u32 $0x3, v3  }
0xd8: {  	v4 =	vld.idx.msk [tilespmem:v4+s22+$0x0], $0xffff  }
0xd9: {  	v8 =	vor.u32 $0x4, v3  }
0xda: {  	v5 =	vld.idx.msk [tilespmem:v5+s22+$0x0], $0xffff  }
0xdb: {  	v9 =	vor.u32 $0x5, v3;
	v6 =	vadd.f32 $0.0e+00, v6  }
0xdc: {  	v7 =	vld.idx.msk [tilespmem:v7+s22+$0x0], $0xffff  }
0xdd: {  	v10 =	vor.u32 $0x6, v3;
	v4 =	vadd.f32 v4, v6  }
0xde: {  	v6 =	vld.idx.msk [tilespmem:v8+s22+$0x0], $0xffff  }
0xdf: {  	v8 =	vor.u32 $0x7, v3;
	v4 =	vadd.f32 v5, v4  }
0xe0: {  	v5 =	vld.idx.msk [tilespmem:v9+s22+$0x0], $0xffff  }
0xe1: {  	v9 =	vor.u32 $0x8, v3;
	v4 =	vadd.f32 v7, v4  }
0xe2: {  	v7 =	vld.idx.msk [tilespmem:v10+s22+$0x0], $0xffff  }
0xe3: {  	v10 =	vor.u32 $0x9, v3;
	v4 =	vadd.f32 v6, v4  }
0xe4: {  	v6 =	vld.idx.msk [tilespmem:v8+s22+$0x0], $0xffff  }
0xe5: {  	v8 =	vor.u32 $0xA, v3;
	v4 =	vadd.f32 v5, v4  }
0xe6: {  	v5 =	vld.idx.msk [tilespmem:v9+s22+$0x0], $0xffff  }
0xe7: {  	v9 =	vor.u32 $0xB, v3;
	v4 =	vadd.f32 v7, v4  }
0xe8: {  	v7 =	vld.idx.msk [tilespmem:v10+s22+$0x0], $0xffff  }
0xe9: {  	v10 =	vor.u32 $0xC, v3;
	v4 =	vadd.f32 v6, v4  }
0xea: {  	v6 =	vld.idx.msk [tilespmem:v8+s22+$0x0], $0xffff  }
0xeb: {  	v8 =	vor.u32 $0xD, v3;
	v4 =	vadd.f32 v5, v4  }
0xec: {  	v5 =	vld.idx.msk [tilespmem:v9+s22+$0x0], $0xffff  }
0xed: {  	v9 =	vor.u32 $0xE, v3;
	v4 =	vadd.f32 v7, v4  }
0xee: {  	v3 =	vor.u32 $0xF, v3;
	v7 =	vld.idx.msk [tilespmem:v10+s22+$0x0], $0xffff  }
0xef: {  	v4 =	vadd.f32 v6, v4  }
0xf0: {  	v6 =	vld.idx.msk [tilespmem:v8+s22+$0x0], $0xffff  }
0xf1: {  	v4 =	vadd.f32 v5, v4  }
0xf2: {  	s31 =	simm.s32 $0x10;
	v5 =	vld.idx.msk [tilespmem:v9+s22+$0x0], $0xffff  }
0xf3: {  	v4 =	vadd.f32 v7, v4;
	v7 =	vld.idx.msk [tilespmem:v3+s22+$0x0], $0xffff;
	v3 =	vmov s31  }
0xf4: {  	v3 =	vshll.u32 v3, $0x4  }
0xf5: {  	v4 =	vadd.f32 v6, v4;
	v3 =	vor.u32 v2, v3  }
0xf6: {  	v11 =	vor.u32 $0x1, v3  }
0xf7: {  	v10 =	vor.u32 $0x2, v3;
	v9 =	vor.u32 $0x3, v3;
	v4 =	vadd.f32 v5, v4  }
0xf8: {  	v8 =	vor.u32 $0x4, v3;
	v6 =	vor.u32 $0x5, v3;
	v5 =	vor.u32 $0x7, v3  }
0xf9: {  	s25 =	simm.s32 $0xF450;
	s26 =	simm.s32 $0x20;
	v12 =	vadd.f32 v7, v4;
	v7 =	vor.u32 $0x6, v3;
	v4 =	vor.u32 $0x8, v3  }
.LBB2_8:
0xfa: {  	p0 =	sne.s32 s26, $0x30  }
0xfb: {  	v13 =	vor.u32 $0x9, v3;
	v14 =	vor.u32 $0xA, v3;
	v15 =	vor.u32 $0xB, v3;
	[tilespmem:s25+$0x0] =	vst v12;
	s25 =	sadd.s32 $0x10, s25;
	s28 =	smov.u32 s26;
	s26 =	sadd.s32 $0x10, s26  }
0xfc: {  	v16 =	vor.u32 $0xC, v3;
	v17 =	vor.u32 $0xD, v3;
	v18 =	vor.u32 $0xE, v3;
	v12 =	vld.idx.msk [tilespmem:v3+s22+$0x0], $0xffff  }
0xfd: {  	v3 =	vor.u32 $0xF, v3  }
0xfe: {  	v11 =	vld.idx.msk [tilespmem:v11+s22+$0x0], $0xffff;
	_ =	sdelay $0x1  }
0xff: {  	v10 =	vld.idx.msk [tilespmem:v10+s22+$0x0], $0xffff;
	_ =	sdelay $0x1  }
0x100: {  	v12 =	vadd.f32 $0.0e+00, v12;
	v9 =	vld.idx.msk [tilespmem:v9+s22+$0x0], $0xffff;
	_ =	sdelay $0x1  }
0x101: {  	v11 =	vadd.f32 v11, v12;
	v8 =	vld.idx.msk [tilespmem:v8+s22+$0x0], $0xffff;
	_ =	sdelay $0x1  }
0x102: {  	v10 =	vadd.f32 v10, v11;
	v6 =	vld.idx.msk [tilespmem:v6+s22+$0x0], $0xffff;
	_ =	sdelay $0x1  }
0x103: {  	v9 =	vadd.f32 v9, v10;
	v7 =	vld.idx.msk [tilespmem:v7+s22+$0x0], $0xffff;
	_ =	sdelay $0x1  }
0x104: {  	v8 =	vadd.f32 v8, v9;
	v5 =	vld.idx.msk [tilespmem:v5+s22+$0x0], $0xffff;
	_ =	sdelay $0x1  }
0x105: {  	v6 =	vadd.f32 v6, v8;
	v4 =	vld.idx.msk [tilespmem:v4+s22+$0x0], $0xffff;
	_ =	sdelay $0x1  }
0x106: {  	v6 =	vadd.f32 v7, v6;
	v7 =	vld.idx.msk [tilespmem:v13+s22+$0x0], $0xffff;
	_ =	sdelay $0x1  }
0x107: {  	v5 =	vadd.f32 v5, v6;
	v6 =	vld.idx.msk [tilespmem:v14+s22+$0x0], $0xffff;
	_ =	sdelay $0x1  }
0x108: {  	v4 =	vadd.f32 v4, v5;
	v5 =	vld.idx.msk [tilespmem:v15+s22+$0x0], $0xffff;
	_ =	sdelay $0x1  }
0x109: {  	v4 =	vadd.f32 v7, v4;
	v7 =	vld.idx.msk [tilespmem:v16+s22+$0x0], $0xffff;
	_ =	sdelay $0x1  }
0x10a: {  	v4 =	vadd.f32 v6, v4;
	v6 =	vld.idx.msk [tilespmem:v17+s22+$0x0], $0xffff;
	_ =	sdelay $0x1  }
0x10b: {  	v4 =	vadd.f32 v5, v4;
	v5 =	vld.idx.msk [tilespmem:v18+s22+$0x0], $0xffff;
	_ =	sdelay $0x1  }
0x10c: {  	v4 =	vadd.f32 v7, v4;
	v7 =	vld.idx.msk [tilespmem:v3+s22+$0x0], $0xffff;
	_ =	sdelay $0x1  }
0x10d: {  	v3 =	vmov s28;
	v4 =	vadd.f32 v6, v4  }
.Ltmp3:
0x10e: {  	v3 =	vshll.u32 v3, $0x4;
	(pc) =	sbr.rel @p0 .LBB2_8-.Ltmp3, $4  }
0x10f: {  	v3 =	vor.u32 v2, v3;
	v4 =	vadd.f32 v5, v4  }
0x110: {  	v11 =	vor.u32 $0x1, v3;
	v10 =	vor.u32 $0x2, v3;
	v9 =	vor.u32 $0x3, v3  }
0x111: {  	v8 =	vor.u32 $0x4, v3;
	v6 =	vor.u32 $0x5, v3;
	v12 =	vadd.f32 v7, v4  }
0x112: {  	v5 =	vor.u32 $0x7, v3;
	v7 =	vor.u32 $0x6, v3;
	v4 =	vor.u32 $0x8, v3  }
0x113: {  	_ =	sdelay $0x2  }
0x114: {  	[tilespmem:s25+$0x0] =	vst v12  }
0x115: {  	v12 =	vld.idx.msk [tilespmem:v3+s22+$0x0], $0xffff;
	_ =	sdelay $0x1  }
0x116: {  	v11 =	vld.idx.msk [tilespmem:v11+s22+$0x0], $0xffff;
	_ =	sdelay $0x1  }
0x117: {  	v10 =	vld.idx.msk [tilespmem:v10+s22+$0x0], $0xffff  }
0x118: {  	v12 =	vadd.f32 $0.0e+00, v12  }
0x119: {  	v9 =	vld.idx.msk [tilespmem:v9+s22+$0x0], $0xffff  }
0x11a: {  	v11 =	vadd.f32 v11, v12  }
0x11b: {  	v8 =	vld.idx.msk [tilespmem:v8+s22+$0x0], $0xffff  }
0x11c: {  	v10 =	vadd.f32 v10, v11  }
0x11d: {  	v6 =	vld.idx.msk [tilespmem:v6+s22+$0x0], $0xffff  }
0x11e: {  	v9 =	vadd.f32 v9, v10  }
0x11f: {  	v7 =	vld.idx.msk [tilespmem:v7+s22+$0x0], $0xffff  }
0x120: {  	v52 =	vor.u32 $0x9, v3;
	v8 =	vadd.f32 v8, v9  }
0x121: {  	v5 =	vld.idx.msk [tilespmem:v5+s22+$0x0], $0xffff  }
0x122: {  	v53 =	vor.u32 $0xA, v3;
	v6 =	vadd.f32 v6, v8  }
0x123: {  	v4 =	vld.idx.msk [tilespmem:v4+s22+$0x0], $0xffff  }
0x124: {  	v54 =	vor.u32 $0xB, v3;
	v6 =	vadd.f32 v7, v6  }
0x125: {  	v55 =	vld.idx.msk [tilespmem:v52+s22+$0x0], $0xffff  }
0x126: {  	v56 =	vor.u32 $0xC, v3;
	v5 =	vadd.f32 v5, v6  }
0x127: {  	v57 =	vld.idx.msk [tilespmem:v53+s22+$0x0], $0xffff  }
0x128: {  	v58 =	vor.u32 $0xD, v3;
	v4 =	vadd.f32 v4, v5  }
0x129: {  	v59 =	vld.idx.msk [tilespmem:v54+s22+$0x0], $0xffff  }
0x12a: {  	v60 =	vor.u32 $0xE, v3;
	v4 =	vadd.f32 v55, v4  }
0x12b: {  	v61 =	vld.idx.msk [tilespmem:v56+s22+$0x0], $0xffff  }
0x12c: {  	v3 =	vor.u32 $0xF, v3;
	v4 =	vadd.f32 v57, v4  }
0x12d: {  	v62 =	vld.idx.msk [tilespmem:v58+s22+$0x0], $0xffff  }
0x12e: {  	v4 =	vadd.f32 v59, v4  }
0x12f: {  	v63 =	vld.idx.msk [tilespmem:v60+s22+$0x0], $0xffff  }
0x130: {  	v4 =	vadd.f32 v61, v4  }
0x131: {  	v3 =	vld.idx.msk [tilespmem:v3+s22+$0x0], $0xffff  }
0x132: {  	v4 =	vadd.f32 v62, v4;
	_ =	sdelay $0x1  }
0x133: {  	v4 =	vadd.f32 v63, v4;
	_ =	sdelay $0x1  }
0x134: {  	s24 =	sadd.s32 $0x1, s24;
	v3 =	vadd.f32 v3, v4  }
0x135: {  	s31 =	sadd.s32 $0x10, s25;
	p0 =	sne.s32 s24, s13  }
.Ltmp4:
0x136: {  	[tilespmem:s31+$0x0] =	vst v3;
	(pc) =	sbr.rel @p0 .LBB2_1-.Ltmp4, $4  }
0x137: {  	[hbm4b:s12+s4] =	stream.linear.scatter [tilespmem:s23], [sflag:$0x2], $0x40, $0x38;
	[tilespmem:$0xF710] =	vst v63  }
0x138: {  	_ =	swait.ge [sflag:s20], $0x40  }
0x139: {  	[sflag:s20] =	ssyncset.done $0x0  }
0x13a: {  	[sflag:s20] =	ssyncadd.s32 $0xFFFFFFC0  }
0x13b: {  	_ =	sfence.sel $0x180000  }
0x13c: {  	[bflag:$0x0] =	sbarrier.arrive $0xFFFF  }
0x13d: {  	p0 =	sne.s32 s0, $0x0;
	_ =	strace $0x9000004A  }
0x13e: {  	s0 =	sadd.s32 @!p0 $0x100000, s1;
	[bflag:$0x2] =	sbarrier.arrive $0xFFFF  }
0x13f: {  	[sflag:s0] =	ssyncadd.tile.s32 @!p0 $0x1;
	_ =	shalt  }
.Lfunc_end2:
_tile_overlayer_lowered:
.L_overlay_start_2:
0x140: {  	(tag) =	ssettag $0x2  }
0x141: {  	s0 =	rddreg [dreg:$0x0];
	s2 =	stileid.u32  }
0x142: {  	s1 =	rddreg [dreg:$0x1];
	p0 =	sne.s32 s2, $0x0  }
0x143: {  	s3 =	rddreg [dreg:$0x2];
	[bflag:$0x3] =	sbarrier.arrive $0xFFFF;
	s2 =	simm.s32 @!p0 $0x1C02  }
0x144: {  	[timem:s3], [sflag:s2] =	dma.local @!p0 [hbm:s0], s1  }
0x145: {  	s0 =	simm.s32 @!p0 $0x2  }
0x146: {  	_ =	swait.ge @!p0 [sflag:s0], s1  }
0x147: {  	s1 =	ssub.s32 @!p0 $0x0, s1;
	[sflag:s0] =	ssyncset.done @!p0 $0x0  }
0x148: {  	[sflag:s0] =	ssyncadd.s32 @!p0 s1  }
0x149: {  	[bflag:$0x3] =	sbarrier.arrive $0xFFFF  }
0x14a: {  	_ =	shalt  }

</sc_bundles>
